<compile_context>
chip_gen: v7x
topology: tpu7x:2x2x1
jax: 0.10.2.dev20260603
libtpu: 0.0.44.dev20260713+nightly
codegen_flags: <defaults>
</compile_context>

<pallas_src>
import functools

import jax
import jax.numpy as jnp
from jax import lax
from jax.experimental import pallas as pl
from jax.experimental.pallas import tpu as pltpu
from jax.experimental.pallas import tpu_sc as plsc

N = 1048576
D = 3
T = 2097152
F = 8
RES = 101

P1 = -1640531535
P2 = 805459861

NW = 32
PTS = N // NW
P = 512
NG = P // 16
NCHUNK = PTS // P

NBLK = T // 128
BPW = NBLK // NW
BB = 16


def _iota16():
    return lax.broadcasted_iota(jnp.int32, (16,), 0)


def _full16(v):
    return jnp.full((16,), v, jnp.int32)


_mesh = plsc.VectorSubcoreMesh(core_axis_name="c", subcore_axis_name="s")
_params = pltpu.CompilerParams(use_tc_tiling_on_sc=False,
                               needs_layout_passes=False)


@functools.partial(
    pl.kernel,
    mesh=_mesh,
    compiler_params=_params,
    out_type=jax.ShapeDtypeStruct((T * F,), jnp.float32),
    scratch_types=[
        pltpu.VMEM((BB, F, 128), jnp.float32),
        pltpu.VMEM((BB * 128 * F,), jnp.float32),
    ],
)
def _table_rows(tv_hbm, out_hbm, inbuf, outbuf):
    i32 = jnp.int32
    wid = lax.axis_index("s") * i32(2) + lax.axis_index("c")
    iot8 = _iota16() * 8

    def batch_body(bi, carry):
        bb = wid * i32(BPW) + bi * i32(BB)
        pltpu.sync_copy(tv_hbm.at[pl.ds(bb, BB)], inbuf)

        def blk_body(blk, c2):
            for f in range(F):
                for j in range(8):
                    v = inbuf[blk, f, pl.ds(j * 16, 16)]
                    dst = _full16(blk * i32(1024) + i32(j * 128 + f)) + iot8
                    plsc.store_scatter(outbuf, [dst], v)
            return c2

        lax.fori_loop(i32(0), i32(BB), blk_body, i32(0))
        pltpu.sync_copy(outbuf, out_hbm.at[pl.ds(bb * 1024, BB * 1024)])
        return carry

    lax.fori_loop(i32(0), i32(BPW // BB), batch_body, i32(0))


@functools.partial(
    pl.kernel,
    mesh=_mesh,
    compiler_params=_params,
    out_type=jax.ShapeDtypeStruct((N * F,), jnp.float32),
    scratch_types=[
        pltpu.VMEM((3, P), jnp.float32),
        pltpu.VMEM((NG, 128), jnp.int32),
        pltpu.VMEM((8 * P, F), jnp.float32),
        pltpu.VMEM((P * F,), jnp.float32),
        pltpu.VMEM((3, P), jnp.float32),
        pltpu.SemaphoreType.DMA,
    ],
)
def _grid_lookup(xt_hbm, table_hbm, out_hbm, wbuf, idxbuf, rows, obuf, xbuf,
                 gsem):
    i32 = jnp.int32
    wid = lax.axis_index("s") * i32(2) + lax.axis_index("c")
    base = wid * i32(PTS)
    iot = _iota16()

    def chunk_body(t, carry):
        cbase = base + t * i32(P)
        pltpu.sync_copy(xt_hbm.at[:, pl.ds(cbase, P)], xbuf)

        def hash_group(g, c2):
            off = g * i32(16)
            ints = []
            for d in range(3):
                xs = (xbuf[d, pl.ds(off, 16)] + 1.0) / 2.0 * (RES - 1)
                ii = xs.astype(jnp.int32)
                wbuf[d, pl.ds(off, 16)] = xs - ii.astype(jnp.float32)
                ints.append(ii)
            ix, iy, iz = ints
            a0 = ix
            a1 = ix + 1
            b0 = iy * P1
            b1 = b0 + P1
            c0 = iz * P2
            c1 = c0 + P2
            for c in range(8):
                h = (a1 if c & 4 else a0) ^ (b1 if c & 2 else b0)
                h = (h ^ (c1 if c & 1 else c0)) & (T - 1)
                idxbuf[g, pl.ds(c * 16, 16)] = h
            pltpu.async_copy(table_hbm.at[idxbuf.at[g]],
                             rows.at[pl.ds(g * i32(128), 128)], gsem)
            return c2

        lax.fori_loop(i32(0), i32(NG), hash_group, i32(0))
        pltpu.make_async_copy(table_hbm.at[pl.ds(0, 8 * P)], rows, gsem).wait()

        def interp_group(g, c2):
            off = g * i32(16)
            wx = wbuf[0, pl.ds(off, 16)]
            wy = wbuf[1, pl.ds(off, 16)]
            wz = wbuf[2, pl.ds(off, 16)]
            ux = 1.0 - wx
            uy = 1.0 - wy
            uz = 1.0 - wz
            e00 = ux * uy
            e01 = ux * wy
            e10 = wx * uy
            e11 = wx * wy
            exy = [e00, e01, e10, e11]
            accs = [jnp.zeros((16,), jnp.float32) for _ in range(F)]
            rowbase = g * 128
            for c in range(8):
                wc = exy[c >> 1] * (wz if c & 1 else uz)
                ridx = _full16(rowbase + c * 16) + iot
                for f in range(F):
                    v = plsc.load_gather(rows, [ridx, _full16(f)])
                    accs[f] = accs[f] + wc * v
            obase = lax.div(g, i32(8)) * i32(1024) + lax.rem(g, i32(8)) * i32(16)
            for f in range(F):
                obuf[pl.ds(obase + f * 128, 16)] = accs[f]
            return c2

        lax.fori_loop(i32(0), i32(NG), interp_group, i32(0))
        pltpu.sync_copy(obuf, out_hbm.at[pl.ds(cbase * 8, P * F)])
        return carry

    lax.fori_loop(i32(0), i32(NCHUNK), chunk_body, i32(0))


def kernel(X, hash_table):
    xt = X.astype(jnp.float32).T
    tv = (hash_table.astype(jnp.float32)
          .reshape(T // 128, 128, F).swapaxes(1, 2))
    rows_flat = _table_rows(tv)
    o = _grid_lookup(xt, rows_flat.reshape(T, F))
    return o.reshape(N // 128, F, 128).swapaxes(1, 2).reshape(N, F)

# --- scband reference (transcript-rebuilt; emitter-appended) ---
"""Pipeline reference for scband-grid-11141145166502 (READ-ONLY COPY).

The authoritative reference and input builder live on the scoring server;
editing this copy changes nothing except your own understanding.
"""

import jax, jax.numpy as jnp
import numpy as np

jax.config.update("jax_enable_x64", True)

N = 1048576
D = 3
T = 2097152  # args.T
F = 8        # args.F
# growth_factor = exp((ln(512)-ln(16))/(16-1)); res = int(growth_factor**8 * 16) = 101
RES = 101


def setup_inputs(seed: int = 0) -> dict:
    key = jax.random.key(seed)
    k1, k2 = jax.random.split(key)
    X = jax.random.uniform(k1, (N, D), dtype=jnp.float32, minval=-1.0, maxval=1.0)
    hash_table = jax.random.uniform(k2, (T, F), dtype=jnp.float32)
    return {"X": X, "hash_table": hash_table}


def _pos2index(X):
    return (X + 1.0) / 2.0 * (RES - 1)


def _hash_idxs(X):
    Xs = _pos2index(X)
    Xf = jnp.floor(Xs).astype(jnp.int64)
    Xc = jnp.ceil(Xs).astype(jnp.int64)
    Xc = jnp.where(Xc == Xf, Xc + 1, Xc)
    corners = []
    for i in range(2 ** D):
        cols = []
        for d in range(D):
            bit = (i >> (D - 1 - d)) & 1
            cols.append(Xc[:, d] if bit else Xf[:, d])
        corners.append(jnp.stack(cols, axis=1))
    cube_idxs = jnp.stack(corners, axis=1)  # (N, 8, 3) int64
    primes = jnp.array([1, 2654435761, 805459861], dtype=jnp.int64)
    hash_map = cube_idxs * primes
    h = hash_map[:, :, 0]
    for d in range(1, D):
        h = jnp.bitwise_xor(h, hash_map[:, :, d])
    return jnp.remainder(h, T)


def reference(X, hash_table):
    hash_idxs = _hash_idxs(X)              # (N, 8) indices (treated as non-differentiable)
    hash_vals = hash_table[hash_idxs]      # (N, 8, F) gather
    Xs = _pos2index(X)
    weights = Xs - jnp.floor(Xs)
    w0 = weights[:, 0:1]
    p00 = hash_vals[:, 0, :] * (1 - w0) + hash_vals[:, 4, :] * w0
    p01 = hash_vals[:, 1, :] * (1 - w0) + hash_vals[:, 5, :] * w0
    p10 = hash_vals[:, 2, :] * (1 - w0) + hash_vals[:, 6, :] * w0
    p11 = hash_vals[:, 3, :] * (1 - w0) + hash_vals[:, 7, :] * w0
    w1 = weights[:, 1:2]
    p0 = p00 * (1 - w1) + p10 * w1
    p1 = p01 * (1 - w1) + p11 * w1
    w2 = weights[:, 2:3]
    return p0 * (1 - w2) + p1 * w2

if __name__ == "__main__":
    import jax
    _d = setup_inputs()
    print(jax.jit(kernel)(*tuple(_d.values())))

</pallas_src>

<mosaic_0001>
#map = affine_map<(d0, d1) -> (0, 0, 0)>
#map1 = affine_map<(d0, d1) -> (0)>
module attributes {stable_mosaic.version = 14 : i64} {
  func.func @_table_rows(%arg0: i32, %arg1: i32, %arg2: memref<16384x8x128xf32, #tpu.memory_space<hbm>>, %arg3: memref<16777216xf32, #tpu.memory_space<hbm>>, %arg4: memref<16x8x128xf32, #tpu.memory_space<vmem>>, %arg5: memref<16384xf32, #tpu.memory_space<vmem>>) attributes {dimension_semantics = [#tpu.dimension_semantics<core_parallel>, #tpu.dimension_semantics<subcore_parallel>], iteration_bounds = array<i64: 2, 16>, scalar_prefetch = 0 : i64, scratch_operands = 2 : i64, tpu.core_type = #tpu.core_type<sc_vector_subcore>, window_params = [{transform_indices = #map}, {transform_indices = #map1}]} {
    %mul3A = arith.constant 2 : i32
    %mul3A_0 = arith.muli %arg1, %mul3A : i32
    %add3A = arith.addi %mul3A_0, %arg0 : i32
    %iota3A = tpu.iota {dimensions = array<i32: 0>} : vector<16xi32>
    %mul3A_1 = arith.constant 8 : i32
    %mul3A_2 = vector.broadcast %mul3A_1 : i32 to vector<16xi32>
    %mul3A_3 = arith.muli %iota3A, %mul3A_2 : vector<16xi32>
    %while3A = arith.constant 0 : i32
    %while3A_4 = arith.constant 0 : i32
    %while3A_5 = arith.constant 32 : i32
    %while3A_6 = arith.subi %while3A_5, %while3A_4 : i32
    %while3A_7 = arith.addi %while3A_4, %while3A_6 : i32
    %while3A_8 = arith.constant 1 : i32
    %while3A_9 = arith.divsi %while3A_6, %while3A_8 : i32
    %while3A_10 = arith.muli %while3A_9, %while3A_8 : i32
    %while3A_11 = arith.addi %while3A_4, %while3A_10 : i32
    %while3A_12 = arith.constant 1 : i32
    scf.for %while3A_14 = %while3A_4 to %while3A_11 step %while3A_12  : i32 {
      %mul3A_15 = arith.constant 512 : i32
      %mul3A_16 = arith.muli %add3A, %mul3A_15 : i32
      %mul3A_17 = arith.constant 16 : i32
      %mul3A_18 = arith.muli %while3A_14, %mul3A_17 : i32
      %add3A_19 = arith.addi %mul3A_16, %mul3A_18 : i32
      "tpu.region"() ({
        %run_scoped3A = tpu.sem_alloc : memref<!tpu.dma_semaphore, #tpu.memory_space<semaphore_mem>>
        %dma_start3A = arith.constant 0 : i32
        %dma_start3A_33 = arith.constant 0 : i32
        %dma_start3A_34 = tpu.memref_slice %arg2[%add3A_19, %dma_start3A, %dma_start3A_33] : memref<16384x8x128xf32, #tpu.memory_space<hbm>> -> memref<16x8x128xf32, #tpu.memory_space<hbm>>
        %dma_start3A_35 = arith.constant 0 : i32
        %dma_start3A_36 = arith.constant 0 : i32
        %dma_start3A_37 = tpu.memref_slice %arg2[%add3A_19, %dma_start3A_35, %dma_start3A_36] : memref<16384x8x128xf32, #tpu.memory_space<hbm>> -> memref<16x8x128xf32, #tpu.memory_space<hbm>>
        tpu.enqueue_dma source(%dma_start3A_37 : memref<16x8x128xf32, #tpu.memory_space<hbm>>) target(%arg4 : memref<16x8x128xf32, #tpu.memory_space<vmem>>) target_semaphore(%run_scoped3A : memref<!tpu.dma_semaphore, #tpu.memory_space<semaphore_mem>>)
        %dma_wait3A = arith.constant 0 : i32
        %dma_wait3A_38 = arith.constant 0 : i32
        %dma_wait3A_39 = tpu.memref_slice %arg2[%add3A_19, %dma_wait3A, %dma_wait3A_38] : memref<16384x8x128xf32, #tpu.memory_space<hbm>> -> memref<16x8x128xf32, #tpu.memory_space<hbm>>
        %dma_wait3A_40 = arith.constant 0 : i32
        %dma_wait3A_41 = arith.constant 0 : i32
        %dma_wait3A_42 = tpu.memref_slice %arg2[%add3A_19, %dma_wait3A_40, %dma_wait3A_41] : memref<16384x8x128xf32, #tpu.memory_space<hbm>> -> memref<16x8x128xf32, #tpu.memory_space<hbm>>
        tpu.wait_dma2 semaphore(%run_scoped3A : memref<!tpu.dma_semaphore, #tpu.memory_space<semaphore_mem>>) src(%dma_wait3A_42 : memref<16x8x128xf32, #tpu.memory_space<hbm>>) dst(%arg4 : memref<16x8x128xf32, #tpu.memory_space<vmem>>)
        tpu.yield
      }) : () -> ()
      %while3A_20 = arith.constant 0 : i32
      %while3A_21 = arith.constant 0 : i32
      %while3A_22 = arith.constant 16 : i32
      %while3A_23 = arith.subi %while3A_22, %while3A_21 : i32
      %while3A_24 = arith.addi %while3A_21, %while3A_23 : i32
      %while3A_25 = arith.constant 1 : i32
      %while3A_26 = arith.divsi %while3A_23, %while3A_25 : i32
      %while3A_27 = arith.muli %while3A_26, %while3A_25 : i32
      %while3A_28 = arith.addi %while3A_21, %while3A_27 : i32
      %while3A_29 = arith.constant 1 : i32
      scf.for %while3A_33 = %while3A_21 to %while3A_28 step %while3A_29  : i32 {
        %get3A = arith.constant 0 : i64
        %get3A_34 = arith.index_cast %while3A_33 : i32 to index
        %get3A_35 = arith.index_cast %get3A : i64 to index
        %get3A_36 = arith.constant 0 : index
        %get3A_37 = tpu.vector_load %arg4[%get3A_34, %get3A_35, %get3A_36] {strides = array<i32>} : memref<16x8x128xf32, #tpu.memory_space<vmem>>, vector<16xf32>,
        %mul3A_38 = arith.constant 1024 : i32
        %mul3A_39 = arith.muli %while3A_33, %mul3A_38 : i32
        %add3A_40 = arith.constant 0 : i32
        %add3A_41 = arith.addi %mul3A_39, %add3A_40 : i32
        %broadcast_in_dim3A = vector.broadcast %add3A_41 : i32 to vector<16xi32>
        %add3A_42 = arith.addi %broadcast_in_dim3A, %mul3A_3 : vector<16xi32>
        tpu.vector_store_idx %arg5[%add3A_42], %get3A_37 : memref<16384xf32, #tpu.memory_space<vmem>>[vector<16xi32>], vector<16xf32>,
        %get3A_43 = arith.constant 0 : i64
        %get3A_44 = arith.index_cast %while3A_33 : i32 to index
        %get3A_45 = arith.index_cast %get3A_43 : i64 to index
        %get3A_46 = arith.constant 16 : index
        %get3A_47 = tpu.vector_load %arg4[%get3A_44, %get3A_45, %get3A_46] {strides = array<i32>} : memref<16x8x128xf32, #tpu.memory_space<vmem>>, vector<16xf32>,
        %mul3A_48 = arith.constant 1024 : i32
        %mul3A_49 = arith.muli %while3A_33, %mul3A_48 : i32
        %add3A_50 = arith.constant 128 : i32
        %add3A_51 = arith.addi %mul3A_49, %add3A_50 : i32
        %broadcast_in_dim3A_52 = vector.broadcast %add3A_51 : i32 to vector<16xi32>
        %add3A_53 = arith.addi %broadcast_in_dim3A_52, %mul3A_3 : vector<16xi32>
        tpu.vector_store_idx %arg5[%add3A_53], %get3A_47 : memref<16384xf32, #tpu.memory_space<vmem>>[vector<16xi32>], vector<16xf32>,
        %get3A_54 = arith.constant 0 : i64
        %get3A_55 = arith.index_cast %while3A_33 : i32 to index
        %get3A_56 = arith.index_cast %get3A_54 : i64 to index
        %get3A_57 = arith.constant 32 : index
        %get3A_58 = tpu.vector_load %arg4[%get3A_55, %get3A_56, %get3A_57] {strides = array<i32>} : memref<16x8x128xf32, #tpu.memory_space<vmem>>, vector<16xf32>,
        %mul3A_59 = arith.constant 1024 : i32
        %mul3A_60 = arith.muli %while3A_33, %mul3A_59 : i32
        %add3A_61 = arith.constant 256 : i32
        %add3A_62 = arith.addi %mul3A_60, %add3A_61 : i32
        %broadcast_in_dim3A_63 = vector.broadcast %add3A_62 : i32 to vector<16xi32>
        %add3A_64 = arith.addi %broadcast_in_dim3A_63, %mul3A_3 : vector<16xi32>
        tpu.vector_store_idx %arg5[%add3A_64], %get3A_58 : memref<16384xf32, #tpu.memory_space<vmem>>[vector<16xi32>], vector<16xf32>,
        %get3A_65 = arith.constant 0 : i64
        %get3A_66 = arith.index_cast %while3A_33 : i32 to index
        %get3A_67 = arith.index_cast %get3A_65 : i64 to index
        %get3A_68 = arith.constant 48 : index
        %get3A_69 = tpu.vector_load %arg4[%get3A_66, %get3A_67, %get3A_68] {strides = array<i32>} : memref<16x8x128xf32, #tpu.memory_space<vmem>>, vector<16xf32>,
        %mul3A_70 = arith.constant 1024 : i32
        %mul3A_71 = arith.muli %while3A_33, %mul3A_70 : i32
        %add3A_72 = arith.constant 384 : i32
        %add3A_73 = arith.addi %mul3A_71, %add3A_72 : i32
        %broadcast_in_dim3A_74 = vector.broadcast %add3A_73 : i32 to vector<16xi32>
        %add3A_75 = arith.addi %broadcast_in_dim3A_74, %mul3A_3 : vector<16xi32>
        tpu.vector_store_idx %arg5[%add3A_75], %get3A_69 : memref<16384xf32, #tpu.memory_space<vmem>>[vector<16xi32>], vector<16xf32>,
        %get3A_76 = arith.constant 0 : i64
        %get3A_77 = arith.index_cast %while3A_33 : i32 to index
        %get3A_78 = arith.index_cast %get3A_76 : i64 to index
        %get3A_79 = arith.constant 64 : index
        %get3A_80 = tpu.vector_load %arg4[%get3A_77, %get3A_78, %get3A_79] {strides = array<i32>} : memref<16x8x128xf32, #tpu.memory_space<vmem>>, vector<16xf32>,
        %mul3A_81 = arith.constant 1024 : i32
        %mul3A_82 = arith.muli %while3A_33, %mul3A_81 : i32
        %add3A_83 = arith.constant 512 : i32
        %add3A_84 = arith.addi %mul3A_82, %add3A_83 : i32
        %broadcast_in_dim3A_85 = vector.broadcast %add3A_84 : i32 to vector<16xi32>
        %add3A_86 = arith.addi %broadcast_in_dim3A_85, %mul3A_3 : vector<16xi32>
        tpu.vector_store_idx %arg5[%add3A_86], %get3A_80 : memref<16384xf32, #tpu.memory_space<vmem>>[vector<16xi32>], vector<16xf32>,
        %get3A_87 = arith.constant 0 : i64
        %get3A_88 = arith.index_cast %while3A_33 : i32 to index
        %get3A_89 = arith.index_cast %get3A_87 : i64 to index
        %get3A_90 = arith.constant 80 : index
        %get3A_91 = tpu.vector_load %arg4[%get3A_88, %get3A_89, %get3A_90] {strides = array<i32>} : memref<16x8x128xf32, #tpu.memory_space<vmem>>, vector<16xf32>,
        %mul3A_92 = arith.constant 1024 : i32
        %mul3A_93 = arith.muli %while3A_33, %mul3A_92 : i32
        %add3A_94 = arith.constant 640 : i32
        %add3A_95 = arith.addi %mul3A_93, %add3A_94 : i32
        %broadcast_in_dim3A_96 = vector.broadcast %add3A_95 : i32 to vector<16xi32>
        %add3A_97 = arith.addi %broadcast_in_dim3A_96, %mul3A_3 : vector<16xi32>
        tpu.vector_store_idx %arg5[%add3A_97], %get3A_91 : memref<16384xf32, #tpu.memory_space<vmem>>[vector<16xi32>], vector<16xf32>,
        %get3A_98 = arith.constant 0 : i64
        %get3A_99 = arith.index_cast %while3A_33 : i32 to index
        %get3A_100 = arith.index_cast %get3A_98 : i64 to index
        %get3A_101 = arith.constant 96 : index
        %get3A_102 = tpu.vector_load %arg4[%get3A_99, %get3A_100, %get3A_101] {strides = array<i32>} : memref<16x8x128xf32, #tpu.memory_space<vmem>>, vector<16xf32>,
        %mul3A_103 = arith.constant 1024 : i32
        %mul3A_104 = arith.muli %while3A_33, %mul3A_103 : i32
        %add3A_105 = arith.constant 768 : i32
        %add3A_106 = arith.addi %mul3A_104, %add3A_105 : i32
        %broadcast_in_dim3A_107 = vector.broadcast %add3A_106 : i32 to vector<16xi32>
        %add3A_108 = arith.addi %broadcast_in_dim3A_107, %mul3A_3 : vector<16xi32>
        tpu.vector_store_idx %arg5[%add3A_108], %get3A_102 : memref<16384xf32, #tpu.memory_space<vmem>>[vector<16xi32>], vector<16xf32>,
        %get3A_109 = arith.constant 0 : i64
        %get3A_110 = arith.index_cast %while3A_33 : i32 to index
        %get3A_111 = arith.index_cast %get3A_109 : i64 to index
        %get3A_112 = arith.constant 112 : index
        %get3A_113 = tpu.vector_load %arg4[%get3A_110, %get3A_111, %get3A_112] {strides = array<i32>} : memref<16x8x128xf32, #tpu.memory_space<vmem>>, vector<16xf32>,
        %mul3A_114 = arith.constant 1024 : i32
        %mul3A_115 = arith.muli %while3A_33, %mul3A_114 : i32
        %add3A_116 = arith.constant 896 : i32
        %add3A_117 = arith.addi %mul3A_115, %add3A_116 : i32
        %broadcast_in_dim3A_118 = vector.broadcast %add3A_117 : i32 to vector<16xi32>
        %add3A_119 = arith.addi %broadcast_in_dim3A_118, %mul3A_3 : vector<16xi32>
        tpu.vector_store_idx %arg5[%add3A_119], %get3A_113 : memref<16384xf32, #tpu.memory_space<vmem>>[vector<16xi32>], vector<16xf32>,
        %get3A_120 = arith.constant 1 : i64
        %get3A_121 = arith.index_cast %while3A_33 : i32 to index
        %get3A_122 = arith.index_cast %get3A_120 : i64 to index
        %get3A_123 = arith.constant 0 : index
        %get3A_124 = tpu.vector_load %arg4[%get3A_121, %get3A_122, %get3A_123] {strides = array<i32>} : memref<16x8x128xf32, #tpu.memory_space<vmem>>, vector<16xf32>,
        %mul3A_125 = arith.constant 1024 : i32
        %mul3A_126 = arith.muli %while3A_33, %mul3A_125 : i32
        %add3A_127 = arith.constant 1 : i32
        %add3A_128 = arith.addi %mul3A_126, %add3A_127 : i32
        %broadcast_in_dim3A_129 = vector.broadcast %add3A_128 : i32 to vector<16xi32>
        %add3A_130 = arith.addi %broadcast_in_dim3A_129, %mul3A_3 : vector<16xi32>
        tpu.vector_store_idx %arg5[%add3A_130], %get3A_124 : memref<16384xf32, #tpu.memory_space<vmem>>[vector<16xi32>], vector<16xf32>,
        %get3A_131 = arith.constant 1 : i64
        %get3A_132 = arith.index_cast %while3A_33 : i32 to index
        %get3A_133 = arith.index_cast %get3A_131 : i64 to index
        %get3A_134 = arith.constant 16 : index
        %get3A_135 = tpu.vector_load %arg4[%get3A_132, %get3A_133, %get3A_134] {strides = array<i32>} : memref<16x8x128xf32, #tpu.memory_space<vmem>>, vector<16xf32>,
        %mul3A_136 = arith.constant 1024 : i32
        %mul3A_137 = arith.muli %while3A_33, %mul3A_136 : i32
        %add3A_138 = arith.constant 129 : i32
        %add3A_139 = arith.addi %mul3A_137, %add3A_138 : i32
        %broadcast_in_dim3A_140 = vector.broadcast %add3A_139 : i32 to vector<16xi32>
        %add3A_141 = arith.addi %broadcast_in_dim3A_140, %mul3A_3 : vector<16xi32>
        tpu.vector_store_idx %arg5[%add3A_141], %get3A_135 : memref<16384xf32, #tpu.memory_space<vmem>>[vector<16xi32>], vector<16xf32>,
        %get3A_142 = arith.constant 1 : i64
        %get3A_143 = arith.index_cast %while3A_33 : i32 to index
        %get3A_144 = arith.index_cast %get3A_142 : i64 to index
        %get3A_145 = arith.constant 32 : index
        %get3A_146 = tpu.vector_load %arg4[%get3A_143, %get3A_144, %get3A_145] {strides = array<i32>} : memref<16x8x128xf32, #tpu.memory_space<vmem>>, vector<16xf32>,
        %mul3A_147 = arith.constant 1024 : i32
        %mul3A_148 = arith.muli %while3A_33, %mul3A_147 : i32
        %add3A_149 = arith.constant 257 : i32
        %add3A_150 = arith.addi %mul3A_148, %add3A_149 : i32
        %broadcast_in_dim3A_151 = vector.broadcast %add3A_150 : i32 to vector<16xi32>
        %add3A_152 = arith.addi %broadcast_in_dim3A_151, %mul3A_3 : vector<16xi32>
        tpu.vector_store_idx %arg5[%add3A_152], %get3A_146 : memref<16384xf32, #tpu.memory_space<vmem>>[vector<16xi32>], vector<16xf32>,
        %get3A_153 = arith.constant 1 : i64
        %get3A_154 = arith.index_cast %while3A_33 : i32 to index
        %get3A_155 = arith.index_cast %get3A_153 : i64 to index
        %get3A_156 = arith.constant 48 : index
        %get3A_157 = tpu.vector_load %arg4[%get3A_154, %get3A_155, %get3A_156] {strides = array<i32>} : memref<16x8x128xf32, #tpu.memory_space<vmem>>, vector<16xf32>,
        %mul3A_158 = arith.constant 1024 : i32
        %mul3A_159 = arith.muli %while3A_33, %mul3A_158 : i32
        %add3A_160 = arith.constant 385 : i32
        %add3A_161 = arith.addi %mul3A_159, %add3A_160 : i32
        %broadcast_in_dim3A_162 = vector.broadcast %add3A_161 : i32 to vector<16xi32>
        %add3A_163 = arith.addi %broadcast_in_dim3A_162, %mul3A_3 : vector<16xi32>
        tpu.vector_store_idx %arg5[%add3A_163], %get3A_157 : memref<16384xf32, #tpu.memory_space<vmem>>[vector<16xi32>], vector<16xf32>,
        %get3A_164 = arith.constant 1 : i64
        %get3A_165 = arith.index_cast %while3A_33 : i32 to index
        %get3A_166 = arith.index_cast %get3A_164 : i64 to index
        %get3A_167 = arith.constant 64 : index
        %get3A_168 = tpu.vector_load %arg4[%get3A_165, %get3A_166, %get3A_167] {strides = array<i32>} : memref<16x8x128xf32, #tpu.memory_space<vmem>>, vector<16xf32>,
        %mul3A_169 = arith.constant 1024 : i32
        %mul3A_170 = arith.muli %while3A_33, %mul3A_169 : i32
        %add3A_171 = arith.constant 513 : i32
        %add3A_172 = arith.addi %mul3A_170, %add3A_171 : i32
        %broadcast_in_dim3A_173 = vector.broadcast %add3A_172 : i32 to vector<16xi32>
        %add3A_174 = arith.addi %broadcast_in_dim3A_173, %mul3A_3 : vector<16xi32>
        tpu.vector_store_idx %arg5[%add3A_174], %get3A_168 : memref<16384xf32, #tpu.memory_space<vmem>>[vector<16xi32>], vector<16xf32>,
        %get3A_175 = arith.constant 1 : i64
        %get3A_176 = arith.index_cast %while3A_33 : i32 to index
        %get3A_177 = arith.index_cast %get3A_175 : i64 to index
        %get3A_178 = arith.constant 80 : index
        %get3A_179 = tpu.vector_load %arg4[%get3A_176, %get3A_177, %get3A_178] {strides = array<i32>} : memref<16x8x128xf32, #tpu.memory_space<vmem>>, vector<16xf32>,
        %mul3A_180 = arith.constant 1024 : i32
        %mul3A_181 = arith.muli %while3A_33, %mul3A_180 : i32
        %add3A_182 = arith.constant 641 : i32
        %add3A_183 = arith.addi %mul3A_181, %add3A_182 : i32
        %broadcast_in_dim3A_184 = vector.broadcast %add3A_183 : i32 to vector<16xi32>
        %add3A_185 = arith.addi %broadcast_in_dim3A_184, %mul3A_3 : vector<16xi32>
        tpu.vector_store_idx %arg5[%add3A_185], %get3A_179 : memref<16384xf32, #tpu.memory_space<vmem>>[vector<16xi32>], vector<16xf32>,
        %get3A_186 = arith.constant 1 : i64
        %get3A_187 = arith.index_cast %while3A_33 : i32 to index
        %get3A_188 = arith.index_cast %get3A_186 : i64 to index
        %get3A_189 = arith.constant 96 : index
        %get3A_190 = tpu.vector_load %arg4[%get3A_187, %get3A_188, %get3A_189] {strides = array<i32>} : memref<16x8x128xf32, #tpu.memory_space<vmem>>, vector<16xf32>,
        %mul3A_191 = arith.constant 1024 : i32
        %mul3A_192 = arith.muli %while3A_33, %mul3A_191 : i32
        %add3A_193 = arith.constant 769 : i32
        %add3A_194 = arith.addi %mul3A_192, %add3A_193 : i32
        %broadcast_in_dim3A_195 = vector.broadcast %add3A_194 : i32 to vector<16xi32>
        %add3A_196 = arith.addi %broadcast_in_dim3A_195, %mul3A_3 : vector<16xi32>
        tpu.vector_store_idx %arg5[%add3A_196], %get3A_190 : memref<16384xf32, #tpu.memory_space<vmem>>[vector<16xi32>], vector<16xf32>,
        %get3A_197 = arith.constant 1 : i64
        %get3A_198 = arith.index_cast %while3A_33 : i32 to index
        %get3A_199 = arith.index_cast %get3A_197 : i64 to index
        %get3A_200 = arith.constant 112 : index
        %get3A_201 = tpu.vector_load %arg4[%get3A_198, %get3A_199, %get3A_200] {strides = array<i32>} : memref<16x8x128xf32, #tpu.memory_space<vmem>>, vector<16xf32>,
        %mul3A_202 = arith.constant 1024 : i32
        %mul3A_203 = arith.muli %while3A_33, %mul3A_202 : i32
        %add3A_204 = arith.constant 897 : i32
        %add3A_205 = arith.addi %mul3A_203, %add3A_204 : i32
        %broadcast_in_dim3A_206 = vector.broadcast %add3A_205 : i32 to vector<16xi32>
        %add3A_207 = arith.addi %broadcast_in_dim3A_206, %mul3A_3 : vector<16xi32>
        tpu.vector_store_idx %arg5[%add3A_207], %get3A_201 : memref<16384xf32, #tpu.memory_space<vmem>>[vector<16xi32>], vector<16xf32>,
        %get3A_208 = arith.constant 2 : i64
        %get3A_209 = arith.index_cast %while3A_33 : i32 to index
        %get3A_210 = arith.index_cast %get3A_208 : i64 to index
        %get3A_211 = arith.constant 0 : index
        %get3A_212 = tpu.vector_load %arg4[%get3A_209, %get3A_210, %get3A_211] {strides = array<i32>} : memref<16x8x128xf32, #tpu.memory_space<vmem>>, vector<16xf32>,
        %mul3A_213 = arith.constant 1024 : i32
        %mul3A_214 = arith.muli %while3A_33, %mul3A_213 : i32
        %add3A_215 = arith.constant 2 : i32
        %add3A_216 = arith.addi %mul3A_214, %add3A_215 : i32
        %broadcast_in_dim3A_217 = vector.broadcast %add3A_216 : i32 to vector<16xi32>
        %add3A_218 = arith.addi %broadcast_in_dim3A_217, %mul3A_3 : vector<16xi32>
        tpu.vector_store_idx %arg5[%add3A_218], %get3A_212 : memref<16384xf32, #tpu.memory_space<vmem>>[vector<16xi32>], vector<16xf32>,
        %get3A_219 = arith.constant 2 : i64
        %get3A_220 = arith.index_cast %while3A_33 : i32 to index
        %get3A_221 = arith.index_cast %get3A_219 : i64 to index
        %get3A_222 = arith.constant 16 : index
        %get3A_223 = tpu.vector_load %arg4[%get3A_220, %get3A_221, %get3A_222] {strides = array<i32>} : memref<16x8x128xf32, #tpu.memory_space<vmem>>, vector<16xf32>,
        %mul3A_224 = arith.constant 1024 : i32
        %mul3A_225 = arith.muli %while3A_33, %mul3A_224 : i32
        %add3A_226 = arith.constant 130 : i32
        %add3A_227 = arith.addi %mul3A_225, %add3A_226 : i32
        %broadcast_in_dim3A_228 = vector.broadcast %add3A_227 : i32 to vector<16xi32>
        %add3A_229 = arith.addi %broadcast_in_dim3A_228, %mul3A_3 : vector<16xi32>
        tpu.vector_store_idx %arg5[%add3A_229], %get3A_223 : memref<16384xf32, #tpu.memory_space<vmem>>[vector<16xi32>], vector<16xf32>,
        %get3A_230 = arith.constant 2 : i64
        %get3A_231 = arith.index_cast %while3A_33 : i32 to index
        %get3A_232 = arith.index_cast %get3A_230 : i64 to index
        %get3A_233 = arith.constant 32 : index
        %get3A_234 = tpu.vector_load %arg4[%get3A_231, %get3A_232, %get3A_233] {strides = array<i32>} : memref<16x8x128xf32, #tpu.memory_space<vmem>>, vector<16xf32>,
        %mul3A_235 = arith.constant 1024 : i32
        %mul3A_236 = arith.muli %while3A_33, %mul3A_235 : i32
        %add3A_237 = arith.constant 258 : i32
        %add3A_238 = arith.addi %mul3A_236, %add3A_237 : i32
        %broadcast_in_dim3A_239 = vector.broadcast %add3A_238 : i32 to vector<16xi32>
        %add3A_240 = arith.addi %broadcast_in_dim3A_239, %mul3A_3 : vector<16xi32>
        tpu.vector_store_idx %arg5[%add3A_240], %get3A_234 : memref<16384xf32, #tpu.memory_space<vmem>>[vector<16xi32>], vector<16xf32>,
        %get3A_241 = arith.constant 2 : i64
        %get3A_242 = arith.index_cast %while3A_33 : i32 to index
        %get3A_243 = arith.index_cast %get3A_241 : i64 to index
        %get3A_244 = arith.constant 48 : index
        %get3A_245 = tpu.vector_load %arg4[%get3A_242, %get3A_243, %get3A_244] {strides = array<i32>} : memref<16x8x128xf32, #tpu.memory_space<vmem>>, vector<16xf32>,
        %mul3A_246 = arith.constant 1024 : i32
        %mul3A_247 = arith.muli %while3A_33, %mul3A_246 : i32
        %add3A_248 = arith.constant 386 : i32
        %add3A_249 = arith.addi %mul3A_247, %add3A_248 : i32
        %broadcast_in_dim3A_250 = vector.broadcast %add3A_249 : i32 to vector<16xi32>
        %add3A_251 = arith.addi %broadcast_in_dim3A_250, %mul3A_3 : vector<16xi32>
        tpu.vector_store_idx %arg5[%add3A_251], %get3A_245 : memref<16384xf32, #tpu.memory_space<vmem>>[vector<16xi32>], vector<16xf32>,
        %get3A_252 = arith.constant 2 : i64
        %get3A_253 = arith.index_cast %while3A_33 : i32 to index
        %get3A_254 = arith.index_cast %get3A_252 : i64 to index
        %get3A_255 = arith.constant 64 : index
        %get3A_256 = tpu.vector_load %arg4[%get3A_253, %get3A_254, %get3A_255] {strides = array<i32>} : memref<16x8x128xf32, #tpu.memory_space<vmem>>, vector<16xf32>,
        %mul3A_257 = arith.constant 1024 : i32
        %mul3A_258 = arith.muli %while3A_33, %mul3A_257 : i32
        %add3A_259 = arith.constant 514 : i32
        %add3A_260 = arith.addi %mul3A_258, %add3A_259 : i32
        %broadcast_in_dim3A_261 = vector.broadcast %add3A_260 : i32 to vector<16xi32>
        %add3A_262 = arith.addi %broadcast_in_dim3A_261, %mul3A_3 : vector<16xi32>
        tpu.vector_store_idx %arg5[%add3A_262], %get3A_256 : memref<16384xf32, #tpu.memory_space<vmem>>[vector<16xi32>], vector<16xf32>,
        %get3A_263 = arith.constant 2 : i64
        %get3A_264 = arith.index_cast %while3A_33 : i32 to index
        %get3A_265 = arith.index_cast %get3A_263 : i64 to index
        %get3A_266 = arith.constant 80 : index
        %get3A_267 = tpu.vector_load %arg4[%get3A_264, %get3A_265, %get3A_266] {strides = array<i32>} : memref<16x8x128xf32, #tpu.memory_space<vmem>>, vector<16xf32>,
        %mul3A_268 = arith.constant 1024 : i32
        %mul3A_269 = arith.muli %while3A_33, %mul3A_268 : i32
        %add3A_270 = arith.constant 642 : i32
        %add3A_271 = arith.addi %mul3A_269, %add3A_270 : i32
        %broadcast_in_dim3A_272 = vector.broadcast %add3A_271 : i32 to vector<16xi32>
        %add3A_273 = arith.addi %broadcast_in_dim3A_272, %mul3A_3 : vector<16xi32>
        tpu.vector_store_idx %arg5[%add3A_273], %get3A_267 : memref<16384xf32, #tpu.memory_space<vmem>>[vector<16xi32>], vector<16xf32>,
        %get3A_274 = arith.constant 2 : i64
        %get3A_275 = arith.index_cast %while3A_33 : i32 to index
        %get3A_276 = arith.index_cast %get3A_274 : i64 to index
        %get3A_277 = arith.constant 96 : index
        %get3A_278 = tpu.vector_load %arg4[%get3A_275, %get3A_276, %get3A_277] {strides = array<i32>} : memref<16x8x128xf32, #tpu.memory_space<vmem>>, vector<16xf32>,
        %mul3A_279 = arith.constant 1024 : i32
        %mul3A_280 = arith.muli %while3A_33, %mul3A_279 : i32
        %add3A_281 = arith.constant 770 : i32
        %add3A_282 = arith.addi %mul3A_280, %add3A_281 : i32
        %broadcast_in_dim3A_283 = vector.broadcast %add3A_282 : i32 to vector<16xi32>
        %add3A_284 = arith.addi %broadcast_in_dim3A_283, %mul3A_3 : vector<16xi32>
        tpu.vector_store_idx %arg5[%add3A_284], %get3A_278 : memref<16384xf32, #tpu.memory_space<vmem>>[vector<16xi32>], vector<16xf32>,
        %get3A_285 = arith.constant 2 : i64
        %get3A_286 = arith.index_cast %while3A_33 : i32 to index
        %get3A_287 = arith.index_cast %get3A_285 : i64 to index
        %get3A_288 = arith.constant 112 : index
        %get3A_289 = tpu.vector_load %arg4[%get3A_286, %get3A_287, %get3A_288] {strides = array<i32>} : memref<16x8x128xf32, #tpu.memory_space<vmem>>, vector<16xf32>,
        %mul3A_290 = arith.constant 1024 : i32
        %mul3A_291 = arith.muli %while3A_33, %mul3A_290 : i32
        %add3A_292 = arith.constant 898 : i32
        %add3A_293 = arith.addi %mul3A_291, %add3A_292 : i32
        %broadcast_in_dim3A_294 = vector.broadcast %add3A_293 : i32 to vector<16xi32>
        %add3A_295 = arith.addi %broadcast_in_dim3A_294, %mul3A_3 : vector<16xi32>
        tpu.vector_store_idx %arg5[%add3A_295], %get3A_289 : memref<16384xf32, #tpu.memory_space<vmem>>[vector<16xi32>], vector<16xf32>,
        %get3A_296 = arith.constant 3 : i64
        %get3A_297 = arith.index_cast %while3A_33 : i32 to index
        %get3A_298 = arith.index_cast %get3A_296 : i64 to index
        %get3A_299 = arith.constant 0 : index
        %get3A_300 = tpu.vector_load %arg4[%get3A_297, %get3A_298, %get3A_299] {strides = array<i32>} : memref<16x8x128xf32, #tpu.memory_space<vmem>>, vector<16xf32>,
        %mul3A_301 = arith.constant 1024 : i32
        %mul3A_302 = arith.muli %while3A_33, %mul3A_301 : i32
        %add3A_303 = arith.constant 3 : i32
        %add3A_304 = arith.addi %mul3A_302, %add3A_303 : i32
        %broadcast_in_dim3A_305 = vector.broadcast %add3A_304 : i32 to vector<16xi32>
        %add3A_306 = arith.addi %broadcast_in_dim3A_305, %mul3A_3 : vector<16xi32>
        tpu.vector_store_idx %arg5[%add3A_306], %get3A_300 : memref<16384xf32, #tpu.memory_space<vmem>>[vector<16xi32>], vector<16xf32>,
        %get3A_307 = arith.constant 3 : i64
        %get3A_308 = arith.index_cast %while3A_33 : i32 to index
        %get3A_309 = arith.index_cast %get3A_307 : i64 to index
        %get3A_310 = arith.constant 16 : index
        %get3A_311 = tpu.vector_load %arg4[%get3A_308, %get3A_309, %get3A_310] {strides = array<i32>} : memref<16x8x128xf32, #tpu.memory_space<vmem>>, vector<16xf32>,
        %mul3A_312 = arith.constant 1024 : i32
        %mul3A_313 = arith.muli %while3A_33, %mul3A_312 : i32
        %add3A_314 = arith.constant 131 : i32
        %add3A_315 = arith.addi %mul3A_313, %add3A_314 : i32
        %broadcast_in_dim3A_316 = vector.broadcast %add3A_315 : i32 to vector<16xi32>
        %add3A_317 = arith.addi %broadcast_in_dim3A_316, %mul3A_3 : vector<16xi32>
        tpu.vector_store_idx %arg5[%add3A_317], %get3A_311 : memref<16384xf32, #tpu.memory_space<vmem>>[vector<16xi32>], vector<16xf32>,
        %get3A_318 = arith.constant 3 : i64
        %get3A_319 = arith.index_cast %while3A_33 : i32 to index
        %get3A_320 = arith.index_cast %get3A_318 : i64 to index
        %get3A_321 = arith.constant 32 : index
        %get3A_322 = tpu.vector_load %arg4[%get3A_319, %get3A_320, %get3A_321] {strides = array<i32>} : memref<16x8x128xf32, #tpu.memory_space<vmem>>, vector<16xf32>,
        %mul3A_323 = arith.constant 1024 : i32
        %mul3A_324 = arith.muli %while3A_33, %mul3A_323 : i32
        %add3A_325 = arith.constant 259 : i32
        %add3A_326 = arith.addi %mul3A_324, %add3A_325 : i32
        %broadcast_in_dim3A_327 = vector.broadcast %add3A_326 : i32 to vector<16xi32>
        %add3A_328 = arith.addi %broadcast_in_dim3A_327, %mul3A_3 : vector<16xi32>
        tpu.vector_store_idx %arg5[%add3A_328], %get3A_322 : memref<16384xf32, #tpu.memory_space<vmem>>[vector<16xi32>], vector<16xf32>,
        %get3A_329 = arith.constant 3 : i64
        %get3A_330 = arith.index_cast %while3A_33 : i32 to index
        %get3A_331 = arith.index_cast %get3A_329 : i64 to index
        %get3A_332 = arith.constant 48 : index
        %get3A_333 = tpu.vector_load %arg4[%get3A_330, %get3A_331, %get3A_332] {strides = array<i32>} : memref<16x8x128xf32, #tpu.memory_space<vmem>>, vector<16xf32>,
        %mul3A_334 = arith.constant 1024 : i32
        %mul3A_335 = arith.muli %while3A_33, %mul3A_334 : i32
        %add3A_336 = arith.constant 387 : i32
        %add3A_337 = arith.addi %mul3A_335, %add3A_336 : i32
        %broadcast_in_dim3A_338 = vector.broadcast %add3A_337 : i32 to vector<16xi32>
        %add3A_339 = arith.addi %broadcast_in_dim3A_338, %mul3A_3 : vector<16xi32>
        tpu.vector_store_idx %arg5[%add3A_339], %get3A_333 : memref<16384xf32, #tpu.memory_space<vmem>>[vector<16xi32>], vector<16xf32>,
        %get3A_340 = arith.constant 3 : i64
        %get3A_341 = arith.index_cast %while3A_33 : i32 to index
        %get3A_342 = arith.index_cast %get3A_340 : i64 to index
        %get3A_343 = arith.constant 64 : index
        %get3A_344 = tpu.vector_load %arg4[%get3A_341, %get3A_342, %get3A_343] {strides = array<i32>} : memref<16x8x128xf32, #tpu.memory_space<vmem>>, vector<16xf32>,
        %mul3A_345 = arith.constant 1024 : i32
        %mul3A_346 = arith.muli %while3A_33, %mul3A_345 : i32
        %add3A_347 = arith.constant 515 : i32
        %add3A_348 = arith.addi %mul3A_346, %add3A_347 : i32
        %broadcast_in_dim3A_349 = vector.broadcast %add3A_348 : i32 to vector<16xi32>
        %add3A_350 = arith.addi %broadcast_in_dim3A_349, %mul3A_3 : vector<16xi32>
        tpu.vector_store_idx %arg5[%add3A_350], %get3A_344 : memref<16384xf32, #tpu.memory_space<vmem>>[vector<16xi32>], vector<16xf32>,
        %get3A_351 = arith.constant 3 : i64
        %get3A_352 = arith.index_cast %while3A_33 : i32 to index
        %get3A_353 = arith.index_cast %get3A_351 : i64 to index
        %get3A_354 = arith.constant 80 : index
        %get3A_355 = tpu.vector_load %arg4[%get3A_352, %get3A_353, %get3A_354] {strides = array<i32>} : memref<16x8x128xf32, #tpu.memory_space<vmem>>, vector<16xf32>,
        %mul3A_356 = arith.constant 1024 : i32
        %mul3A_357 = arith.muli %while3A_33, %mul3A_356 : i32
        %add3A_358 = arith.constant 643 : i32
        %add3A_359 = arith.addi %mul3A_357, %add3A_358 : i32
        %broadcast_in_dim3A_360 = vector.broadcast %add3A_359 : i32 to vector<16xi32>
        %add3A_361 = arith.addi %broadcast_in_dim3A_360, %mul3A_3 : vector<16xi32>
        tpu.vector_store_idx %arg5[%add3A_361], %get3A_355 : memref<16384xf32, #tpu.memory_space<vmem>>[vector<16xi32>], vector<16xf32>,
        %get3A_362 = arith.constant 3 : i64
        %get3A_363 = arith.index_cast %while3A_33 : i32 to index
        %get3A_364 = arith.index_cast %get3A_362 : i64 to index
        %get3A_365 = arith.constant 96 : index
        %get3A_366 = tpu.vector_load %arg4[%get3A_363, %get3A_364, %get3A_365] {strides = array<i32>} : memref<16x8x128xf32, #tpu.memory_space<vmem>>, vector<16xf32>,
        %mul3A_367 = arith.constant 1024 : i32
        %mul3A_368 = arith.muli %while3A_33, %mul3A_367 : i32
        %add3A_369 = arith.constant 771 : i32
        %add3A_370 = arith.addi %mul3A_368, %add3A_369 : i32
        %broadcast_in_dim3A_371 = vector.broadcast %add3A_370 : i32 to vector<16xi32>
        %add3A_372 = arith.addi %broadcast_in_dim3A_371, %mul3A_3 : vector<16xi32>
        tpu.vector_store_idx %arg5[%add3A_372], %get3A_366 : memref<16384xf32, #tpu.memory_space<vmem>>[vector<16xi32>], vector<16xf32>,
        %get3A_373 = arith.constant 3 : i64
        %get3A_374 = arith.index_cast %while3A_33 : i32 to index
        %get3A_375 = arith.index_cast %get3A_373 : i64 to index
        %get3A_376 = arith.constant 112 : index
        %get3A_377 = tpu.vector_load %arg4[%get3A_374, %get3A_375, %get3A_376] {strides = array<i32>} : memref<16x8x128xf32, #tpu.memory_space<vmem>>, vector<16xf32>,
        %mul3A_378 = arith.constant 1024 : i32
        %mul3A_379 = arith.muli %while3A_33, %mul3A_378 : i32
        %add3A_380 = arith.constant 899 : i32
        %add3A_381 = arith.addi %mul3A_379, %add3A_380 : i32
        %broadcast_in_dim3A_382 = vector.broadcast %add3A_381 : i32 to vector<16xi32>
        %add3A_383 = arith.addi %broadcast_in_dim3A_382, %mul3A_3 : vector<16xi32>
        tpu.vector_store_idx %arg5[%add3A_383], %get3A_377 : memref<16384xf32, #tpu.memory_space<vmem>>[vector<16xi32>], vector<16xf32>,
        %get3A_384 = arith.constant 4 : i64
        %get3A_385 = arith.index_cast %while3A_33 : i32 to index
        %get3A_386 = arith.index_cast %get3A_384 : i64 to index
        %get3A_387 = arith.constant 0 : index
        %get3A_388 = tpu.vector_load %arg4[%get3A_385, %get3A_386, %get3A_387] {strides = array<i32>} : memref<16x8x128xf32, #tpu.memory_space<vmem>>, vector<16xf32>,
        %mul3A_389 = arith.constant 1024 : i32
        %mul3A_390 = arith.muli %while3A_33, %mul3A_389 : i32
        %add3A_391 = arith.constant 4 : i32
        %add3A_392 = arith.addi %mul3A_390, %add3A_391 : i32
        %broadcast_in_dim3A_393 = vector.broadcast %add3A_392 : i32 to vector<16xi32>
        %add3A_394 = arith.addi %broadcast_in_dim3A_393, %mul3A_3 : vector<16xi32>
        tpu.vector_store_idx %arg5[%add3A_394], %get3A_388 : memref<16384xf32, #tpu.memory_space<vmem>>[vector<16xi32>], vector<16xf32>,
        %get3A_395 = arith.constant 4 : i64
        %get3A_396 = arith.index_cast %while3A_33 : i32 to index
        %get3A_397 = arith.index_cast %get3A_395 : i64 to index
        %get3A_398 = arith.constant 16 : index
        %get3A_399 = tpu.vector_load %arg4[%get3A_396, %get3A_397, %get3A_398] {strides = array<i32>} : memref<16x8x128xf32, #tpu.memory_space<vmem>>, vector<16xf32>,
        %mul3A_400 = arith.constant 1024 : i32
        %mul3A_401 = arith.muli %while3A_33, %mul3A_400 : i32
        %add3A_402 = arith.constant 132 : i32
        %add3A_403 = arith.addi %mul3A_401, %add3A_402 : i32
        %broadcast_in_dim3A_404 = vector.broadcast %add3A_403 : i32 to vector<16xi32>
        %add3A_405 = arith.addi %broadcast_in_dim3A_404, %mul3A_3 : vector<16xi32>
        tpu.vector_store_idx %arg5[%add3A_405], %get3A_399 : memref<16384xf32, #tpu.memory_space<vmem>>[vector<16xi32>], vector<16xf32>,
        %get3A_406 = arith.constant 4 : i64
        %get3A_407 = arith.index_cast %while3A_33 : i32 to index
        %get3A_408 = arith.index_cast %get3A_406 : i64 to index
        %get3A_409 = arith.constant 32 : index
        %get3A_410 = tpu.vector_load %arg4[%get3A_407, %get3A_408, %get3A_409] {strides = array<i32>} : memref<16x8x128xf32, #tpu.memory_space<vmem>>, vector<16xf32>,
        %mul3A_411 = arith.constant 1024 : i32
        %mul3A_412 = arith.muli %while3A_33, %mul3A_411 : i32
        %add3A_413 = arith.constant 260 : i32
        %add3A_414 = arith.addi %mul3A_412, %add3A_413 : i32
        %broadcast_in_dim3A_415 = vector.broadcast %add3A_414 : i32 to vector<16xi32>
        %add3A_416 = arith.addi %broadcast_in_dim3A_415, %mul3A_3 : vector<16xi32>
        tpu.vector_store_idx %arg5[%add3A_416], %get3A_410 : memref<16384xf32, #tpu.memory_space<vmem>>[vector<16xi32>], vector<16xf32>,
        %get3A_417 = arith.constant 4 : i64
        %get3A_418 = arith.index_cast %while3A_33 : i32 to index
        %get3A_419 = arith.index_cast %get3A_417 : i64 to index
        %get3A_420 = arith.constant 48 : index
        %get3A_421 = tpu.vector_load %arg4[%get3A_418, %get3A_419, %get3A_420] {strides = array<i32>} : memref<16x8x128xf32, #tpu.memory_space<vmem>>, vector<16xf32>,
        %mul3A_422 = arith.constant 1024 : i32
        %mul3A_423 = arith.muli %while3A_33, %mul3A_422 : i32
        %add3A_424 = arith.constant 388 : i32
        %add3A_425 = arith.addi %mul3A_423, %add3A_424 : i32
        %broadcast_in_dim3A_426 = vector.broadcast %add3A_425 : i32 to vector<16xi32>
        %add3A_427 = arith.addi %broadcast_in_dim3A_426, %mul3A_3 : vector<16xi32>
        tpu.vector_store_idx %arg5[%add3A_427], %get3A_421 : memref<16384xf32, #tpu.memory_space<vmem>>[vector<16xi32>], vector<16xf32>,
        %get3A_428 = arith.constant 4 : i64
        %get3A_429 = arith.index_cast %while3A_33 : i32 to index
        %get3A_430 = arith.index_cast %get3A_428 : i64 to index
        %get3A_431 = arith.constant 64 : index
        %get3A_432 = tpu.vector_load %arg4[%get3A_429, %get3A_430, %get3A_431] {strides = array<i32>} : memref<16x8x128xf32, #tpu.memory_space<vmem>>, vector<16xf32>,
        %mul3A_433 = arith.constant 1024 : i32
        %mul3A_434 = arith.muli %while3A_33, %mul3A_433 : i32
        %add3A_435 = arith.constant 516 : i32
        %add3A_436 = arith.addi %mul3A_434, %add3A_435 : i32
        %broadcast_in_dim3A_437 = vector.broadcast %add3A_436 : i32 to vector<16xi32>
        %add3A_438 = arith.addi %broadcast_in_dim3A_437, %mul3A_3 : vector<16xi32>
        tpu.vector_store_idx %arg5[%add3A_438], %get3A_432 : memref<16384xf32, #tpu.memory_space<vmem>>[vector<16xi32>], vector<16xf32>,
        %get3A_439 = arith.constant 4 : i64
        %get3A_440 = arith.index_cast %while3A_33 : i32 to index
        %get3A_441 = arith.index_cast %get3A_439 : i64 to index
        %get3A_442 = arith.constant 80 : index
        %get3A_443 = tpu.vector_load %arg4[%get3A_440, %get3A_441, %get3A_442] {strides = array<i32>} : memref<16x8x128xf32, #tpu.memory_space<vmem>>, vector<16xf32>,
        %mul3A_444 = arith.constant 1024 : i32
        %mul3A_445 = arith.muli %while3A_33, %mul3A_444 : i32
        %add3A_446 = arith.constant 644 : i32
        %add3A_447 = arith.addi %mul3A_445, %add3A_446 : i32
        %broadcast_in_dim3A_448 = vector.broadcast %add3A_447 : i32 to vector<16xi32>
        %add3A_449 = arith.addi %broadcast_in_dim3A_448, %mul3A_3 : vector<16xi32>
        tpu.vector_store_idx %arg5[%add3A_449], %get3A_443 : memref<16384xf32, #tpu.memory_space<vmem>>[vector<16xi32>], vector<16xf32>,
        %get3A_450 = arith.constant 4 : i64
        %get3A_451 = arith.index_cast %while3A_33 : i32 to index
        %get3A_452 = arith.index_cast %get3A_450 : i64 to index
        %get3A_453 = arith.constant 96 : index
        %get3A_454 = tpu.vector_load %arg4[%get3A_451, %get3A_452, %get3A_453] {strides = array<i32>} : memref<16x8x128xf32, #tpu.memory_space<vmem>>, vector<16xf32>,
        %mul3A_455 = arith.constant 1024 : i32
        %mul3A_456 = arith.muli %while3A_33, %mul3A_455 : i32
        %add3A_457 = arith.constant 772 : i32
        %add3A_458 = arith.addi %mul3A_456, %add3A_457 : i32
        %broadcast_in_dim3A_459 = vector.broadcast %add3A_458 : i32 to vector<16xi32>
        %add3A_460 = arith.addi %broadcast_in_dim3A_459, %mul3A_3 : vector<16xi32>
        tpu.vector_store_idx %arg5[%add3A_460], %get3A_454 : memref<16384xf32, #tpu.memory_space<vmem>>[vector<16xi32>], vector<16xf32>,
        %get3A_461 = arith.constant 4 : i64
        %get3A_462 = arith.index_cast %while3A_33 : i32 to index
        %get3A_463 = arith.index_cast %get3A_461 : i64 to index
        %get3A_464 = arith.constant 112 : index
        %get3A_465 = tpu.vector_load %arg4[%get3A_462, %get3A_463, %get3A_464] {strides = array<i32>} : memref<16x8x128xf32, #tpu.memory_space<vmem>>, vector<16xf32>,
        %mul3A_466 = arith.constant 1024 : i32
        %mul3A_467 = arith.muli %while3A_33, %mul3A_466 : i32
        %add3A_468 = arith.constant 900 : i32
        %add3A_469 = arith.addi %mul3A_467, %add3A_468 : i32
        %broadcast_in_dim3A_470 = vector.broadcast %add3A_469 : i32 to vector<16xi32>
        %add3A_471 = arith.addi %broadcast_in_dim3A_470, %mul3A_3 : vector<16xi32>
        tpu.vector_store_idx %arg5[%add3A_471], %get3A_465 : memref<16384xf32, #tpu.memory_space<vmem>>[vector<16xi32>], vector<16xf32>,
        %get3A_472 = arith.constant 5 : i64
        %get3A_473 = arith.index_cast %while3A_33 : i32 to index
        %get3A_474 = arith.index_cast %get3A_472 : i64 to index
        %get3A_475 = arith.constant 0 : index
        %get3A_476 = tpu.vector_load %arg4[%get3A_473, %get3A_474, %get3A_475] {strides = array<i32>} : memref<16x8x128xf32, #tpu.memory_space<vmem>>, vector<16xf32>,
        %mul3A_477 = arith.constant 1024 : i32
        %mul3A_478 = arith.muli %while3A_33, %mul3A_477 : i32
        %add3A_479 = arith.constant 5 : i32
        %add3A_480 = arith.addi %mul3A_478, %add3A_479 : i32
        %broadcast_in_dim3A_481 = vector.broadcast %add3A_480 : i32 to vector<16xi32>
        %add3A_482 = arith.addi %broadcast_in_dim3A_481, %mul3A_3 : vector<16xi32>
        tpu.vector_store_idx %arg5[%add3A_482], %get3A_476 : memref<16384xf32, #tpu.memory_space<vmem>>[vector<16xi32>], vector<16xf32>,
        %get3A_483 = arith.constant 5 : i64
        %get3A_484 = arith.index_cast %while3A_33 : i32 to index
        %get3A_485 = arith.index_cast %get3A_483 : i64 to index
        %get3A_486 = arith.constant 16 : index
        %get3A_487 = tpu.vector_load %arg4[%get3A_484, %get3A_485, %get3A_486] {strides = array<i32>} : memref<16x8x128xf32, #tpu.memory_space<vmem>>, vector<16xf32>,
        %mul3A_488 = arith.constant 1024 : i32
        %mul3A_489 = arith.muli %while3A_33, %mul3A_488 : i32
        %add3A_490 = arith.constant 133 : i32
        %add3A_491 = arith.addi %mul3A_489, %add3A_490 : i32
        %broadcast_in_dim3A_492 = vector.broadcast %add3A_491 : i32 to vector<16xi32>
        %add3A_493 = arith.addi %broadcast_in_dim3A_492, %mul3A_3 : vector<16xi32>
        tpu.vector_store_idx %arg5[%add3A_493], %get3A_487 : memref<16384xf32, #tpu.memory_space<vmem>>[vector<16xi32>], vector<16xf32>,
        %get3A_494 = arith.constant 5 : i64
        %get3A_495 = arith.index_cast %while3A_33 : i32 to index
        %get3A_496 = arith.index_cast %get3A_494 : i64 to index
        %get3A_497 = arith.constant 32 : index
        %get3A_498 = tpu.vector_load %arg4[%get3A_495, %get3A_496, %get3A_497] {strides = array<i32>} : memref<16x8x128xf32, #tpu.memory_space<vmem>>, vector<16xf32>,
        %mul3A_499 = arith.constant 1024 : i32
        %mul3A_500 = arith.muli %while3A_33, %mul3A_499 : i32
        %add3A_501 = arith.constant 261 : i32
        %add3A_502 = arith.addi %mul3A_500, %add3A_501 : i32
        %broadcast_in_dim3A_503 = vector.broadcast %add3A_502 : i32 to vector<16xi32>
        %add3A_504 = arith.addi %broadcast_in_dim3A_503, %mul3A_3 : vector<16xi32>
        tpu.vector_store_idx %arg5[%add3A_504], %get3A_498 : memref<16384xf32, #tpu.memory_space<vmem>>[vector<16xi32>], vector<16xf32>,
        %get3A_505 = arith.constant 5 : i64
        %get3A_506 = arith.index_cast %while3A_33 : i32 to index
        %get3A_507 = arith.index_cast %get3A_505 : i64 to index
        %get3A_508 = arith.constant 48 : index
        %get3A_509 = tpu.vector_load %arg4[%get3A_506, %get3A_507, %get3A_508] {strides = array<i32>} : memref<16x8x128xf32, #tpu.memory_space<vmem>>, vector<16xf32>,
        %mul3A_510 = arith.constant 1024 : i32
        %mul3A_511 = arith.muli %while3A_33, %mul3A_510 : i32
        %add3A_512 = arith.constant 389 : i32
        %add3A_513 = arith.addi %mul3A_511, %add3A_512 : i32
        %broadcast_in_dim3A_514 = vector.broadcast %add3A_513 : i32 to vector<16xi32>
        %add3A_515 = arith.addi %broadcast_in_dim3A_514, %mul3A_3 : vector<16xi32>
        tpu.vector_store_idx %arg5[%add3A_515], %get3A_509 : memref<16384xf32, #tpu.memory_space<vmem>>[vector<16xi32>], vector<16xf32>,
        %get3A_516 = arith.constant 5 : i64
        %get3A_517 = arith.index_cast %while3A_33 : i32 to index
        %get3A_518 = arith.index_cast %get3A_516 : i64 to index
        %get3A_519 = arith.constant 64 : index
        %get3A_520 = tpu.vector_load %arg4[%get3A_517, %get3A_518, %get3A_519] {strides = array<i32>} : memref<16x8x128xf32, #tpu.memory_space<vmem>>, vector<16xf32>,
        %mul3A_521 = arith.constant 1024 : i32
        %mul3A_522 = arith.muli %while3A_33, %mul3A_521 : i32
        %add3A_523 = arith.constant 517 : i32
        %add3A_524 = arith.addi %mul3A_522, %add3A_523 : i32
        %broadcast_in_dim3A_525 = vector.broadcast %add3A_524 : i32 to vector<16xi32>
        %add3A_526 = arith.addi %broadcast_in_dim3A_525, %mul3A_3 : vector<16xi32>
        tpu.vector_store_idx %arg5[%add3A_526], %get3A_520 : memref<16384xf32, #tpu.memory_space<vmem>>[vector<16xi32>], vector<16xf32>,
        %get3A_527 = arith.constant 5 : i64
        %get3A_528 = arith.index_cast %while3A_33 : i32 to index
        %get3A_529 = arith.index_cast %get3A_527 : i64 to index
        %get3A_530 = arith.constant 80 : index
        %get3A_531 = tpu.vector_load %arg4[%get3A_528, %get3A_529, %get3A_530] {strides = array<i32>} : memref<16x8x128xf32, #tpu.memory_space<vmem>>, vector<16xf32>,
        %mul3A_532 = arith.constant 1024 : i32
        %mul3A_533 = arith.muli %while3A_33, %mul3A_532 : i32
        %add3A_534 = arith.constant 645 : i32
        %add3A_535 = arith.addi %mul3A_533, %add3A_534 : i32
        %broadcast_in_dim3A_536 = vector.broadcast %add3A_535 : i32 to vector<16xi32>
        %add3A_537 = arith.addi %broadcast_in_dim3A_536, %mul3A_3 : vector<16xi32>
        tpu.vector_store_idx %arg5[%add3A_537], %get3A_531 : memref<16384xf32, #tpu.memory_space<vmem>>[vector<16xi32>], vector<16xf32>,
        %get3A_538 = arith.constant 5 : i64
        %get3A_539 = arith.index_cast %while3A_33 : i32 to index
        %get3A_540 = arith.index_cast %get3A_538 : i64 to index
        %get3A_541 = arith.constant 96 : index
        %get3A_542 = tpu.vector_load %arg4[%get3A_539, %get3A_540, %get3A_541] {strides = array<i32>} : memref<16x8x128xf32, #tpu.memory_space<vmem>>, vector<16xf32>,
        %mul3A_543 = arith.constant 1024 : i32
        %mul3A_544 = arith.muli %while3A_33, %mul3A_543 : i32
        %add3A_545 = arith.constant 773 : i32
        %add3A_546 = arith.addi %mul3A_544, %add3A_545 : i32
        %broadcast_in_dim3A_547 = vector.broadcast %add3A_546 : i32 to vector<16xi32>
        %add3A_548 = arith.addi %broadcast_in_dim3A_547, %mul3A_3 : vector<16xi32>
        tpu.vector_store_idx %arg5[%add3A_548], %get3A_542 : memref<16384xf32, #tpu.memory_space<vmem>>[vector<16xi32>], vector<16xf32>,
        %get3A_549 = arith.constant 5 : i64
        %get3A_550 = arith.index_cast %while3A_33 : i32 to index
        %get3A_551 = arith.index_cast %get3A_549 : i64 to index
        %get3A_552 = arith.constant 112 : index
        %get3A_553 = tpu.vector_load %arg4[%get3A_550, %get3A_551, %get3A_552] {strides = array<i32>} : memref<16x8x128xf32, #tpu.memory_space<vmem>>, vector<16xf32>,
        %mul3A_554 = arith.constant 1024 : i32
        %mul3A_555 = arith.muli %while3A_33, %mul3A_554 : i32
        %add3A_556 = arith.constant 901 : i32
        %add3A_557 = arith.addi %mul3A_555, %add3A_556 : i32
        %broadcast_in_dim3A_558 = vector.broadcast %add3A_557 : i32 to vector<16xi32>
        %add3A_559 = arith.addi %broadcast_in_dim3A_558, %mul3A_3 : vector<16xi32>
        tpu.vector_store_idx %arg5[%add3A_559], %get3A_553 : memref<16384xf32, #tpu.memory_space<vmem>>[vector<16xi32>], vector<16xf32>,
        %get3A_560 = arith.constant 6 : i64
        %get3A_561 = arith.index_cast %while3A_33 : i32 to index
        %get3A_562 = arith.index_cast %get3A_560 : i64 to index
        %get3A_563 = arith.constant 0 : index
        %get3A_564 = tpu.vector_load %arg4[%get3A_561, %get3A_562, %get3A_563] {strides = array<i32>} : memref<16x8x128xf32, #tpu.memory_space<vmem>>, vector<16xf32>,
        %mul3A_565 = arith.constant 1024 : i32
        %mul3A_566 = arith.muli %while3A_33, %mul3A_565 : i32
        %add3A_567 = arith.constant 6 : i32
        %add3A_568 = arith.addi %mul3A_566, %add3A_567 : i32
        %broadcast_in_dim3A_569 = vector.broadcast %add3A_568 : i32 to vector<16xi32>
        %add3A_570 = arith.addi %broadcast_in_dim3A_569, %mul3A_3 : vector<16xi32>
        tpu.vector_store_idx %arg5[%add3A_570], %get3A_564 : memref<16384xf32, #tpu.memory_space<vmem>>[vector<16xi32>], vector<16xf32>,
        %get3A_571 = arith.constant 6 : i64
        %get3A_572 = arith.index_cast %while3A_33 : i32 to index
        %get3A_573 = arith.index_cast %get3A_571 : i64 to index
        %get3A_574 = arith.constant 16 : index
        %get3A_575 = tpu.vector_load %arg4[%get3A_572, %get3A_573, %get3A_574] {strides = array<i32>} : memref<16x8x128xf32, #tpu.memory_space<vmem>>, vector<16xf32>,
        %mul3A_576 = arith.constant 1024 : i32
        %mul3A_577 = arith.muli %while3A_33, %mul3A_576 : i32
        %add3A_578 = arith.constant 134 : i32
        %add3A_579 = arith.addi %mul3A_577, %add3A_578 : i32
        %broadcast_in_dim3A_580 = vector.broadcast %add3A_579 : i32 to vector<16xi32>
        %add3A_581 = arith.addi %broadcast_in_dim3A_580, %mul3A_3 : vector<16xi32>
        tpu.vector_store_idx %arg5[%add3A_581], %get3A_575 : memref<16384xf32, #tpu.memory_space<vmem>>[vector<16xi32>], vector<16xf32>,
        %get3A_582 = arith.constant 6 : i64
        %get3A_583 = arith.index_cast %while3A_33 : i32 to index
        %get3A_584 = arith.index_cast %get3A_582 : i64 to index
        %get3A_585 = arith.constant 32 : index
        %get3A_586 = tpu.vector_load %arg4[%get3A_583, %get3A_584, %get3A_585] {strides = array<i32>} : memref<16x8x128xf32, #tpu.memory_space<vmem>>, vector<16xf32>,
        %mul3A_587 = arith.constant 1024 : i32
        %mul3A_588 = arith.muli %while3A_33, %mul3A_587 : i32
        %add3A_589 = arith.constant 262 : i32
        %add3A_590 = arith.addi %mul3A_588, %add3A_589 : i32
        %broadcast_in_dim3A_591 = vector.broadcast %add3A_590 : i32 to vector<16xi32>
        %add3A_592 = arith.addi %broadcast_in_dim3A_591, %mul3A_3 : vector<16xi32>
        tpu.vector_store_idx %arg5[%add3A_592], %get3A_586 : memref<16384xf32, #tpu.memory_space<vmem>>[vector<16xi32>], vector<16xf32>,
        %get3A_593 = arith.constant 6 : i64
        %get3A_594 = arith.index_cast %while3A_33 : i32 to index
        %get3A_595 = arith.index_cast %get3A_593 : i64 to index
        %get3A_596 = arith.constant 48 : index
        %get3A_597 = tpu.vector_load %arg4[%get3A_594, %get3A_595, %get3A_596] {strides = array<i32>} : memref<16x8x128xf32, #tpu.memory_space<vmem>>, vector<16xf32>,
        %mul3A_598 = arith.constant 1024 : i32
        %mul3A_599 = arith.muli %while3A_33, %mul3A_598 : i32
        %add3A_600 = arith.constant 390 : i32
        %add3A_601 = arith.addi %mul3A_599, %add3A_600 : i32
        %broadcast_in_dim3A_602 = vector.broadcast %add3A_601 : i32 to vector<16xi32>
        %add3A_603 = arith.addi %broadcast_in_dim3A_602, %mul3A_3 : vector<16xi32>
        tpu.vector_store_idx %arg5[%add3A_603], %get3A_597 : memref<16384xf32, #tpu.memory_space<vmem>>[vector<16xi32>], vector<16xf32>,
        %get3A_604 = arith.constant 6 : i64
        %get3A_605 = arith.index_cast %while3A_33 : i32 to index
        %get3A_606 = arith.index_cast %get3A_604 : i64 to index
        %get3A_607 = arith.constant 64 : index
        %get3A_608 = tpu.vector_load %arg4[%get3A_605, %get3A_606, %get3A_607] {strides = array<i32>} : memref<16x8x128xf32, #tpu.memory_space<vmem>>, vector<16xf32>,
        %mul3A_609 = arith.constant 1024 : i32
        %mul3A_610 = arith.muli %while3A_33, %mul3A_609 : i32
        %add3A_611 = arith.constant 518 : i32
        %add3A_612 = arith.addi %mul3A_610, %add3A_611 : i32
        %broadcast_in_dim3A_613 = vector.broadcast %add3A_612 : i32 to vector<16xi32>
        %add3A_614 = arith.addi %broadcast_in_dim3A_613, %mul3A_3 : vector<16xi32>
        tpu.vector_store_idx %arg5[%add3A_614], %get3A_608 : memref<16384xf32, #tpu.memory_space<vmem>>[vector<16xi32>], vector<16xf32>,
        %get3A_615 = arith.constant 6 : i64
        %get3A_616 = arith.index_cast %while3A_33 : i32 to index
        %get3A_617 = arith.index_cast %get3A_615 : i64 to index
        %get3A_618 = arith.constant 80 : index
        %get3A_619 = tpu.vector_load %arg4[%get3A_616, %get3A_617, %get3A_618] {strides = array<i32>} : memref<16x8x128xf32, #tpu.memory_space<vmem>>, vector<16xf32>,
        %mul3A_620 = arith.constant 1024 : i32
        %mul3A_621 = arith.muli %while3A_33, %mul3A_620 : i32
        %add3A_622 = arith.constant 646 : i32
        %add3A_623 = arith.addi %mul3A_621, %add3A_622 : i32
        %broadcast_in_dim3A_624 = vector.broadcast %add3A_623 : i32 to vector<16xi32>
        %add3A_625 = arith.addi %broadcast_in_dim3A_624, %mul3A_3 : vector<16xi32>
        tpu.vector_store_idx %arg5[%add3A_625], %get3A_619 : memref<16384xf32, #tpu.memory_space<vmem>>[vector<16xi32>], vector<16xf32>,
        %get3A_626 = arith.constant 6 : i64
        %get3A_627 = arith.index_cast %while3A_33 : i32 to index
        %get3A_628 = arith.index_cast %get3A_626 : i64 to index
        %get3A_629 = arith.constant 96 : index
        %get3A_630 = tpu.vector_load %arg4[%get3A_627, %get3A_628, %get3A_629] {strides = array<i32>} : memref<16x8x128xf32, #tpu.memory_space<vmem>>, vector<16xf32>,
        %mul3A_631 = arith.constant 1024 : i32
        %mul3A_632 = arith.muli %while3A_33, %mul3A_631 : i32
        %add3A_633 = arith.constant 774 : i32
        %add3A_634 = arith.addi %mul3A_632, %add3A_633 : i32
        %broadcast_in_dim3A_635 = vector.broadcast %add3A_634 : i32 to vector<16xi32>
        %add3A_636 = arith.addi %broadcast_in_dim3A_635, %mul3A_3 : vector<16xi32>
        tpu.vector_store_idx %arg5[%add3A_636], %get3A_630 : memref<16384xf32, #tpu.memory_space<vmem>>[vector<16xi32>], vector<16xf32>,
        %get3A_637 = arith.constant 6 : i64
        %get3A_638 = arith.index_cast %while3A_33 : i32 to index
        %get3A_639 = arith.index_cast %get3A_637 : i64 to index
        %get3A_640 = arith.constant 112 : index
        %get3A_641 = tpu.vector_load %arg4[%get3A_638, %get3A_639, %get3A_640] {strides = array<i32>} : memref<16x8x128xf32, #tpu.memory_space<vmem>>, vector<16xf32>,
        %mul3A_642 = arith.constant 1024 : i32
        %mul3A_643 = arith.muli %while3A_33, %mul3A_642 : i32
        %add3A_644 = arith.constant 902 : i32
        %add3A_645 = arith.addi %mul3A_643, %add3A_644 : i32
        %broadcast_in_dim3A_646 = vector.broadcast %add3A_645 : i32 to vector<16xi32>
        %add3A_647 = arith.addi %broadcast_in_dim3A_646, %mul3A_3 : vector<16xi32>
        tpu.vector_store_idx %arg5[%add3A_647], %get3A_641 : memref<16384xf32, #tpu.memory_space<vmem>>[vector<16xi32>], vector<16xf32>,
        %get3A_648 = arith.constant 7 : i64
        %get3A_649 = arith.index_cast %while3A_33 : i32 to index
        %get3A_650 = arith.index_cast %get3A_648 : i64 to index
        %get3A_651 = arith.constant 0 : index
        %get3A_652 = tpu.vector_load %arg4[%get3A_649, %get3A_650, %get3A_651] {strides = array<i32>} : memref<16x8x128xf32, #tpu.memory_space<vmem>>, vector<16xf32>,
        %mul3A_653 = arith.constant 1024 : i32
        %mul3A_654 = arith.muli %while3A_33, %mul3A_653 : i32
        %add3A_655 = arith.constant 7 : i32
        %add3A_656 = arith.addi %mul3A_654, %add3A_655 : i32
        %broadcast_in_dim3A_657 = vector.broadcast %add3A_656 : i32 to vector<16xi32>
        %add3A_658 = arith.addi %broadcast_in_dim3A_657, %mul3A_3 : vector<16xi32>
        tpu.vector_store_idx %arg5[%add3A_658], %get3A_652 : memref<16384xf32, #tpu.memory_space<vmem>>[vector<16xi32>], vector<16xf32>,
        %get3A_659 = arith.constant 7 : i64
        %get3A_660 = arith.index_cast %while3A_33 : i32 to index
        %get3A_661 = arith.index_cast %get3A_659 : i64 to index
        %get3A_662 = arith.constant 16 : index
        %get3A_663 = tpu.vector_load %arg4[%get3A_660, %get3A_661, %get3A_662] {strides = array<i32>} : memref<16x8x128xf32, #tpu.memory_space<vmem>>, vector<16xf32>,
        %mul3A_664 = arith.constant 1024 : i32
        %mul3A_665 = arith.muli %while3A_33, %mul3A_664 : i32
        %add3A_666 = arith.constant 135 : i32
        %add3A_667 = arith.addi %mul3A_665, %add3A_666 : i32
        %broadcast_in_dim3A_668 = vector.broadcast %add3A_667 : i32 to vector<16xi32>
        %add3A_669 = arith.addi %broadcast_in_dim3A_668, %mul3A_3 : vector<16xi32>
        tpu.vector_store_idx %arg5[%add3A_669], %get3A_663 : memref<16384xf32, #tpu.memory_space<vmem>>[vector<16xi32>], vector<16xf32>,
        %get3A_670 = arith.constant 7 : i64
        %get3A_671 = arith.index_cast %while3A_33 : i32 to index
        %get3A_672 = arith.index_cast %get3A_670 : i64 to index
        %get3A_673 = arith.constant 32 : index
        %get3A_674 = tpu.vector_load %arg4[%get3A_671, %get3A_672, %get3A_673] {strides = array<i32>} : memref<16x8x128xf32, #tpu.memory_space<vmem>>, vector<16xf32>,
        %mul3A_675 = arith.constant 1024 : i32
        %mul3A_676 = arith.muli %while3A_33, %mul3A_675 : i32
        %add3A_677 = arith.constant 263 : i32
        %add3A_678 = arith.addi %mul3A_676, %add3A_677 : i32
        %broadcast_in_dim3A_679 = vector.broadcast %add3A_678 : i32 to vector<16xi32>
        %add3A_680 = arith.addi %broadcast_in_dim3A_679, %mul3A_3 : vector<16xi32>
        tpu.vector_store_idx %arg5[%add3A_680], %get3A_674 : memref<16384xf32, #tpu.memory_space<vmem>>[vector<16xi32>], vector<16xf32>,
        %get3A_681 = arith.constant 7 : i64
        %get3A_682 = arith.index_cast %while3A_33 : i32 to index
        %get3A_683 = arith.index_cast %get3A_681 : i64 to index
        %get3A_684 = arith.constant 48 : index
        %get3A_685 = tpu.vector_load %arg4[%get3A_682, %get3A_683, %get3A_684] {strides = array<i32>} : memref<16x8x128xf32, #tpu.memory_space<vmem>>, vector<16xf32>,
        %mul3A_686 = arith.constant 1024 : i32
        %mul3A_687 = arith.muli %while3A_33, %mul3A_686 : i32
        %add3A_688 = arith.constant 391 : i32
        %add3A_689 = arith.addi %mul3A_687, %add3A_688 : i32
        %broadcast_in_dim3A_690 = vector.broadcast %add3A_689 : i32 to vector<16xi32>
        %add3A_691 = arith.addi %broadcast_in_dim3A_690, %mul3A_3 : vector<16xi32>
        tpu.vector_store_idx %arg5[%add3A_691], %get3A_685 : memref<16384xf32, #tpu.memory_space<vmem>>[vector<16xi32>], vector<16xf32>,
        %get3A_692 = arith.constant 7 : i64
        %get3A_693 = arith.index_cast %while3A_33 : i32 to index
        %get3A_694 = arith.index_cast %get3A_692 : i64 to index
        %get3A_695 = arith.constant 64 : index
        %get3A_696 = tpu.vector_load %arg4[%get3A_693, %get3A_694, %get3A_695] {strides = array<i32>} : memref<16x8x128xf32, #tpu.memory_space<vmem>>, vector<16xf32>,
        %mul3A_697 = arith.constant 1024 : i32
        %mul3A_698 = arith.muli %while3A_33, %mul3A_697 : i32
        %add3A_699 = arith.constant 519 : i32
        %add3A_700 = arith.addi %mul3A_698, %add3A_699 : i32
        %broadcast_in_dim3A_701 = vector.broadcast %add3A_700 : i32 to vector<16xi32>
        %add3A_702 = arith.addi %broadcast_in_dim3A_701, %mul3A_3 : vector<16xi32>
        tpu.vector_store_idx %arg5[%add3A_702], %get3A_696 : memref<16384xf32, #tpu.memory_space<vmem>>[vector<16xi32>], vector<16xf32>,
        %get3A_703 = arith.constant 7 : i64
        %get3A_704 = arith.index_cast %while3A_33 : i32 to index
        %get3A_705 = arith.index_cast %get3A_703 : i64 to index
        %get3A_706 = arith.constant 80 : index
        %get3A_707 = tpu.vector_load %arg4[%get3A_704, %get3A_705, %get3A_706] {strides = array<i32>} : memref<16x8x128xf32, #tpu.memory_space<vmem>>, vector<16xf32>,
        %mul3A_708 = arith.constant 1024 : i32
        %mul3A_709 = arith.muli %while3A_33, %mul3A_708 : i32
        %add3A_710 = arith.constant 647 : i32
        %add3A_711 = arith.addi %mul3A_709, %add3A_710 : i32
        %broadcast_in_dim3A_712 = vector.broadcast %add3A_711 : i32 to vector<16xi32>
        %add3A_713 = arith.addi %broadcast_in_dim3A_712, %mul3A_3 : vector<16xi32>
        tpu.vector_store_idx %arg5[%add3A_713], %get3A_707 : memref<16384xf32, #tpu.memory_space<vmem>>[vector<16xi32>], vector<16xf32>,
        %get3A_714 = arith.constant 7 : i64
        %get3A_715 = arith.index_cast %while3A_33 : i32 to index
        %get3A_716 = arith.index_cast %get3A_714 : i64 to index
        %get3A_717 = arith.constant 96 : index
        %get3A_718 = tpu.vector_load %arg4[%get3A_715, %get3A_716, %get3A_717] {strides = array<i32>} : memref<16x8x128xf32, #tpu.memory_space<vmem>>, vector<16xf32>,
        %mul3A_719 = arith.constant 1024 : i32
        %mul3A_720 = arith.muli %while3A_33, %mul3A_719 : i32
        %add3A_721 = arith.constant 775 : i32
        %add3A_722 = arith.addi %mul3A_720, %add3A_721 : i32
        %broadcast_in_dim3A_723 = vector.broadcast %add3A_722 : i32 to vector<16xi32>
        %add3A_724 = arith.addi %broadcast_in_dim3A_723, %mul3A_3 : vector<16xi32>
        tpu.vector_store_idx %arg5[%add3A_724], %get3A_718 : memref<16384xf32, #tpu.memory_space<vmem>>[vector<16xi32>], vector<16xf32>,
        %get3A_725 = arith.constant 7 : i64
        %get3A_726 = arith.index_cast %while3A_33 : i32 to index
        %get3A_727 = arith.index_cast %get3A_725 : i64 to index
        %get3A_728 = arith.constant 112 : index
        %get3A_729 = tpu.vector_load %arg4[%get3A_726, %get3A_727, %get3A_728] {strides = array<i32>} : memref<16x8x128xf32, #tpu.memory_space<vmem>>, vector<16xf32>,
        %mul3A_730 = arith.constant 1024 : i32
        %mul3A_731 = arith.muli %while3A_33, %mul3A_730 : i32
        %add3A_732 = arith.constant 903 : i32
        %add3A_733 = arith.addi %mul3A_731, %add3A_732 : i32
        %broadcast_in_dim3A_734 = vector.broadcast %add3A_733 : i32 to vector<16xi32>
        %add3A_735 = arith.addi %broadcast_in_dim3A_734, %mul3A_3 : vector<16xi32>
        tpu.vector_store_idx %arg5[%add3A_735], %get3A_729 : memref<16384xf32, #tpu.memory_space<vmem>>[vector<16xi32>], vector<16xf32>,
      }
      %while3A_30 = arith.constant 1 : i32
      scf.for %while3A_33 = %while3A_28 to %while3A_24 step %while3A_30  : i32 {
        %get3A = arith.constant 0 : i64
        %get3A_34 = arith.index_cast %while3A_33 : i32 to index
        %get3A_35 = arith.index_cast %get3A : i64 to index
        %get3A_36 = arith.constant 0 : index
        %get3A_37 = tpu.vector_load %arg4[%get3A_34, %get3A_35, %get3A_36] {strides = array<i32>} : memref<16x8x128xf32, #tpu.memory_space<vmem>>, vector<16xf32>,
        %mul3A_38 = arith.constant 1024 : i32
        %mul3A_39 = arith.muli %while3A_33, %mul3A_38 : i32
        %add3A_40 = arith.constant 0 : i32
        %add3A_41 = arith.addi %mul3A_39, %add3A_40 : i32
        %broadcast_in_dim3A = vector.broadcast %add3A_41 : i32 to vector<16xi32>
        %add3A_42 = arith.addi %broadcast_in_dim3A, %mul3A_3 : vector<16xi32>
        tpu.vector_store_idx %arg5[%add3A_42], %get3A_37 : memref<16384xf32, #tpu.memory_space<vmem>>[vector<16xi32>], vector<16xf32>,
        %get3A_43 = arith.constant 0 : i64
        %get3A_44 = arith.index_cast %while3A_33 : i32 to index
        %get3A_45 = arith.index_cast %get3A_43 : i64 to index
        %get3A_46 = arith.constant 16 : index
        %get3A_47 = tpu.vector_load %arg4[%get3A_44, %get3A_45, %get3A_46] {strides = array<i32>} : memref<16x8x128xf32, #tpu.memory_space<vmem>>, vector<16xf32>,
        %mul3A_48 = arith.constant 1024 : i32
        %mul3A_49 = arith.muli %while3A_33, %mul3A_48 : i32
        %add3A_50 = arith.constant 128 : i32
        %add3A_51 = arith.addi %mul3A_49, %add3A_50 : i32
        %broadcast_in_dim3A_52 = vector.broadcast %add3A_51 : i32 to vector<16xi32>
        %add3A_53 = arith.addi %broadcast_in_dim3A_52, %mul3A_3 : vector<16xi32>
        tpu.vector_store_idx %arg5[%add3A_53], %get3A_47 : memref<16384xf32, #tpu.memory_space<vmem>>[vector<16xi32>], vector<16xf32>,
        %get3A_54 = arith.constant 0 : i64
        %get3A_55 = arith.index_cast %while3A_33 : i32 to index
        %get3A_56 = arith.index_cast %get3A_54 : i64 to index
        %get3A_57 = arith.constant 32 : index
        %get3A_58 = tpu.vector_load %arg4[%get3A_55, %get3A_56, %get3A_57] {strides = array<i32>} : memref<16x8x128xf32, #tpu.memory_space<vmem>>, vector<16xf32>,
        %mul3A_59 = arith.constant 1024 : i32
        %mul3A_60 = arith.muli %while3A_33, %mul3A_59 : i32
        %add3A_61 = arith.constant 256 : i32
        %add3A_62 = arith.addi %mul3A_60, %add3A_61 : i32
        %broadcast_in_dim3A_63 = vector.broadcast %add3A_62 : i32 to vector<16xi32>
        %add3A_64 = arith.addi %broadcast_in_dim3A_63, %mul3A_3 : vector<16xi32>
        tpu.vector_store_idx %arg5[%add3A_64], %get3A_58 : memref<16384xf32, #tpu.memory_space<vmem>>[vector<16xi32>], vector<16xf32>,
        %get3A_65 = arith.constant 0 : i64
        %get3A_66 = arith.index_cast %while3A_33 : i32 to index
        %get3A_67 = arith.index_cast %get3A_65 : i64 to index
        %get3A_68 = arith.constant 48 : index
        %get3A_69 = tpu.vector_load %arg4[%get3A_66, %get3A_67, %get3A_68] {strides = array<i32>} : memref<16x8x128xf32, #tpu.memory_space<vmem>>, vector<16xf32>,
        %mul3A_70 = arith.constant 1024 : i32
        %mul3A_71 = arith.muli %while3A_33, %mul3A_70 : i32
        %add3A_72 = arith.constant 384 : i32
        %add3A_73 = arith.addi %mul3A_71, %add3A_72 : i32
        %broadcast_in_dim3A_74 = vector.broadcast %add3A_73 : i32 to vector<16xi32>
        %add3A_75 = arith.addi %broadcast_in_dim3A_74, %mul3A_3 : vector<16xi32>
        tpu.vector_store_idx %arg5[%add3A_75], %get3A_69 : memref<16384xf32, #tpu.memory_space<vmem>>[vector<16xi32>], vector<16xf32>,
        %get3A_76 = arith.constant 0 : i64
        %get3A_77 = arith.index_cast %while3A_33 : i32 to index
        %get3A_78 = arith.index_cast %get3A_76 : i64 to index
        %get3A_79 = arith.constant 64 : index
        %get3A_80 = tpu.vector_load %arg4[%get3A_77, %get3A_78, %get3A_79] {strides = array<i32>} : memref<16x8x128xf32, #tpu.memory_space<vmem>>, vector<16xf32>,
        %mul3A_81 = arith.constant 1024 : i32
        %mul3A_82 = arith.muli %while3A_33, %mul3A_81 : i32
        %add3A_83 = arith.constant 512 : i32
        %add3A_84 = arith.addi %mul3A_82, %add3A_83 : i32
        %broadcast_in_dim3A_85 = vector.broadcast %add3A_84 : i32 to vector<16xi32>
        %add3A_86 = arith.addi %broadcast_in_dim3A_85, %mul3A_3 : vector<16xi32>
        tpu.vector_store_idx %arg5[%add3A_86], %get3A_80 : memref<16384xf32, #tpu.memory_space<vmem>>[vector<16xi32>], vector<16xf32>,
        %get3A_87 = arith.constant 0 : i64
        %get3A_88 = arith.index_cast %while3A_33 : i32 to index
        %get3A_89 = arith.index_cast %get3A_87 : i64 to index
        %get3A_90 = arith.constant 80 : index
        %get3A_91 = tpu.vector_load %arg4[%get3A_88, %get3A_89, %get3A_90] {strides = array<i32>} : memref<16x8x128xf32, #tpu.memory_space<vmem>>, vector<16xf32>,
        %mul3A_92 = arith.constant 1024 : i32
        %mul3A_93 = arith.muli %while3A_33, %mul3A_92 : i32
        %add3A_94 = arith.constant 640 : i32
        %add3A_95 = arith.addi %mul3A_93, %add3A_94 : i32
        %broadcast_in_dim3A_96 = vector.broadcast %add3A_95 : i32 to vector<16xi32>
        %add3A_97 = arith.addi %broadcast_in_dim3A_96, %mul3A_3 : vector<16xi32>
        tpu.vector_store_idx %arg5[%add3A_97], %get3A_91 : memref<16384xf32, #tpu.memory_space<vmem>>[vector<16xi32>], vector<16xf32>,
        %get3A_98 = arith.constant 0 : i64
        %get3A_99 = arith.index_cast %while3A_33 : i32 to index
        %get3A_100 = arith.index_cast %get3A_98 : i64 to index
        %get3A_101 = arith.constant 96 : index
        %get3A_102 = tpu.vector_load %arg4[%get3A_99, %get3A_100, %get3A_101] {strides = array<i32>} : memref<16x8x128xf32, #tpu.memory_space<vmem>>, vector<16xf32>,
        %mul3A_103 = arith.constant 1024 : i32
        %mul3A_104 = arith.muli %while3A_33, %mul3A_103 : i32
        %add3A_105 = arith.constant 768 : i32
        %add3A_106 = arith.addi %mul3A_104, %add3A_105 : i32
        %broadcast_in_dim3A_107 = vector.broadcast %add3A_106 : i32 to vector<16xi32>
        %add3A_108 = arith.addi %broadcast_in_dim3A_107, %mul3A_3 : vector<16xi32>
        tpu.vector_store_idx %arg5[%add3A_108], %get3A_102 : memref<16384xf32, #tpu.memory_space<vmem>>[vector<16xi32>], vector<16xf32>,
        %get3A_109 = arith.constant 0 : i64
        %get3A_110 = arith.index_cast %while3A_33 : i32 to index
        %get3A_111 = arith.index_cast %get3A_109 : i64 to index
        %get3A_112 = arith.constant 112 : index
        %get3A_113 = tpu.vector_load %arg4[%get3A_110, %get3A_111, %get3A_112] {strides = array<i32>} : memref<16x8x128xf32, #tpu.memory_space<vmem>>, vector<16xf32>,
        %mul3A_114 = arith.constant 1024 : i32
        %mul3A_115 = arith.muli %while3A_33, %mul3A_114 : i32
        %add3A_116 = arith.constant 896 : i32
        %add3A_117 = arith.addi %mul3A_115, %add3A_116 : i32
        %broadcast_in_dim3A_118 = vector.broadcast %add3A_117 : i32 to vector<16xi32>
        %add3A_119 = arith.addi %broadcast_in_dim3A_118, %mul3A_3 : vector<16xi32>
        tpu.vector_store_idx %arg5[%add3A_119], %get3A_113 : memref<16384xf32, #tpu.memory_space<vmem>>[vector<16xi32>], vector<16xf32>,
        %get3A_120 = arith.constant 1 : i64
        %get3A_121 = arith.index_cast %while3A_33 : i32 to index
        %get3A_122 = arith.index_cast %get3A_120 : i64 to index
        %get3A_123 = arith.constant 0 : index
        %get3A_124 = tpu.vector_load %arg4[%get3A_121, %get3A_122, %get3A_123] {strides = array<i32>} : memref<16x8x128xf32, #tpu.memory_space<vmem>>, vector<16xf32>,
        %mul3A_125 = arith.constant 1024 : i32
        %mul3A_126 = arith.muli %while3A_33, %mul3A_125 : i32
        %add3A_127 = arith.constant 1 : i32
        %add3A_128 = arith.addi %mul3A_126, %add3A_127 : i32
        %broadcast_in_dim3A_129 = vector.broadcast %add3A_128 : i32 to vector<16xi32>
        %add3A_130 = arith.addi %broadcast_in_dim3A_129, %mul3A_3 : vector<16xi32>
        tpu.vector_store_idx %arg5[%add3A_130], %get3A_124 : memref<16384xf32, #tpu.memory_space<vmem>>[vector<16xi32>], vector<16xf32>,
        %get3A_131 = arith.constant 1 : i64
        %get3A_132 = arith.index_cast %while3A_33 : i32 to index
        %get3A_133 = arith.index_cast %get3A_131 : i64 to index
        %get3A_134 = arith.constant 16 : index
        %get3A_135 = tpu.vector_load %arg4[%get3A_132, %get3A_133, %get3A_134] {strides = array<i32>} : memref<16x8x128xf32, #tpu.memory_space<vmem>>, vector<16xf32>,
        %mul3A_136 = arith.constant 1024 : i32
        %mul3A_137 = arith.muli %while3A_33, %mul3A_136 : i32
        %add3A_138 = arith.constant 129 : i32
        %add3A_139 = arith.addi %mul3A_137, %add3A_138 : i32
        %broadcast_in_dim3A_140 = vector.broadcast %add3A_139 : i32 to vector<16xi32>
        %add3A_141 = arith.addi %broadcast_in_dim3A_140, %mul3A_3 : vector<16xi32>
        tpu.vector_store_idx %arg5[%add3A_141], %get3A_135 : memref<16384xf32, #tpu.memory_space<vmem>>[vector<16xi32>], vector<16xf32>,
        %get3A_142 = arith.constant 1 : i64
        %get3A_143 = arith.index_cast %while3A_33 : i32 to index
        %get3A_144 = arith.index_cast %get3A_142 : i64 to index
        %get3A_145 = arith.constant 32 : index
        %get3A_146 = tpu.vector_load %arg4[%get3A_143, %get3A_144, %get3A_145] {strides = array<i32>} : memref<16x8x128xf32, #tpu.memory_space<vmem>>, vector<16xf32>,
        %mul3A_147 = arith.constant 1024 : i32
        %mul3A_148 = arith.muli %while3A_33, %mul3A_147 : i32
        %add3A_149 = arith.constant 257 : i32
        %add3A_150 = arith.addi %mul3A_148, %add3A_149 : i32
        %broadcast_in_dim3A_151 = vector.broadcast %add3A_150 : i32 to vector<16xi32>
        %add3A_152 = arith.addi %broadcast_in_dim3A_151, %mul3A_3 : vector<16xi32>
        tpu.vector_store_idx %arg5[%add3A_152], %get3A_146 : memref<16384xf32, #tpu.memory_space<vmem>>[vector<16xi32>], vector<16xf32>,
        %get3A_153 = arith.constant 1 : i64
        %get3A_154 = arith.index_cast %while3A_33 : i32 to index
        %get3A_155 = arith.index_cast %get3A_153 : i64 to index
        %get3A_156 = arith.constant 48 : index
        %get3A_157 = tpu.vector_load %arg4[%get3A_154, %get3A_155, %get3A_156] {strides = array<i32>} : memref<16x8x128xf32, #tpu.memory_space<vmem>>, vector<16xf32>,
        %mul3A_158 = arith.constant 1024 : i32
        %mul3A_159 = arith.muli %while3A_33, %mul3A_158 : i32
        %add3A_160 = arith.constant 385 : i32
        %add3A_161 = arith.addi %mul3A_159, %add3A_160 : i32
        %broadcast_in_dim3A_162 = vector.broadcast %add3A_161 : i32 to vector<16xi32>
        %add3A_163 = arith.addi %broadcast_in_dim3A_162, %mul3A_3 : vector<16xi32>
        tpu.vector_store_idx %arg5[%add3A_163], %get3A_157 : memref<16384xf32, #tpu.memory_space<vmem>>[vector<16xi32>], vector<16xf32>,
        %get3A_164 = arith.constant 1 : i64
        %get3A_165 = arith.index_cast %while3A_33 : i32 to index
        %get3A_166 = arith.index_cast %get3A_164 : i64 to index
        %get3A_167 = arith.constant 64 : index
        %get3A_168 = tpu.vector_load %arg4[%get3A_165, %get3A_166, %get3A_167] {strides = array<i32>} : memref<16x8x128xf32, #tpu.memory_space<vmem>>, vector<16xf32>,
        %mul3A_169 = arith.constant 1024 : i32
        %mul3A_170 = arith.muli %while3A_33, %mul3A_169 : i32
        %add3A_171 = arith.constant 513 : i32
        %add3A_172 = arith.addi %mul3A_170, %add3A_171 : i32
        %broadcast_in_dim3A_173 = vector.broadcast %add3A_172 : i32 to vector<16xi32>
        %add3A_174 = arith.addi %broadcast_in_dim3A_173, %mul3A_3 : vector<16xi32>
        tpu.vector_store_idx %arg5[%add3A_174], %get3A_168 : memref<16384xf32, #tpu.memory_space<vmem>>[vector<16xi32>], vector<16xf32>,
        %get3A_175 = arith.constant 1 : i64
        %get3A_176 = arith.index_cast %while3A_33 : i32 to index
        %get3A_177 = arith.index_cast %get3A_175 : i64 to index
        %get3A_178 = arith.constant 80 : index
        %get3A_179 = tpu.vector_load %arg4[%get3A_176, %get3A_177, %get3A_178] {strides = array<i32>} : memref<16x8x128xf32, #tpu.memory_space<vmem>>, vector<16xf32>,
        %mul3A_180 = arith.constant 1024 : i32
        %mul3A_181 = arith.muli %while3A_33, %mul3A_180 : i32
        %add3A_182 = arith.constant 641 : i32
        %add3A_183 = arith.addi %mul3A_181, %add3A_182 : i32
        %broadcast_in_dim3A_184 = vector.broadcast %add3A_183 : i32 to vector<16xi32>
        %add3A_185 = arith.addi %broadcast_in_dim3A_184, %mul3A_3 : vector<16xi32>
        tpu.vector_store_idx %arg5[%add3A_185], %get3A_179 : memref<16384xf32, #tpu.memory_space<vmem>>[vector<16xi32>], vector<16xf32>,
        %get3A_186 = arith.constant 1 : i64
        %get3A_187 = arith.index_cast %while3A_33 : i32 to index
        %get3A_188 = arith.index_cast %get3A_186 : i64 to index
        %get3A_189 = arith.constant 96 : index
        %get3A_190 = tpu.vector_load %arg4[%get3A_187, %get3A_188, %get3A_189] {strides = array<i32>} : memref<16x8x128xf32, #tpu.memory_space<vmem>>, vector<16xf32>,
        %mul3A_191 = arith.constant 1024 : i32
        %mul3A_192 = arith.muli %while3A_33, %mul3A_191 : i32
        %add3A_193 = arith.constant 769 : i32
        %add3A_194 = arith.addi %mul3A_192, %add3A_193 : i32
        %broadcast_in_dim3A_195 = vector.broadcast %add3A_194 : i32 to vector<16xi32>
        %add3A_196 = arith.addi %broadcast_in_dim3A_195, %mul3A_3 : vector<16xi32>
        tpu.vector_store_idx %arg5[%add3A_196], %get3A_190 : memref<16384xf32, #tpu.memory_space<vmem>>[vector<16xi32>], vector<16xf32>,
        %get3A_197 = arith.constant 1 : i64
        %get3A_198 = arith.index_cast %while3A_33 : i32 to index
        %get3A_199 = arith.index_cast %get3A_197 : i64 to index
        %get3A_200 = arith.constant 112 : index
        %get3A_201 = tpu.vector_load %arg4[%get3A_198, %get3A_199, %get3A_200] {strides = array<i32>} : memref<16x8x128xf32, #tpu.memory_space<vmem>>, vector<16xf32>,
        %mul3A_202 = arith.constant 1024 : i32
        %mul3A_203 = arith.muli %while3A_33, %mul3A_202 : i32
        %add3A_204 = arith.constant 897 : i32
        %add3A_205 = arith.addi %mul3A_203, %add3A_204 : i32
        %broadcast_in_dim3A_206 = vector.broadcast %add3A_205 : i32 to vector<16xi32>
        %add3A_207 = arith.addi %broadcast_in_dim3A_206, %mul3A_3 : vector<16xi32>
        tpu.vector_store_idx %arg5[%add3A_207], %get3A_201 : memref<16384xf32, #tpu.memory_space<vmem>>[vector<16xi32>], vector<16xf32>,
        %get3A_208 = arith.constant 2 : i64
        %get3A_209 = arith.index_cast %while3A_33 : i32 to index
        %get3A_210 = arith.index_cast %get3A_208 : i64 to index
        %get3A_211 = arith.constant 0 : index
        %get3A_212 = tpu.vector_load %arg4[%get3A_209, %get3A_210, %get3A_211] {strides = array<i32>} : memref<16x8x128xf32, #tpu.memory_space<vmem>>, vector<16xf32>,
        %mul3A_213 = arith.constant 1024 : i32
        %mul3A_214 = arith.muli %while3A_33, %mul3A_213 : i32
        %add3A_215 = arith.constant 2 : i32
        %add3A_216 = arith.addi %mul3A_214, %add3A_215 : i32
        %broadcast_in_dim3A_217 = vector.broadcast %add3A_216 : i32 to vector<16xi32>
        %add3A_218 = arith.addi %broadcast_in_dim3A_217, %mul3A_3 : vector<16xi32>
        tpu.vector_store_idx %arg5[%add3A_218], %get3A_212 : memref<16384xf32, #tpu.memory_space<vmem>>[vector<16xi32>], vector<16xf32>,
        %get3A_219 = arith.constant 2 : i64
        %get3A_220 = arith.index_cast %while3A_33 : i32 to index
        %get3A_221 = arith.index_cast %get3A_219 : i64 to index
        %get3A_222 = arith.constant 16 : index
        %get3A_223 = tpu.vector_load %arg4[%get3A_220, %get3A_221, %get3A_222] {strides = array<i32>} : memref<16x8x128xf32, #tpu.memory_space<vmem>>, vector<16xf32>,
        %mul3A_224 = arith.constant 1024 : i32
        %mul3A_225 = arith.muli %while3A_33, %mul3A_224 : i32
        %add3A_226 = arith.constant 130 : i32
        %add3A_227 = arith.addi %mul3A_225, %add3A_226 : i32
        %broadcast_in_dim3A_228 = vector.broadcast %add3A_227 : i32 to vector<16xi32>
        %add3A_229 = arith.addi %broadcast_in_dim3A_228, %mul3A_3 : vector<16xi32>
        tpu.vector_store_idx %arg5[%add3A_229], %get3A_223 : memref<16384xf32, #tpu.memory_space<vmem>>[vector<16xi32>], vector<16xf32>,
        %get3A_230 = arith.constant 2 : i64
        %get3A_231 = arith.index_cast %while3A_33 : i32 to index
        %get3A_232 = arith.index_cast %get3A_230 : i64 to index
        %get3A_233 = arith.constant 32 : index
        %get3A_234 = tpu.vector_load %arg4[%get3A_231, %get3A_232, %get3A_233] {strides = array<i32>} : memref<16x8x128xf32, #tpu.memory_space<vmem>>, vector<16xf32>,
        %mul3A_235 = arith.constant 1024 : i32
        %mul3A_236 = arith.muli %while3A_33, %mul3A_235 : i32
        %add3A_237 = arith.constant 258 : i32
        %add3A_238 = arith.addi %mul3A_236, %add3A_237 : i32
        %broadcast_in_dim3A_239 = vector.broadcast %add3A_238 : i32 to vector<16xi32>
        %add3A_240 = arith.addi %broadcast_in_dim3A_239, %mul3A_3 : vector<16xi32>
        tpu.vector_store_idx %arg5[%add3A_240], %get3A_234 : memref<16384xf32, #tpu.memory_space<vmem>>[vector<16xi32>], vector<16xf32>,
        %get3A_241 = arith.constant 2 : i64
        %get3A_242 = arith.index_cast %while3A_33 : i32 to index
        %get3A_243 = arith.index_cast %get3A_241 : i64 to index
        %get3A_244 = arith.constant 48 : index
        %get3A_245 = tpu.vector_load %arg4[%get3A_242, %get3A_243, %get3A_244] {strides = array<i32>} : memref<16x8x128xf32, #tpu.memory_space<vmem>>, vector<16xf32>,
        %mul3A_246 = arith.constant 1024 : i32
        %mul3A_247 = arith.muli %while3A_33, %mul3A_246 : i32
        %add3A_248 = arith.constant 386 : i32
        %add3A_249 = arith.addi %mul3A_247, %add3A_248 : i32
        %broadcast_in_dim3A_250 = vector.broadcast %add3A_249 : i32 to vector<16xi32>
        %add3A_251 = arith.addi %broadcast_in_dim3A_250, %mul3A_3 : vector<16xi32>
        tpu.vector_store_idx %arg5[%add3A_251], %get3A_245 : memref<16384xf32, #tpu.memory_space<vmem>>[vector<16xi32>], vector<16xf32>,
        %get3A_252 = arith.constant 2 : i64
        %get3A_253 = arith.index_cast %while3A_33 : i32 to index
        %get3A_254 = arith.index_cast %get3A_252 : i64 to index
        %get3A_255 = arith.constant 64 : index
        %get3A_256 = tpu.vector_load %arg4[%get3A_253, %get3A_254, %get3A_255] {strides = array<i32>} : memref<16x8x128xf32, #tpu.memory_space<vmem>>, vector<16xf32>,
        %mul3A_257 = arith.constant 1024 : i32
        %mul3A_258 = arith.muli %while3A_33, %mul3A_257 : i32
        %add3A_259 = arith.constant 514 : i32
        %add3A_260 = arith.addi %mul3A_258, %add3A_259 : i32
        %broadcast_in_dim3A_261 = vector.broadcast %add3A_260 : i32 to vector<16xi32>
        %add3A_262 = arith.addi %broadcast_in_dim3A_261, %mul3A_3 : vector<16xi32>
        tpu.vector_store_idx %arg5[%add3A_262], %get3A_256 : memref<16384xf32, #tpu.memory_space<vmem>>[vector<16xi32>], vector<16xf32>,
        %get3A_263 = arith.constant 2 : i64
        %get3A_264 = arith.index_cast %while3A_33 : i32 to index
        %get3A_265 = arith.index_cast %get3A_263 : i64 to index
        %get3A_266 = arith.constant 80 : index
        %get3A_267 = tpu.vector_load %arg4[%get3A_264, %get3A_265, %get3A_266] {strides = array<i32>} : memref<16x8x128xf32, #tpu.memory_space<vmem>>, vector<16xf32>,
        %mul3A_268 = arith.constant 1024 : i32
        %mul3A_269 = arith.muli %while3A_33, %mul3A_268 : i32
        %add3A_270 = arith.constant 642 : i32
        %add3A_271 = arith.addi %mul3A_269, %add3A_270 : i32
        %broadcast_in_dim3A_272 = vector.broadcast %add3A_271 : i32 to vector<16xi32>
        %add3A_273 = arith.addi %broadcast_in_dim3A_272, %mul3A_3 : vector<16xi32>
        tpu.vector_store_idx %arg5[%add3A_273], %get3A_267 : memref<16384xf32, #tpu.memory_space<vmem>>[vector<16xi32>], vector<16xf32>,
        %get3A_274 = arith.constant 2 : i64
        %get3A_275 = arith.index_cast %while3A_33 : i32 to index
        %get3A_276 = arith.index_cast %get3A_274 : i64 to index
        %get3A_277 = arith.constant 96 : index
        %get3A_278 = tpu.vector_load %arg4[%get3A_275, %get3A_276, %get3A_277] {strides = array<i32>} : memref<16x8x128xf32, #tpu.memory_space<vmem>>, vector<16xf32>,
        %mul3A_279 = arith.constant 1024 : i32
        %mul3A_280 = arith.muli %while3A_33, %mul3A_279 : i32
        %add3A_281 = arith.constant 770 : i32
        %add3A_282 = arith.addi %mul3A_280, %add3A_281 : i32
        %broadcast_in_dim3A_283 = vector.broadcast %add3A_282 : i32 to vector<16xi32>
        %add3A_284 = arith.addi %broadcast_in_dim3A_283, %mul3A_3 : vector<16xi32>
        tpu.vector_store_idx %arg5[%add3A_284], %get3A_278 : memref<16384xf32, #tpu.memory_space<vmem>>[vector<16xi32>], vector<16xf32>,
        %get3A_285 = arith.constant 2 : i64
        %get3A_286 = arith.index_cast %while3A_33 : i32 to index
        %get3A_287 = arith.index_cast %get3A_285 : i64 to index
        %get3A_288 = arith.constant 112 : index
        %get3A_289 = tpu.vector_load %arg4[%get3A_286, %get3A_287, %get3A_288] {strides = array<i32>} : memref<16x8x128xf32, #tpu.memory_space<vmem>>, vector<16xf32>,
        %mul3A_290 = arith.constant 1024 : i32
        %mul3A_291 = arith.muli %while3A_33, %mul3A_290 : i32
        %add3A_292 = arith.constant 898 : i32
        %add3A_293 = arith.addi %mul3A_291, %add3A_292 : i32
        %broadcast_in_dim3A_294 = vector.broadcast %add3A_293 : i32 to vector<16xi32>
        %add3A_295 = arith.addi %broadcast_in_dim3A_294, %mul3A_3 : vector<16xi32>
        tpu.vector_store_idx %arg5[%add3A_295], %get3A_289 : memref<16384xf32, #tpu.memory_space<vmem>>[vector<16xi32>], vector<16xf32>,
        %get3A_296 = arith.constant 3 : i64
        %get3A_297 = arith.index_cast %while3A_33 : i32 to index
        %get3A_298 = arith.index_cast %get3A_296 : i64 to index
        %get3A_299 = arith.constant 0 : index
        %get3A_300 = tpu.vector_load %arg4[%get3A_297, %get3A_298, %get3A_299] {strides = array<i32>} : memref<16x8x128xf32, #tpu.memory_space<vmem>>, vector<16xf32>,
        %mul3A_301 = arith.constant 1024 : i32
        %mul3A_302 = arith.muli %while3A_33, %mul3A_301 : i32
        %add3A_303 = arith.constant 3 : i32
        %add3A_304 = arith.addi %mul3A_302, %add3A_303 : i32
        %broadcast_in_dim3A_305 = vector.broadcast %add3A_304 : i32 to vector<16xi32>
        %add3A_306 = arith.addi %broadcast_in_dim3A_305, %mul3A_3 : vector<16xi32>
        tpu.vector_store_idx %arg5[%add3A_306], %get3A_300 : memref<16384xf32, #tpu.memory_space<vmem>>[vector<16xi32>], vector<16xf32>,
        %get3A_307 = arith.constant 3 : i64
        %get3A_308 = arith.index_cast %while3A_33 : i32 to index
        %get3A_309 = arith.index_cast %get3A_307 : i64 to index
        %get3A_310 = arith.constant 16 : index
        %get3A_311 = tpu.vector_load %arg4[%get3A_308, %get3A_309, %get3A_310] {strides = array<i32>} : memref<16x8x128xf32, #tpu.memory_space<vmem>>, vector<16xf32>,
        %mul3A_312 = arith.constant 1024 : i32
        %mul3A_313 = arith.muli %while3A_33, %mul3A_312 : i32
        %add3A_314 = arith.constant 131 : i32
        %add3A_315 = arith.addi %mul3A_313, %add3A_314 : i32
        %broadcast_in_dim3A_316 = vector.broadcast %add3A_315 : i32 to vector<16xi32>
        %add3A_317 = arith.addi %broadcast_in_dim3A_316, %mul3A_3 : vector<16xi32>
        tpu.vector_store_idx %arg5[%add3A_317], %get3A_311 : memref<16384xf32, #tpu.memory_space<vmem>>[vector<16xi32>], vector<16xf32>,
        %get3A_318 = arith.constant 3 : i64
        %get3A_319 = arith.index_cast %while3A_33 : i32 to index
        %get3A_320 = arith.index_cast %get3A_318 : i64 to index
        %get3A_321 = arith.constant 32 : index
        %get3A_322 = tpu.vector_load %arg4[%get3A_319, %get3A_320, %get3A_321] {strides = array<i32>} : memref<16x8x128xf32, #tpu.memory_space<vmem>>, vector<16xf32>,
        %mul3A_323 = arith.constant 1024 : i32
        %mul3A_324 = arith.muli %while3A_33, %mul3A_323 : i32
        %add3A_325 = arith.constant 259 : i32
        %add3A_326 = arith.addi %mul3A_324, %add3A_325 : i32
        %broadcast_in_dim3A_327 = vector.broadcast %add3A_326 : i32 to vector<16xi32>
        %add3A_328 = arith.addi %broadcast_in_dim3A_327, %mul3A_3 : vector<16xi32>
        tpu.vector_store_idx %arg5[%add3A_328], %get3A_322 : memref<16384xf32, #tpu.memory_space<vmem>>[vector<16xi32>], vector<16xf32>,
        %get3A_329 = arith.constant 3 : i64
        %get3A_330 = arith.index_cast %while3A_33 : i32 to index
        %get3A_331 = arith.index_cast %get3A_329 : i64 to index
        %get3A_332 = arith.constant 48 : index
        %get3A_333 = tpu.vector_load %arg4[%get3A_330, %get3A_331, %get3A_332] {strides = array<i32>} : memref<16x8x128xf32, #tpu.memory_space<vmem>>, vector<16xf32>,
        %mul3A_334 = arith.constant 1024 : i32
        %mul3A_335 = arith.muli %while3A_33, %mul3A_334 : i32
        %add3A_336 = arith.constant 387 : i32
        %add3A_337 = arith.addi %mul3A_335, %add3A_336 : i32
        %broadcast_in_dim3A_338 = vector.broadcast %add3A_337 : i32 to vector<16xi32>
        %add3A_339 = arith.addi %broadcast_in_dim3A_338, %mul3A_3 : vector<16xi32>
        tpu.vector_store_idx %arg5[%add3A_339], %get3A_333 : memref<16384xf32, #tpu.memory_space<vmem>>[vector<16xi32>], vector<16xf32>,
        %get3A_340 = arith.constant 3 : i64
        %get3A_341 = arith.index_cast %while3A_33 : i32 to index
        %get3A_342 = arith.index_cast %get3A_340 : i64 to index
        %get3A_343 = arith.constant 64 : index
        %get3A_344 = tpu.vector_load %arg4[%get3A_341, %get3A_342, %get3A_343] {strides = array<i32>} : memref<16x8x128xf32, #tpu.memory_space<vmem>>, vector<16xf32>,
        %mul3A_345 = arith.constant 1024 : i32
        %mul3A_346 = arith.muli %while3A_33, %mul3A_345 : i32
        %add3A_347 = arith.constant 515 : i32
        %add3A_348 = arith.addi %mul3A_346, %add3A_347 : i32
        %broadcast_in_dim3A_349 = vector.broadcast %add3A_348 : i32 to vector<16xi32>
        %add3A_350 = arith.addi %broadcast_in_dim3A_349, %mul3A_3 : vector<16xi32>
        tpu.vector_store_idx %arg5[%add3A_350], %get3A_344 : memref<16384xf32, #tpu.memory_space<vmem>>[vector<16xi32>], vector<16xf32>,
        %get3A_351 = arith.constant 3 : i64
        %get3A_352 = arith.index_cast %while3A_33 : i32 to index
        %get3A_353 = arith.index_cast %get3A_351 : i64 to index
        %get3A_354 = arith.constant 80 : index
        %get3A_355 = tpu.vector_load %arg4[%get3A_352, %get3A_353, %get3A_354] {strides = array<i32>} : memref<16x8x128xf32, #tpu.memory_space<vmem>>, vector<16xf32>,
        %mul3A_356 = arith.constant 1024 : i32
        %mul3A_357 = arith.muli %while3A_33, %mul3A_356 : i32
        %add3A_358 = arith.constant 643 : i32
        %add3A_359 = arith.addi %mul3A_357, %add3A_358 : i32
        %broadcast_in_dim3A_360 = vector.broadcast %add3A_359 : i32 to vector<16xi32>
        %add3A_361 = arith.addi %broadcast_in_dim3A_360, %mul3A_3 : vector<16xi32>
        tpu.vector_store_idx %arg5[%add3A_361], %get3A_355 : memref<16384xf32, #tpu.memory_space<vmem>>[vector<16xi32>], vector<16xf32>,
        %get3A_362 = arith.constant 3 : i64
        %get3A_363 = arith.index_cast %while3A_33 : i32 to index
        %get3A_364 = arith.index_cast %get3A_362 : i64 to index
        %get3A_365 = arith.constant 96 : index
        %get3A_366 = tpu.vector_load %arg4[%get3A_363, %get3A_364, %get3A_365] {strides = array<i32>} : memref<16x8x128xf32, #tpu.memory_space<vmem>>, vector<16xf32>,
        %mul3A_367 = arith.constant 1024 : i32
        %mul3A_368 = arith.muli %while3A_33, %mul3A_367 : i32
        %add3A_369 = arith.constant 771 : i32
        %add3A_370 = arith.addi %mul3A_368, %add3A_369 : i32
        %broadcast_in_dim3A_371 = vector.broadcast %add3A_370 : i32 to vector<16xi32>
        %add3A_372 = arith.addi %broadcast_in_dim3A_371, %mul3A_3 : vector<16xi32>
        tpu.vector_store_idx %arg5[%add3A_372], %get3A_366 : memref<16384xf32, #tpu.memory_space<vmem>>[vector<16xi32>], vector<16xf32>,
        %get3A_373 = arith.constant 3 : i64
        %get3A_374 = arith.index_cast %while3A_33 : i32 to index
        %get3A_375 = arith.index_cast %get3A_373 : i64 to index
        %get3A_376 = arith.constant 112 : index
        %get3A_377 = tpu.vector_load %arg4[%get3A_374, %get3A_375, %get3A_376] {strides = array<i32>} : memref<16x8x128xf32, #tpu.memory_space<vmem>>, vector<16xf32>,
        %mul3A_378 = arith.constant 1024 : i32
        %mul3A_379 = arith.muli %while3A_33, %mul3A_378 : i32
        %add3A_380 = arith.constant 899 : i32
        %add3A_381 = arith.addi %mul3A_379, %add3A_380 : i32
        %broadcast_in_dim3A_382 = vector.broadcast %add3A_381 : i32 to vector<16xi32>
        %add3A_383 = arith.addi %broadcast_in_dim3A_382, %mul3A_3 : vector<16xi32>
        tpu.vector_store_idx %arg5[%add3A_383], %get3A_377 : memref<16384xf32, #tpu.memory_space<vmem>>[vector<16xi32>], vector<16xf32>,
        %get3A_384 = arith.constant 4 : i64
        %get3A_385 = arith.index_cast %while3A_33 : i32 to index
        %get3A_386 = arith.index_cast %get3A_384 : i64 to index
        %get3A_387 = arith.constant 0 : index
        %get3A_388 = tpu.vector_load %arg4[%get3A_385, %get3A_386, %get3A_387] {strides = array<i32>} : memref<16x8x128xf32, #tpu.memory_space<vmem>>, vector<16xf32>,
        %mul3A_389 = arith.constant 1024 : i32
        %mul3A_390 = arith.muli %while3A_33, %mul3A_389 : i32
        %add3A_391 = arith.constant 4 : i32
        %add3A_392 = arith.addi %mul3A_390, %add3A_391 : i32
        %broadcast_in_dim3A_393 = vector.broadcast %add3A_392 : i32 to vector<16xi32>
        %add3A_394 = arith.addi %broadcast_in_dim3A_393, %mul3A_3 : vector<16xi32>
        tpu.vector_store_idx %arg5[%add3A_394], %get3A_388 : memref<16384xf32, #tpu.memory_space<vmem>>[vector<16xi32>], vector<16xf32>,
        %get3A_395 = arith.constant 4 : i64
        %get3A_396 = arith.index_cast %while3A_33 : i32 to index
        %get3A_397 = arith.index_cast %get3A_395 : i64 to index
        %get3A_398 = arith.constant 16 : index
        %get3A_399 = tpu.vector_load %arg4[%get3A_396, %get3A_397, %get3A_398] {strides = array<i32>} : memref<16x8x128xf32, #tpu.memory_space<vmem>>, vector<16xf32>,
        %mul3A_400 = arith.constant 1024 : i32
        %mul3A_401 = arith.muli %while3A_33, %mul3A_400 : i32
        %add3A_402 = arith.constant 132 : i32
        %add3A_403 = arith.addi %mul3A_401, %add3A_402 : i32
        %broadcast_in_dim3A_404 = vector.broadcast %add3A_403 : i32 to vector<16xi32>
        %add3A_405 = arith.addi %broadcast_in_dim3A_404, %mul3A_3 : vector<16xi32>
        tpu.vector_store_idx %arg5[%add3A_405], %get3A_399 : memref<16384xf32, #tpu.memory_space<vmem>>[vector<16xi32>], vector<16xf32>,
        %get3A_406 = arith.constant 4 : i64
        %get3A_407 = arith.index_cast %while3A_33 : i32 to index
        %get3A_408 = arith.index_cast %get3A_406 : i64 to index
        %get3A_409 = arith.constant 32 : index
        %get3A_410 = tpu.vector_load %arg4[%get3A_407, %get3A_408, %get3A_409] {strides = array<i32>} : memref<16x8x128xf32, #tpu.memory_space<vmem>>, vector<16xf32>,
        %mul3A_411 = arith.constant 1024 : i32
        %mul3A_412 = arith.muli %while3A_33, %mul3A_411 : i32
        %add3A_413 = arith.constant 260 : i32
        %add3A_414 = arith.addi %mul3A_412, %add3A_413 : i32
        %broadcast_in_dim3A_415 = vector.broadcast %add3A_414 : i32 to vector<16xi32>
        %add3A_416 = arith.addi %broadcast_in_dim3A_415, %mul3A_3 : vector<16xi32>
        tpu.vector_store_idx %arg5[%add3A_416], %get3A_410 : memref<16384xf32, #tpu.memory_space<vmem>>[vector<16xi32>], vector<16xf32>,
        %get3A_417 = arith.constant 4 : i64
        %get3A_418 = arith.index_cast %while3A_33 : i32 to index
        %get3A_419 = arith.index_cast %get3A_417 : i64 to index
        %get3A_420 = arith.constant 48 : index
        %get3A_421 = tpu.vector_load %arg4[%get3A_418, %get3A_419, %get3A_420] {strides = array<i32>} : memref<16x8x128xf32, #tpu.memory_space<vmem>>, vector<16xf32>,
        %mul3A_422 = arith.constant 1024 : i32
        %mul3A_423 = arith.muli %while3A_33, %mul3A_422 : i32
        %add3A_424 = arith.constant 388 : i32
        %add3A_425 = arith.addi %mul3A_423, %add3A_424 : i32
        %broadcast_in_dim3A_426 = vector.broadcast %add3A_425 : i32 to vector<16xi32>
        %add3A_427 = arith.addi %broadcast_in_dim3A_426, %mul3A_3 : vector<16xi32>
        tpu.vector_store_idx %arg5[%add3A_427], %get3A_421 : memref<16384xf32, #tpu.memory_space<vmem>>[vector<16xi32>], vector<16xf32>,
        %get3A_428 = arith.constant 4 : i64
        %get3A_429 = arith.index_cast %while3A_33 : i32 to index
        %get3A_430 = arith.index_cast %get3A_428 : i64 to index
        %get3A_431 = arith.constant 64 : index
        %get3A_432 = tpu.vector_load %arg4[%get3A_429, %get3A_430, %get3A_431] {strides = array<i32>} : memref<16x8x128xf32, #tpu.memory_space<vmem>>, vector<16xf32>,
        %mul3A_433 = arith.constant 1024 : i32
        %mul3A_434 = arith.muli %while3A_33, %mul3A_433 : i32
        %add3A_435 = arith.constant 516 : i32
        %add3A_436 = arith.addi %mul3A_434, %add3A_435 : i32
        %broadcast_in_dim3A_437 = vector.broadcast %add3A_436 : i32 to vector<16xi32>
        %add3A_438 = arith.addi %broadcast_in_dim3A_437, %mul3A_3 : vector<16xi32>
        tpu.vector_store_idx %arg5[%add3A_438], %get3A_432 : memref<16384xf32, #tpu.memory_space<vmem>>[vector<16xi32>], vector<16xf32>,
        %get3A_439 = arith.constant 4 : i64
        %get3A_440 = arith.index_cast %while3A_33 : i32 to index
        %get3A_441 = arith.index_cast %get3A_439 : i64 to index
        %get3A_442 = arith.constant 80 : index
        %get3A_443 = tpu.vector_load %arg4[%get3A_440, %get3A_441, %get3A_442] {strides = array<i32>} : memref<16x8x128xf32, #tpu.memory_space<vmem>>, vector<16xf32>,
        %mul3A_444 = arith.constant 1024 : i32
        %mul3A_445 = arith.muli %while3A_33, %mul3A_444 : i32
        %add3A_446 = arith.constant 644 : i32
        %add3A_447 = arith.addi %mul3A_445, %add3A_446 : i32
        %broadcast_in_dim3A_448 = vector.broadcast %add3A_447 : i32 to vector<16xi32>
        %add3A_449 = arith.addi %broadcast_in_dim3A_448, %mul3A_3 : vector<16xi32>
        tpu.vector_store_idx %arg5[%add3A_449], %get3A_443 : memref<16384xf32, #tpu.memory_space<vmem>>[vector<16xi32>], vector<16xf32>,
        %get3A_450 = arith.constant 4 : i64
        %get3A_451 = arith.index_cast %while3A_33 : i32 to index
        %get3A_452 = arith.index_cast %get3A_450 : i64 to index
        %get3A_453 = arith.constant 96 : index
        %get3A_454 = tpu.vector_load %arg4[%get3A_451, %get3A_452, %get3A_453] {strides = array<i32>} : memref<16x8x128xf32, #tpu.memory_space<vmem>>, vector<16xf32>,
        %mul3A_455 = arith.constant 1024 : i32
        %mul3A_456 = arith.muli %while3A_33, %mul3A_455 : i32
        %add3A_457 = arith.constant 772 : i32
        %add3A_458 = arith.addi %mul3A_456, %add3A_457 : i32
        %broadcast_in_dim3A_459 = vector.broadcast %add3A_458 : i32 to vector<16xi32>
        %add3A_460 = arith.addi %broadcast_in_dim3A_459, %mul3A_3 : vector<16xi32>
        tpu.vector_store_idx %arg5[%add3A_460], %get3A_454 : memref<16384xf32, #tpu.memory_space<vmem>>[vector<16xi32>], vector<16xf32>,
        %get3A_461 = arith.constant 4 : i64
        %get3A_462 = arith.index_cast %while3A_33 : i32 to index
        %get3A_463 = arith.index_cast %get3A_461 : i64 to index
        %get3A_464 = arith.constant 112 : index
        %get3A_465 = tpu.vector_load %arg4[%get3A_462, %get3A_463, %get3A_464] {strides = array<i32>} : memref<16x8x128xf32, #tpu.memory_space<vmem>>, vector<16xf32>,
        %mul3A_466 = arith.constant 1024 : i32
        %mul3A_467 = arith.muli %while3A_33, %mul3A_466 : i32
        %add3A_468 = arith.constant 900 : i32
        %add3A_469 = arith.addi %mul3A_467, %add3A_468 : i32
        %broadcast_in_dim3A_470 = vector.broadcast %add3A_469 : i32 to vector<16xi32>
        %add3A_471 = arith.addi %broadcast_in_dim3A_470, %mul3A_3 : vector<16xi32>
        tpu.vector_store_idx %arg5[%add3A_471], %get3A_465 : memref<16384xf32, #tpu.memory_space<vmem>>[vector<16xi32>], vector<16xf32>,
        %get3A_472 = arith.constant 5 : i64
        %get3A_473 = arith.index_cast %while3A_33 : i32 to index
        %get3A_474 = arith.index_cast %get3A_472 : i64 to index
        %get3A_475 = arith.constant 0 : index
        %get3A_476 = tpu.vector_load %arg4[%get3A_473, %get3A_474, %get3A_475] {strides = array<i32>} : memref<16x8x128xf32, #tpu.memory_space<vmem>>, vector<16xf32>,
        %mul3A_477 = arith.constant 1024 : i32
        %mul3A_478 = arith.muli %while3A_33, %mul3A_477 : i32
        %add3A_479 = arith.constant 5 : i32
        %add3A_480 = arith.addi %mul3A_478, %add3A_479 : i32
        %broadcast_in_dim3A_481 = vector.broadcast %add3A_480 : i32 to vector<16xi32>
        %add3A_482 = arith.addi %broadcast_in_dim3A_481, %mul3A_3 : vector<16xi32>
        tpu.vector_store_idx %arg5[%add3A_482], %get3A_476 : memref<16384xf32, #tpu.memory_space<vmem>>[vector<16xi32>], vector<16xf32>,
        %get3A_483 = arith.constant 5 : i64
        %get3A_484 = arith.index_cast %while3A_33 : i32 to index
        %get3A_485 = arith.index_cast %get3A_483 : i64 to index
        %get3A_486 = arith.constant 16 : index
        %get3A_487 = tpu.vector_load %arg4[%get3A_484, %get3A_485, %get3A_486] {strides = array<i32>} : memref<16x8x128xf32, #tpu.memory_space<vmem>>, vector<16xf32>,
        %mul3A_488 = arith.constant 1024 : i32
        %mul3A_489 = arith.muli %while3A_33, %mul3A_488 : i32
        %add3A_490 = arith.constant 133 : i32
        %add3A_491 = arith.addi %mul3A_489, %add3A_490 : i32
        %broadcast_in_dim3A_492 = vector.broadcast %add3A_491 : i32 to vector<16xi32>
        %add3A_493 = arith.addi %broadcast_in_dim3A_492, %mul3A_3 : vector<16xi32>
        tpu.vector_store_idx %arg5[%add3A_493], %get3A_487 : memref<16384xf32, #tpu.memory_space<vmem>>[vector<16xi32>], vector<16xf32>,
        %get3A_494 = arith.constant 5 : i64
        %get3A_495 = arith.index_cast %while3A_33 : i32 to index
        %get3A_496 = arith.index_cast %get3A_494 : i64 to index
        %get3A_497 = arith.constant 32 : index
        %get3A_498 = tpu.vector_load %arg4[%get3A_495, %get3A_496, %get3A_497] {strides = array<i32>} : memref<16x8x128xf32, #tpu.memory_space<vmem>>, vector<16xf32>,
        %mul3A_499 = arith.constant 1024 : i32
        %mul3A_500 = arith.muli %while3A_33, %mul3A_499 : i32
        %add3A_501 = arith.constant 261 : i32
        %add3A_502 = arith.addi %mul3A_500, %add3A_501 : i32
        %broadcast_in_dim3A_503 = vector.broadcast %add3A_502 : i32 to vector<16xi32>
        %add3A_504 = arith.addi %broadcast_in_dim3A_503, %mul3A_3 : vector<16xi32>
        tpu.vector_store_idx %arg5[%add3A_504], %get3A_498 : memref<16384xf32, #tpu.memory_space<vmem>>[vector<16xi32>], vector<16xf32>,
        %get3A_505 = arith.constant 5 : i64
        %get3A_506 = arith.index_cast %while3A_33 : i32 to index
        %get3A_507 = arith.index_cast %get3A_505 : i64 to index
        %get3A_508 = arith.constant 48 : index
        %get3A_509 = tpu.vector_load %arg4[%get3A_506, %get3A_507, %get3A_508] {strides = array<i32>} : memref<16x8x128xf32, #tpu.memory_space<vmem>>, vector<16xf32>,
        %mul3A_510 = arith.constant 1024 : i32
        %mul3A_511 = arith.muli %while3A_33, %mul3A_510 : i32
        %add3A_512 = arith.constant 389 : i32
        %add3A_513 = arith.addi %mul3A_511, %add3A_512 : i32
        %broadcast_in_dim3A_514 = vector.broadcast %add3A_513 : i32 to vector<16xi32>
        %add3A_515 = arith.addi %broadcast_in_dim3A_514, %mul3A_3 : vector<16xi32>
        tpu.vector_store_idx %arg5[%add3A_515], %get3A_509 : memref<16384xf32, #tpu.memory_space<vmem>>[vector<16xi32>], vector<16xf32>,
        %get3A_516 = arith.constant 5 : i64
        %get3A_517 = arith.index_cast %while3A_33 : i32 to index
        %get3A_518 = arith.index_cast %get3A_516 : i64 to index
        %get3A_519 = arith.constant 64 : index
        %get3A_520 = tpu.vector_load %arg4[%get3A_517, %get3A_518, %get3A_519] {strides = array<i32>} : memref<16x8x128xf32, #tpu.memory_space<vmem>>, vector<16xf32>,
        %mul3A_521 = arith.constant 1024 : i32
        %mul3A_522 = arith.muli %while3A_33, %mul3A_521 : i32
        %add3A_523 = arith.constant 517 : i32
        %add3A_524 = arith.addi %mul3A_522, %add3A_523 : i32
        %broadcast_in_dim3A_525 = vector.broadcast %add3A_524 : i32 to vector<16xi32>
        %add3A_526 = arith.addi %broadcast_in_dim3A_525, %mul3A_3 : vector<16xi32>
        tpu.vector_store_idx %arg5[%add3A_526], %get3A_520 : memref<16384xf32, #tpu.memory_space<vmem>>[vector<16xi32>], vector<16xf32>,
        %get3A_527 = arith.constant 5 : i64
        %get3A_528 = arith.index_cast %while3A_33 : i32 to index
        %get3A_529 = arith.index_cast %get3A_527 : i64 to index
        %get3A_530 = arith.constant 80 : index
        %get3A_531 = tpu.vector_load %arg4[%get3A_528, %get3A_529, %get3A_530] {strides = array<i32>} : memref<16x8x128xf32, #tpu.memory_space<vmem>>, vector<16xf32>,
        %mul3A_532 = arith.constant 1024 : i32
        %mul3A_533 = arith.muli %while3A_33, %mul3A_532 : i32
        %add3A_534 = arith.constant 645 : i32
        %add3A_535 = arith.addi %mul3A_533, %add3A_534 : i32
        %broadcast_in_dim3A_536 = vector.broadcast %add3A_535 : i32 to vector<16xi32>
        %add3A_537 = arith.addi %broadcast_in_dim3A_536, %mul3A_3 : vector<16xi32>
        tpu.vector_store_idx %arg5[%add3A_537], %get3A_531 : memref<16384xf32, #tpu.memory_space<vmem>>[vector<16xi32>], vector<16xf32>,
        %get3A_538 = arith.constant 5 : i64
        %get3A_539 = arith.index_cast %while3A_33 : i32 to index
        %get3A_540 = arith.index_cast %get3A_538 : i64 to index
        %get3A_541 = arith.constant 96 : index
        %get3A_542 = tpu.vector_load %arg4[%get3A_539, %get3A_540, %get3A_541] {strides = array<i32>} : memref<16x8x128xf32, #tpu.memory_space<vmem>>, vector<16xf32>,
        %mul3A_543 = arith.constant 1024 : i32
        %mul3A_544 = arith.muli %while3A_33, %mul3A_543 : i32
        %add3A_545 = arith.constant 773 : i32
        %add3A_546 = arith.addi %mul3A_544, %add3A_545 : i32
        %broadcast_in_dim3A_547 = vector.broadcast %add3A_546 : i32 to vector<16xi32>
        %add3A_548 = arith.addi %broadcast_in_dim3A_547, %mul3A_3 : vector<16xi32>
        tpu.vector_store_idx %arg5[%add3A_548], %get3A_542 : memref<16384xf32, #tpu.memory_space<vmem>>[vector<16xi32>], vector<16xf32>,
        %get3A_549 = arith.constant 5 : i64
        %get3A_550 = arith.index_cast %while3A_33 : i32 to index
        %get3A_551 = arith.index_cast %get3A_549 : i64 to index
        %get3A_552 = arith.constant 112 : index
        %get3A_553 = tpu.vector_load %arg4[%get3A_550, %get3A_551, %get3A_552] {strides = array<i32>} : memref<16x8x128xf32, #tpu.memory_space<vmem>>, vector<16xf32>,
        %mul3A_554 = arith.constant 1024 : i32
        %mul3A_555 = arith.muli %while3A_33, %mul3A_554 : i32
        %add3A_556 = arith.constant 901 : i32
        %add3A_557 = arith.addi %mul3A_555, %add3A_556 : i32
        %broadcast_in_dim3A_558 = vector.broadcast %add3A_557 : i32 to vector<16xi32>
        %add3A_559 = arith.addi %broadcast_in_dim3A_558, %mul3A_3 : vector<16xi32>
        tpu.vector_store_idx %arg5[%add3A_559], %get3A_553 : memref<16384xf32, #tpu.memory_space<vmem>>[vector<16xi32>], vector<16xf32>,
        %get3A_560 = arith.constant 6 : i64
        %get3A_561 = arith.index_cast %while3A_33 : i32 to index
        %get3A_562 = arith.index_cast %get3A_560 : i64 to index
        %get3A_563 = arith.constant 0 : index
        %get3A_564 = tpu.vector_load %arg4[%get3A_561, %get3A_562, %get3A_563] {strides = array<i32>} : memref<16x8x128xf32, #tpu.memory_space<vmem>>, vector<16xf32>,
        %mul3A_565 = arith.constant 1024 : i32
        %mul3A_566 = arith.muli %while3A_33, %mul3A_565 : i32
        %add3A_567 = arith.constant 6 : i32
        %add3A_568 = arith.addi %mul3A_566, %add3A_567 : i32
        %broadcast_in_dim3A_569 = vector.broadcast %add3A_568 : i32 to vector<16xi32>
        %add3A_570 = arith.addi %broadcast_in_dim3A_569, %mul3A_3 : vector<16xi32>
        tpu.vector_store_idx %arg5[%add3A_570], %get3A_564 : memref<16384xf32, #tpu.memory_space<vmem>>[vector<16xi32>], vector<16xf32>,
        %get3A_571 = arith.constant 6 : i64
        %get3A_572 = arith.index_cast %while3A_33 : i32 to index
        %get3A_573 = arith.index_cast %get3A_571 : i64 to index
        %get3A_574 = arith.constant 16 : index
        %get3A_575 = tpu.vector_load %arg4[%get3A_572, %get3A_573, %get3A_574] {strides = array<i32>} : memref<16x8x128xf32, #tpu.memory_space<vmem>>, vector<16xf32>,
        %mul3A_576 = arith.constant 1024 : i32
        %mul3A_577 = arith.muli %while3A_33, %mul3A_576 : i32
        %add3A_578 = arith.constant 134 : i32
        %add3A_579 = arith.addi %mul3A_577, %add3A_578 : i32
        %broadcast_in_dim3A_580 = vector.broadcast %add3A_579 : i32 to vector<16xi32>
        %add3A_581 = arith.addi %broadcast_in_dim3A_580, %mul3A_3 : vector<16xi32>
        tpu.vector_store_idx %arg5[%add3A_581], %get3A_575 : memref<16384xf32, #tpu.memory_space<vmem>>[vector<16xi32>], vector<16xf32>,
        %get3A_582 = arith.constant 6 : i64
        %get3A_583 = arith.index_cast %while3A_33 : i32 to index
        %get3A_584 = arith.index_cast %get3A_582 : i64 to index
        %get3A_585 = arith.constant 32 : index
        %get3A_586 = tpu.vector_load %arg4[%get3A_583, %get3A_584, %get3A_585] {strides = array<i32>} : memref<16x8x128xf32, #tpu.memory_space<vmem>>, vector<16xf32>,
        %mul3A_587 = arith.constant 1024 : i32
        %mul3A_588 = arith.muli %while3A_33, %mul3A_587 : i32
        %add3A_589 = arith.constant 262 : i32
        %add3A_590 = arith.addi %mul3A_588, %add3A_589 : i32
        %broadcast_in_dim3A_591 = vector.broadcast %add3A_590 : i32 to vector<16xi32>
        %add3A_592 = arith.addi %broadcast_in_dim3A_591, %mul3A_3 : vector<16xi32>
        tpu.vector_store_idx %arg5[%add3A_592], %get3A_586 : memref<16384xf32, #tpu.memory_space<vmem>>[vector<16xi32>], vector<16xf32>,
        %get3A_593 = arith.constant 6 : i64
        %get3A_594 = arith.index_cast %while3A_33 : i32 to index
        %get3A_595 = arith.index_cast %get3A_593 : i64 to index
        %get3A_596 = arith.constant 48 : index
        %get3A_597 = tpu.vector_load %arg4[%get3A_594, %get3A_595, %get3A_596] {strides = array<i32>} : memref<16x8x128xf32, #tpu.memory_space<vmem>>, vector<16xf32>,
        %mul3A_598 = arith.constant 1024 : i32
        %mul3A_599 = arith.muli %while3A_33, %mul3A_598 : i32
        %add3A_600 = arith.constant 390 : i32
        %add3A_601 = arith.addi %mul3A_599, %add3A_600 : i32
        %broadcast_in_dim3A_602 = vector.broadcast %add3A_601 : i32 to vector<16xi32>
        %add3A_603 = arith.addi %broadcast_in_dim3A_602, %mul3A_3 : vector<16xi32>
        tpu.vector_store_idx %arg5[%add3A_603], %get3A_597 : memref<16384xf32, #tpu.memory_space<vmem>>[vector<16xi32>], vector<16xf32>,
        %get3A_604 = arith.constant 6 : i64
        %get3A_605 = arith.index_cast %while3A_33 : i32 to index
        %get3A_606 = arith.index_cast %get3A_604 : i64 to index
        %get3A_607 = arith.constant 64 : index
        %get3A_608 = tpu.vector_load %arg4[%get3A_605, %get3A_606, %get3A_607] {strides = array<i32>} : memref<16x8x128xf32, #tpu.memory_space<vmem>>, vector<16xf32>,
        %mul3A_609 = arith.constant 1024 : i32
        %mul3A_610 = arith.muli %while3A_33, %mul3A_609 : i32
        %add3A_611 = arith.constant 518 : i32
        %add3A_612 = arith.addi %mul3A_610, %add3A_611 : i32
        %broadcast_in_dim3A_613 = vector.broadcast %add3A_612 : i32 to vector<16xi32>
        %add3A_614 = arith.addi %broadcast_in_dim3A_613, %mul3A_3 : vector<16xi32>
        tpu.vector_store_idx %arg5[%add3A_614], %get3A_608 : memref<16384xf32, #tpu.memory_space<vmem>>[vector<16xi32>], vector<16xf32>,
        %get3A_615 = arith.constant 6 : i64
        %get3A_616 = arith.index_cast %while3A_33 : i32 to index
        %get3A_617 = arith.index_cast %get3A_615 : i64 to index
        %get3A_618 = arith.constant 80 : index
        %get3A_619 = tpu.vector_load %arg4[%get3A_616, %get3A_617, %get3A_618] {strides = array<i32>} : memref<16x8x128xf32, #tpu.memory_space<vmem>>, vector<16xf32>,
        %mul3A_620 = arith.constant 1024 : i32
        %mul3A_621 = arith.muli %while3A_33, %mul3A_620 : i32
        %add3A_622 = arith.constant 646 : i32
        %add3A_623 = arith.addi %mul3A_621, %add3A_622 : i32
        %broadcast_in_dim3A_624 = vector.broadcast %add3A_623 : i32 to vector<16xi32>
        %add3A_625 = arith.addi %broadcast_in_dim3A_624, %mul3A_3 : vector<16xi32>
        tpu.vector_store_idx %arg5[%add3A_625], %get3A_619 : memref<16384xf32, #tpu.memory_space<vmem>>[vector<16xi32>], vector<16xf32>,
        %get3A_626 = arith.constant 6 : i64
        %get3A_627 = arith.index_cast %while3A_33 : i32 to index
        %get3A_628 = arith.index_cast %get3A_626 : i64 to index
        %get3A_629 = arith.constant 96 : index
        %get3A_630 = tpu.vector_load %arg4[%get3A_627, %get3A_628, %get3A_629] {strides = array<i32>} : memref<16x8x128xf32, #tpu.memory_space<vmem>>, vector<16xf32>,
        %mul3A_631 = arith.constant 1024 : i32
        %mul3A_632 = arith.muli %while3A_33, %mul3A_631 : i32
        %add3A_633 = arith.constant 774 : i32
        %add3A_634 = arith.addi %mul3A_632, %add3A_633 : i32
        %broadcast_in_dim3A_635 = vector.broadcast %add3A_634 : i32 to vector<16xi32>
        %add3A_636 = arith.addi %broadcast_in_dim3A_635, %mul3A_3 : vector<16xi32>
        tpu.vector_store_idx %arg5[%add3A_636], %get3A_630 : memref<16384xf32, #tpu.memory_space<vmem>>[vector<16xi32>], vector<16xf32>,
        %get3A_637 = arith.constant 6 : i64
        %get3A_638 = arith.index_cast %while3A_33 : i32 to index
        %get3A_639 = arith.index_cast %get3A_637 : i64 to index
        %get3A_640 = arith.constant 112 : index
        %get3A_641 = tpu.vector_load %arg4[%get3A_638, %get3A_639, %get3A_640] {strides = array<i32>} : memref<16x8x128xf32, #tpu.memory_space<vmem>>, vector<16xf32>,
        %mul3A_642 = arith.constant 1024 : i32
        %mul3A_643 = arith.muli %while3A_33, %mul3A_642 : i32
        %add3A_644 = arith.constant 902 : i32
        %add3A_645 = arith.addi %mul3A_643, %add3A_644 : i32
        %broadcast_in_dim3A_646 = vector.broadcast %add3A_645 : i32 to vector<16xi32>
        %add3A_647 = arith.addi %broadcast_in_dim3A_646, %mul3A_3 : vector<16xi32>
        tpu.vector_store_idx %arg5[%add3A_647], %get3A_641 : memref<16384xf32, #tpu.memory_space<vmem>>[vector<16xi32>], vector<16xf32>,
        %get3A_648 = arith.constant 7 : i64
        %get3A_649 = arith.index_cast %while3A_33 : i32 to index
        %get3A_650 = arith.index_cast %get3A_648 : i64 to index
        %get3A_651 = arith.constant 0 : index
        %get3A_652 = tpu.vector_load %arg4[%get3A_649, %get3A_650, %get3A_651] {strides = array<i32>} : memref<16x8x128xf32, #tpu.memory_space<vmem>>, vector<16xf32>,
        %mul3A_653 = arith.constant 1024 : i32
        %mul3A_654 = arith.muli %while3A_33, %mul3A_653 : i32
        %add3A_655 = arith.constant 7 : i32
        %add3A_656 = arith.addi %mul3A_654, %add3A_655 : i32
        %broadcast_in_dim3A_657 = vector.broadcast %add3A_656 : i32 to vector<16xi32>
        %add3A_658 = arith.addi %broadcast_in_dim3A_657, %mul3A_3 : vector<16xi32>
        tpu.vector_store_idx %arg5[%add3A_658], %get3A_652 : memref<16384xf32, #tpu.memory_space<vmem>>[vector<16xi32>], vector<16xf32>,
        %get3A_659 = arith.constant 7 : i64
        %get3A_660 = arith.index_cast %while3A_33 : i32 to index
        %get3A_661 = arith.index_cast %get3A_659 : i64 to index
        %get3A_662 = arith.constant 16 : index
        %get3A_663 = tpu.vector_load %arg4[%get3A_660, %get3A_661, %get3A_662] {strides = array<i32>} : memref<16x8x128xf32, #tpu.memory_space<vmem>>, vector<16xf32>,
        %mul3A_664 = arith.constant 1024 : i32
        %mul3A_665 = arith.muli %while3A_33, %mul3A_664 : i32
        %add3A_666 = arith.constant 135 : i32
        %add3A_667 = arith.addi %mul3A_665, %add3A_666 : i32
        %broadcast_in_dim3A_668 = vector.broadcast %add3A_667 : i32 to vector<16xi32>
        %add3A_669 = arith.addi %broadcast_in_dim3A_668, %mul3A_3 : vector<16xi32>
        tpu.vector_store_idx %arg5[%add3A_669], %get3A_663 : memref<16384xf32, #tpu.memory_space<vmem>>[vector<16xi32>], vector<16xf32>,
        %get3A_670 = arith.constant 7 : i64
        %get3A_671 = arith.index_cast %while3A_33 : i32 to index
        %get3A_672 = arith.index_cast %get3A_670 : i64 to index
        %get3A_673 = arith.constant 32 : index
        %get3A_674 = tpu.vector_load %arg4[%get3A_671, %get3A_672, %get3A_673] {strides = array<i32>} : memref<16x8x128xf32, #tpu.memory_space<vmem>>, vector<16xf32>,
        %mul3A_675 = arith.constant 1024 : i32
        %mul3A_676 = arith.muli %while3A_33, %mul3A_675 : i32
        %add3A_677 = arith.constant 263 : i32
        %add3A_678 = arith.addi %mul3A_676, %add3A_677 : i32
        %broadcast_in_dim3A_679 = vector.broadcast %add3A_678 : i32 to vector<16xi32>
        %add3A_680 = arith.addi %broadcast_in_dim3A_679, %mul3A_3 : vector<16xi32>
        tpu.vector_store_idx %arg5[%add3A_680], %get3A_674 : memref<16384xf32, #tpu.memory_space<vmem>>[vector<16xi32>], vector<16xf32>,
        %get3A_681 = arith.constant 7 : i64
        %get3A_682 = arith.index_cast %while3A_33 : i32 to index
        %get3A_683 = arith.index_cast %get3A_681 : i64 to index
        %get3A_684 = arith.constant 48 : index
        %get3A_685 = tpu.vector_load %arg4[%get3A_682, %get3A_683, %get3A_684] {strides = array<i32>} : memref<16x8x128xf32, #tpu.memory_space<vmem>>, vector<16xf32>,
        %mul3A_686 = arith.constant 1024 : i32
        %mul3A_687 = arith.muli %while3A_33, %mul3A_686 : i32
        %add3A_688 = arith.constant 391 : i32
        %add3A_689 = arith.addi %mul3A_687, %add3A_688 : i32
        %broadcast_in_dim3A_690 = vector.broadcast %add3A_689 : i32 to vector<16xi32>
        %add3A_691 = arith.addi %broadcast_in_dim3A_690, %mul3A_3 : vector<16xi32>
        tpu.vector_store_idx %arg5[%add3A_691], %get3A_685 : memref<16384xf32, #tpu.memory_space<vmem>>[vector<16xi32>], vector<16xf32>,
        %get3A_692 = arith.constant 7 : i64
        %get3A_693 = arith.index_cast %while3A_33 : i32 to index
        %get3A_694 = arith.index_cast %get3A_692 : i64 to index
        %get3A_695 = arith.constant 64 : index
        %get3A_696 = tpu.vector_load %arg4[%get3A_693, %get3A_694, %get3A_695] {strides = array<i32>} : memref<16x8x128xf32, #tpu.memory_space<vmem>>, vector<16xf32>,
        %mul3A_697 = arith.constant 1024 : i32
        %mul3A_698 = arith.muli %while3A_33, %mul3A_697 : i32
        %add3A_699 = arith.constant 519 : i32
        %add3A_700 = arith.addi %mul3A_698, %add3A_699 : i32
        %broadcast_in_dim3A_701 = vector.broadcast %add3A_700 : i32 to vector<16xi32>
        %add3A_702 = arith.addi %broadcast_in_dim3A_701, %mul3A_3 : vector<16xi32>
        tpu.vector_store_idx %arg5[%add3A_702], %get3A_696 : memref<16384xf32, #tpu.memory_space<vmem>>[vector<16xi32>], vector<16xf32>,
        %get3A_703 = arith.constant 7 : i64
        %get3A_704 = arith.index_cast %while3A_33 : i32 to index
        %get3A_705 = arith.index_cast %get3A_703 : i64 to index
        %get3A_706 = arith.constant 80 : index
        %get3A_707 = tpu.vector_load %arg4[%get3A_704, %get3A_705, %get3A_706] {strides = array<i32>} : memref<16x8x128xf32, #tpu.memory_space<vmem>>, vector<16xf32>,
        %mul3A_708 = arith.constant 1024 : i32
        %mul3A_709 = arith.muli %while3A_33, %mul3A_708 : i32
        %add3A_710 = arith.constant 647 : i32
        %add3A_711 = arith.addi %mul3A_709, %add3A_710 : i32
        %broadcast_in_dim3A_712 = vector.broadcast %add3A_711 : i32 to vector<16xi32>
        %add3A_713 = arith.addi %broadcast_in_dim3A_712, %mul3A_3 : vector<16xi32>
        tpu.vector_store_idx %arg5[%add3A_713], %get3A_707 : memref<16384xf32, #tpu.memory_space<vmem>>[vector<16xi32>], vector<16xf32>,
        %get3A_714 = arith.constant 7 : i64
        %get3A_715 = arith.index_cast %while3A_33 : i32 to index
        %get3A_716 = arith.index_cast %get3A_714 : i64 to index
        %get3A_717 = arith.constant 96 : index
        %get3A_718 = tpu.vector_load %arg4[%get3A_715, %get3A_716, %get3A_717] {strides = array<i32>} : memref<16x8x128xf32, #tpu.memory_space<vmem>>, vector<16xf32>,
        %mul3A_719 = arith.constant 1024 : i32
        %mul3A_720 = arith.muli %while3A_33, %mul3A_719 : i32
        %add3A_721 = arith.constant 775 : i32
        %add3A_722 = arith.addi %mul3A_720, %add3A_721 : i32
        %broadcast_in_dim3A_723 = vector.broadcast %add3A_722 : i32 to vector<16xi32>
        %add3A_724 = arith.addi %broadcast_in_dim3A_723, %mul3A_3 : vector<16xi32>
        tpu.vector_store_idx %arg5[%add3A_724], %get3A_718 : memref<16384xf32, #tpu.memory_space<vmem>>[vector<16xi32>], vector<16xf32>,
        %get3A_725 = arith.constant 7 : i64
        %get3A_726 = arith.index_cast %while3A_33 : i32 to index
        %get3A_727 = arith.index_cast %get3A_725 : i64 to index
        %get3A_728 = arith.constant 112 : index
        %get3A_729 = tpu.vector_load %arg4[%get3A_726, %get3A_727, %get3A_728] {strides = array<i32>} : memref<16x8x128xf32, #tpu.memory_space<vmem>>, vector<16xf32>,
        %mul3A_730 = arith.constant 1024 : i32
        %mul3A_731 = arith.muli %while3A_33, %mul3A_730 : i32
        %add3A_732 = arith.constant 903 : i32
        %add3A_733 = arith.addi %mul3A_731, %add3A_732 : i32
        %broadcast_in_dim3A_734 = vector.broadcast %add3A_733 : i32 to vector<16xi32>
        %add3A_735 = arith.addi %broadcast_in_dim3A_734, %mul3A_3 : vector<16xi32>
        tpu.vector_store_idx %arg5[%add3A_735], %get3A_729 : memref<16384xf32, #tpu.memory_space<vmem>>[vector<16xi32>], vector<16xf32>,
      }
      %mul3A_31 = arith.constant 1024 : i32
      %mul3A_32 = arith.muli %add3A_19, %mul3A_31 : i32
      "tpu.region"() ({
        %run_scoped3A = tpu.sem_alloc : memref<!tpu.dma_semaphore, #tpu.memory_space<semaphore_mem>>
        %dma_start3A = tpu.memref_slice %arg3[%mul3A_32] : memref<16777216xf32, #tpu.memory_space<hbm>> -> memref<16384xf32, #tpu.memory_space<hbm>>
        %dma_start3A_33 = tpu.memref_slice %arg3[%mul3A_32] : memref<16777216xf32, #tpu.memory_space<hbm>> -> memref<16384xf32, #tpu.memory_space<hbm>>
        tpu.enqueue_dma source(%arg5 : memref<16384xf32, #tpu.memory_space<vmem>>) target(%dma_start3A_33 : memref<16384xf32, #tpu.memory_space<hbm>>) target_semaphore(%run_scoped3A : memref<!tpu.dma_semaphore, #tpu.memory_space<semaphore_mem>>)
        %dma_wait3A = tpu.memref_slice %arg3[%mul3A_32] : memref<16777216xf32, #tpu.memory_space<hbm>> -> memref<16384xf32, #tpu.memory_space<hbm>>
        %dma_wait3A_34 = tpu.memref_slice %arg3[%mul3A_32] : memref<16777216xf32, #tpu.memory_space<hbm>> -> memref<16384xf32, #tpu.memory_space<hbm>>
        tpu.wait_dma2 semaphore(%run_scoped3A : memref<!tpu.dma_semaphore, #tpu.memory_space<semaphore_mem>>) src(%arg5 : memref<16384xf32, #tpu.memory_space<vmem>>) dst(%dma_wait3A_34 : memref<16384xf32, #tpu.memory_space<hbm>>)
        tpu.yield
      }) : () -> ()
    }
    %while3A_13 = arith.constant 1 : i32
    scf.for %while3A_14 = %while3A_11 to %while3A_7 step %while3A_13  : i32 {
      %mul3A_15 = arith.constant 512 : i32
      %mul3A_16 = arith.muli %add3A, %mul3A_15 : i32
      %mul3A_17 = arith.constant 16 : i32
      %mul3A_18 = arith.muli %while3A_14, %mul3A_17 : i32
      %add3A_19 = arith.addi %mul3A_16, %mul3A_18 : i32
      "tpu.region"() ({
        %run_scoped3A = tpu.sem_alloc : memref<!tpu.dma_semaphore, #tpu.memory_space<semaphore_mem>>
        %dma_start3A = arith.constant 0 : i32
        %dma_start3A_33 = arith.constant 0 : i32
        %dma_start3A_34 = tpu.memref_slice %arg2[%add3A_19, %dma_start3A, %dma_start3A_33] : memref<16384x8x128xf32, #tpu.memory_space<hbm>> -> memref<16x8x128xf32, #tpu.memory_space<hbm>>
        %dma_start3A_35 = arith.constant 0 : i32
        %dma_start3A_36 = arith.constant 0 : i32
        %dma_start3A_37 = tpu.memref_slice %arg2[%add3A_19, %dma_start3A_35, %dma_start3A_36] : memref<16384x8x128xf32, #tpu.memory_space<hbm>> -> memref<16x8x128xf32, #tpu.memory_space<hbm>>
        tpu.enqueue_dma source(%dma_start3A_37 : memref<16x8x128xf32, #tpu.memory_space<hbm>>) target(%arg4 : memref<16x8x128xf32, #tpu.memory_space<vmem>>) target_semaphore(%run_scoped3A : memref<!tpu.dma_semaphore, #tpu.memory_space<semaphore_mem>>)
        %dma_wait3A = arith.constant 0 : i32
        %dma_wait3A_38 = arith.constant 0 : i32
        %dma_wait3A_39 = tpu.memref_slice %arg2[%add3A_19, %dma_wait3A, %dma_wait3A_38] : memref<16384x8x128xf32, #tpu.memory_space<hbm>> -> memref<16x8x128xf32, #tpu.memory_space<hbm>>
        %dma_wait3A_40 = arith.constant 0 : i32
        %dma_wait3A_41 = arith.constant 0 : i32
        %dma_wait3A_42 = tpu.memref_slice %arg2[%add3A_19, %dma_wait3A_40, %dma_wait3A_41] : memref<16384x8x128xf32, #tpu.memory_space<hbm>> -> memref<16x8x128xf32, #tpu.memory_space<hbm>>
        tpu.wait_dma2 semaphore(%run_scoped3A : memref<!tpu.dma_semaphore, #tpu.memory_space<semaphore_mem>>) src(%dma_wait3A_42 : memref<16x8x128xf32, #tpu.memory_space<hbm>>) dst(%arg4 : memref<16x8x128xf32, #tpu.memory_space<vmem>>)
        tpu.yield
      }) : () -> ()
      %while3A_20 = arith.constant 0 : i32
      %while3A_21 = arith.constant 0 : i32
      %while3A_22 = arith.constant 16 : i32
      %while3A_23 = arith.subi %while3A_22, %while3A_21 : i32
      %while3A_24 = arith.addi %while3A_21, %while3A_23 : i32
      %while3A_25 = arith.constant 1 : i32
      %while3A_26 = arith.divsi %while3A_23, %while3A_25 : i32
      %while3A_27 = arith.muli %while3A_26, %while3A_25 : i32
      %while3A_28 = arith.addi %while3A_21, %while3A_27 : i32
      %while3A_29 = arith.constant 1 : i32
      scf.for %while3A_33 = %while3A_21 to %while3A_28 step %while3A_29  : i32 {
        %get3A = arith.constant 0 : i64
        %get3A_34 = arith.index_cast %while3A_33 : i32 to index
        %get3A_35 = arith.index_cast %get3A : i64 to index
        %get3A_36 = arith.constant 0 : index
        %get3A_37 = tpu.vector_load %arg4[%get3A_34, %get3A_35, %get3A_36] {strides = array<i32>} : memref<16x8x128xf32, #tpu.memory_space<vmem>>, vector<16xf32>,
        %mul3A_38 = arith.constant 1024 : i32
        %mul3A_39 = arith.muli %while3A_33, %mul3A_38 : i32
        %add3A_40 = arith.constant 0 : i32
        %add3A_41 = arith.addi %mul3A_39, %add3A_40 : i32
        %broadcast_in_dim3A = vector.broadcast %add3A_41 : i32 to vector<16xi32>
        %add3A_42 = arith.addi %broadcast_in_dim3A, %mul3A_3 : vector<16xi32>
        tpu.vector_store_idx %arg5[%add3A_42], %get3A_37 : memref<16384xf32, #tpu.memory_space<vmem>>[vector<16xi32>], vector<16xf32>,
        %get3A_43 = arith.constant 0 : i64
        %get3A_44 = arith.index_cast %while3A_33 : i32 to index
        %get3A_45 = arith.index_cast %get3A_43 : i64 to index
        %get3A_46 = arith.constant 16 : index
        %get3A_47 = tpu.vector_load %arg4[%get3A_44, %get3A_45, %get3A_46] {strides = array<i32>} : memref<16x8x128xf32, #tpu.memory_space<vmem>>, vector<16xf32>,
        %mul3A_48 = arith.constant 1024 : i32
        %mul3A_49 = arith.muli %while3A_33, %mul3A_48 : i32
        %add3A_50 = arith.constant 128 : i32
        %add3A_51 = arith.addi %mul3A_49, %add3A_50 : i32
        %broadcast_in_dim3A_52 = vector.broadcast %add3A_51 : i32 to vector<16xi32>
        %add3A_53 = arith.addi %broadcast_in_dim3A_52, %mul3A_3 : vector<16xi32>
        tpu.vector_store_idx %arg5[%add3A_53], %get3A_47 : memref<16384xf32, #tpu.memory_space<vmem>>[vector<16xi32>], vector<16xf32>,
        %get3A_54 = arith.constant 0 : i64
        %get3A_55 = arith.index_cast %while3A_33 : i32 to index
        %get3A_56 = arith.index_cast %get3A_54 : i64 to index
        %get3A_57 = arith.constant 32 : index
        %get3A_58 = tpu.vector_load %arg4[%get3A_55, %get3A_56, %get3A_57] {strides = array<i32>} : memref<16x8x128xf32, #tpu.memory_space<vmem>>, vector<16xf32>,
        %mul3A_59 = arith.constant 1024 : i32
        %mul3A_60 = arith.muli %while3A_33, %mul3A_59 : i32
        %add3A_61 = arith.constant 256 : i32
        %add3A_62 = arith.addi %mul3A_60, %add3A_61 : i32
        %broadcast_in_dim3A_63 = vector.broadcast %add3A_62 : i32 to vector<16xi32>
        %add3A_64 = arith.addi %broadcast_in_dim3A_63, %mul3A_3 : vector<16xi32>
        tpu.vector_store_idx %arg5[%add3A_64], %get3A_58 : memref<16384xf32, #tpu.memory_space<vmem>>[vector<16xi32>], vector<16xf32>,
        %get3A_65 = arith.constant 0 : i64
        %get3A_66 = arith.index_cast %while3A_33 : i32 to index
        %get3A_67 = arith.index_cast %get3A_65 : i64 to index
        %get3A_68 = arith.constant 48 : index
        %get3A_69 = tpu.vector_load %arg4[%get3A_66, %get3A_67, %get3A_68] {strides = array<i32>} : memref<16x8x128xf32, #tpu.memory_space<vmem>>, vector<16xf32>,
        %mul3A_70 = arith.constant 1024 : i32
        %mul3A_71 = arith.muli %while3A_33, %mul3A_70 : i32
        %add3A_72 = arith.constant 384 : i32
        %add3A_73 = arith.addi %mul3A_71, %add3A_72 : i32
        %broadcast_in_dim3A_74 = vector.broadcast %add3A_73 : i32 to vector<16xi32>
        %add3A_75 = arith.addi %broadcast_in_dim3A_74, %mul3A_3 : vector<16xi32>
        tpu.vector_store_idx %arg5[%add3A_75], %get3A_69 : memref<16384xf32, #tpu.memory_space<vmem>>[vector<16xi32>], vector<16xf32>,
        %get3A_76 = arith.constant 0 : i64
        %get3A_77 = arith.index_cast %while3A_33 : i32 to index
        %get3A_78 = arith.index_cast %get3A_76 : i64 to index
        %get3A_79 = arith.constant 64 : index
        %get3A_80 = tpu.vector_load %arg4[%get3A_77, %get3A_78, %get3A_79] {strides = array<i32>} : memref<16x8x128xf32, #tpu.memory_space<vmem>>, vector<16xf32>,
        %mul3A_81 = arith.constant 1024 : i32
        %mul3A_82 = arith.muli %while3A_33, %mul3A_81 : i32
        %add3A_83 = arith.constant 512 : i32
        %add3A_84 = arith.addi %mul3A_82, %add3A_83 : i32
        %broadcast_in_dim3A_85 = vector.broadcast %add3A_84 : i32 to vector<16xi32>
        %add3A_86 = arith.addi %broadcast_in_dim3A_85, %mul3A_3 : vector<16xi32>
        tpu.vector_store_idx %arg5[%add3A_86], %get3A_80 : memref<16384xf32, #tpu.memory_space<vmem>>[vector<16xi32>], vector<16xf32>,
        %get3A_87 = arith.constant 0 : i64
        %get3A_88 = arith.index_cast %while3A_33 : i32 to index
        %get3A_89 = arith.index_cast %get3A_87 : i64 to index
        %get3A_90 = arith.constant 80 : index
        %get3A_91 = tpu.vector_load %arg4[%get3A_88, %get3A_89, %get3A_90] {strides = array<i32>} : memref<16x8x128xf32, #tpu.memory_space<vmem>>, vector<16xf32>,
        %mul3A_92 = arith.constant 1024 : i32
        %mul3A_93 = arith.muli %while3A_33, %mul3A_92 : i32
        %add3A_94 = arith.constant 640 : i32
        %add3A_95 = arith.addi %mul3A_93, %add3A_94 : i32
        %broadcast_in_dim3A_96 = vector.broadcast %add3A_95 : i32 to vector<16xi32>
        %add3A_97 = arith.addi %broadcast_in_dim3A_96, %mul3A_3 : vector<16xi32>
        tpu.vector_store_idx %arg5[%add3A_97], %get3A_91 : memref<16384xf32, #tpu.memory_space<vmem>>[vector<16xi32>], vector<16xf32>,
        %get3A_98 = arith.constant 0 : i64
        %get3A_99 = arith.index_cast %while3A_33 : i32 to index
        %get3A_100 = arith.index_cast %get3A_98 : i64 to index
        %get3A_101 = arith.constant 96 : index
        %get3A_102 = tpu.vector_load %arg4[%get3A_99, %get3A_100, %get3A_101] {strides = array<i32>} : memref<16x8x128xf32, #tpu.memory_space<vmem>>, vector<16xf32>,
        %mul3A_103 = arith.constant 1024 : i32
        %mul3A_104 = arith.muli %while3A_33, %mul3A_103 : i32
        %add3A_105 = arith.constant 768 : i32
        %add3A_106 = arith.addi %mul3A_104, %add3A_105 : i32
        %broadcast_in_dim3A_107 = vector.broadcast %add3A_106 : i32 to vector<16xi32>
        %add3A_108 = arith.addi %broadcast_in_dim3A_107, %mul3A_3 : vector<16xi32>
        tpu.vector_store_idx %arg5[%add3A_108], %get3A_102 : memref<16384xf32, #tpu.memory_space<vmem>>[vector<16xi32>], vector<16xf32>,
        %get3A_109 = arith.constant 0 : i64
        %get3A_110 = arith.index_cast %while3A_33 : i32 to index
        %get3A_111 = arith.index_cast %get3A_109 : i64 to index
        %get3A_112 = arith.constant 112 : index
        %get3A_113 = tpu.vector_load %arg4[%get3A_110, %get3A_111, %get3A_112] {strides = array<i32>} : memref<16x8x128xf32, #tpu.memory_space<vmem>>, vector<16xf32>,
        %mul3A_114 = arith.constant 1024 : i32
        %mul3A_115 = arith.muli %while3A_33, %mul3A_114 : i32
        %add3A_116 = arith.constant 896 : i32
        %add3A_117 = arith.addi %mul3A_115, %add3A_116 : i32
        %broadcast_in_dim3A_118 = vector.broadcast %add3A_117 : i32 to vector<16xi32>
        %add3A_119 = arith.addi %broadcast_in_dim3A_118, %mul3A_3 : vector<16xi32>
        tpu.vector_store_idx %arg5[%add3A_119], %get3A_113 : memref<16384xf32, #tpu.memory_space<vmem>>[vector<16xi32>], vector<16xf32>,
        %get3A_120 = arith.constant 1 : i64
        %get3A_121 = arith.index_cast %while3A_33 : i32 to index
        %get3A_122 = arith.index_cast %get3A_120 : i64 to index
        %get3A_123 = arith.constant 0 : index
        %get3A_124 = tpu.vector_load %arg4[%get3A_121, %get3A_122, %get3A_123] {strides = array<i32>} : memref<16x8x128xf32, #tpu.memory_space<vmem>>, vector<16xf32>,
        %mul3A_125 = arith.constant 1024 : i32
        %mul3A_126 = arith.muli %while3A_33, %mul3A_125 : i32
        %add3A_127 = arith.constant 1 : i32
        %add3A_128 = arith.addi %mul3A_126, %add3A_127 : i32
        %broadcast_in_dim3A_129 = vector.broadcast %add3A_128 : i32 to vector<16xi32>
        %add3A_130 = arith.addi %broadcast_in_dim3A_129, %mul3A_3 : vector<16xi32>
        tpu.vector_store_idx %arg5[%add3A_130], %get3A_124 : memref<16384xf32, #tpu.memory_space<vmem>>[vector<16xi32>], vector<16xf32>,
        %get3A_131 = arith.constant 1 : i64
        %get3A_132 = arith.index_cast %while3A_33 : i32 to index
        %get3A_133 = arith.index_cast %get3A_131 : i64 to index
        %get3A_134 = arith.constant 16 : index
        %get3A_135 = tpu.vector_load %arg4[%get3A_132, %get3A_133, %get3A_134] {strides = array<i32>} : memref<16x8x128xf32, #tpu.memory_space<vmem>>, vector<16xf32>,
        %mul3A_136 = arith.constant 1024 : i32
        %mul3A_137 = arith.muli %while3A_33, %mul3A_136 : i32
        %add3A_138 = arith.constant 129 : i32
        %add3A_139 = arith.addi %mul3A_137, %add3A_138 : i32
        %broadcast_in_dim3A_140 = vector.broadcast %add3A_139 : i32 to vector<16xi32>
        %add3A_141 = arith.addi %broadcast_in_dim3A_140, %mul3A_3 : vector<16xi32>
        tpu.vector_store_idx %arg5[%add3A_141], %get3A_135 : memref<16384xf32, #tpu.memory_space<vmem>>[vector<16xi32>], vector<16xf32>,
        %get3A_142 = arith.constant 1 : i64
        %get3A_143 = arith.index_cast %while3A_33 : i32 to index
        %get3A_144 = arith.index_cast %get3A_142 : i64 to index
        %get3A_145 = arith.constant 32 : index
        %get3A_146 = tpu.vector_load %arg4[%get3A_143, %get3A_144, %get3A_145] {strides = array<i32>} : memref<16x8x128xf32, #tpu.memory_space<vmem>>, vector<16xf32>,
        %mul3A_147 = arith.constant 1024 : i32
        %mul3A_148 = arith.muli %while3A_33, %mul3A_147 : i32
        %add3A_149 = arith.constant 257 : i32
        %add3A_150 = arith.addi %mul3A_148, %add3A_149 : i32
        %broadcast_in_dim3A_151 = vector.broadcast %add3A_150 : i32 to vector<16xi32>
        %add3A_152 = arith.addi %broadcast_in_dim3A_151, %mul3A_3 : vector<16xi32>
        tpu.vector_store_idx %arg5[%add3A_152], %get3A_146 : memref<16384xf32, #tpu.memory_space<vmem>>[vector<16xi32>], vector<16xf32>,
        %get3A_153 = arith.constant 1 : i64
        %get3A_154 = arith.index_cast %while3A_33 : i32 to index
        %get3A_155 = arith.index_cast %get3A_153 : i64 to index
        %get3A_156 = arith.constant 48 : index
        %get3A_157 = tpu.vector_load %arg4[%get3A_154, %get3A_155, %get3A_156] {strides = array<i32>} : memref<16x8x128xf32, #tpu.memory_space<vmem>>, vector<16xf32>,
        %mul3A_158 = arith.constant 1024 : i32
        %mul3A_159 = arith.muli %while3A_33, %mul3A_158 : i32
        %add3A_160 = arith.constant 385 : i32
        %add3A_161 = arith.addi %mul3A_159, %add3A_160 : i32
        %broadcast_in_dim3A_162 = vector.broadcast %add3A_161 : i32 to vector<16xi32>
        %add3A_163 = arith.addi %broadcast_in_dim3A_162, %mul3A_3 : vector<16xi32>
        tpu.vector_store_idx %arg5[%add3A_163], %get3A_157 : memref<16384xf32, #tpu.memory_space<vmem>>[vector<16xi32>], vector<16xf32>,
        %get3A_164 = arith.constant 1 : i64
        %get3A_165 = arith.index_cast %while3A_33 : i32 to index
        %get3A_166 = arith.index_cast %get3A_164 : i64 to index
        %get3A_167 = arith.constant 64 : index
        %get3A_168 = tpu.vector_load %arg4[%get3A_165, %get3A_166, %get3A_167] {strides = array<i32>} : memref<16x8x128xf32, #tpu.memory_space<vmem>>, vector<16xf32>,
        %mul3A_169 = arith.constant 1024 : i32
        %mul3A_170 = arith.muli %while3A_33, %mul3A_169 : i32
        %add3A_171 = arith.constant 513 : i32
        %add3A_172 = arith.addi %mul3A_170, %add3A_171 : i32
        %broadcast_in_dim3A_173 = vector.broadcast %add3A_172 : i32 to vector<16xi32>
        %add3A_174 = arith.addi %broadcast_in_dim3A_173, %mul3A_3 : vector<16xi32>
        tpu.vector_store_idx %arg5[%add3A_174], %get3A_168 : memref<16384xf32, #tpu.memory_space<vmem>>[vector<16xi32>], vector<16xf32>,
        %get3A_175 = arith.constant 1 : i64
        %get3A_176 = arith.index_cast %while3A_33 : i32 to index
        %get3A_177 = arith.index_cast %get3A_175 : i64 to index
        %get3A_178 = arith.constant 80 : index
        %get3A_179 = tpu.vector_load %arg4[%get3A_176, %get3A_177, %get3A_178] {strides = array<i32>} : memref<16x8x128xf32, #tpu.memory_space<vmem>>, vector<16xf32>,
        %mul3A_180 = arith.constant 1024 : i32
        %mul3A_181 = arith.muli %while3A_33, %mul3A_180 : i32
        %add3A_182 = arith.constant 641 : i32
        %add3A_183 = arith.addi %mul3A_181, %add3A_182 : i32
        %broadcast_in_dim3A_184 = vector.broadcast %add3A_183 : i32 to vector<16xi32>
        %add3A_185 = arith.addi %broadcast_in_dim3A_184, %mul3A_3 : vector<16xi32>
        tpu.vector_store_idx %arg5[%add3A_185], %get3A_179 : memref<16384xf32, #tpu.memory_space<vmem>>[vector<16xi32>], vector<16xf32>,
        %get3A_186 = arith.constant 1 : i64
        %get3A_187 = arith.index_cast %while3A_33 : i32 to index
        %get3A_188 = arith.index_cast %get3A_186 : i64 to index
        %get3A_189 = arith.constant 96 : index
        %get3A_190 = tpu.vector_load %arg4[%get3A_187, %get3A_188, %get3A_189] {strides = array<i32>} : memref<16x8x128xf32, #tpu.memory_space<vmem>>, vector<16xf32>,
        %mul3A_191 = arith.constant 1024 : i32
        %mul3A_192 = arith.muli %while3A_33, %mul3A_191 : i32
        %add3A_193 = arith.constant 769 : i32
        %add3A_194 = arith.addi %mul3A_192, %add3A_193 : i32
        %broadcast_in_dim3A_195 = vector.broadcast %add3A_194 : i32 to vector<16xi32>
        %add3A_196 = arith.addi %broadcast_in_dim3A_195, %mul3A_3 : vector<16xi32>
        tpu.vector_store_idx %arg5[%add3A_196], %get3A_190 : memref<16384xf32, #tpu.memory_space<vmem>>[vector<16xi32>], vector<16xf32>,
        %get3A_197 = arith.constant 1 : i64
        %get3A_198 = arith.index_cast %while3A_33 : i32 to index
        %get3A_199 = arith.index_cast %get3A_197 : i64 to index
        %get3A_200 = arith.constant 112 : index
        %get3A_201 = tpu.vector_load %arg4[%get3A_198, %get3A_199, %get3A_200] {strides = array<i32>} : memref<16x8x128xf32, #tpu.memory_space<vmem>>, vector<16xf32>,
        %mul3A_202 = arith.constant 1024 : i32
        %mul3A_203 = arith.muli %while3A_33, %mul3A_202 : i32
        %add3A_204 = arith.constant 897 : i32
        %add3A_205 = arith.addi %mul3A_203, %add3A_204 : i32
        %broadcast_in_dim3A_206 = vector.broadcast %add3A_205 : i32 to vector<16xi32>
        %add3A_207 = arith.addi %broadcast_in_dim3A_206, %mul3A_3 : vector<16xi32>
        tpu.vector_store_idx %arg5[%add3A_207], %get3A_201 : memref<16384xf32, #tpu.memory_space<vmem>>[vector<16xi32>], vector<16xf32>,
        %get3A_208 = arith.constant 2 : i64
        %get3A_209 = arith.index_cast %while3A_33 : i32 to index
        %get3A_210 = arith.index_cast %get3A_208 : i64 to index
        %get3A_211 = arith.constant 0 : index
        %get3A_212 = tpu.vector_load %arg4[%get3A_209, %get3A_210, %get3A_211] {strides = array<i32>} : memref<16x8x128xf32, #tpu.memory_space<vmem>>, vector<16xf32>,
        %mul3A_213 = arith.constant 1024 : i32
        %mul3A_214 = arith.muli %while3A_33, %mul3A_213 : i32
        %add3A_215 = arith.constant 2 : i32
        %add3A_216 = arith.addi %mul3A_214, %add3A_215 : i32
        %broadcast_in_dim3A_217 = vector.broadcast %add3A_216 : i32 to vector<16xi32>
        %add3A_218 = arith.addi %broadcast_in_dim3A_217, %mul3A_3 : vector<16xi32>
        tpu.vector_store_idx %arg5[%add3A_218], %get3A_212 : memref<16384xf32, #tpu.memory_space<vmem>>[vector<16xi32>], vector<16xf32>,
        %get3A_219 = arith.constant 2 : i64
        %get3A_220 = arith.index_cast %while3A_33 : i32 to index
        %get3A_221 = arith.index_cast %get3A_219 : i64 to index
        %get3A_222 = arith.constant 16 : index
        %get3A_223 = tpu.vector_load %arg4[%get3A_220, %get3A_221, %get3A_222] {strides = array<i32>} : memref<16x8x128xf32, #tpu.memory_space<vmem>>, vector<16xf32>,
        %mul3A_224 = arith.constant 1024 : i32
        %mul3A_225 = arith.muli %while3A_33, %mul3A_224 : i32
        %add3A_226 = arith.constant 130 : i32
        %add3A_227 = arith.addi %mul3A_225, %add3A_226 : i32
        %broadcast_in_dim3A_228 = vector.broadcast %add3A_227 : i32 to vector<16xi32>
        %add3A_229 = arith.addi %broadcast_in_dim3A_228, %mul3A_3 : vector<16xi32>
        tpu.vector_store_idx %arg5[%add3A_229], %get3A_223 : memref<16384xf32, #tpu.memory_space<vmem>>[vector<16xi32>], vector<16xf32>,
        %get3A_230 = arith.constant 2 : i64
        %get3A_231 = arith.index_cast %while3A_33 : i32 to index
        %get3A_232 = arith.index_cast %get3A_230 : i64 to index
        %get3A_233 = arith.constant 32 : index
        %get3A_234 = tpu.vector_load %arg4[%get3A_231, %get3A_232, %get3A_233] {strides = array<i32>} : memref<16x8x128xf32, #tpu.memory_space<vmem>>, vector<16xf32>,
        %mul3A_235 = arith.constant 1024 : i32
        %mul3A_236 = arith.muli %while3A_33, %mul3A_235 : i32
        %add3A_237 = arith.constant 258 : i32
        %add3A_238 = arith.addi %mul3A_236, %add3A_237 : i32
        %broadcast_in_dim3A_239 = vector.broadcast %add3A_238 : i32 to vector<16xi32>
        %add3A_240 = arith.addi %broadcast_in_dim3A_239, %mul3A_3 : vector<16xi32>
        tpu.vector_store_idx %arg5[%add3A_240], %get3A_234 : memref<16384xf32, #tpu.memory_space<vmem>>[vector<16xi32>], vector<16xf32>,
        %get3A_241 = arith.constant 2 : i64
        %get3A_242 = arith.index_cast %while3A_33 : i32 to index
        %get3A_243 = arith.index_cast %get3A_241 : i64 to index
        %get3A_244 = arith.constant 48 : index
        %get3A_245 = tpu.vector_load %arg4[%get3A_242, %get3A_243, %get3A_244] {strides = array<i32>} : memref<16x8x128xf32, #tpu.memory_space<vmem>>, vector<16xf32>,
        %mul3A_246 = arith.constant 1024 : i32
        %mul3A_247 = arith.muli %while3A_33, %mul3A_246 : i32
        %add3A_248 = arith.constant 386 : i32
        %add3A_249 = arith.addi %mul3A_247, %add3A_248 : i32
        %broadcast_in_dim3A_250 = vector.broadcast %add3A_249 : i32 to vector<16xi32>
        %add3A_251 = arith.addi %broadcast_in_dim3A_250, %mul3A_3 : vector<16xi32>
        tpu.vector_store_idx %arg5[%add3A_251], %get3A_245 : memref<16384xf32, #tpu.memory_space<vmem>>[vector<16xi32>], vector<16xf32>,
        %get3A_252 = arith.constant 2 : i64
        %get3A_253 = arith.index_cast %while3A_33 : i32 to index
        %get3A_254 = arith.index_cast %get3A_252 : i64 to index
        %get3A_255 = arith.constant 64 : index
        %get3A_256 = tpu.vector_load %arg4[%get3A_253, %get3A_254, %get3A_255] {strides = array<i32>} : memref<16x8x128xf32, #tpu.memory_space<vmem>>, vector<16xf32>,
        %mul3A_257 = arith.constant 1024 : i32
        %mul3A_258 = arith.muli %while3A_33, %mul3A_257 : i32
        %add3A_259 = arith.constant 514 : i32
        %add3A_260 = arith.addi %mul3A_258, %add3A_259 : i32
        %broadcast_in_dim3A_261 = vector.broadcast %add3A_260 : i32 to vector<16xi32>
        %add3A_262 = arith.addi %broadcast_in_dim3A_261, %mul3A_3 : vector<16xi32>
        tpu.vector_store_idx %arg5[%add3A_262], %get3A_256 : memref<16384xf32, #tpu.memory_space<vmem>>[vector<16xi32>], vector<16xf32>,
        %get3A_263 = arith.constant 2 : i64
        %get3A_264 = arith.index_cast %while3A_33 : i32 to index
        %get3A_265 = arith.index_cast %get3A_263 : i64 to index
        %get3A_266 = arith.constant 80 : index
        %get3A_267 = tpu.vector_load %arg4[%get3A_264, %get3A_265, %get3A_266] {strides = array<i32>} : memref<16x8x128xf32, #tpu.memory_space<vmem>>, vector<16xf32>,
        %mul3A_268 = arith.constant 1024 : i32
        %mul3A_269 = arith.muli %while3A_33, %mul3A_268 : i32
        %add3A_270 = arith.constant 642 : i32
        %add3A_271 = arith.addi %mul3A_269, %add3A_270 : i32
        %broadcast_in_dim3A_272 = vector.broadcast %add3A_271 : i32 to vector<16xi32>
        %add3A_273 = arith.addi %broadcast_in_dim3A_272, %mul3A_3 : vector<16xi32>
        tpu.vector_store_idx %arg5[%add3A_273], %get3A_267 : memref<16384xf32, #tpu.memory_space<vmem>>[vector<16xi32>], vector<16xf32>,
        %get3A_274 = arith.constant 2 : i64
        %get3A_275 = arith.index_cast %while3A_33 : i32 to index
        %get3A_276 = arith.index_cast %get3A_274 : i64 to index
        %get3A_277 = arith.constant 96 : index
        %get3A_278 = tpu.vector_load %arg4[%get3A_275, %get3A_276, %get3A_277] {strides = array<i32>} : memref<16x8x128xf32, #tpu.memory_space<vmem>>, vector<16xf32>,
        %mul3A_279 = arith.constant 1024 : i32
        %mul3A_280 = arith.muli %while3A_33, %mul3A_279 : i32
        %add3A_281 = arith.constant 770 : i32
        %add3A_282 = arith.addi %mul3A_280, %add3A_281 : i32
        %broadcast_in_dim3A_283 = vector.broadcast %add3A_282 : i32 to vector<16xi32>
        %add3A_284 = arith.addi %broadcast_in_dim3A_283, %mul3A_3 : vector<16xi32>
        tpu.vector_store_idx %arg5[%add3A_284], %get3A_278 : memref<16384xf32, #tpu.memory_space<vmem>>[vector<16xi32>], vector<16xf32>,
        %get3A_285 = arith.constant 2 : i64
        %get3A_286 = arith.index_cast %while3A_33 : i32 to index
        %get3A_287 = arith.index_cast %get3A_285 : i64 to index
        %get3A_288 = arith.constant 112 : index
        %get3A_289 = tpu.vector_load %arg4[%get3A_286, %get3A_287, %get3A_288] {strides = array<i32>} : memref<16x8x128xf32, #tpu.memory_space<vmem>>, vector<16xf32>,
        %mul3A_290 = arith.constant 1024 : i32
        %mul3A_291 = arith.muli %while3A_33, %mul3A_290 : i32
        %add3A_292 = arith.constant 898 : i32
        %add3A_293 = arith.addi %mul3A_291, %add3A_292 : i32
        %broadcast_in_dim3A_294 = vector.broadcast %add3A_293 : i32 to vector<16xi32>
        %add3A_295 = arith.addi %broadcast_in_dim3A_294, %mul3A_3 : vector<16xi32>
        tpu.vector_store_idx %arg5[%add3A_295], %get3A_289 : memref<16384xf32, #tpu.memory_space<vmem>>[vector<16xi32>], vector<16xf32>,
        %get3A_296 = arith.constant 3 : i64
        %get3A_297 = arith.index_cast %while3A_33 : i32 to index
        %get3A_298 = arith.index_cast %get3A_296 : i64 to index
        %get3A_299 = arith.constant 0 : index
        %get3A_300 = tpu.vector_load %arg4[%get3A_297, %get3A_298, %get3A_299] {strides = array<i32>} : memref<16x8x128xf32, #tpu.memory_space<vmem>>, vector<16xf32>,
        %mul3A_301 = arith.constant 1024 : i32
        %mul3A_302 = arith.muli %while3A_33, %mul3A_301 : i32
        %add3A_303 = arith.constant 3 : i32
        %add3A_304 = arith.addi %mul3A_302, %add3A_303 : i32
        %broadcast_in_dim3A_305 = vector.broadcast %add3A_304 : i32 to vector<16xi32>
        %add3A_306 = arith.addi %broadcast_in_dim3A_305, %mul3A_3 : vector<16xi32>
        tpu.vector_store_idx %arg5[%add3A_306], %get3A_300 : memref<16384xf32, #tpu.memory_space<vmem>>[vector<16xi32>], vector<16xf32>,
        %get3A_307 = arith.constant 3 : i64
        %get3A_308 = arith.index_cast %while3A_33 : i32 to index
        %get3A_309 = arith.index_cast %get3A_307 : i64 to index
        %get3A_310 = arith.constant 16 : index
        %get3A_311 = tpu.vector_load %arg4[%get3A_308, %get3A_309, %get3A_310] {strides = array<i32>} : memref<16x8x128xf32, #tpu.memory_space<vmem>>, vector<16xf32>,
        %mul3A_312 = arith.constant 1024 : i32
        %mul3A_313 = arith.muli %while3A_33, %mul3A_312 : i32
        %add3A_314 = arith.constant 131 : i32
        %add3A_315 = arith.addi %mul3A_313, %add3A_314 : i32
        %broadcast_in_dim3A_316 = vector.broadcast %add3A_315 : i32 to vector<16xi32>
        %add3A_317 = arith.addi %broadcast_in_dim3A_316, %mul3A_3 : vector<16xi32>
        tpu.vector_store_idx %arg5[%add3A_317], %get3A_311 : memref<16384xf32, #tpu.memory_space<vmem>>[vector<16xi32>], vector<16xf32>,
        %get3A_318 = arith.constant 3 : i64
        %get3A_319 = arith.index_cast %while3A_33 : i32 to index
        %get3A_320 = arith.index_cast %get3A_318 : i64 to index
        %get3A_321 = arith.constant 32 : index
        %get3A_322 = tpu.vector_load %arg4[%get3A_319, %get3A_320, %get3A_321] {strides = array<i32>} : memref<16x8x128xf32, #tpu.memory_space<vmem>>, vector<16xf32>,
        %mul3A_323 = arith.constant 1024 : i32
        %mul3A_324 = arith.muli %while3A_33, %mul3A_323 : i32
        %add3A_325 = arith.constant 259 : i32
        %add3A_326 = arith.addi %mul3A_324, %add3A_325 : i32
        %broadcast_in_dim3A_327 = vector.broadcast %add3A_326 : i32 to vector<16xi32>
        %add3A_328 = arith.addi %broadcast_in_dim3A_327, %mul3A_3 : vector<16xi32>
        tpu.vector_store_idx %arg5[%add3A_328], %get3A_322 : memref<16384xf32, #tpu.memory_space<vmem>>[vector<16xi32>], vector<16xf32>,
        %get3A_329 = arith.constant 3 : i64
        %get3A_330 = arith.index_cast %while3A_33 : i32 to index
        %get3A_331 = arith.index_cast %get3A_329 : i64 to index
        %get3A_332 = arith.constant 48 : index
        %get3A_333 = tpu.vector_load %arg4[%get3A_330, %get3A_331, %get3A_332] {strides = array<i32>} : memref<16x8x128xf32, #tpu.memory_space<vmem>>, vector<16xf32>,
        %mul3A_334 = arith.constant 1024 : i32
        %mul3A_335 = arith.muli %while3A_33, %mul3A_334 : i32
        %add3A_336 = arith.constant 387 : i32
        %add3A_337 = arith.addi %mul3A_335, %add3A_336 : i32
        %broadcast_in_dim3A_338 = vector.broadcast %add3A_337 : i32 to vector<16xi32>
        %add3A_339 = arith.addi %broadcast_in_dim3A_338, %mul3A_3 : vector<16xi32>
        tpu.vector_store_idx %arg5[%add3A_339], %get3A_333 : memref<16384xf32, #tpu.memory_space<vmem>>[vector<16xi32>], vector<16xf32>,
        %get3A_340 = arith.constant 3 : i64
        %get3A_341 = arith.index_cast %while3A_33 : i32 to index
        %get3A_342 = arith.index_cast %get3A_340 : i64 to index
        %get3A_343 = arith.constant 64 : index
        %get3A_344 = tpu.vector_load %arg4[%get3A_341, %get3A_342, %get3A_343] {strides = array<i32>} : memref<16x8x128xf32, #tpu.memory_space<vmem>>, vector<16xf32>,
        %mul3A_345 = arith.constant 1024 : i32
        %mul3A_346 = arith.muli %while3A_33, %mul3A_345 : i32
        %add3A_347 = arith.constant 515 : i32
        %add3A_348 = arith.addi %mul3A_346, %add3A_347 : i32
        %broadcast_in_dim3A_349 = vector.broadcast %add3A_348 : i32 to vector<16xi32>
        %add3A_350 = arith.addi %broadcast_in_dim3A_349, %mul3A_3 : vector<16xi32>
        tpu.vector_store_idx %arg5[%add3A_350], %get3A_344 : memref<16384xf32, #tpu.memory_space<vmem>>[vector<16xi32>], vector<16xf32>,
        %get3A_351 = arith.constant 3 : i64
        %get3A_352 = arith.index_cast %while3A_33 : i32 to index
        %get3A_353 = arith.index_cast %get3A_351 : i64 to index
        %get3A_354 = arith.constant 80 : index
        %get3A_355 = tpu.vector_load %arg4[%get3A_352, %get3A_353, %get3A_354] {strides = array<i32>} : memref<16x8x128xf32, #tpu.memory_space<vmem>>, vector<16xf32>,
        %mul3A_356 = arith.constant 1024 : i32
        %mul3A_357 = arith.muli %while3A_33, %mul3A_356 : i32
        %add3A_358 = arith.constant 643 : i32
        %add3A_359 = arith.addi %mul3A_357, %add3A_358 : i32
        %broadcast_in_dim3A_360 = vector.broadcast %add3A_359 : i32 to vector<16xi32>
        %add3A_361 = arith.addi %broadcast_in_dim3A_360, %mul3A_3 : vector<16xi32>
        tpu.vector_store_idx %arg5[%add3A_361], %get3A_355 : memref<16384xf32, #tpu.memory_space<vmem>>[vector<16xi32>], vector<16xf32>,
        %get3A_362 = arith.constant 3 : i64
        %get3A_363 = arith.index_cast %while3A_33 : i32 to index
        %get3A_364 = arith.index_cast %get3A_362 : i64 to index
        %get3A_365 = arith.constant 96 : index
        %get3A_366 = tpu.vector_load %arg4[%get3A_363, %get3A_364, %get3A_365] {strides = array<i32>} : memref<16x8x128xf32, #tpu.memory_space<vmem>>, vector<16xf32>,
        %mul3A_367 = arith.constant 1024 : i32
        %mul3A_368 = arith.muli %while3A_33, %mul3A_367 : i32
        %add3A_369 = arith.constant 771 : i32
        %add3A_370 = arith.addi %mul3A_368, %add3A_369 : i32
        %broadcast_in_dim3A_371 = vector.broadcast %add3A_370 : i32 to vector<16xi32>
        %add3A_372 = arith.addi %broadcast_in_dim3A_371, %mul3A_3 : vector<16xi32>
        tpu.vector_store_idx %arg5[%add3A_372], %get3A_366 : memref<16384xf32, #tpu.memory_space<vmem>>[vector<16xi32>], vector<16xf32>,
        %get3A_373 = arith.constant 3 : i64
        %get3A_374 = arith.index_cast %while3A_33 : i32 to index
        %get3A_375 = arith.index_cast %get3A_373 : i64 to index
        %get3A_376 = arith.constant 112 : index
        %get3A_377 = tpu.vector_load %arg4[%get3A_374, %get3A_375, %get3A_376] {strides = array<i32>} : memref<16x8x128xf32, #tpu.memory_space<vmem>>, vector<16xf32>,
        %mul3A_378 = arith.constant 1024 : i32
        %mul3A_379 = arith.muli %while3A_33, %mul3A_378 : i32
        %add3A_380 = arith.constant 899 : i32
        %add3A_381 = arith.addi %mul3A_379, %add3A_380 : i32
        %broadcast_in_dim3A_382 = vector.broadcast %add3A_381 : i32 to vector<16xi32>
        %add3A_383 = arith.addi %broadcast_in_dim3A_382, %mul3A_3 : vector<16xi32>
        tpu.vector_store_idx %arg5[%add3A_383], %get3A_377 : memref<16384xf32, #tpu.memory_space<vmem>>[vector<16xi32>], vector<16xf32>,
        %get3A_384 = arith.constant 4 : i64
        %get3A_385 = arith.index_cast %while3A_33 : i32 to index
        %get3A_386 = arith.index_cast %get3A_384 : i64 to index
        %get3A_387 = arith.constant 0 : index
        %get3A_388 = tpu.vector_load %arg4[%get3A_385, %get3A_386, %get3A_387] {strides = array<i32>} : memref<16x8x128xf32, #tpu.memory_space<vmem>>, vector<16xf32>,
        %mul3A_389 = arith.constant 1024 : i32
        %mul3A_390 = arith.muli %while3A_33, %mul3A_389 : i32
        %add3A_391 = arith.constant 4 : i32
        %add3A_392 = arith.addi %mul3A_390, %add3A_391 : i32
        %broadcast_in_dim3A_393 = vector.broadcast %add3A_392 : i32 to vector<16xi32>
        %add3A_394 = arith.addi %broadcast_in_dim3A_393, %mul3A_3 : vector<16xi32>
        tpu.vector_store_idx %arg5[%add3A_394], %get3A_388 : memref<16384xf32, #tpu.memory_space<vmem>>[vector<16xi32>], vector<16xf32>,
        %get3A_395 = arith.constant 4 : i64
        %get3A_396 = arith.index_cast %while3A_33 : i32 to index
        %get3A_397 = arith.index_cast %get3A_395 : i64 to index
        %get3A_398 = arith.constant 16 : index
        %get3A_399 = tpu.vector_load %arg4[%get3A_396, %get3A_397, %get3A_398] {strides = array<i32>} : memref<16x8x128xf32, #tpu.memory_space<vmem>>, vector<16xf32>,
        %mul3A_400 = arith.constant 1024 : i32
        %mul3A_401 = arith.muli %while3A_33, %mul3A_400 : i32
        %add3A_402 = arith.constant 132 : i32
        %add3A_403 = arith.addi %mul3A_401, %add3A_402 : i32
        %broadcast_in_dim3A_404 = vector.broadcast %add3A_403 : i32 to vector<16xi32>
        %add3A_405 = arith.addi %broadcast_in_dim3A_404, %mul3A_3 : vector<16xi32>
        tpu.vector_store_idx %arg5[%add3A_405], %get3A_399 : memref<16384xf32, #tpu.memory_space<vmem>>[vector<16xi32>], vector<16xf32>,
        %get3A_406 = arith.constant 4 : i64
        %get3A_407 = arith.index_cast %while3A_33 : i32 to index
        %get3A_408 = arith.index_cast %get3A_406 : i64 to index
        %get3A_409 = arith.constant 32 : index
        %get3A_410 = tpu.vector_load %arg4[%get3A_407, %get3A_408, %get3A_409] {strides = array<i32>} : memref<16x8x128xf32, #tpu.memory_space<vmem>>, vector<16xf32>,
        %mul3A_411 = arith.constant 1024 : i32
        %mul3A_412 = arith.muli %while3A_33, %mul3A_411 : i32
        %add3A_413 = arith.constant 260 : i32
        %add3A_414 = arith.addi %mul3A_412, %add3A_413 : i32
        %broadcast_in_dim3A_415 = vector.broadcast %add3A_414 : i32 to vector<16xi32>
        %add3A_416 = arith.addi %broadcast_in_dim3A_415, %mul3A_3 : vector<16xi32>
        tpu.vector_store_idx %arg5[%add3A_416], %get3A_410 : memref<16384xf32, #tpu.memory_space<vmem>>[vector<16xi32>], vector<16xf32>,
        %get3A_417 = arith.constant 4 : i64
        %get3A_418 = arith.index_cast %while3A_33 : i32 to index
        %get3A_419 = arith.index_cast %get3A_417 : i64 to index
        %get3A_420 = arith.constant 48 : index
        %get3A_421 = tpu.vector_load %arg4[%get3A_418, %get3A_419, %get3A_420] {strides = array<i32>} : memref<16x8x128xf32, #tpu.memory_space<vmem>>, vector<16xf32>,
        %mul3A_422 = arith.constant 1024 : i32
        %mul3A_423 = arith.muli %while3A_33, %mul3A_422 : i32
        %add3A_424 = arith.constant 388 : i32
        %add3A_425 = arith.addi %mul3A_423, %add3A_424 : i32
        %broadcast_in_dim3A_426 = vector.broadcast %add3A_425 : i32 to vector<16xi32>
        %add3A_427 = arith.addi %broadcast_in_dim3A_426, %mul3A_3 : vector<16xi32>
        tpu.vector_store_idx %arg5[%add3A_427], %get3A_421 : memref<16384xf32, #tpu.memory_space<vmem>>[vector<16xi32>], vector<16xf32>,
        %get3A_428 = arith.constant 4 : i64
        %get3A_429 = arith.index_cast %while3A_33 : i32 to index
        %get3A_430 = arith.index_cast %get3A_428 : i64 to index
        %get3A_431 = arith.constant 64 : index
        %get3A_432 = tpu.vector_load %arg4[%get3A_429, %get3A_430, %get3A_431] {strides = array<i32>} : memref<16x8x128xf32, #tpu.memory_space<vmem>>, vector<16xf32>,
        %mul3A_433 = arith.constant 1024 : i32
        %mul3A_434 = arith.muli %while3A_33, %mul3A_433 : i32
        %add3A_435 = arith.constant 516 : i32
        %add3A_436 = arith.addi %mul3A_434, %add3A_435 : i32
        %broadcast_in_dim3A_437 = vector.broadcast %add3A_436 : i32 to vector<16xi32>
        %add3A_438 = arith.addi %broadcast_in_dim3A_437, %mul3A_3 : vector<16xi32>
        tpu.vector_store_idx %arg5[%add3A_438], %get3A_432 : memref<16384xf32, #tpu.memory_space<vmem>>[vector<16xi32>], vector<16xf32>,
        %get3A_439 = arith.constant 4 : i64
        %get3A_440 = arith.index_cast %while3A_33 : i32 to index
        %get3A_441 = arith.index_cast %get3A_439 : i64 to index
        %get3A_442 = arith.constant 80 : index
        %get3A_443 = tpu.vector_load %arg4[%get3A_440, %get3A_441, %get3A_442] {strides = array<i32>} : memref<16x8x128xf32, #tpu.memory_space<vmem>>, vector<16xf32>,
        %mul3A_444 = arith.constant 1024 : i32
        %mul3A_445 = arith.muli %while3A_33, %mul3A_444 : i32
        %add3A_446 = arith.constant 644 : i32
        %add3A_447 = arith.addi %mul3A_445, %add3A_446 : i32
        %broadcast_in_dim3A_448 = vector.broadcast %add3A_447 : i32 to vector<16xi32>
        %add3A_449 = arith.addi %broadcast_in_dim3A_448, %mul3A_3 : vector<16xi32>
        tpu.vector_store_idx %arg5[%add3A_449], %get3A_443 : memref<16384xf32, #tpu.memory_space<vmem>>[vector<16xi32>], vector<16xf32>,
        %get3A_450 = arith.constant 4 : i64
        %get3A_451 = arith.index_cast %while3A_33 : i32 to index
        %get3A_452 = arith.index_cast %get3A_450 : i64 to index
        %get3A_453 = arith.constant 96 : index
        %get3A_454 = tpu.vector_load %arg4[%get3A_451, %get3A_452, %get3A_453] {strides = array<i32>} : memref<16x8x128xf32, #tpu.memory_space<vmem>>, vector<16xf32>,
        %mul3A_455 = arith.constant 1024 : i32
        %mul3A_456 = arith.muli %while3A_33, %mul3A_455 : i32
        %add3A_457 = arith.constant 772 : i32
        %add3A_458 = arith.addi %mul3A_456, %add3A_457 : i32
        %broadcast_in_dim3A_459 = vector.broadcast %add3A_458 : i32 to vector<16xi32>
        %add3A_460 = arith.addi %broadcast_in_dim3A_459, %mul3A_3 : vector<16xi32>
        tpu.vector_store_idx %arg5[%add3A_460], %get3A_454 : memref<16384xf32, #tpu.memory_space<vmem>>[vector<16xi32>], vector<16xf32>,
        %get3A_461 = arith.constant 4 : i64
        %get3A_462 = arith.index_cast %while3A_33 : i32 to index
        %get3A_463 = arith.index_cast %get3A_461 : i64 to index
        %get3A_464 = arith.constant 112 : index
        %get3A_465 = tpu.vector_load %arg4[%get3A_462, %get3A_463, %get3A_464] {strides = array<i32>} : memref<16x8x128xf32, #tpu.memory_space<vmem>>, vector<16xf32>,
        %mul3A_466 = arith.constant 1024 : i32
        %mul3A_467 = arith.muli %while3A_33, %mul3A_466 : i32
        %add3A_468 = arith.constant 900 : i32
        %add3A_469 = arith.addi %mul3A_467, %add3A_468 : i32
        %broadcast_in_dim3A_470 = vector.broadcast %add3A_469 : i32 to vector<16xi32>
        %add3A_471 = arith.addi %broadcast_in_dim3A_470, %mul3A_3 : vector<16xi32>
        tpu.vector_store_idx %arg5[%add3A_471], %get3A_465 : memref<16384xf32, #tpu.memory_space<vmem>>[vector<16xi32>], vector<16xf32>,
        %get3A_472 = arith.constant 5 : i64
        %get3A_473 = arith.index_cast %while3A_33 : i32 to index
        %get3A_474 = arith.index_cast %get3A_472 : i64 to index
        %get3A_475 = arith.constant 0 : index
        %get3A_476 = tpu.vector_load %arg4[%get3A_473, %get3A_474, %get3A_475] {strides = array<i32>} : memref<16x8x128xf32, #tpu.memory_space<vmem>>, vector<16xf32>,
        %mul3A_477 = arith.constant 1024 : i32
        %mul3A_478 = arith.muli %while3A_33, %mul3A_477 : i32
        %add3A_479 = arith.constant 5 : i32
        %add3A_480 = arith.addi %mul3A_478, %add3A_479 : i32
        %broadcast_in_dim3A_481 = vector.broadcast %add3A_480 : i32 to vector<16xi32>
        %add3A_482 = arith.addi %broadcast_in_dim3A_481, %mul3A_3 : vector<16xi32>
        tpu.vector_store_idx %arg5[%add3A_482], %get3A_476 : memref<16384xf32, #tpu.memory_space<vmem>>[vector<16xi32>], vector<16xf32>,
        %get3A_483 = arith.constant 5 : i64
        %get3A_484 = arith.index_cast %while3A_33 : i32 to index
        %get3A_485 = arith.index_cast %get3A_483 : i64 to index
        %get3A_486 = arith.constant 16 : index
        %get3A_487 = tpu.vector_load %arg4[%get3A_484, %get3A_485, %get3A_486] {strides = array<i32>} : memref<16x8x128xf32, #tpu.memory_space<vmem>>, vector<16xf32>,
        %mul3A_488 = arith.constant 1024 : i32
        %mul3A_489 = arith.muli %while3A_33, %mul3A_488 : i32
        %add3A_490 = arith.constant 133 : i32
        %add3A_491 = arith.addi %mul3A_489, %add3A_490 : i32
        %broadcast_in_dim3A_492 = vector.broadcast %add3A_491 : i32 to vector<16xi32>
        %add3A_493 = arith.addi %broadcast_in_dim3A_492, %mul3A_3 : vector<16xi32>
        tpu.vector_store_idx %arg5[%add3A_493], %get3A_487 : memref<16384xf32, #tpu.memory_space<vmem>>[vector<16xi32>], vector<16xf32>,
        %get3A_494 = arith.constant 5 : i64
        %get3A_495 = arith.index_cast %while3A_33 : i32 to index
        %get3A_496 = arith.index_cast %get3A_494 : i64 to index
        %get3A_497 = arith.constant 32 : index
        %get3A_498 = tpu.vector_load %arg4[%get3A_495, %get3A_496, %get3A_497] {strides = array<i32>} : memref<16x8x128xf32, #tpu.memory_space<vmem>>, vector<16xf32>,
        %mul3A_499 = arith.constant 1024 : i32
        %mul3A_500 = arith.muli %while3A_33, %mul3A_499 : i32
        %add3A_501 = arith.constant 261 : i32
        %add3A_502 = arith.addi %mul3A_500, %add3A_501 : i32
        %broadcast_in_dim3A_503 = vector.broadcast %add3A_502 : i32 to vector<16xi32>
        %add3A_504 = arith.addi %broadcast_in_dim3A_503, %mul3A_3 : vector<16xi32>
        tpu.vector_store_idx %arg5[%add3A_504], %get3A_498 : memref<16384xf32, #tpu.memory_space<vmem>>[vector<16xi32>], vector<16xf32>,
        %get3A_505 = arith.constant 5 : i64
        %get3A_506 = arith.index_cast %while3A_33 : i32 to index
        %get3A_507 = arith.index_cast %get3A_505 : i64 to index
        %get3A_508 = arith.constant 48 : index
        %get3A_509 = tpu.vector_load %arg4[%get3A_506, %get3A_507, %get3A_508] {strides = array<i32>} : memref<16x8x128xf32, #tpu.memory_space<vmem>>, vector<16xf32>,
        %mul3A_510 = arith.constant 1024 : i32
        %mul3A_511 = arith.muli %while3A_33, %mul3A_510 : i32
        %add3A_512 = arith.constant 389 : i32
        %add3A_513 = arith.addi %mul3A_511, %add3A_512 : i32
        %broadcast_in_dim3A_514 = vector.broadcast %add3A_513 : i32 to vector<16xi32>
        %add3A_515 = arith.addi %broadcast_in_dim3A_514, %mul3A_3 : vector<16xi32>
        tpu.vector_store_idx %arg5[%add3A_515], %get3A_509 : memref<16384xf32, #tpu.memory_space<vmem>>[vector<16xi32>], vector<16xf32>,
        %get3A_516 = arith.constant 5 : i64
        %get3A_517 = arith.index_cast %while3A_33 : i32 to index
        %get3A_518 = arith.index_cast %get3A_516 : i64 to index
        %get3A_519 = arith.constant 64 : index
        %get3A_520 = tpu.vector_load %arg4[%get3A_517, %get3A_518, %get3A_519] {strides = array<i32>} : memref<16x8x128xf32, #tpu.memory_space<vmem>>, vector<16xf32>,
        %mul3A_521 = arith.constant 1024 : i32
        %mul3A_522 = arith.muli %while3A_33, %mul3A_521 : i32
        %add3A_523 = arith.constant 517 : i32
        %add3A_524 = arith.addi %mul3A_522, %add3A_523 : i32
        %broadcast_in_dim3A_525 = vector.broadcast %add3A_524 : i32 to vector<16xi32>
        %add3A_526 = arith.addi %broadcast_in_dim3A_525, %mul3A_3 : vector<16xi32>
        tpu.vector_store_idx %arg5[%add3A_526], %get3A_520 : memref<16384xf32, #tpu.memory_space<vmem>>[vector<16xi32>], vector<16xf32>,
        %get3A_527 = arith.constant 5 : i64
        %get3A_528 = arith.index_cast %while3A_33 : i32 to index
        %get3A_529 = arith.index_cast %get3A_527 : i64 to index
        %get3A_530 = arith.constant 80 : index
        %get3A_531 = tpu.vector_load %arg4[%get3A_528, %get3A_529, %get3A_530] {strides = array<i32>} : memref<16x8x128xf32, #tpu.memory_space<vmem>>, vector<16xf32>,
        %mul3A_532 = arith.constant 1024 : i32
        %mul3A_533 = arith.muli %while3A_33, %mul3A_532 : i32
        %add3A_534 = arith.constant 645 : i32
        %add3A_535 = arith.addi %mul3A_533, %add3A_534 : i32
        %broadcast_in_dim3A_536 = vector.broadcast %add3A_535 : i32 to vector<16xi32>
        %add3A_537 = arith.addi %broadcast_in_dim3A_536, %mul3A_3 : vector<16xi32>
        tpu.vector_store_idx %arg5[%add3A_537], %get3A_531 : memref<16384xf32, #tpu.memory_space<vmem>>[vector<16xi32>], vector<16xf32>,
        %get3A_538 = arith.constant 5 : i64
        %get3A_539 = arith.index_cast %while3A_33 : i32 to index
        %get3A_540 = arith.index_cast %get3A_538 : i64 to index
        %get3A_541 = arith.constant 96 : index
        %get3A_542 = tpu.vector_load %arg4[%get3A_539, %get3A_540, %get3A_541] {strides = array<i32>} : memref<16x8x128xf32, #tpu.memory_space<vmem>>, vector<16xf32>,
        %mul3A_543 = arith.constant 1024 : i32
        %mul3A_544 = arith.muli %while3A_33, %mul3A_543 : i32
        %add3A_545 = arith.constant 773 : i32
        %add3A_546 = arith.addi %mul3A_544, %add3A_545 : i32
        %broadcast_in_dim3A_547 = vector.broadcast %add3A_546 : i32 to vector<16xi32>
        %add3A_548 = arith.addi %broadcast_in_dim3A_547, %mul3A_3 : vector<16xi32>
        tpu.vector_store_idx %arg5[%add3A_548], %get3A_542 : memref<16384xf32, #tpu.memory_space<vmem>>[vector<16xi32>], vector<16xf32>,
        %get3A_549 = arith.constant 5 : i64
        %get3A_550 = arith.index_cast %while3A_33 : i32 to index
        %get3A_551 = arith.index_cast %get3A_549 : i64 to index
        %get3A_552 = arith.constant 112 : index
        %get3A_553 = tpu.vector_load %arg4[%get3A_550, %get3A_551, %get3A_552] {strides = array<i32>} : memref<16x8x128xf32, #tpu.memory_space<vmem>>, vector<16xf32>,
        %mul3A_554 = arith.constant 1024 : i32
        %mul3A_555 = arith.muli %while3A_33, %mul3A_554 : i32
        %add3A_556 = arith.constant 901 : i32
        %add3A_557 = arith.addi %mul3A_555, %add3A_556 : i32
        %broadcast_in_dim3A_558 = vector.broadcast %add3A_557 : i32 to vector<16xi32>
        %add3A_559 = arith.addi %broadcast_in_dim3A_558, %mul3A_3 : vector<16xi32>
        tpu.vector_store_idx %arg5[%add3A_559], %get3A_553 : memref<16384xf32, #tpu.memory_space<vmem>>[vector<16xi32>], vector<16xf32>,
        %get3A_560 = arith.constant 6 : i64
        %get3A_561 = arith.index_cast %while3A_33 : i32 to index
        %get3A_562 = arith.index_cast %get3A_560 : i64 to index
        %get3A_563 = arith.constant 0 : index
        %get3A_564 = tpu.vector_load %arg4[%get3A_561, %get3A_562, %get3A_563] {strides = array<i32>} : memref<16x8x128xf32, #tpu.memory_space<vmem>>, vector<16xf32>,
        %mul3A_565 = arith.constant 1024 : i32
        %mul3A_566 = arith.muli %while3A_33, %mul3A_565 : i32
        %add3A_567 = arith.constant 6 : i32
        %add3A_568 = arith.addi %mul3A_566, %add3A_567 : i32
        %broadcast_in_dim3A_569 = vector.broadcast %add3A_568 : i32 to vector<16xi32>
        %add3A_570 = arith.addi %broadcast_in_dim3A_569, %mul3A_3 : vector<16xi32>
        tpu.vector_store_idx %arg5[%add3A_570], %get3A_564 : memref<16384xf32, #tpu.memory_space<vmem>>[vector<16xi32>], vector<16xf32>,
        %get3A_571 = arith.constant 6 : i64
        %get3A_572 = arith.index_cast %while3A_33 : i32 to index
        %get3A_573 = arith.index_cast %get3A_571 : i64 to index
        %get3A_574 = arith.constant 16 : index
        %get3A_575 = tpu.vector_load %arg4[%get3A_572, %get3A_573, %get3A_574] {strides = array<i32>} : memref<16x8x128xf32, #tpu.memory_space<vmem>>, vector<16xf32>,
        %mul3A_576 = arith.constant 1024 : i32
        %mul3A_577 = arith.muli %while3A_33, %mul3A_576 : i32
        %add3A_578 = arith.constant 134 : i32
        %add3A_579 = arith.addi %mul3A_577, %add3A_578 : i32
        %broadcast_in_dim3A_580 = vector.broadcast %add3A_579 : i32 to vector<16xi32>
        %add3A_581 = arith.addi %broadcast_in_dim3A_580, %mul3A_3 : vector<16xi32>
        tpu.vector_store_idx %arg5[%add3A_581], %get3A_575 : memref<16384xf32, #tpu.memory_space<vmem>>[vector<16xi32>], vector<16xf32>,
        %get3A_582 = arith.constant 6 : i64
        %get3A_583 = arith.index_cast %while3A_33 : i32 to index
        %get3A_584 = arith.index_cast %get3A_582 : i64 to index
        %get3A_585 = arith.constant 32 : index
        %get3A_586 = tpu.vector_load %arg4[%get3A_583, %get3A_584, %get3A_585] {strides = array<i32>} : memref<16x8x128xf32, #tpu.memory_space<vmem>>, vector<16xf32>,
        %mul3A_587 = arith.constant 1024 : i32
        %mul3A_588 = arith.muli %while3A_33, %mul3A_587 : i32
        %add3A_589 = arith.constant 262 : i32
        %add3A_590 = arith.addi %mul3A_588, %add3A_589 : i32
        %broadcast_in_dim3A_591 = vector.broadcast %add3A_590 : i32 to vector<16xi32>
        %add3A_592 = arith.addi %broadcast_in_dim3A_591, %mul3A_3 : vector<16xi32>
        tpu.vector_store_idx %arg5[%add3A_592], %get3A_586 : memref<16384xf32, #tpu.memory_space<vmem>>[vector<16xi32>], vector<16xf32>,
        %get3A_593 = arith.constant 6 : i64
        %get3A_594 = arith.index_cast %while3A_33 : i32 to index
        %get3A_595 = arith.index_cast %get3A_593 : i64 to index
        %get3A_596 = arith.constant 48 : index
        %get3A_597 = tpu.vector_load %arg4[%get3A_594, %get3A_595, %get3A_596] {strides = array<i32>} : memref<16x8x128xf32, #tpu.memory_space<vmem>>, vector<16xf32>,
        %mul3A_598 = arith.constant 1024 : i32
        %mul3A_599 = arith.muli %while3A_33, %mul3A_598 : i32
        %add3A_600 = arith.constant 390 : i32
        %add3A_601 = arith.addi %mul3A_599, %add3A_600 : i32
        %broadcast_in_dim3A_602 = vector.broadcast %add3A_601 : i32 to vector<16xi32>
        %add3A_603 = arith.addi %broadcast_in_dim3A_602, %mul3A_3 : vector<16xi32>
        tpu.vector_store_idx %arg5[%add3A_603], %get3A_597 : memref<16384xf32, #tpu.memory_space<vmem>>[vector<16xi32>], vector<16xf32>,
        %get3A_604 = arith.constant 6 : i64
        %get3A_605 = arith.index_cast %while3A_33 : i32 to index
        %get3A_606 = arith.index_cast %get3A_604 : i64 to index
        %get3A_607 = arith.constant 64 : index
        %get3A_608 = tpu.vector_load %arg4[%get3A_605, %get3A_606, %get3A_607] {strides = array<i32>} : memref<16x8x128xf32, #tpu.memory_space<vmem>>, vector<16xf32>,
        %mul3A_609 = arith.constant 1024 : i32
        %mul3A_610 = arith.muli %while3A_33, %mul3A_609 : i32
        %add3A_611 = arith.constant 518 : i32
        %add3A_612 = arith.addi %mul3A_610, %add3A_611 : i32
        %broadcast_in_dim3A_613 = vector.broadcast %add3A_612 : i32 to vector<16xi32>
        %add3A_614 = arith.addi %broadcast_in_dim3A_613, %mul3A_3 : vector<16xi32>
        tpu.vector_store_idx %arg5[%add3A_614], %get3A_608 : memref<16384xf32, #tpu.memory_space<vmem>>[vector<16xi32>], vector<16xf32>,
        %get3A_615 = arith.constant 6 : i64
        %get3A_616 = arith.index_cast %while3A_33 : i32 to index
        %get3A_617 = arith.index_cast %get3A_615 : i64 to index
        %get3A_618 = arith.constant 80 : index
        %get3A_619 = tpu.vector_load %arg4[%get3A_616, %get3A_617, %get3A_618] {strides = array<i32>} : memref<16x8x128xf32, #tpu.memory_space<vmem>>, vector<16xf32>,
        %mul3A_620 = arith.constant 1024 : i32
        %mul3A_621 = arith.muli %while3A_33, %mul3A_620 : i32
        %add3A_622 = arith.constant 646 : i32
        %add3A_623 = arith.addi %mul3A_621, %add3A_622 : i32
        %broadcast_in_dim3A_624 = vector.broadcast %add3A_623 : i32 to vector<16xi32>
        %add3A_625 = arith.addi %broadcast_in_dim3A_624, %mul3A_3 : vector<16xi32>
        tpu.vector_store_idx %arg5[%add3A_625], %get3A_619 : memref<16384xf32, #tpu.memory_space<vmem>>[vector<16xi32>], vector<16xf32>,
        %get3A_626 = arith.constant 6 : i64
        %get3A_627 = arith.index_cast %while3A_33 : i32 to index
        %get3A_628 = arith.index_cast %get3A_626 : i64 to index
        %get3A_629 = arith.constant 96 : index
        %get3A_630 = tpu.vector_load %arg4[%get3A_627, %get3A_628, %get3A_629] {strides = array<i32>} : memref<16x8x128xf32, #tpu.memory_space<vmem>>, vector<16xf32>,
        %mul3A_631 = arith.constant 1024 : i32
        %mul3A_632 = arith.muli %while3A_33, %mul3A_631 : i32
        %add3A_633 = arith.constant 774 : i32
        %add3A_634 = arith.addi %mul3A_632, %add3A_633 : i32
        %broadcast_in_dim3A_635 = vector.broadcast %add3A_634 : i32 to vector<16xi32>
        %add3A_636 = arith.addi %broadcast_in_dim3A_635, %mul3A_3 : vector<16xi32>
        tpu.vector_store_idx %arg5[%add3A_636], %get3A_630 : memref<16384xf32, #tpu.memory_space<vmem>>[vector<16xi32>], vector<16xf32>,
        %get3A_637 = arith.constant 6 : i64
        %get3A_638 = arith.index_cast %while3A_33 : i32 to index
        %get3A_639 = arith.index_cast %get3A_637 : i64 to index
        %get3A_640 = arith.constant 112 : index
        %get3A_641 = tpu.vector_load %arg4[%get3A_638, %get3A_639, %get3A_640] {strides = array<i32>} : memref<16x8x128xf32, #tpu.memory_space<vmem>>, vector<16xf32>,
        %mul3A_642 = arith.constant 1024 : i32
        %mul3A_643 = arith.muli %while3A_33, %mul3A_642 : i32
        %add3A_644 = arith.constant 902 : i32
        %add3A_645 = arith.addi %mul3A_643, %add3A_644 : i32
        %broadcast_in_dim3A_646 = vector.broadcast %add3A_645 : i32 to vector<16xi32>
        %add3A_647 = arith.addi %broadcast_in_dim3A_646, %mul3A_3 : vector<16xi32>
        tpu.vector_store_idx %arg5[%add3A_647], %get3A_641 : memref<16384xf32, #tpu.memory_space<vmem>>[vector<16xi32>], vector<16xf32>,
        %get3A_648 = arith.constant 7 : i64
        %get3A_649 = arith.index_cast %while3A_33 : i32 to index
        %get3A_650 = arith.index_cast %get3A_648 : i64 to index
        %get3A_651 = arith.constant 0 : index
        %get3A_652 = tpu.vector_load %arg4[%get3A_649, %get3A_650, %get3A_651] {strides = array<i32>} : memref<16x8x128xf32, #tpu.memory_space<vmem>>, vector<16xf32>,
        %mul3A_653 = arith.constant 1024 : i32
        %mul3A_654 = arith.muli %while3A_33, %mul3A_653 : i32
        %add3A_655 = arith.constant 7 : i32
        %add3A_656 = arith.addi %mul3A_654, %add3A_655 : i32
        %broadcast_in_dim3A_657 = vector.broadcast %add3A_656 : i32 to vector<16xi32>
        %add3A_658 = arith.addi %broadcast_in_dim3A_657, %mul3A_3 : vector<16xi32>
        tpu.vector_store_idx %arg5[%add3A_658], %get3A_652 : memref<16384xf32, #tpu.memory_space<vmem>>[vector<16xi32>], vector<16xf32>,
        %get3A_659 = arith.constant 7 : i64
        %get3A_660 = arith.index_cast %while3A_33 : i32 to index
        %get3A_661 = arith.index_cast %get3A_659 : i64 to index
        %get3A_662 = arith.constant 16 : index
        %get3A_663 = tpu.vector_load %arg4[%get3A_660, %get3A_661, %get3A_662] {strides = array<i32>} : memref<16x8x128xf32, #tpu.memory_space<vmem>>, vector<16xf32>,
        %mul3A_664 = arith.constant 1024 : i32
        %mul3A_665 = arith.muli %while3A_33, %mul3A_664 : i32
        %add3A_666 = arith.constant 135 : i32
        %add3A_667 = arith.addi %mul3A_665, %add3A_666 : i32
        %broadcast_in_dim3A_668 = vector.broadcast %add3A_667 : i32 to vector<16xi32>
        %add3A_669 = arith.addi %broadcast_in_dim3A_668, %mul3A_3 : vector<16xi32>
        tpu.vector_store_idx %arg5[%add3A_669], %get3A_663 : memref<16384xf32, #tpu.memory_space<vmem>>[vector<16xi32>], vector<16xf32>,
        %get3A_670 = arith.constant 7 : i64
        %get3A_671 = arith.index_cast %while3A_33 : i32 to index
        %get3A_672 = arith.index_cast %get3A_670 : i64 to index
        %get3A_673 = arith.constant 32 : index
        %get3A_674 = tpu.vector_load %arg4[%get3A_671, %get3A_672, %get3A_673] {strides = array<i32>} : memref<16x8x128xf32, #tpu.memory_space<vmem>>, vector<16xf32>,
        %mul3A_675 = arith.constant 1024 : i32
        %mul3A_676 = arith.muli %while3A_33, %mul3A_675 : i32
        %add3A_677 = arith.constant 263 : i32
        %add3A_678 = arith.addi %mul3A_676, %add3A_677 : i32
        %broadcast_in_dim3A_679 = vector.broadcast %add3A_678 : i32 to vector<16xi32>
        %add3A_680 = arith.addi %broadcast_in_dim3A_679, %mul3A_3 : vector<16xi32>
        tpu.vector_store_idx %arg5[%add3A_680], %get3A_674 : memref<16384xf32, #tpu.memory_space<vmem>>[vector<16xi32>], vector<16xf32>,
        %get3A_681 = arith.constant 7 : i64
        %get3A_682 = arith.index_cast %while3A_33 : i32 to index
        %get3A_683 = arith.index_cast %get3A_681 : i64 to index
        %get3A_684 = arith.constant 48 : index
        %get3A_685 = tpu.vector_load %arg4[%get3A_682, %get3A_683, %get3A_684] {strides = array<i32>} : memref<16x8x128xf32, #tpu.memory_space<vmem>>, vector<16xf32>,
        %mul3A_686 = arith.constant 1024 : i32
        %mul3A_687 = arith.muli %while3A_33, %mul3A_686 : i32
        %add3A_688 = arith.constant 391 : i32
        %add3A_689 = arith.addi %mul3A_687, %add3A_688 : i32
        %broadcast_in_dim3A_690 = vector.broadcast %add3A_689 : i32 to vector<16xi32>
        %add3A_691 = arith.addi %broadcast_in_dim3A_690, %mul3A_3 : vector<16xi32>
        tpu.vector_store_idx %arg5[%add3A_691], %get3A_685 : memref<16384xf32, #tpu.memory_space<vmem>>[vector<16xi32>], vector<16xf32>,
        %get3A_692 = arith.constant 7 : i64
        %get3A_693 = arith.index_cast %while3A_33 : i32 to index
        %get3A_694 = arith.index_cast %get3A_692 : i64 to index
        %get3A_695 = arith.constant 64 : index
        %get3A_696 = tpu.vector_load %arg4[%get3A_693, %get3A_694, %get3A_695] {strides = array<i32>} : memref<16x8x128xf32, #tpu.memory_space<vmem>>, vector<16xf32>,
        %mul3A_697 = arith.constant 1024 : i32
        %mul3A_698 = arith.muli %while3A_33, %mul3A_697 : i32
        %add3A_699 = arith.constant 519 : i32
        %add3A_700 = arith.addi %mul3A_698, %add3A_699 : i32
        %broadcast_in_dim3A_701 = vector.broadcast %add3A_700 : i32 to vector<16xi32>
        %add3A_702 = arith.addi %broadcast_in_dim3A_701, %mul3A_3 : vector<16xi32>
        tpu.vector_store_idx %arg5[%add3A_702], %get3A_696 : memref<16384xf32, #tpu.memory_space<vmem>>[vector<16xi32>], vector<16xf32>,
        %get3A_703 = arith.constant 7 : i64
        %get3A_704 = arith.index_cast %while3A_33 : i32 to index
        %get3A_705 = arith.index_cast %get3A_703 : i64 to index
        %get3A_706 = arith.constant 80 : index
        %get3A_707 = tpu.vector_load %arg4[%get3A_704, %get3A_705, %get3A_706] {strides = array<i32>} : memref<16x8x128xf32, #tpu.memory_space<vmem>>, vector<16xf32>,
        %mul3A_708 = arith.constant 1024 : i32
        %mul3A_709 = arith.muli %while3A_33, %mul3A_708 : i32
        %add3A_710 = arith.constant 647 : i32
        %add3A_711 = arith.addi %mul3A_709, %add3A_710 : i32
        %broadcast_in_dim3A_712 = vector.broadcast %add3A_711 : i32 to vector<16xi32>
        %add3A_713 = arith.addi %broadcast_in_dim3A_712, %mul3A_3 : vector<16xi32>
        tpu.vector_store_idx %arg5[%add3A_713], %get3A_707 : memref<16384xf32, #tpu.memory_space<vmem>>[vector<16xi32>], vector<16xf32>,
        %get3A_714 = arith.constant 7 : i64
        %get3A_715 = arith.index_cast %while3A_33 : i32 to index
        %get3A_716 = arith.index_cast %get3A_714 : i64 to index
        %get3A_717 = arith.constant 96 : index
        %get3A_718 = tpu.vector_load %arg4[%get3A_715, %get3A_716, %get3A_717] {strides = array<i32>} : memref<16x8x128xf32, #tpu.memory_space<vmem>>, vector<16xf32>,
        %mul3A_719 = arith.constant 1024 : i32
        %mul3A_720 = arith.muli %while3A_33, %mul3A_719 : i32
        %add3A_721 = arith.constant 775 : i32
        %add3A_722 = arith.addi %mul3A_720, %add3A_721 : i32
        %broadcast_in_dim3A_723 = vector.broadcast %add3A_722 : i32 to vector<16xi32>
        %add3A_724 = arith.addi %broadcast_in_dim3A_723, %mul3A_3 : vector<16xi32>
        tpu.vector_store_idx %arg5[%add3A_724], %get3A_718 : memref<16384xf32, #tpu.memory_space<vmem>>[vector<16xi32>], vector<16xf32>,
        %get3A_725 = arith.constant 7 : i64
        %get3A_726 = arith.index_cast %while3A_33 : i32 to index
        %get3A_727 = arith.index_cast %get3A_725 : i64 to index
        %get3A_728 = arith.constant 112 : index
        %get3A_729 = tpu.vector_load %arg4[%get3A_726, %get3A_727, %get3A_728] {strides = array<i32>} : memref<16x8x128xf32, #tpu.memory_space<vmem>>, vector<16xf32>,
        %mul3A_730 = arith.constant 1024 : i32
        %mul3A_731 = arith.muli %while3A_33, %mul3A_730 : i32
        %add3A_732 = arith.constant 903 : i32
        %add3A_733 = arith.addi %mul3A_731, %add3A_732 : i32
        %broadcast_in_dim3A_734 = vector.broadcast %add3A_733 : i32 to vector<16xi32>
        %add3A_735 = arith.addi %broadcast_in_dim3A_734, %mul3A_3 : vector<16xi32>
        tpu.vector_store_idx %arg5[%add3A_735], %get3A_729 : memref<16384xf32, #tpu.memory_space<vmem>>[vector<16xi32>], vector<16xf32>,
      }
      %while3A_30 = arith.constant 1 : i32
      scf.for %while3A_33 = %while3A_28 to %while3A_24 step %while3A_30  : i32 {
        %get3A = arith.constant 0 : i64
        %get3A_34 = arith.index_cast %while3A_33 : i32 to index
        %get3A_35 = arith.index_cast %get3A : i64 to index
        %get3A_36 = arith.constant 0 : index
        %get3A_37 = tpu.vector_load %arg4[%get3A_34, %get3A_35, %get3A_36] {strides = array<i32>} : memref<16x8x128xf32, #tpu.memory_space<vmem>>, vector<16xf32>,
        %mul3A_38 = arith.constant 1024 : i32
        %mul3A_39 = arith.muli %while3A_33, %mul3A_38 : i32
        %add3A_40 = arith.constant 0 : i32
        %add3A_41 = arith.addi %mul3A_39, %add3A_40 : i32
        %broadcast_in_dim3A = vector.broadcast %add3A_41 : i32 to vector<16xi32>
        %add3A_42 = arith.addi %broadcast_in_dim3A, %mul3A_3 : vector<16xi32>
        tpu.vector_store_idx %arg5[%add3A_42], %get3A_37 : memref<16384xf32, #tpu.memory_space<vmem>>[vector<16xi32>], vector<16xf32>,
        %get3A_43 = arith.constant 0 : i64
        %get3A_44 = arith.index_cast %while3A_33 : i32 to index
        %get3A_45 = arith.index_cast %get3A_43 : i64 to index
        %get3A_46 = arith.constant 16 : index
        %get3A_47 = tpu.vector_load %arg4[%get3A_44, %get3A_45, %get3A_46] {strides = array<i32>} : memref<16x8x128xf32, #tpu.memory_space<vmem>>, vector<16xf32>,
        %mul3A_48 = arith.constant 1024 : i32
        %mul3A_49 = arith.muli %while3A_33, %mul3A_48 : i32
        %add3A_50 = arith.constant 128 : i32
        %add3A_51 = arith.addi %mul3A_49, %add3A_50 : i32
        %broadcast_in_dim3A_52 = vector.broadcast %add3A_51 : i32 to vector<16xi32>
        %add3A_53 = arith.addi %broadcast_in_dim3A_52, %mul3A_3 : vector<16xi32>
        tpu.vector_store_idx %arg5[%add3A_53], %get3A_47 : memref<16384xf32, #tpu.memory_space<vmem>>[vector<16xi32>], vector<16xf32>,
        %get3A_54 = arith.constant 0 : i64
        %get3A_55 = arith.index_cast %while3A_33 : i32 to index
        %get3A_56 = arith.index_cast %get3A_54 : i64 to index
        %get3A_57 = arith.constant 32 : index
        %get3A_58 = tpu.vector_load %arg4[%get3A_55, %get3A_56, %get3A_57] {strides = array<i32>} : memref<16x8x128xf32, #tpu.memory_space<vmem>>, vector<16xf32>,
        %mul3A_59 = arith.constant 1024 : i32
        %mul3A_60 = arith.muli %while3A_33, %mul3A_59 : i32
        %add3A_61 = arith.constant 256 : i32
        %add3A_62 = arith.addi %mul3A_60, %add3A_61 : i32
        %broadcast_in_dim3A_63 = vector.broadcast %add3A_62 : i32 to vector<16xi32>
        %add3A_64 = arith.addi %broadcast_in_dim3A_63, %mul3A_3 : vector<16xi32>
        tpu.vector_store_idx %arg5[%add3A_64], %get3A_58 : memref<16384xf32, #tpu.memory_space<vmem>>[vector<16xi32>], vector<16xf32>,
        %get3A_65 = arith.constant 0 : i64
        %get3A_66 = arith.index_cast %while3A_33 : i32 to index
        %get3A_67 = arith.index_cast %get3A_65 : i64 to index
        %get3A_68 = arith.constant 48 : index
        %get3A_69 = tpu.vector_load %arg4[%get3A_66, %get3A_67, %get3A_68] {strides = array<i32>} : memref<16x8x128xf32, #tpu.memory_space<vmem>>, vector<16xf32>,
        %mul3A_70 = arith.constant 1024 : i32
        %mul3A_71 = arith.muli %while3A_33, %mul3A_70 : i32
        %add3A_72 = arith.constant 384 : i32
        %add3A_73 = arith.addi %mul3A_71, %add3A_72 : i32
        %broadcast_in_dim3A_74 = vector.broadcast %add3A_73 : i32 to vector<16xi32>
        %add3A_75 = arith.addi %broadcast_in_dim3A_74, %mul3A_3 : vector<16xi32>
        tpu.vector_store_idx %arg5[%add3A_75], %get3A_69 : memref<16384xf32, #tpu.memory_space<vmem>>[vector<16xi32>], vector<16xf32>,
        %get3A_76 = arith.constant 0 : i64
        %get3A_77 = arith.index_cast %while3A_33 : i32 to index
        %get3A_78 = arith.index_cast %get3A_76 : i64 to index
        %get3A_79 = arith.constant 64 : index
        %get3A_80 = tpu.vector_load %arg4[%get3A_77, %get3A_78, %get3A_79] {strides = array<i32>} : memref<16x8x128xf32, #tpu.memory_space<vmem>>, vector<16xf32>,
        %mul3A_81 = arith.constant 1024 : i32
        %mul3A_82 = arith.muli %while3A_33, %mul3A_81 : i32
        %add3A_83 = arith.constant 512 : i32
        %add3A_84 = arith.addi %mul3A_82, %add3A_83 : i32
        %broadcast_in_dim3A_85 = vector.broadcast %add3A_84 : i32 to vector<16xi32>
        %add3A_86 = arith.addi %broadcast_in_dim3A_85, %mul3A_3 : vector<16xi32>
        tpu.vector_store_idx %arg5[%add3A_86], %get3A_80 : memref<16384xf32, #tpu.memory_space<vmem>>[vector<16xi32>], vector<16xf32>,
        %get3A_87 = arith.constant 0 : i64
        %get3A_88 = arith.index_cast %while3A_33 : i32 to index
        %get3A_89 = arith.index_cast %get3A_87 : i64 to index
        %get3A_90 = arith.constant 80 : index
        %get3A_91 = tpu.vector_load %arg4[%get3A_88, %get3A_89, %get3A_90] {strides = array<i32>} : memref<16x8x128xf32, #tpu.memory_space<vmem>>, vector<16xf32>,
        %mul3A_92 = arith.constant 1024 : i32
        %mul3A_93 = arith.muli %while3A_33, %mul3A_92 : i32
        %add3A_94 = arith.constant 640 : i32
        %add3A_95 = arith.addi %mul3A_93, %add3A_94 : i32
        %broadcast_in_dim3A_96 = vector.broadcast %add3A_95 : i32 to vector<16xi32>
        %add3A_97 = arith.addi %broadcast_in_dim3A_96, %mul3A_3 : vector<16xi32>
        tpu.vector_store_idx %arg5[%add3A_97], %get3A_91 : memref<16384xf32, #tpu.memory_space<vmem>>[vector<16xi32>], vector<16xf32>,
        %get3A_98 = arith.constant 0 : i64
        %get3A_99 = arith.index_cast %while3A_33 : i32 to index
        %get3A_100 = arith.index_cast %get3A_98 : i64 to index
        %get3A_101 = arith.constant 96 : index
        %get3A_102 = tpu.vector_load %arg4[%get3A_99, %get3A_100, %get3A_101] {strides = array<i32>} : memref<16x8x128xf32, #tpu.memory_space<vmem>>, vector<16xf32>,
        %mul3A_103 = arith.constant 1024 : i32
        %mul3A_104 = arith.muli %while3A_33, %mul3A_103 : i32
        %add3A_105 = arith.constant 768 : i32
        %add3A_106 = arith.addi %mul3A_104, %add3A_105 : i32
        %broadcast_in_dim3A_107 = vector.broadcast %add3A_106 : i32 to vector<16xi32>
        %add3A_108 = arith.addi %broadcast_in_dim3A_107, %mul3A_3 : vector<16xi32>
        tpu.vector_store_idx %arg5[%add3A_108], %get3A_102 : memref<16384xf32, #tpu.memory_space<vmem>>[vector<16xi32>], vector<16xf32>,
        %get3A_109 = arith.constant 0 : i64
        %get3A_110 = arith.index_cast %while3A_33 : i32 to index
        %get3A_111 = arith.index_cast %get3A_109 : i64 to index
        %get3A_112 = arith.constant 112 : index
        %get3A_113 = tpu.vector_load %arg4[%get3A_110, %get3A_111, %get3A_112] {strides = array<i32>} : memref<16x8x128xf32, #tpu.memory_space<vmem>>, vector<16xf32>,
        %mul3A_114 = arith.constant 1024 : i32
        %mul3A_115 = arith.muli %while3A_33, %mul3A_114 : i32
        %add3A_116 = arith.constant 896 : i32
        %add3A_117 = arith.addi %mul3A_115, %add3A_116 : i32
        %broadcast_in_dim3A_118 = vector.broadcast %add3A_117 : i32 to vector<16xi32>
        %add3A_119 = arith.addi %broadcast_in_dim3A_118, %mul3A_3 : vector<16xi32>
        tpu.vector_store_idx %arg5[%add3A_119], %get3A_113 : memref<16384xf32, #tpu.memory_space<vmem>>[vector<16xi32>], vector<16xf32>,
        %get3A_120 = arith.constant 1 : i64
        %get3A_121 = arith.index_cast %while3A_33 : i32 to index
        %get3A_122 = arith.index_cast %get3A_120 : i64 to index
        %get3A_123 = arith.constant 0 : index
        %get3A_124 = tpu.vector_load %arg4[%get3A_121, %get3A_122, %get3A_123] {strides = array<i32>} : memref<16x8x128xf32, #tpu.memory_space<vmem>>, vector<16xf32>,
        %mul3A_125 = arith.constant 1024 : i32
        %mul3A_126 = arith.muli %while3A_33, %mul3A_125 : i32
        %add3A_127 = arith.constant 1 : i32
        %add3A_128 = arith.addi %mul3A_126, %add3A_127 : i32
        %broadcast_in_dim3A_129 = vector.broadcast %add3A_128 : i32 to vector<16xi32>
        %add3A_130 = arith.addi %broadcast_in_dim3A_129, %mul3A_3 : vector<16xi32>
        tpu.vector_store_idx %arg5[%add3A_130], %get3A_124 : memref<16384xf32, #tpu.memory_space<vmem>>[vector<16xi32>], vector<16xf32>,
        %get3A_131 = arith.constant 1 : i64
        %get3A_132 = arith.index_cast %while3A_33 : i32 to index
        %get3A_133 = arith.index_cast %get3A_131 : i64 to index
        %get3A_134 = arith.constant 16 : index
        %get3A_135 = tpu.vector_load %arg4[%get3A_132, %get3A_133, %get3A_134] {strides = array<i32>} : memref<16x8x128xf32, #tpu.memory_space<vmem>>, vector<16xf32>,
        %mul3A_136 = arith.constant 1024 : i32
        %mul3A_137 = arith.muli %while3A_33, %mul3A_136 : i32
        %add3A_138 = arith.constant 129 : i32
        %add3A_139 = arith.addi %mul3A_137, %add3A_138 : i32
        %broadcast_in_dim3A_140 = vector.broadcast %add3A_139 : i32 to vector<16xi32>
        %add3A_141 = arith.addi %broadcast_in_dim3A_140, %mul3A_3 : vector<16xi32>
        tpu.vector_store_idx %arg5[%add3A_141], %get3A_135 : memref<16384xf32, #tpu.memory_space<vmem>>[vector<16xi32>], vector<16xf32>,
        %get3A_142 = arith.constant 1 : i64
        %get3A_143 = arith.index_cast %while3A_33 : i32 to index
        %get3A_144 = arith.index_cast %get3A_142 : i64 to index
        %get3A_145 = arith.constant 32 : index
        %get3A_146 = tpu.vector_load %arg4[%get3A_143, %get3A_144, %get3A_145] {strides = array<i32>} : memref<16x8x128xf32, #tpu.memory_space<vmem>>, vector<16xf32>,
        %mul3A_147 = arith.constant 1024 : i32
        %mul3A_148 = arith.muli %while3A_33, %mul3A_147 : i32
        %add3A_149 = arith.constant 257 : i32
        %add3A_150 = arith.addi %mul3A_148, %add3A_149 : i32
        %broadcast_in_dim3A_151 = vector.broadcast %add3A_150 : i32 to vector<16xi32>
        %add3A_152 = arith.addi %broadcast_in_dim3A_151, %mul3A_3 : vector<16xi32>
        tpu.vector_store_idx %arg5[%add3A_152], %get3A_146 : memref<16384xf32, #tpu.memory_space<vmem>>[vector<16xi32>], vector<16xf32>,
        %get3A_153 = arith.constant 1 : i64
        %get3A_154 = arith.index_cast %while3A_33 : i32 to index
        %get3A_155 = arith.index_cast %get3A_153 : i64 to index
        %get3A_156 = arith.constant 48 : index
        %get3A_157 = tpu.vector_load %arg4[%get3A_154, %get3A_155, %get3A_156] {strides = array<i32>} : memref<16x8x128xf32, #tpu.memory_space<vmem>>, vector<16xf32>,
        %mul3A_158 = arith.constant 1024 : i32
        %mul3A_159 = arith.muli %while3A_33, %mul3A_158 : i32
        %add3A_160 = arith.constant 385 : i32
        %add3A_161 = arith.addi %mul3A_159, %add3A_160 : i32
        %broadcast_in_dim3A_162 = vector.broadcast %add3A_161 : i32 to vector<16xi32>
        %add3A_163 = arith.addi %broadcast_in_dim3A_162, %mul3A_3 : vector<16xi32>
        tpu.vector_store_idx %arg5[%add3A_163], %get3A_157 : memref<16384xf32, #tpu.memory_space<vmem>>[vector<16xi32>], vector<16xf32>,
        %get3A_164 = arith.constant 1 : i64
        %get3A_165 = arith.index_cast %while3A_33 : i32 to index
        %get3A_166 = arith.index_cast %get3A_164 : i64 to index
        %get3A_167 = arith.constant 64 : index
        %get3A_168 = tpu.vector_load %arg4[%get3A_165, %get3A_166, %get3A_167] {strides = array<i32>} : memref<16x8x128xf32, #tpu.memory_space<vmem>>, vector<16xf32>,
        %mul3A_169 = arith.constant 1024 : i32
        %mul3A_170 = arith.muli %while3A_33, %mul3A_169 : i32
        %add3A_171 = arith.constant 513 : i32
        %add3A_172 = arith.addi %mul3A_170, %add3A_171 : i32
        %broadcast_in_dim3A_173 = vector.broadcast %add3A_172 : i32 to vector<16xi32>
        %add3A_174 = arith.addi %broadcast_in_dim3A_173, %mul3A_3 : vector<16xi32>
        tpu.vector_store_idx %arg5[%add3A_174], %get3A_168 : memref<16384xf32, #tpu.memory_space<vmem>>[vector<16xi32>], vector<16xf32>,
        %get3A_175 = arith.constant 1 : i64
        %get3A_176 = arith.index_cast %while3A_33 : i32 to index
        %get3A_177 = arith.index_cast %get3A_175 : i64 to index
        %get3A_178 = arith.constant 80 : index
        %get3A_179 = tpu.vector_load %arg4[%get3A_176, %get3A_177, %get3A_178] {strides = array<i32>} : memref<16x8x128xf32, #tpu.memory_space<vmem>>, vector<16xf32>,
        %mul3A_180 = arith.constant 1024 : i32
        %mul3A_181 = arith.muli %while3A_33, %mul3A_180 : i32
        %add3A_182 = arith.constant 641 : i32
        %add3A_183 = arith.addi %mul3A_181, %add3A_182 : i32
        %broadcast_in_dim3A_184 = vector.broadcast %add3A_183 : i32 to vector<16xi32>
        %add3A_185 = arith.addi %broadcast_in_dim3A_184, %mul3A_3 : vector<16xi32>
        tpu.vector_store_idx %arg5[%add3A_185], %get3A_179 : memref<16384xf32, #tpu.memory_space<vmem>>[vector<16xi32>], vector<16xf32>,
        %get3A_186 = arith.constant 1 : i64
        %get3A_187 = arith.index_cast %while3A_33 : i32 to index
        %get3A_188 = arith.index_cast %get3A_186 : i64 to index
        %get3A_189 = arith.constant 96 : index
        %get3A_190 = tpu.vector_load %arg4[%get3A_187, %get3A_188, %get3A_189] {strides = array<i32>} : memref<16x8x128xf32, #tpu.memory_space<vmem>>, vector<16xf32>,
        %mul3A_191 = arith.constant 1024 : i32
        %mul3A_192 = arith.muli %while3A_33, %mul3A_191 : i32
        %add3A_193 = arith.constant 769 : i32
        %add3A_194 = arith.addi %mul3A_192, %add3A_193 : i32
        %broadcast_in_dim3A_195 = vector.broadcast %add3A_194 : i32 to vector<16xi32>
        %add3A_196 = arith.addi %broadcast_in_dim3A_195, %mul3A_3 : vector<16xi32>
        tpu.vector_store_idx %arg5[%add3A_196], %get3A_190 : memref<16384xf32, #tpu.memory_space<vmem>>[vector<16xi32>], vector<16xf32>,
        %get3A_197 = arith.constant 1 : i64
        %get3A_198 = arith.index_cast %while3A_33 : i32 to index
        %get3A_199 = arith.index_cast %get3A_197 : i64 to index
        %get3A_200 = arith.constant 112 : index
        %get3A_201 = tpu.vector_load %arg4[%get3A_198, %get3A_199, %get3A_200] {strides = array<i32>} : memref<16x8x128xf32, #tpu.memory_space<vmem>>, vector<16xf32>,
        %mul3A_202 = arith.constant 1024 : i32
        %mul3A_203 = arith.muli %while3A_33, %mul3A_202 : i32
        %add3A_204 = arith.constant 897 : i32
        %add3A_205 = arith.addi %mul3A_203, %add3A_204 : i32
        %broadcast_in_dim3A_206 = vector.broadcast %add3A_205 : i32 to vector<16xi32>
        %add3A_207 = arith.addi %broadcast_in_dim3A_206, %mul3A_3 : vector<16xi32>
        tpu.vector_store_idx %arg5[%add3A_207], %get3A_201 : memref<16384xf32, #tpu.memory_space<vmem>>[vector<16xi32>], vector<16xf32>,
        %get3A_208 = arith.constant 2 : i64
        %get3A_209 = arith.index_cast %while3A_33 : i32 to index
        %get3A_210 = arith.index_cast %get3A_208 : i64 to index
        %get3A_211 = arith.constant 0 : index
        %get3A_212 = tpu.vector_load %arg4[%get3A_209, %get3A_210, %get3A_211] {strides = array<i32>} : memref<16x8x128xf32, #tpu.memory_space<vmem>>, vector<16xf32>,
        %mul3A_213 = arith.constant 1024 : i32
        %mul3A_214 = arith.muli %while3A_33, %mul3A_213 : i32
        %add3A_215 = arith.constant 2 : i32
        %add3A_216 = arith.addi %mul3A_214, %add3A_215 : i32
        %broadcast_in_dim3A_217 = vector.broadcast %add3A_216 : i32 to vector<16xi32>
        %add3A_218 = arith.addi %broadcast_in_dim3A_217, %mul3A_3 : vector<16xi32>
        tpu.vector_store_idx %arg5[%add3A_218], %get3A_212 : memref<16384xf32, #tpu.memory_space<vmem>>[vector<16xi32>], vector<16xf32>,
        %get3A_219 = arith.constant 2 : i64
        %get3A_220 = arith.index_cast %while3A_33 : i32 to index
        %get3A_221 = arith.index_cast %get3A_219 : i64 to index
        %get3A_222 = arith.constant 16 : index
        %get3A_223 = tpu.vector_load %arg4[%get3A_220, %get3A_221, %get3A_222] {strides = array<i32>} : memref<16x8x128xf32, #tpu.memory_space<vmem>>, vector<16xf32>,
        %mul3A_224 = arith.constant 1024 : i32
        %mul3A_225 = arith.muli %while3A_33, %mul3A_224 : i32
        %add3A_226 = arith.constant 130 : i32
        %add3A_227 = arith.addi %mul3A_225, %add3A_226 : i32
        %broadcast_in_dim3A_228 = vector.broadcast %add3A_227 : i32 to vector<16xi32>
        %add3A_229 = arith.addi %broadcast_in_dim3A_228, %mul3A_3 : vector<16xi32>
        tpu.vector_store_idx %arg5[%add3A_229], %get3A_223 : memref<16384xf32, #tpu.memory_space<vmem>>[vector<16xi32>], vector<16xf32>,
        %get3A_230 = arith.constant 2 : i64
        %get3A_231 = arith.index_cast %while3A_33 : i32 to index
        %get3A_232 = arith.index_cast %get3A_230 : i64 to index
        %get3A_233 = arith.constant 32 : index
        %get3A_234 = tpu.vector_load %arg4[%get3A_231, %get3A_232, %get3A_233] {strides = array<i32>} : memref<16x8x128xf32, #tpu.memory_space<vmem>>, vector<16xf32>,
        %mul3A_235 = arith.constant 1024 : i32
        %mul3A_236 = arith.muli %while3A_33, %mul3A_235 : i32
        %add3A_237 = arith.constant 258 : i32
        %add3A_238 = arith.addi %mul3A_236, %add3A_237 : i32
        %broadcast_in_dim3A_239 = vector.broadcast %add3A_238 : i32 to vector<16xi32>
        %add3A_240 = arith.addi %broadcast_in_dim3A_239, %mul3A_3 : vector<16xi32>
        tpu.vector_store_idx %arg5[%add3A_240], %get3A_234 : memref<16384xf32, #tpu.memory_space<vmem>>[vector<16xi32>], vector<16xf32>,
        %get3A_241 = arith.constant 2 : i64
        %get3A_242 = arith.index_cast %while3A_33 : i32 to index
        %get3A_243 = arith.index_cast %get3A_241 : i64 to index
        %get3A_244 = arith.constant 48 : index
        %get3A_245 = tpu.vector_load %arg4[%get3A_242, %get3A_243, %get3A_244] {strides = array<i32>} : memref<16x8x128xf32, #tpu.memory_space<vmem>>, vector<16xf32>,
        %mul3A_246 = arith.constant 1024 : i32
        %mul3A_247 = arith.muli %while3A_33, %mul3A_246 : i32
        %add3A_248 = arith.constant 386 : i32
        %add3A_249 = arith.addi %mul3A_247, %add3A_248 : i32
        %broadcast_in_dim3A_250 = vector.broadcast %add3A_249 : i32 to vector<16xi32>
        %add3A_251 = arith.addi %broadcast_in_dim3A_250, %mul3A_3 : vector<16xi32>
        tpu.vector_store_idx %arg5[%add3A_251], %get3A_245 : memref<16384xf32, #tpu.memory_space<vmem>>[vector<16xi32>], vector<16xf32>,
        %get3A_252 = arith.constant 2 : i64
        %get3A_253 = arith.index_cast %while3A_33 : i32 to index
        %get3A_254 = arith.index_cast %get3A_252 : i64 to index
        %get3A_255 = arith.constant 64 : index
        %get3A_256 = tpu.vector_load %arg4[%get3A_253, %get3A_254, %get3A_255] {strides = array<i32>} : memref<16x8x128xf32, #tpu.memory_space<vmem>>, vector<16xf32>,
        %mul3A_257 = arith.constant 1024 : i32
        %mul3A_258 = arith.muli %while3A_33, %mul3A_257 : i32
        %add3A_259 = arith.constant 514 : i32
        %add3A_260 = arith.addi %mul3A_258, %add3A_259 : i32
        %broadcast_in_dim3A_261 = vector.broadcast %add3A_260 : i32 to vector<16xi32>
        %add3A_262 = arith.addi %broadcast_in_dim3A_261, %mul3A_3 : vector<16xi32>
        tpu.vector_store_idx %arg5[%add3A_262], %get3A_256 : memref<16384xf32, #tpu.memory_space<vmem>>[vector<16xi32>], vector<16xf32>,
        %get3A_263 = arith.constant 2 : i64
        %get3A_264 = arith.index_cast %while3A_33 : i32 to index
        %get3A_265 = arith.index_cast %get3A_263 : i64 to index
        %get3A_266 = arith.constant 80 : index
        %get3A_267 = tpu.vector_load %arg4[%get3A_264, %get3A_265, %get3A_266] {strides = array<i32>} : memref<16x8x128xf32, #tpu.memory_space<vmem>>, vector<16xf32>,
        %mul3A_268 = arith.constant 1024 : i32
        %mul3A_269 = arith.muli %while3A_33, %mul3A_268 : i32
        %add3A_270 = arith.constant 642 : i32
        %add3A_271 = arith.addi %mul3A_269, %add3A_270 : i32
        %broadcast_in_dim3A_272 = vector.broadcast %add3A_271 : i32 to vector<16xi32>
        %add3A_273 = arith.addi %broadcast_in_dim3A_272, %mul3A_3 : vector<16xi32>
        tpu.vector_store_idx %arg5[%add3A_273], %get3A_267 : memref<16384xf32, #tpu.memory_space<vmem>>[vector<16xi32>], vector<16xf32>,
        %get3A_274 = arith.constant 2 : i64
        %get3A_275 = arith.index_cast %while3A_33 : i32 to index
        %get3A_276 = arith.index_cast %get3A_274 : i64 to index
        %get3A_277 = arith.constant 96 : index
        %get3A_278 = tpu.vector_load %arg4[%get3A_275, %get3A_276, %get3A_277] {strides = array<i32>} : memref<16x8x128xf32, #tpu.memory_space<vmem>>, vector<16xf32>,
        %mul3A_279 = arith.constant 1024 : i32
        %mul3A_280 = arith.muli %while3A_33, %mul3A_279 : i32
        %add3A_281 = arith.constant 770 : i32
        %add3A_282 = arith.addi %mul3A_280, %add3A_281 : i32
        %broadcast_in_dim3A_283 = vector.broadcast %add3A_282 : i32 to vector<16xi32>
        %add3A_284 = arith.addi %broadcast_in_dim3A_283, %mul3A_3 : vector<16xi32>
        tpu.vector_store_idx %arg5[%add3A_284], %get3A_278 : memref<16384xf32, #tpu.memory_space<vmem>>[vector<16xi32>], vector<16xf32>,
        %get3A_285 = arith.constant 2 : i64
        %get3A_286 = arith.index_cast %while3A_33 : i32 to index
        %get3A_287 = arith.index_cast %get3A_285 : i64 to index
        %get3A_288 = arith.constant 112 : index
        %get3A_289 = tpu.vector_load %arg4[%get3A_286, %get3A_287, %get3A_288] {strides = array<i32>} : memref<16x8x128xf32, #tpu.memory_space<vmem>>, vector<16xf32>,
        %mul3A_290 = arith.constant 1024 : i32
        %mul3A_291 = arith.muli %while3A_33, %mul3A_290 : i32
        %add3A_292 = arith.constant 898 : i32
        %add3A_293 = arith.addi %mul3A_291, %add3A_292 : i32
        %broadcast_in_dim3A_294 = vector.broadcast %add3A_293 : i32 to vector<16xi32>
        %add3A_295 = arith.addi %broadcast_in_dim3A_294, %mul3A_3 : vector<16xi32>
        tpu.vector_store_idx %arg5[%add3A_295], %get3A_289 : memref<16384xf32, #tpu.memory_space<vmem>>[vector<16xi32>], vector<16xf32>,
        %get3A_296 = arith.constant 3 : i64
        %get3A_297 = arith.index_cast %while3A_33 : i32 to index
        %get3A_298 = arith.index_cast %get3A_296 : i64 to index
        %get3A_299 = arith.constant 0 : index
        %get3A_300 = tpu.vector_load %arg4[%get3A_297, %get3A_298, %get3A_299] {strides = array<i32>} : memref<16x8x128xf32, #tpu.memory_space<vmem>>, vector<16xf32>,
        %mul3A_301 = arith.constant 1024 : i32
        %mul3A_302 = arith.muli %while3A_33, %mul3A_301 : i32
        %add3A_303 = arith.constant 3 : i32
        %add3A_304 = arith.addi %mul3A_302, %add3A_303 : i32
        %broadcast_in_dim3A_305 = vector.broadcast %add3A_304 : i32 to vector<16xi32>
        %add3A_306 = arith.addi %broadcast_in_dim3A_305, %mul3A_3 : vector<16xi32>
        tpu.vector_store_idx %arg5[%add3A_306], %get3A_300 : memref<16384xf32, #tpu.memory_space<vmem>>[vector<16xi32>], vector<16xf32>,
        %get3A_307 = arith.constant 3 : i64
        %get3A_308 = arith.index_cast %while3A_33 : i32 to index
        %get3A_309 = arith.index_cast %get3A_307 : i64 to index
        %get3A_310 = arith.constant 16 : index
        %get3A_311 = tpu.vector_load %arg4[%get3A_308, %get3A_309, %get3A_310] {strides = array<i32>} : memref<16x8x128xf32, #tpu.memory_space<vmem>>, vector<16xf32>,
        %mul3A_312 = arith.constant 1024 : i32
        %mul3A_313 = arith.muli %while3A_33, %mul3A_312 : i32
        %add3A_314 = arith.constant 131 : i32
        %add3A_315 = arith.addi %mul3A_313, %add3A_314 : i32
        %broadcast_in_dim3A_316 = vector.broadcast %add3A_315 : i32 to vector<16xi32>
        %add3A_317 = arith.addi %broadcast_in_dim3A_316, %mul3A_3 : vector<16xi32>
        tpu.vector_store_idx %arg5[%add3A_317], %get3A_311 : memref<16384xf32, #tpu.memory_space<vmem>>[vector<16xi32>], vector<16xf32>,
        %get3A_318 = arith.constant 3 : i64
        %get3A_319 = arith.index_cast %while3A_33 : i32 to index
        %get3A_320 = arith.index_cast %get3A_318 : i64 to index
        %get3A_321 = arith.constant 32 : index
        %get3A_322 = tpu.vector_load %arg4[%get3A_319, %get3A_320, %get3A_321] {strides = array<i32>} : memref<16x8x128xf32, #tpu.memory_space<vmem>>, vector<16xf32>,
        %mul3A_323 = arith.constant 1024 : i32
        %mul3A_324 = arith.muli %while3A_33, %mul3A_323 : i32
        %add3A_325 = arith.constant 259 : i32
        %add3A_326 = arith.addi %mul3A_324, %add3A_325 : i32
        %broadcast_in_dim3A_327 = vector.broadcast %add3A_326 : i32 to vector<16xi32>
        %add3A_328 = arith.addi %broadcast_in_dim3A_327, %mul3A_3 : vector<16xi32>
        tpu.vector_store_idx %arg5[%add3A_328], %get3A_322 : memref<16384xf32, #tpu.memory_space<vmem>>[vector<16xi32>], vector<16xf32>,
        %get3A_329 = arith.constant 3 : i64
        %get3A_330 = arith.index_cast %while3A_33 : i32 to index
        %get3A_331 = arith.index_cast %get3A_329 : i64 to index
        %get3A_332 = arith.constant 48 : index
        %get3A_333 = tpu.vector_load %arg4[%get3A_330, %get3A_331, %get3A_332] {strides = array<i32>} : memref<16x8x128xf32, #tpu.memory_space<vmem>>, vector<16xf32>,
        %mul3A_334 = arith.constant 1024 : i32
        %mul3A_335 = arith.muli %while3A_33, %mul3A_334 : i32
        %add3A_336 = arith.constant 387 : i32
        %add3A_337 = arith.addi %mul3A_335, %add3A_336 : i32
        %broadcast_in_dim3A_338 = vector.broadcast %add3A_337 : i32 to vector<16xi32>
        %add3A_339 = arith.addi %broadcast_in_dim3A_338, %mul3A_3 : vector<16xi32>
        tpu.vector_store_idx %arg5[%add3A_339], %get3A_333 : memref<16384xf32, #tpu.memory_space<vmem>>[vector<16xi32>], vector<16xf32>,
        %get3A_340 = arith.constant 3 : i64
        %get3A_341 = arith.index_cast %while3A_33 : i32 to index
        %get3A_342 = arith.index_cast %get3A_340 : i64 to index
        %get3A_343 = arith.constant 64 : index
        %get3A_344 = tpu.vector_load %arg4[%get3A_341, %get3A_342, %get3A_343] {strides = array<i32>} : memref<16x8x128xf32, #tpu.memory_space<vmem>>, vector<16xf32>,
        %mul3A_345 = arith.constant 1024 : i32
        %mul3A_346 = arith.muli %while3A_33, %mul3A_345 : i32
        %add3A_347 = arith.constant 515 : i32
        %add3A_348 = arith.addi %mul3A_346, %add3A_347 : i32
        %broadcast_in_dim3A_349 = vector.broadcast %add3A_348 : i32 to vector<16xi32>
        %add3A_350 = arith.addi %broadcast_in_dim3A_349, %mul3A_3 : vector<16xi32>
        tpu.vector_store_idx %arg5[%add3A_350], %get3A_344 : memref<16384xf32, #tpu.memory_space<vmem>>[vector<16xi32>], vector<16xf32>,
        %get3A_351 = arith.constant 3 : i64
        %get3A_352 = arith.index_cast %while3A_33 : i32 to index
        %get3A_353 = arith.index_cast %get3A_351 : i64 to index
        %get3A_354 = arith.constant 80 : index
        %get3A_355 = tpu.vector_load %arg4[%get3A_352, %get3A_353, %get3A_354] {strides = array<i32>} : memref<16x8x128xf32, #tpu.memory_space<vmem>>, vector<16xf32>,
        %mul3A_356 = arith.constant 1024 : i32
        %mul3A_357 = arith.muli %while3A_33, %mul3A_356 : i32
        %add3A_358 = arith.constant 643 : i32
        %add3A_359 = arith.addi %mul3A_357, %add3A_358 : i32
        %broadcast_in_dim3A_360 = vector.broadcast %add3A_359 : i32 to vector<16xi32>
        %add3A_361 = arith.addi %broadcast_in_dim3A_360, %mul3A_3 : vector<16xi32>
        tpu.vector_store_idx %arg5[%add3A_361], %get3A_355 : memref<16384xf32, #tpu.memory_space<vmem>>[vector<16xi32>], vector<16xf32>,
        %get3A_362 = arith.constant 3 : i64
        %get3A_363 = arith.index_cast %while3A_33 : i32 to index
        %get3A_364 = arith.index_cast %get3A_362 : i64 to index
        %get3A_365 = arith.constant 96 : index
        %get3A_366 = tpu.vector_load %arg4[%get3A_363, %get3A_364, %get3A_365] {strides = array<i32>} : memref<16x8x128xf32, #tpu.memory_space<vmem>>, vector<16xf32>,
        %mul3A_367 = arith.constant 1024 : i32
        %mul3A_368 = arith.muli %while3A_33, %mul3A_367 : i32
        %add3A_369 = arith.constant 771 : i32
        %add3A_370 = arith.addi %mul3A_368, %add3A_369 : i32
        %broadcast_in_dim3A_371 = vector.broadcast %add3A_370 : i32 to vector<16xi32>
        %add3A_372 = arith.addi %broadcast_in_dim3A_371, %mul3A_3 : vector<16xi32>
        tpu.vector_store_idx %arg5[%add3A_372], %get3A_366 : memref<16384xf32, #tpu.memory_space<vmem>>[vector<16xi32>], vector<16xf32>,
        %get3A_373 = arith.constant 3 : i64
        %get3A_374 = arith.index_cast %while3A_33 : i32 to index
        %get3A_375 = arith.index_cast %get3A_373 : i64 to index
        %get3A_376 = arith.constant 112 : index
        %get3A_377 = tpu.vector_load %arg4[%get3A_374, %get3A_375, %get3A_376] {strides = array<i32>} : memref<16x8x128xf32, #tpu.memory_space<vmem>>, vector<16xf32>,
        %mul3A_378 = arith.constant 1024 : i32
        %mul3A_379 = arith.muli %while3A_33, %mul3A_378 : i32
        %add3A_380 = arith.constant 899 : i32
        %add3A_381 = arith.addi %mul3A_379, %add3A_380 : i32
        %broadcast_in_dim3A_382 = vector.broadcast %add3A_381 : i32 to vector<16xi32>
        %add3A_383 = arith.addi %broadcast_in_dim3A_382, %mul3A_3 : vector<16xi32>
        tpu.vector_store_idx %arg5[%add3A_383], %get3A_377 : memref<16384xf32, #tpu.memory_space<vmem>>[vector<16xi32>], vector<16xf32>,
        %get3A_384 = arith.constant 4 : i64
        %get3A_385 = arith.index_cast %while3A_33 : i32 to index
        %get3A_386 = arith.index_cast %get3A_384 : i64 to index
        %get3A_387 = arith.constant 0 : index
        %get3A_388 = tpu.vector_load %arg4[%get3A_385, %get3A_386, %get3A_387] {strides = array<i32>} : memref<16x8x128xf32, #tpu.memory_space<vmem>>, vector<16xf32>,
        %mul3A_389 = arith.constant 1024 : i32
        %mul3A_390 = arith.muli %while3A_33, %mul3A_389 : i32
        %add3A_391 = arith.constant 4 : i32
        %add3A_392 = arith.addi %mul3A_390, %add3A_391 : i32
        %broadcast_in_dim3A_393 = vector.broadcast %add3A_392 : i32 to vector<16xi32>
        %add3A_394 = arith.addi %broadcast_in_dim3A_393, %mul3A_3 : vector<16xi32>
        tpu.vector_store_idx %arg5[%add3A_394], %get3A_388 : memref<16384xf32, #tpu.memory_space<vmem>>[vector<16xi32>], vector<16xf32>,
        %get3A_395 = arith.constant 4 : i64
        %get3A_396 = arith.index_cast %while3A_33 : i32 to index
        %get3A_397 = arith.index_cast %get3A_395 : i64 to index
        %get3A_398 = arith.constant 16 : index
        %get3A_399 = tpu.vector_load %arg4[%get3A_396, %get3A_397, %get3A_398] {strides = array<i32>} : memref<16x8x128xf32, #tpu.memory_space<vmem>>, vector<16xf32>,
        %mul3A_400 = arith.constant 1024 : i32
        %mul3A_401 = arith.muli %while3A_33, %mul3A_400 : i32
        %add3A_402 = arith.constant 132 : i32
        %add3A_403 = arith.addi %mul3A_401, %add3A_402 : i32
        %broadcast_in_dim3A_404 = vector.broadcast %add3A_403 : i32 to vector<16xi32>
        %add3A_405 = arith.addi %broadcast_in_dim3A_404, %mul3A_3 : vector<16xi32>
        tpu.vector_store_idx %arg5[%add3A_405], %get3A_399 : memref<16384xf32, #tpu.memory_space<vmem>>[vector<16xi32>], vector<16xf32>,
        %get3A_406 = arith.constant 4 : i64
        %get3A_407 = arith.index_cast %while3A_33 : i32 to index
        %get3A_408 = arith.index_cast %get3A_406 : i64 to index
        %get3A_409 = arith.constant 32 : index
        %get3A_410 = tpu.vector_load %arg4[%get3A_407, %get3A_408, %get3A_409] {strides = array<i32>} : memref<16x8x128xf32, #tpu.memory_space<vmem>>, vector<16xf32>,
        %mul3A_411 = arith.constant 1024 : i32
        %mul3A_412 = arith.muli %while3A_33, %mul3A_411 : i32
        %add3A_413 = arith.constant 260 : i32
        %add3A_414 = arith.addi %mul3A_412, %add3A_413 : i32
        %broadcast_in_dim3A_415 = vector.broadcast %add3A_414 : i32 to vector<16xi32>
        %add3A_416 = arith.addi %broadcast_in_dim3A_415, %mul3A_3 : vector<16xi32>
        tpu.vector_store_idx %arg5[%add3A_416], %get3A_410 : memref<16384xf32, #tpu.memory_space<vmem>>[vector<16xi32>], vector<16xf32>,
        %get3A_417 = arith.constant 4 : i64
        %get3A_418 = arith.index_cast %while3A_33 : i32 to index
        %get3A_419 = arith.index_cast %get3A_417 : i64 to index
        %get3A_420 = arith.constant 48 : index
        %get3A_421 = tpu.vector_load %arg4[%get3A_418, %get3A_419, %get3A_420] {strides = array<i32>} : memref<16x8x128xf32, #tpu.memory_space<vmem>>, vector<16xf32>,
        %mul3A_422 = arith.constant 1024 : i32
        %mul3A_423 = arith.muli %while3A_33, %mul3A_422 : i32
        %add3A_424 = arith.constant 388 : i32
        %add3A_425 = arith.addi %mul3A_423, %add3A_424 : i32
        %broadcast_in_dim3A_426 = vector.broadcast %add3A_425 : i32 to vector<16xi32>
        %add3A_427 = arith.addi %broadcast_in_dim3A_426, %mul3A_3 : vector<16xi32>
        tpu.vector_store_idx %arg5[%add3A_427], %get3A_421 : memref<16384xf32, #tpu.memory_space<vmem>>[vector<16xi32>], vector<16xf32>,
        %get3A_428 = arith.constant 4 : i64
        %get3A_429 = arith.index_cast %while3A_33 : i32 to index
        %get3A_430 = arith.index_cast %get3A_428 : i64 to index
        %get3A_431 = arith.constant 64 : index
        %get3A_432 = tpu.vector_load %arg4[%get3A_429, %get3A_430, %get3A_431] {strides = array<i32>} : memref<16x8x128xf32, #tpu.memory_space<vmem>>, vector<16xf32>,
        %mul3A_433 = arith.constant 1024 : i32
        %mul3A_434 = arith.muli %while3A_33, %mul3A_433 : i32
        %add3A_435 = arith.constant 516 : i32
        %add3A_436 = arith.addi %mul3A_434, %add3A_435 : i32
        %broadcast_in_dim3A_437 = vector.broadcast %add3A_436 : i32 to vector<16xi32>
        %add3A_438 = arith.addi %broadcast_in_dim3A_437, %mul3A_3 : vector<16xi32>
        tpu.vector_store_idx %arg5[%add3A_438], %get3A_432 : memref<16384xf32, #tpu.memory_space<vmem>>[vector<16xi32>], vector<16xf32>,
        %get3A_439 = arith.constant 4 : i64
        %get3A_440 = arith.index_cast %while3A_33 : i32 to index
        %get3A_441 = arith.index_cast %get3A_439 : i64 to index
        %get3A_442 = arith.constant 80 : index
        %get3A_443 = tpu.vector_load %arg4[%get3A_440, %get3A_441, %get3A_442] {strides = array<i32>} : memref<16x8x128xf32, #tpu.memory_space<vmem>>, vector<16xf32>,
        %mul3A_444 = arith.constant 1024 : i32
        %mul3A_445 = arith.muli %while3A_33, %mul3A_444 : i32
        %add3A_446 = arith.constant 644 : i32
        %add3A_447 = arith.addi %mul3A_445, %add3A_446 : i32
        %broadcast_in_dim3A_448 = vector.broadcast %add3A_447 : i32 to vector<16xi32>
        %add3A_449 = arith.addi %broadcast_in_dim3A_448, %mul3A_3 : vector<16xi32>
        tpu.vector_store_idx %arg5[%add3A_449], %get3A_443 : memref<16384xf32, #tpu.memory_space<vmem>>[vector<16xi32>], vector<16xf32>,
        %get3A_450 = arith.constant 4 : i64
        %get3A_451 = arith.index_cast %while3A_33 : i32 to index
        %get3A_452 = arith.index_cast %get3A_450 : i64 to index
        %get3A_453 = arith.constant 96 : index
        %get3A_454 = tpu.vector_load %arg4[%get3A_451, %get3A_452, %get3A_453] {strides = array<i32>} : memref<16x8x128xf32, #tpu.memory_space<vmem>>, vector<16xf32>,
        %mul3A_455 = arith.constant 1024 : i32
        %mul3A_456 = arith.muli %while3A_33, %mul3A_455 : i32
        %add3A_457 = arith.constant 772 : i32
        %add3A_458 = arith.addi %mul3A_456, %add3A_457 : i32
        %broadcast_in_dim3A_459 = vector.broadcast %add3A_458 : i32 to vector<16xi32>
        %add3A_460 = arith.addi %broadcast_in_dim3A_459, %mul3A_3 : vector<16xi32>
        tpu.vector_store_idx %arg5[%add3A_460], %get3A_454 : memref<16384xf32, #tpu.memory_space<vmem>>[vector<16xi32>], vector<16xf32>,
        %get3A_461 = arith.constant 4 : i64
        %get3A_462 = arith.index_cast %while3A_33 : i32 to index
        %get3A_463 = arith.index_cast %get3A_461 : i64 to index
        %get3A_464 = arith.constant 112 : index
        %get3A_465 = tpu.vector_load %arg4[%get3A_462, %get3A_463, %get3A_464] {strides = array<i32>} : memref<16x8x128xf32, #tpu.memory_space<vmem>>, vector<16xf32>,
        %mul3A_466 = arith.constant 1024 : i32
        %mul3A_467 = arith.muli %while3A_33, %mul3A_466 : i32
        %add3A_468 = arith.constant 900 : i32
        %add3A_469 = arith.addi %mul3A_467, %add3A_468 : i32
        %broadcast_in_dim3A_470 = vector.broadcast %add3A_469 : i32 to vector<16xi32>
        %add3A_471 = arith.addi %broadcast_in_dim3A_470, %mul3A_3 : vector<16xi32>
        tpu.vector_store_idx %arg5[%add3A_471], %get3A_465 : memref<16384xf32, #tpu.memory_space<vmem>>[vector<16xi32>], vector<16xf32>,
        %get3A_472 = arith.constant 5 : i64
        %get3A_473 = arith.index_cast %while3A_33 : i32 to index
        %get3A_474 = arith.index_cast %get3A_472 : i64 to index
        %get3A_475 = arith.constant 0 : index
        %get3A_476 = tpu.vector_load %arg4[%get3A_473, %get3A_474, %get3A_475] {strides = array<i32>} : memref<16x8x128xf32, #tpu.memory_space<vmem>>, vector<16xf32>,
        %mul3A_477 = arith.constant 1024 : i32
        %mul3A_478 = arith.muli %while3A_33, %mul3A_477 : i32
        %add3A_479 = arith.constant 5 : i32
        %add3A_480 = arith.addi %mul3A_478, %add3A_479 : i32
        %broadcast_in_dim3A_481 = vector.broadcast %add3A_480 : i32 to vector<16xi32>
        %add3A_482 = arith.addi %broadcast_in_dim3A_481, %mul3A_3 : vector<16xi32>
        tpu.vector_store_idx %arg5[%add3A_482], %get3A_476 : memref<16384xf32, #tpu.memory_space<vmem>>[vector<16xi32>], vector<16xf32>,
        %get3A_483 = arith.constant 5 : i64
        %get3A_484 = arith.index_cast %while3A_33 : i32 to index
        %get3A_485 = arith.index_cast %get3A_483 : i64 to index
        %get3A_486 = arith.constant 16 : index
        %get3A_487 = tpu.vector_load %arg4[%get3A_484, %get3A_485, %get3A_486] {strides = array<i32>} : memref<16x8x128xf32, #tpu.memory_space<vmem>>, vector<16xf32>,
        %mul3A_488 = arith.constant 1024 : i32
        %mul3A_489 = arith.muli %while3A_33, %mul3A_488 : i32
        %add3A_490 = arith.constant 133 : i32
        %add3A_491 = arith.addi %mul3A_489, %add3A_490 : i32
        %broadcast_in_dim3A_492 = vector.broadcast %add3A_491 : i32 to vector<16xi32>
        %add3A_493 = arith.addi %broadcast_in_dim3A_492, %mul3A_3 : vector<16xi32>
        tpu.vector_store_idx %arg5[%add3A_493], %get3A_487 : memref<16384xf32, #tpu.memory_space<vmem>>[vector<16xi32>], vector<16xf32>,
        %get3A_494 = arith.constant 5 : i64
        %get3A_495 = arith.index_cast %while3A_33 : i32 to index
        %get3A_496 = arith.index_cast %get3A_494 : i64 to index
        %get3A_497 = arith.constant 32 : index
        %get3A_498 = tpu.vector_load %arg4[%get3A_495, %get3A_496, %get3A_497] {strides = array<i32>} : memref<16x8x128xf32, #tpu.memory_space<vmem>>, vector<16xf32>,
        %mul3A_499 = arith.constant 1024 : i32
        %mul3A_500 = arith.muli %while3A_33, %mul3A_499 : i32
        %add3A_501 = arith.constant 261 : i32
        %add3A_502 = arith.addi %mul3A_500, %add3A_501 : i32
        %broadcast_in_dim3A_503 = vector.broadcast %add3A_502 : i32 to vector<16xi32>
        %add3A_504 = arith.addi %broadcast_in_dim3A_503, %mul3A_3 : vector<16xi32>
        tpu.vector_store_idx %arg5[%add3A_504], %get3A_498 : memref<16384xf32, #tpu.memory_space<vmem>>[vector<16xi32>], vector<16xf32>,
        %get3A_505 = arith.constant 5 : i64
        %get3A_506 = arith.index_cast %while3A_33 : i32 to index
        %get3A_507 = arith.index_cast %get3A_505 : i64 to index
        %get3A_508 = arith.constant 48 : index
        %get3A_509 = tpu.vector_load %arg4[%get3A_506, %get3A_507, %get3A_508] {strides = array<i32>} : memref<16x8x128xf32, #tpu.memory_space<vmem>>, vector<16xf32>,
        %mul3A_510 = arith.constant 1024 : i32
        %mul3A_511 = arith.muli %while3A_33, %mul3A_510 : i32
        %add3A_512 = arith.constant 389 : i32
        %add3A_513 = arith.addi %mul3A_511, %add3A_512 : i32
        %broadcast_in_dim3A_514 = vector.broadcast %add3A_513 : i32 to vector<16xi32>
        %add3A_515 = arith.addi %broadcast_in_dim3A_514, %mul3A_3 : vector<16xi32>
        tpu.vector_store_idx %arg5[%add3A_515], %get3A_509 : memref<16384xf32, #tpu.memory_space<vmem>>[vector<16xi32>], vector<16xf32>,
        %get3A_516 = arith.constant 5 : i64
        %get3A_517 = arith.index_cast %while3A_33 : i32 to index
        %get3A_518 = arith.index_cast %get3A_516 : i64 to index
        %get3A_519 = arith.constant 64 : index
        %get3A_520 = tpu.vector_load %arg4[%get3A_517, %get3A_518, %get3A_519] {strides = array<i32>} : memref<16x8x128xf32, #tpu.memory_space<vmem>>, vector<16xf32>,
        %mul3A_521 = arith.constant 1024 : i32
        %mul3A_522 = arith.muli %while3A_33, %mul3A_521 : i32
        %add3A_523 = arith.constant 517 : i32
        %add3A_524 = arith.addi %mul3A_522, %add3A_523 : i32
        %broadcast_in_dim3A_525 = vector.broadcast %add3A_524 : i32 to vector<16xi32>
        %add3A_526 = arith.addi %broadcast_in_dim3A_525, %mul3A_3 : vector<16xi32>
        tpu.vector_store_idx %arg5[%add3A_526], %get3A_520 : memref<16384xf32, #tpu.memory_space<vmem>>[vector<16xi32>], vector<16xf32>,
        %get3A_527 = arith.constant 5 : i64
        %get3A_528 = arith.index_cast %while3A_33 : i32 to index
        %get3A_529 = arith.index_cast %get3A_527 : i64 to index
        %get3A_530 = arith.constant 80 : index
        %get3A_531 = tpu.vector_load %arg4[%get3A_528, %get3A_529, %get3A_530] {strides = array<i32>} : memref<16x8x128xf32, #tpu.memory_space<vmem>>, vector<16xf32>,
        %mul3A_532 = arith.constant 1024 : i32
        %mul3A_533 = arith.muli %while3A_33, %mul3A_532 : i32
        %add3A_534 = arith.constant 645 : i32
        %add3A_535 = arith.addi %mul3A_533, %add3A_534 : i32
        %broadcast_in_dim3A_536 = vector.broadcast %add3A_535 : i32 to vector<16xi32>
        %add3A_537 = arith.addi %broadcast_in_dim3A_536, %mul3A_3 : vector<16xi32>
        tpu.vector_store_idx %arg5[%add3A_537], %get3A_531 : memref<16384xf32, #tpu.memory_space<vmem>>[vector<16xi32>], vector<16xf32>,
        %get3A_538 = arith.constant 5 : i64
        %get3A_539 = arith.index_cast %while3A_33 : i32 to index
        %get3A_540 = arith.index_cast %get3A_538 : i64 to index
        %get3A_541 = arith.constant 96 : index
        %get3A_542 = tpu.vector_load %arg4[%get3A_539, %get3A_540, %get3A_541] {strides = array<i32>} : memref<16x8x128xf32, #tpu.memory_space<vmem>>, vector<16xf32>,
        %mul3A_543 = arith.constant 1024 : i32
        %mul3A_544 = arith.muli %while3A_33, %mul3A_543 : i32
        %add3A_545 = arith.constant 773 : i32
        %add3A_546 = arith.addi %mul3A_544, %add3A_545 : i32
        %broadcast_in_dim3A_547 = vector.broadcast %add3A_546 : i32 to vector<16xi32>
        %add3A_548 = arith.addi %broadcast_in_dim3A_547, %mul3A_3 : vector<16xi32>
        tpu.vector_store_idx %arg5[%add3A_548], %get3A_542 : memref<16384xf32, #tpu.memory_space<vmem>>[vector<16xi32>], vector<16xf32>,
        %get3A_549 = arith.constant 5 : i64
        %get3A_550 = arith.index_cast %while3A_33 : i32 to index
        %get3A_551 = arith.index_cast %get3A_549 : i64 to index
        %get3A_552 = arith.constant 112 : index
        %get3A_553 = tpu.vector_load %arg4[%get3A_550, %get3A_551, %get3A_552] {strides = array<i32>} : memref<16x8x128xf32, #tpu.memory_space<vmem>>, vector<16xf32>,
        %mul3A_554 = arith.constant 1024 : i32
        %mul3A_555 = arith.muli %while3A_33, %mul3A_554 : i32
        %add3A_556 = arith.constant 901 : i32
        %add3A_557 = arith.addi %mul3A_555, %add3A_556 : i32
        %broadcast_in_dim3A_558 = vector.broadcast %add3A_557 : i32 to vector<16xi32>
        %add3A_559 = arith.addi %broadcast_in_dim3A_558, %mul3A_3 : vector<16xi32>
        tpu.vector_store_idx %arg5[%add3A_559], %get3A_553 : memref<16384xf32, #tpu.memory_space<vmem>>[vector<16xi32>], vector<16xf32>,
        %get3A_560 = arith.constant 6 : i64
        %get3A_561 = arith.index_cast %while3A_33 : i32 to index
        %get3A_562 = arith.index_cast %get3A_560 : i64 to index
        %get3A_563 = arith.constant 0 : index
        %get3A_564 = tpu.vector_load %arg4[%get3A_561, %get3A_562, %get3A_563] {strides = array<i32>} : memref<16x8x128xf32, #tpu.memory_space<vmem>>, vector<16xf32>,
        %mul3A_565 = arith.constant 1024 : i32
        %mul3A_566 = arith.muli %while3A_33, %mul3A_565 : i32
        %add3A_567 = arith.constant 6 : i32
        %add3A_568 = arith.addi %mul3A_566, %add3A_567 : i32
        %broadcast_in_dim3A_569 = vector.broadcast %add3A_568 : i32 to vector<16xi32>
        %add3A_570 = arith.addi %broadcast_in_dim3A_569, %mul3A_3 : vector<16xi32>
        tpu.vector_store_idx %arg5[%add3A_570], %get3A_564 : memref<16384xf32, #tpu.memory_space<vmem>>[vector<16xi32>], vector<16xf32>,
        %get3A_571 = arith.constant 6 : i64
        %get3A_572 = arith.index_cast %while3A_33 : i32 to index
        %get3A_573 = arith.index_cast %get3A_571 : i64 to index
        %get3A_574 = arith.constant 16 : index
        %get3A_575 = tpu.vector_load %arg4[%get3A_572, %get3A_573, %get3A_574] {strides = array<i32>} : memref<16x8x128xf32, #tpu.memory_space<vmem>>, vector<16xf32>,
        %mul3A_576 = arith.constant 1024 : i32
        %mul3A_577 = arith.muli %while3A_33, %mul3A_576 : i32
        %add3A_578 = arith.constant 134 : i32
        %add3A_579 = arith.addi %mul3A_577, %add3A_578 : i32
        %broadcast_in_dim3A_580 = vector.broadcast %add3A_579 : i32 to vector<16xi32>
        %add3A_581 = arith.addi %broadcast_in_dim3A_580, %mul3A_3 : vector<16xi32>
        tpu.vector_store_idx %arg5[%add3A_581], %get3A_575 : memref<16384xf32, #tpu.memory_space<vmem>>[vector<16xi32>], vector<16xf32>,
        %get3A_582 = arith.constant 6 : i64
        %get3A_583 = arith.index_cast %while3A_33 : i32 to index
        %get3A_584 = arith.index_cast %get3A_582 : i64 to index
        %get3A_585 = arith.constant 32 : index
        %get3A_586 = tpu.vector_load %arg4[%get3A_583, %get3A_584, %get3A_585] {strides = array<i32>} : memref<16x8x128xf32, #tpu.memory_space<vmem>>, vector<16xf32>,
        %mul3A_587 = arith.constant 1024 : i32
        %mul3A_588 = arith.muli %while3A_33, %mul3A_587 : i32
        %add3A_589 = arith.constant 262 : i32
        %add3A_590 = arith.addi %mul3A_588, %add3A_589 : i32
        %broadcast_in_dim3A_591 = vector.broadcast %add3A_590 : i32 to vector<16xi32>
        %add3A_592 = arith.addi %broadcast_in_dim3A_591, %mul3A_3 : vector<16xi32>
        tpu.vector_store_idx %arg5[%add3A_592], %get3A_586 : memref<16384xf32, #tpu.memory_space<vmem>>[vector<16xi32>], vector<16xf32>,
        %get3A_593 = arith.constant 6 : i64
        %get3A_594 = arith.index_cast %while3A_33 : i32 to index
        %get3A_595 = arith.index_cast %get3A_593 : i64 to index
        %get3A_596 = arith.constant 48 : index
        %get3A_597 = tpu.vector_load %arg4[%get3A_594, %get3A_595, %get3A_596] {strides = array<i32>} : memref<16x8x128xf32, #tpu.memory_space<vmem>>, vector<16xf32>,
        %mul3A_598 = arith.constant 1024 : i32
        %mul3A_599 = arith.muli %while3A_33, %mul3A_598 : i32
        %add3A_600 = arith.constant 390 : i32
        %add3A_601 = arith.addi %mul3A_599, %add3A_600 : i32
        %broadcast_in_dim3A_602 = vector.broadcast %add3A_601 : i32 to vector<16xi32>
        %add3A_603 = arith.addi %broadcast_in_dim3A_602, %mul3A_3 : vector<16xi32>
        tpu.vector_store_idx %arg5[%add3A_603], %get3A_597 : memref<16384xf32, #tpu.memory_space<vmem>>[vector<16xi32>], vector<16xf32>,
        %get3A_604 = arith.constant 6 : i64
        %get3A_605 = arith.index_cast %while3A_33 : i32 to index
        %get3A_606 = arith.index_cast %get3A_604 : i64 to index
        %get3A_607 = arith.constant 64 : index
        %get3A_608 = tpu.vector_load %arg4[%get3A_605, %get3A_606, %get3A_607] {strides = array<i32>} : memref<16x8x128xf32, #tpu.memory_space<vmem>>, vector<16xf32>,
        %mul3A_609 = arith.constant 1024 : i32
        %mul3A_610 = arith.muli %while3A_33, %mul3A_609 : i32
        %add3A_611 = arith.constant 518 : i32
        %add3A_612 = arith.addi %mul3A_610, %add3A_611 : i32
        %broadcast_in_dim3A_613 = vector.broadcast %add3A_612 : i32 to vector<16xi32>
        %add3A_614 = arith.addi %broadcast_in_dim3A_613, %mul3A_3 : vector<16xi32>
        tpu.vector_store_idx %arg5[%add3A_614], %get3A_608 : memref<16384xf32, #tpu.memory_space<vmem>>[vector<16xi32>], vector<16xf32>,
        %get3A_615 = arith.constant 6 : i64
        %get3A_616 = arith.index_cast %while3A_33 : i32 to index
        %get3A_617 = arith.index_cast %get3A_615 : i64 to index
        %get3A_618 = arith.constant 80 : index
        %get3A_619 = tpu.vector_load %arg4[%get3A_616, %get3A_617, %get3A_618] {strides = array<i32>} : memref<16x8x128xf32, #tpu.memory_space<vmem>>, vector<16xf32>,
        %mul3A_620 = arith.constant 1024 : i32
        %mul3A_621 = arith.muli %while3A_33, %mul3A_620 : i32
        %add3A_622 = arith.constant 646 : i32
        %add3A_623 = arith.addi %mul3A_621, %add3A_622 : i32
        %broadcast_in_dim3A_624 = vector.broadcast %add3A_623 : i32 to vector<16xi32>
        %add3A_625 = arith.addi %broadcast_in_dim3A_624, %mul3A_3 : vector<16xi32>
        tpu.vector_store_idx %arg5[%add3A_625], %get3A_619 : memref<16384xf32, #tpu.memory_space<vmem>>[vector<16xi32>], vector<16xf32>,
        %get3A_626 = arith.constant 6 : i64
        %get3A_627 = arith.index_cast %while3A_33 : i32 to index
        %get3A_628 = arith.index_cast %get3A_626 : i64 to index
        %get3A_629 = arith.constant 96 : index
        %get3A_630 = tpu.vector_load %arg4[%get3A_627, %get3A_628, %get3A_629] {strides = array<i32>} : memref<16x8x128xf32, #tpu.memory_space<vmem>>, vector<16xf32>,
        %mul3A_631 = arith.constant 1024 : i32
        %mul3A_632 = arith.muli %while3A_33, %mul3A_631 : i32
        %add3A_633 = arith.constant 774 : i32
        %add3A_634 = arith.addi %mul3A_632, %add3A_633 : i32
        %broadcast_in_dim3A_635 = vector.broadcast %add3A_634 : i32 to vector<16xi32>
        %add3A_636 = arith.addi %broadcast_in_dim3A_635, %mul3A_3 : vector<16xi32>
        tpu.vector_store_idx %arg5[%add3A_636], %get3A_630 : memref<16384xf32, #tpu.memory_space<vmem>>[vector<16xi32>], vector<16xf32>,
        %get3A_637 = arith.constant 6 : i64
        %get3A_638 = arith.index_cast %while3A_33 : i32 to index
        %get3A_639 = arith.index_cast %get3A_637 : i64 to index
        %get3A_640 = arith.constant 112 : index
        %get3A_641 = tpu.vector_load %arg4[%get3A_638, %get3A_639, %get3A_640] {strides = array<i32>} : memref<16x8x128xf32, #tpu.memory_space<vmem>>, vector<16xf32>,
        %mul3A_642 = arith.constant 1024 : i32
        %mul3A_643 = arith.muli %while3A_33, %mul3A_642 : i32
        %add3A_644 = arith.constant 902 : i32
        %add3A_645 = arith.addi %mul3A_643, %add3A_644 : i32
        %broadcast_in_dim3A_646 = vector.broadcast %add3A_645 : i32 to vector<16xi32>
        %add3A_647 = arith.addi %broadcast_in_dim3A_646, %mul3A_3 : vector<16xi32>
        tpu.vector_store_idx %arg5[%add3A_647], %get3A_641 : memref<16384xf32, #tpu.memory_space<vmem>>[vector<16xi32>], vector<16xf32>,
        %get3A_648 = arith.constant 7 : i64
        %get3A_649 = arith.index_cast %while3A_33 : i32 to index
        %get3A_650 = arith.index_cast %get3A_648 : i64 to index
        %get3A_651 = arith.constant 0 : index
        %get3A_652 = tpu.vector_load %arg4[%get3A_649, %get3A_650, %get3A_651] {strides = array<i32>} : memref<16x8x128xf32, #tpu.memory_space<vmem>>, vector<16xf32>,
        %mul3A_653 = arith.constant 1024 : i32
        %mul3A_654 = arith.muli %while3A_33, %mul3A_653 : i32
        %add3A_655 = arith.constant 7 : i32
        %add3A_656 = arith.addi %mul3A_654, %add3A_655 : i32
        %broadcast_in_dim3A_657 = vector.broadcast %add3A_656 : i32 to vector<16xi32>
        %add3A_658 = arith.addi %broadcast_in_dim3A_657, %mul3A_3 : vector<16xi32>
        tpu.vector_store_idx %arg5[%add3A_658], %get3A_652 : memref<16384xf32, #tpu.memory_space<vmem>>[vector<16xi32>], vector<16xf32>,
        %get3A_659 = arith.constant 7 : i64
        %get3A_660 = arith.index_cast %while3A_33 : i32 to index
        %get3A_661 = arith.index_cast %get3A_659 : i64 to index
        %get3A_662 = arith.constant 16 : index
        %get3A_663 = tpu.vector_load %arg4[%get3A_660, %get3A_661, %get3A_662] {strides = array<i32>} : memref<16x8x128xf32, #tpu.memory_space<vmem>>, vector<16xf32>,
        %mul3A_664 = arith.constant 1024 : i32
        %mul3A_665 = arith.muli %while3A_33, %mul3A_664 : i32
        %add3A_666 = arith.constant 135 : i32
        %add3A_667 = arith.addi %mul3A_665, %add3A_666 : i32
        %broadcast_in_dim3A_668 = vector.broadcast %add3A_667 : i32 to vector<16xi32>
        %add3A_669 = arith.addi %broadcast_in_dim3A_668, %mul3A_3 : vector<16xi32>
        tpu.vector_store_idx %arg5[%add3A_669], %get3A_663 : memref<16384xf32, #tpu.memory_space<vmem>>[vector<16xi32>], vector<16xf32>,
        %get3A_670 = arith.constant 7 : i64
        %get3A_671 = arith.index_cast %while3A_33 : i32 to index
        %get3A_672 = arith.index_cast %get3A_670 : i64 to index
        %get3A_673 = arith.constant 32 : index
        %get3A_674 = tpu.vector_load %arg4[%get3A_671, %get3A_672, %get3A_673] {strides = array<i32>} : memref<16x8x128xf32, #tpu.memory_space<vmem>>, vector<16xf32>,
        %mul3A_675 = arith.constant 1024 : i32
        %mul3A_676 = arith.muli %while3A_33, %mul3A_675 : i32
        %add3A_677 = arith.constant 263 : i32
        %add3A_678 = arith.addi %mul3A_676, %add3A_677 : i32
        %broadcast_in_dim3A_679 = vector.broadcast %add3A_678 : i32 to vector<16xi32>
        %add3A_680 = arith.addi %broadcast_in_dim3A_679, %mul3A_3 : vector<16xi32>
        tpu.vector_store_idx %arg5[%add3A_680], %get3A_674 : memref<16384xf32, #tpu.memory_space<vmem>>[vector<16xi32>], vector<16xf32>,
        %get3A_681 = arith.constant 7 : i64
        %get3A_682 = arith.index_cast %while3A_33 : i32 to index
        %get3A_683 = arith.index_cast %get3A_681 : i64 to index
        %get3A_684 = arith.constant 48 : index
        %get3A_685 = tpu.vector_load %arg4[%get3A_682, %get3A_683, %get3A_684] {strides = array<i32>} : memref<16x8x128xf32, #tpu.memory_space<vmem>>, vector<16xf32>,
        %mul3A_686 = arith.constant 1024 : i32
        %mul3A_687 = arith.muli %while3A_33, %mul3A_686 : i32
        %add3A_688 = arith.constant 391 : i32
        %add3A_689 = arith.addi %mul3A_687, %add3A_688 : i32
        %broadcast_in_dim3A_690 = vector.broadcast %add3A_689 : i32 to vector<16xi32>
        %add3A_691 = arith.addi %broadcast_in_dim3A_690, %mul3A_3 : vector<16xi32>
        tpu.vector_store_idx %arg5[%add3A_691], %get3A_685 : memref<16384xf32, #tpu.memory_space<vmem>>[vector<16xi32>], vector<16xf32>,
        %get3A_692 = arith.constant 7 : i64
        %get3A_693 = arith.index_cast %while3A_33 : i32 to index
        %get3A_694 = arith.index_cast %get3A_692 : i64 to index
        %get3A_695 = arith.constant 64 : index
        %get3A_696 = tpu.vector_load %arg4[%get3A_693, %get3A_694, %get3A_695] {strides = array<i32>} : memref<16x8x128xf32, #tpu.memory_space<vmem>>, vector<16xf32>,
        %mul3A_697 = arith.constant 1024 : i32
        %mul3A_698 = arith.muli %while3A_33, %mul3A_697 : i32
        %add3A_699 = arith.constant 519 : i32
        %add3A_700 = arith.addi %mul3A_698, %add3A_699 : i32
        %broadcast_in_dim3A_701 = vector.broadcast %add3A_700 : i32 to vector<16xi32>
        %add3A_702 = arith.addi %broadcast_in_dim3A_701, %mul3A_3 : vector<16xi32>
        tpu.vector_store_idx %arg5[%add3A_702], %get3A_696 : memref<16384xf32, #tpu.memory_space<vmem>>[vector<16xi32>], vector<16xf32>,
        %get3A_703 = arith.constant 7 : i64
        %get3A_704 = arith.index_cast %while3A_33 : i32 to index
        %get3A_705 = arith.index_cast %get3A_703 : i64 to index
        %get3A_706 = arith.constant 80 : index
        %get3A_707 = tpu.vector_load %arg4[%get3A_704, %get3A_705, %get3A_706] {strides = array<i32>} : memref<16x8x128xf32, #tpu.memory_space<vmem>>, vector<16xf32>,
        %mul3A_708 = arith.constant 1024 : i32
        %mul3A_709 = arith.muli %while3A_33, %mul3A_708 : i32
        %add3A_710 = arith.constant 647 : i32
        %add3A_711 = arith.addi %mul3A_709, %add3A_710 : i32
        %broadcast_in_dim3A_712 = vector.broadcast %add3A_711 : i32 to vector<16xi32>
        %add3A_713 = arith.addi %broadcast_in_dim3A_712, %mul3A_3 : vector<16xi32>
        tpu.vector_store_idx %arg5[%add3A_713], %get3A_707 : memref<16384xf32, #tpu.memory_space<vmem>>[vector<16xi32>], vector<16xf32>,
        %get3A_714 = arith.constant 7 : i64
        %get3A_715 = arith.index_cast %while3A_33 : i32 to index
        %get3A_716 = arith.index_cast %get3A_714 : i64 to index
        %get3A_717 = arith.constant 96 : index
        %get3A_718 = tpu.vector_load %arg4[%get3A_715, %get3A_716, %get3A_717] {strides = array<i32>} : memref<16x8x128xf32, #tpu.memory_space<vmem>>, vector<16xf32>,
        %mul3A_719 = arith.constant 1024 : i32
        %mul3A_720 = arith.muli %while3A_33, %mul3A_719 : i32
        %add3A_721 = arith.constant 775 : i32
        %add3A_722 = arith.addi %mul3A_720, %add3A_721 : i32
        %broadcast_in_dim3A_723 = vector.broadcast %add3A_722 : i32 to vector<16xi32>
        %add3A_724 = arith.addi %broadcast_in_dim3A_723, %mul3A_3 : vector<16xi32>
        tpu.vector_store_idx %arg5[%add3A_724], %get3A_718 : memref<16384xf32, #tpu.memory_space<vmem>>[vector<16xi32>], vector<16xf32>,
        %get3A_725 = arith.constant 7 : i64
        %get3A_726 = arith.index_cast %while3A_33 : i32 to index
        %get3A_727 = arith.index_cast %get3A_725 : i64 to index
        %get3A_728 = arith.constant 112 : index
        %get3A_729 = tpu.vector_load %arg4[%get3A_726, %get3A_727, %get3A_728] {strides = array<i32>} : memref<16x8x128xf32, #tpu.memory_space<vmem>>, vector<16xf32>,
        %mul3A_730 = arith.constant 1024 : i32
        %mul3A_731 = arith.muli %while3A_33, %mul3A_730 : i32
        %add3A_732 = arith.constant 903 : i32
        %add3A_733 = arith.addi %mul3A_731, %add3A_732 : i32
        %broadcast_in_dim3A_734 = vector.broadcast %add3A_733 : i32 to vector<16xi32>
        %add3A_735 = arith.addi %broadcast_in_dim3A_734, %mul3A_3 : vector<16xi32>
        tpu.vector_store_idx %arg5[%add3A_735], %get3A_729 : memref<16384xf32, #tpu.memory_space<vmem>>[vector<16xi32>], vector<16xf32>,
      }
      %mul3A_31 = arith.constant 1024 : i32
      %mul3A_32 = arith.muli %add3A_19, %mul3A_31 : i32
      "tpu.region"() ({
        %run_scoped3A = tpu.sem_alloc : memref<!tpu.dma_semaphore, #tpu.memory_space<semaphore_mem>>
        %dma_start3A = tpu.memref_slice %arg3[%mul3A_32] : memref<16777216xf32, #tpu.memory_space<hbm>> -> memref<16384xf32, #tpu.memory_space<hbm>>
        %dma_start3A_33 = tpu.memref_slice %arg3[%mul3A_32] : memref<16777216xf32, #tpu.memory_space<hbm>> -> memref<16384xf32, #tpu.memory_space<hbm>>
        tpu.enqueue_dma source(%arg5 : memref<16384xf32, #tpu.memory_space<vmem>>) target(%dma_start3A_33 : memref<16384xf32, #tpu.memory_space<hbm>>) target_semaphore(%run_scoped3A : memref<!tpu.dma_semaphore, #tpu.memory_space<semaphore_mem>>)
        %dma_wait3A = tpu.memref_slice %arg3[%mul3A_32] : memref<16777216xf32, #tpu.memory_space<hbm>> -> memref<16384xf32, #tpu.memory_space<hbm>>
        %dma_wait3A_34 = tpu.memref_slice %arg3[%mul3A_32] : memref<16777216xf32, #tpu.memory_space<hbm>> -> memref<16384xf32, #tpu.memory_space<hbm>>
        tpu.wait_dma2 semaphore(%run_scoped3A : memref<!tpu.dma_semaphore, #tpu.memory_space<semaphore_mem>>) src(%arg5 : memref<16384xf32, #tpu.memory_space<vmem>>) dst(%dma_wait3A_34 : memref<16384xf32, #tpu.memory_space<hbm>>)
        tpu.yield
      }) : () -> ()
    }
    return
  }
}

#map = affine_map<(d0, d1) -> (0, 0)>
#map1 = affine_map<(d0, d1) -> (0)>
module attributes {stable_mosaic.version = 14 : i64} {
  func.func @_grid_lookup(%arg0: i32, %arg1: i32, %arg2: memref<3x1048576xf32, #tpu.memory_space<hbm>>, %arg3: memref<2097152x8xf32, #tpu.memory_space<hbm>>, %arg4: memref<8388608xf32, #tpu.memory_space<hbm>>, %arg5: memref<3x512xf32, #tpu.memory_space<vmem>>, %arg6: memref<32x128xi32, #tpu.memory_space<vmem>>, %arg7: memref<4096x8xf32, #tpu.memory_space<vmem>>, %arg8: memref<4096xf32, #tpu.memory_space<vmem>>, %arg9: memref<3x512xf32, #tpu.memory_space<vmem>>, %arg10: memref<!tpu.dma_semaphore, #tpu.memory_space<semaphore_mem>>) attributes {dimension_semantics = [#tpu.dimension_semantics<core_parallel>, #tpu.dimension_semantics<subcore_parallel>], iteration_bounds = array<i64: 2, 16>, scalar_prefetch = 0 : i64, scratch_operands = 6 : i64, tpu.core_type = #tpu.core_type<sc_vector_subcore>, window_params = [{transform_indices = #map}, {transform_indices = #map}, {transform_indices = #map1}]} {
    %mul3A = arith.constant 2 : i32
    %mul3A_0 = arith.muli %arg1, %mul3A : i32
    %add3A = arith.addi %mul3A_0, %arg0 : i32
    %mul3A_1 = arith.constant 32768 : i32
    %mul3A_2 = arith.muli %add3A, %mul3A_1 : i32
    %iota3A = tpu.iota {dimensions = array<i32: 0>} : vector<16xi32>
    %while3A = arith.constant 0 : i32
    %while3A_3 = arith.constant 0 : i32
    %while3A_4 = arith.constant 64 : i32
    %while3A_5 = arith.subi %while3A_4, %while3A_3 : i32
    %while3A_6 = arith.addi %while3A_3, %while3A_5 : i32
    %while3A_7 = arith.constant 1 : i32
    %while3A_8 = arith.divsi %while3A_5, %while3A_7 : i32
    %while3A_9 = arith.muli %while3A_8, %while3A_7 : i32
    %while3A_10 = arith.addi %while3A_3, %while3A_9 : i32
    %while3A_11 = arith.constant 1 : i32
    scf.for %while3A_13 = %while3A_3 to %while3A_10 step %while3A_11  : i32 {
      %mul3A_14 = arith.constant 512 : i32
      %mul3A_15 = arith.muli %while3A_13, %mul3A_14 : i32
      %add3A_16 = arith.addi %mul3A_2, %mul3A_15 : i32
      "tpu.region"() ({
        %run_scoped3A = tpu.sem_alloc : memref<!tpu.dma_semaphore, #tpu.memory_space<semaphore_mem>>
        %dma_start3A = arith.constant 0 : i32
        %dma_start3A_46 = tpu.memref_slice %arg2[%dma_start3A, %add3A_16] : memref<3x1048576xf32, #tpu.memory_space<hbm>> -> memref<3x512xf32, #tpu.memory_space<hbm>>
        %dma_start3A_47 = arith.constant 0 : i32
        %dma_start3A_48 = tpu.memref_slice %arg2[%dma_start3A_47, %add3A_16] : memref<3x1048576xf32, #tpu.memory_space<hbm>> -> memref<3x512xf32, #tpu.memory_space<hbm>>
        tpu.enqueue_dma source(%dma_start3A_48 : memref<3x512xf32, #tpu.memory_space<hbm>>) target(%arg9 : memref<3x512xf32, #tpu.memory_space<vmem>>) target_semaphore(%run_scoped3A : memref<!tpu.dma_semaphore, #tpu.memory_space<semaphore_mem>>)
        %dma_wait3A_49 = arith.constant 0 : i32
        %dma_wait3A_50 = tpu.memref_slice %arg2[%dma_wait3A_49, %add3A_16] : memref<3x1048576xf32, #tpu.memory_space<hbm>> -> memref<3x512xf32, #tpu.memory_space<hbm>>
        %dma_wait3A_51 = arith.constant 0 : i32
        %dma_wait3A_52 = tpu.memref_slice %arg2[%dma_wait3A_51, %add3A_16] : memref<3x1048576xf32, #tpu.memory_space<hbm>> -> memref<3x512xf32, #tpu.memory_space<hbm>>
        tpu.wait_dma2 semaphore(%run_scoped3A : memref<!tpu.dma_semaphore, #tpu.memory_space<semaphore_mem>>) src(%dma_wait3A_52 : memref<3x512xf32, #tpu.memory_space<hbm>>) dst(%arg9 : memref<3x512xf32, #tpu.memory_space<vmem>>)
        tpu.yield
      }) : () -> ()
      %while3A_17 = arith.constant 0 : i32
      %while3A_18 = arith.constant 0 : i32
      %while3A_19 = arith.constant 32 : i32
      %while3A_20 = arith.subi %while3A_19, %while3A_18 : i32
      %while3A_21 = arith.addi %while3A_18, %while3A_20 : i32
      %while3A_22 = arith.constant 1 : i32
      %while3A_23 = arith.divsi %while3A_20, %while3A_22 : i32
      %while3A_24 = arith.muli %while3A_23, %while3A_22 : i32
      %while3A_25 = arith.addi %while3A_18, %while3A_24 : i32
      %while3A_26 = arith.constant 1 : i32
      scf.for %while3A_46 = %while3A_18 to %while3A_25 step %while3A_26  : i32 {
        %mul3A_47 = arith.constant 16 : i32
        %mul3A_48 = arith.muli %while3A_46, %mul3A_47 : i32
        %get3A = arith.constant 0 : i64
        %get3A_49 = arith.index_cast %get3A : i64 to index
        %get3A_50 = arith.index_cast %mul3A_48 : i32 to index
        %get3A_51 = tpu.vector_load %arg9[%get3A_49, %get3A_50] {strides = array<i32>} : memref<3x512xf32, #tpu.memory_space<vmem>>, vector<16xf32>,
        %add3A_52 = arith.constant 1.000000e+00 : f32
        %add3A_53 = vector.broadcast %add3A_52 : f32 to vector<16xf32>
        %add3A_54 = arith.addf %get3A_51, %add3A_53 : vector<16xf32>
        %div3A = arith.constant 2.000000e+00 : f32
        %div3A_55 = vector.broadcast %div3A : f32 to vector<16xf32>
        %div3A_56 = arith.divf %add3A_54, %div3A_55 : vector<16xf32>
        %mul3A_57 = arith.constant 1.000000e+02 : f32
        %mul3A_58 = vector.broadcast %mul3A_57 : f32 to vector<16xf32>
        %mul3A_59 = arith.mulf %div3A_56, %mul3A_58 : vector<16xf32>
        %convert_element_type3A = arith.fptosi %mul3A_59 : vector<16xf32> to vector<16xi32>
        %convert_element_type3A_60 = arith.sitofp %convert_element_type3A : vector<16xi32> to vector<16xf32>
        %sub3A = arith.subf %mul3A_59, %convert_element_type3A_60 : vector<16xf32>
        %swap3A = arith.constant 0 : i64
        %swap3A_61 = arith.index_cast %swap3A : i64 to index
        %swap3A_62 = arith.index_cast %mul3A_48 : i32 to index
        %swap3A_63 = tpu.vector_load %arg5[%swap3A_61, %swap3A_62] {strides = array<i32>} : memref<3x512xf32, #tpu.memory_space<vmem>>, vector<16xf32>,
        tpu.vector_store %arg5[%swap3A_61, %swap3A_62], %sub3A {strides = array<i32>} : memref<3x512xf32, #tpu.memory_space<vmem>>, vector<16xf32>,
        %get3A_64 = arith.constant 1 : i64
        %get3A_65 = arith.index_cast %get3A_64 : i64 to index
        %get3A_66 = arith.index_cast %mul3A_48 : i32 to index
        %get3A_67 = tpu.vector_load %arg9[%get3A_65, %get3A_66] {strides = array<i32>} : memref<3x512xf32, #tpu.memory_space<vmem>>, vector<16xf32>,
        %add3A_68 = arith.constant 1.000000e+00 : f32
        %add3A_69 = vector.broadcast %add3A_68 : f32 to vector<16xf32>
        %add3A_70 = arith.addf %get3A_67, %add3A_69 : vector<16xf32>
        %div3A_71 = arith.constant 2.000000e+00 : f32
        %div3A_72 = vector.broadcast %div3A_71 : f32 to vector<16xf32>
        %div3A_73 = arith.divf %add3A_70, %div3A_72 : vector<16xf32>
        %mul3A_74 = arith.constant 1.000000e+02 : f32
        %mul3A_75 = vector.broadcast %mul3A_74 : f32 to vector<16xf32>
        %mul3A_76 = arith.mulf %div3A_73, %mul3A_75 : vector<16xf32>
        %convert_element_type3A_77 = arith.fptosi %mul3A_76 : vector<16xf32> to vector<16xi32>
        %convert_element_type3A_78 = arith.sitofp %convert_element_type3A_77 : vector<16xi32> to vector<16xf32>
        %sub3A_79 = arith.subf %mul3A_76, %convert_element_type3A_78 : vector<16xf32>
        %swap3A_80 = arith.constant 1 : i64
        %swap3A_81 = arith.index_cast %swap3A_80 : i64 to index
        %swap3A_82 = arith.index_cast %mul3A_48 : i32 to index
        %swap3A_83 = tpu.vector_load %arg5[%swap3A_81, %swap3A_82] {strides = array<i32>} : memref<3x512xf32, #tpu.memory_space<vmem>>, vector<16xf32>,
        tpu.vector_store %arg5[%swap3A_81, %swap3A_82], %sub3A_79 {strides = array<i32>} : memref<3x512xf32, #tpu.memory_space<vmem>>, vector<16xf32>,
        %get3A_84 = arith.constant 2 : i64
        %get3A_85 = arith.index_cast %get3A_84 : i64 to index
        %get3A_86 = arith.index_cast %mul3A_48 : i32 to index
        %get3A_87 = tpu.vector_load %arg9[%get3A_85, %get3A_86] {strides = array<i32>} : memref<3x512xf32, #tpu.memory_space<vmem>>, vector<16xf32>,
        %add3A_88 = arith.constant 1.000000e+00 : f32
        %add3A_89 = vector.broadcast %add3A_88 : f32 to vector<16xf32>
        %add3A_90 = arith.addf %get3A_87, %add3A_89 : vector<16xf32>
        %div3A_91 = arith.constant 2.000000e+00 : f32
        %div3A_92 = vector.broadcast %div3A_91 : f32 to vector<16xf32>
        %div3A_93 = arith.divf %add3A_90, %div3A_92 : vector<16xf32>
        %mul3A_94 = arith.constant 1.000000e+02 : f32
        %mul3A_95 = vector.broadcast %mul3A_94 : f32 to vector<16xf32>
        %mul3A_96 = arith.mulf %div3A_93, %mul3A_95 : vector<16xf32>
        %convert_element_type3A_97 = arith.fptosi %mul3A_96 : vector<16xf32> to vector<16xi32>
        %convert_element_type3A_98 = arith.sitofp %convert_element_type3A_97 : vector<16xi32> to vector<16xf32>
        %sub3A_99 = arith.subf %mul3A_96, %convert_element_type3A_98 : vector<16xf32>
        %swap3A_100 = arith.constant 2 : i64
        %swap3A_101 = arith.index_cast %swap3A_100 : i64 to index
        %swap3A_102 = arith.index_cast %mul3A_48 : i32 to index
        %swap3A_103 = tpu.vector_load %arg5[%swap3A_101, %swap3A_102] {strides = array<i32>} : memref<3x512xf32, #tpu.memory_space<vmem>>, vector<16xf32>,
        tpu.vector_store %arg5[%swap3A_101, %swap3A_102], %sub3A_99 {strides = array<i32>} : memref<3x512xf32, #tpu.memory_space<vmem>>, vector<16xf32>,
        %add3A_104 = arith.constant 1 : i32
        %add3A_105 = vector.broadcast %add3A_104 : i32 to vector<16xi32>
        %add3A_106 = arith.addi %convert_element_type3A, %add3A_105 : vector<16xi32>
        %mul3A_107 = arith.constant -1640531535 : i32
        %mul3A_108 = vector.broadcast %mul3A_107 : i32 to vector<16xi32>
        %mul3A_109 = arith.muli %convert_element_type3A_77, %mul3A_108 : vector<16xi32>
        %add3A_110 = arith.constant -1640531535 : i32
        %add3A_111 = vector.broadcast %add3A_110 : i32 to vector<16xi32>
        %add3A_112 = arith.addi %mul3A_109, %add3A_111 : vector<16xi32>
        %mul3A_113 = arith.constant 805459861 : i32
        %mul3A_114 = vector.broadcast %mul3A_113 : i32 to vector<16xi32>
        %mul3A_115 = arith.muli %convert_element_type3A_97, %mul3A_114 : vector<16xi32>
        %add3A_116 = arith.constant 805459861 : i32
        %add3A_117 = vector.broadcast %add3A_116 : i32 to vector<16xi32>
        %add3A_118 = arith.addi %mul3A_115, %add3A_117 : vector<16xi32>
        %xor3A = arith.xori %convert_element_type3A, %mul3A_109 : vector<16xi32>
        %xor3A_119 = arith.xori %xor3A, %mul3A_115 : vector<16xi32>
        %and3A = arith.constant 2097151 : i32
        %and3A_120 = vector.broadcast %and3A : i32 to vector<16xi32>
        %and3A_121 = arith.andi %xor3A_119, %and3A_120 : vector<16xi32>
        %swap3A_122 = arith.index_cast %while3A_46 : i32 to index
        %swap3A_123 = arith.constant 0 : index
        %swap3A_124 = tpu.vector_load %arg6[%swap3A_122, %swap3A_123] {strides = array<i32>} : memref<32x128xi32, #tpu.memory_space<vmem>>, vector<16xi32>,
        tpu.vector_store %arg6[%swap3A_122, %swap3A_123], %and3A_121 {strides = array<i32>} : memref<32x128xi32, #tpu.memory_space<vmem>>, vector<16xi32>,
        %xor3A_125 = arith.xori %convert_element_type3A, %mul3A_109 : vector<16xi32>
        %xor3A_126 = arith.xori %xor3A_125, %add3A_118 : vector<16xi32>
        %and3A_127 = arith.constant 2097151 : i32
        %and3A_128 = vector.broadcast %and3A_127 : i32 to vector<16xi32>
        %and3A_129 = arith.andi %xor3A_126, %and3A_128 : vector<16xi32>
        %swap3A_130 = arith.index_cast %while3A_46 : i32 to index
        %swap3A_131 = arith.constant 16 : index
        %swap3A_132 = tpu.vector_load %arg6[%swap3A_130, %swap3A_131] {strides = array<i32>} : memref<32x128xi32, #tpu.memory_space<vmem>>, vector<16xi32>,
        tpu.vector_store %arg6[%swap3A_130, %swap3A_131], %and3A_129 {strides = array<i32>} : memref<32x128xi32, #tpu.memory_space<vmem>>, vector<16xi32>,
        %xor3A_133 = arith.xori %convert_element_type3A, %add3A_112 : vector<16xi32>
        %xor3A_134 = arith.xori %xor3A_133, %mul3A_115 : vector<16xi32>
        %and3A_135 = arith.constant 2097151 : i32
        %and3A_136 = vector.broadcast %and3A_135 : i32 to vector<16xi32>
        %and3A_137 = arith.andi %xor3A_134, %and3A_136 : vector<16xi32>
        %swap3A_138 = arith.index_cast %while3A_46 : i32 to index
        %swap3A_139 = arith.constant 32 : index
        %swap3A_140 = tpu.vector_load %arg6[%swap3A_138, %swap3A_139] {strides = array<i32>} : memref<32x128xi32, #tpu.memory_space<vmem>>, vector<16xi32>,
        tpu.vector_store %arg6[%swap3A_138, %swap3A_139], %and3A_137 {strides = array<i32>} : memref<32x128xi32, #tpu.memory_space<vmem>>, vector<16xi32>,
        %xor3A_141 = arith.xori %convert_element_type3A, %add3A_112 : vector<16xi32>
        %xor3A_142 = arith.xori %xor3A_141, %add3A_118 : vector<16xi32>
        %and3A_143 = arith.constant 2097151 : i32
        %and3A_144 = vector.broadcast %and3A_143 : i32 to vector<16xi32>
        %and3A_145 = arith.andi %xor3A_142, %and3A_144 : vector<16xi32>
        %swap3A_146 = arith.index_cast %while3A_46 : i32 to index
        %swap3A_147 = arith.constant 48 : index
        %swap3A_148 = tpu.vector_load %arg6[%swap3A_146, %swap3A_147] {strides = array<i32>} : memref<32x128xi32, #tpu.memory_space<vmem>>, vector<16xi32>,
        tpu.vector_store %arg6[%swap3A_146, %swap3A_147], %and3A_145 {strides = array<i32>} : memref<32x128xi32, #tpu.memory_space<vmem>>, vector<16xi32>,
        %xor3A_149 = arith.xori %add3A_106, %mul3A_109 : vector<16xi32>
        %xor3A_150 = arith.xori %xor3A_149, %mul3A_115 : vector<16xi32>
        %and3A_151 = arith.constant 2097151 : i32
        %and3A_152 = vector.broadcast %and3A_151 : i32 to vector<16xi32>
        %and3A_153 = arith.andi %xor3A_150, %and3A_152 : vector<16xi32>
        %swap3A_154 = arith.index_cast %while3A_46 : i32 to index
        %swap3A_155 = arith.constant 64 : index
        %swap3A_156 = tpu.vector_load %arg6[%swap3A_154, %swap3A_155] {strides = array<i32>} : memref<32x128xi32, #tpu.memory_space<vmem>>, vector<16xi32>,
        tpu.vector_store %arg6[%swap3A_154, %swap3A_155], %and3A_153 {strides = array<i32>} : memref<32x128xi32, #tpu.memory_space<vmem>>, vector<16xi32>,
        %xor3A_157 = arith.xori %add3A_106, %mul3A_109 : vector<16xi32>
        %xor3A_158 = arith.xori %xor3A_157, %add3A_118 : vector<16xi32>
        %and3A_159 = arith.constant 2097151 : i32
        %and3A_160 = vector.broadcast %and3A_159 : i32 to vector<16xi32>
        %and3A_161 = arith.andi %xor3A_158, %and3A_160 : vector<16xi32>
        %swap3A_162 = arith.index_cast %while3A_46 : i32 to index
        %swap3A_163 = arith.constant 80 : index
        %swap3A_164 = tpu.vector_load %arg6[%swap3A_162, %swap3A_163] {strides = array<i32>} : memref<32x128xi32, #tpu.memory_space<vmem>>, vector<16xi32>,
        tpu.vector_store %arg6[%swap3A_162, %swap3A_163], %and3A_161 {strides = array<i32>} : memref<32x128xi32, #tpu.memory_space<vmem>>, vector<16xi32>,
        %xor3A_165 = arith.xori %add3A_106, %add3A_112 : vector<16xi32>
        %xor3A_166 = arith.xori %xor3A_165, %mul3A_115 : vector<16xi32>
        %and3A_167 = arith.constant 2097151 : i32
        %and3A_168 = vector.broadcast %and3A_167 : i32 to vector<16xi32>
        %and3A_169 = arith.andi %xor3A_166, %and3A_168 : vector<16xi32>
        %swap3A_170 = arith.index_cast %while3A_46 : i32 to index
        %swap3A_171 = arith.constant 96 : index
        %swap3A_172 = tpu.vector_load %arg6[%swap3A_170, %swap3A_171] {strides = array<i32>} : memref<32x128xi32, #tpu.memory_space<vmem>>, vector<16xi32>,
        tpu.vector_store %arg6[%swap3A_170, %swap3A_171], %and3A_169 {strides = array<i32>} : memref<32x128xi32, #tpu.memory_space<vmem>>, vector<16xi32>,
        %xor3A_173 = arith.xori %add3A_106, %add3A_112 : vector<16xi32>
        %xor3A_174 = arith.xori %xor3A_173, %add3A_118 : vector<16xi32>
        %and3A_175 = arith.constant 2097151 : i32
        %and3A_176 = vector.broadcast %and3A_175 : i32 to vector<16xi32>
        %and3A_177 = arith.andi %xor3A_174, %and3A_176 : vector<16xi32>
        %swap3A_178 = arith.index_cast %while3A_46 : i32 to index
        %swap3A_179 = arith.constant 112 : index
        %swap3A_180 = tpu.vector_load %arg6[%swap3A_178, %swap3A_179] {strides = array<i32>} : memref<32x128xi32, #tpu.memory_space<vmem>>, vector<16xi32>,
        tpu.vector_store %arg6[%swap3A_178, %swap3A_179], %and3A_177 {strides = array<i32>} : memref<32x128xi32, #tpu.memory_space<vmem>>, vector<16xi32>,
        %mul3A_181 = arith.constant 128 : i32
        %mul3A_182 = arith.muli %while3A_46, %mul3A_181 : i32
        %dma_start3A = arith.constant 0 : i32
        %dma_start3A_183 = tpu.memref_slice %arg7[%mul3A_182, %dma_start3A] : memref<4096x8xf32, #tpu.memory_space<vmem>> -> memref<128x8xf32, #tpu.memory_space<vmem>>
        %dma_start3A_184 = arith.constant 0 : i32
        %dma_start3A_185 = tpu.memref_slice %arg6[%while3A_46, %dma_start3A_184] : memref<32x128xi32, #tpu.memory_space<vmem>> -> memref<1x128xi32, #tpu.memory_space<vmem>>
        %dma_start3A_186 = tpu.memref_squeeze %dma_start3A_185 : memref<1x128xi32, #tpu.memory_space<vmem>> -> memref<128xi32, #tpu.memory_space<vmem>>
        %dma_start3A_187 = arith.constant 0 : i32
        %dma_start3A_188 = arith.constant 0 : i32
        %dma_start3A_189 = tpu.memref_slice %arg3[%dma_start3A_187, %dma_start3A_188] : memref<2097152x8xf32, #tpu.memory_space<hbm>> -> memref<2097152x8xf32, #tpu.memory_space<hbm>>
        tpu.enqueue_indirect_dma source(%dma_start3A_189 : memref<2097152x8xf32, #tpu.memory_space<hbm>>) target(%dma_start3A_183 : memref<128x8xf32, #tpu.memory_space<vmem>>) offsets(%dma_start3A_186 : memref<128xi32, #tpu.memory_space<vmem>>) semaphore(%arg10 : memref<!tpu.dma_semaphore, #tpu.memory_space<semaphore_mem>>)
      }
      %while3A_27 = arith.constant 1 : i32
      scf.for %while3A_46 = %while3A_25 to %while3A_21 step %while3A_27  : i32 {
        %mul3A_47 = arith.constant 16 : i32
        %mul3A_48 = arith.muli %while3A_46, %mul3A_47 : i32
        %get3A = arith.constant 0 : i64
        %get3A_49 = arith.index_cast %get3A : i64 to index
        %get3A_50 = arith.index_cast %mul3A_48 : i32 to index
        %get3A_51 = tpu.vector_load %arg9[%get3A_49, %get3A_50] {strides = array<i32>} : memref<3x512xf32, #tpu.memory_space<vmem>>, vector<16xf32>,
        %add3A_52 = arith.constant 1.000000e+00 : f32
        %add3A_53 = vector.broadcast %add3A_52 : f32 to vector<16xf32>
        %add3A_54 = arith.addf %get3A_51, %add3A_53 : vector<16xf32>
        %div3A = arith.constant 2.000000e+00 : f32
        %div3A_55 = vector.broadcast %div3A : f32 to vector<16xf32>
        %div3A_56 = arith.divf %add3A_54, %div3A_55 : vector<16xf32>
        %mul3A_57 = arith.constant 1.000000e+02 : f32
        %mul3A_58 = vector.broadcast %mul3A_57 : f32 to vector<16xf32>
        %mul3A_59 = arith.mulf %div3A_56, %mul3A_58 : vector<16xf32>
        %convert_element_type3A = arith.fptosi %mul3A_59 : vector<16xf32> to vector<16xi32>
        %convert_element_type3A_60 = arith.sitofp %convert_element_type3A : vector<16xi32> to vector<16xf32>
        %sub3A = arith.subf %mul3A_59, %convert_element_type3A_60 : vector<16xf32>
        %swap3A = arith.constant 0 : i64
        %swap3A_61 = arith.index_cast %swap3A : i64 to index
        %swap3A_62 = arith.index_cast %mul3A_48 : i32 to index
        %swap3A_63 = tpu.vector_load %arg5[%swap3A_61, %swap3A_62] {strides = array<i32>} : memref<3x512xf32, #tpu.memory_space<vmem>>, vector<16xf32>,
        tpu.vector_store %arg5[%swap3A_61, %swap3A_62], %sub3A {strides = array<i32>} : memref<3x512xf32, #tpu.memory_space<vmem>>, vector<16xf32>,
        %get3A_64 = arith.constant 1 : i64
        %get3A_65 = arith.index_cast %get3A_64 : i64 to index
        %get3A_66 = arith.index_cast %mul3A_48 : i32 to index
        %get3A_67 = tpu.vector_load %arg9[%get3A_65, %get3A_66] {strides = array<i32>} : memref<3x512xf32, #tpu.memory_space<vmem>>, vector<16xf32>,
        %add3A_68 = arith.constant 1.000000e+00 : f32
        %add3A_69 = vector.broadcast %add3A_68 : f32 to vector<16xf32>
        %add3A_70 = arith.addf %get3A_67, %add3A_69 : vector<16xf32>
        %div3A_71 = arith.constant 2.000000e+00 : f32
        %div3A_72 = vector.broadcast %div3A_71 : f32 to vector<16xf32>
        %div3A_73 = arith.divf %add3A_70, %div3A_72 : vector<16xf32>
        %mul3A_74 = arith.constant 1.000000e+02 : f32
        %mul3A_75 = vector.broadcast %mul3A_74 : f32 to vector<16xf32>
        %mul3A_76 = arith.mulf %div3A_73, %mul3A_75 : vector<16xf32>
        %convert_element_type3A_77 = arith.fptosi %mul3A_76 : vector<16xf32> to vector<16xi32>
        %convert_element_type3A_78 = arith.sitofp %convert_element_type3A_77 : vector<16xi32> to vector<16xf32>
        %sub3A_79 = arith.subf %mul3A_76, %convert_element_type3A_78 : vector<16xf32>
        %swap3A_80 = arith.constant 1 : i64
        %swap3A_81 = arith.index_cast %swap3A_80 : i64 to index
        %swap3A_82 = arith.index_cast %mul3A_48 : i32 to index
        %swap3A_83 = tpu.vector_load %arg5[%swap3A_81, %swap3A_82] {strides = array<i32>} : memref<3x512xf32, #tpu.memory_space<vmem>>, vector<16xf32>,
        tpu.vector_store %arg5[%swap3A_81, %swap3A_82], %sub3A_79 {strides = array<i32>} : memref<3x512xf32, #tpu.memory_space<vmem>>, vector<16xf32>,
        %get3A_84 = arith.constant 2 : i64
        %get3A_85 = arith.index_cast %get3A_84 : i64 to index
        %get3A_86 = arith.index_cast %mul3A_48 : i32 to index
        %get3A_87 = tpu.vector_load %arg9[%get3A_85, %get3A_86] {strides = array<i32>} : memref<3x512xf32, #tpu.memory_space<vmem>>, vector<16xf32>,
        %add3A_88 = arith.constant 1.000000e+00 : f32
        %add3A_89 = vector.broadcast %add3A_88 : f32 to vector<16xf32>
        %add3A_90 = arith.addf %get3A_87, %add3A_89 : vector<16xf32>
        %div3A_91 = arith.constant 2.000000e+00 : f32
        %div3A_92 = vector.broadcast %div3A_91 : f32 to vector<16xf32>
        %div3A_93 = arith.divf %add3A_90, %div3A_92 : vector<16xf32>
        %mul3A_94 = arith.constant 1.000000e+02 : f32
        %mul3A_95 = vector.broadcast %mul3A_94 : f32 to vector<16xf32>
        %mul3A_96 = arith.mulf %div3A_93, %mul3A_95 : vector<16xf32>
        %convert_element_type3A_97 = arith.fptosi %mul3A_96 : vector<16xf32> to vector<16xi32>
        %convert_element_type3A_98 = arith.sitofp %convert_element_type3A_97 : vector<16xi32> to vector<16xf32>
        %sub3A_99 = arith.subf %mul3A_96, %convert_element_type3A_98 : vector<16xf32>
        %swap3A_100 = arith.constant 2 : i64
        %swap3A_101 = arith.index_cast %swap3A_100 : i64 to index
        %swap3A_102 = arith.index_cast %mul3A_48 : i32 to index
        %swap3A_103 = tpu.vector_load %arg5[%swap3A_101, %swap3A_102] {strides = array<i32>} : memref<3x512xf32, #tpu.memory_space<vmem>>, vector<16xf32>,
        tpu.vector_store %arg5[%swap3A_101, %swap3A_102], %sub3A_99 {strides = array<i32>} : memref<3x512xf32, #tpu.memory_space<vmem>>, vector<16xf32>,
        %add3A_104 = arith.constant 1 : i32
        %add3A_105 = vector.broadcast %add3A_104 : i32 to vector<16xi32>
        %add3A_106 = arith.addi %convert_element_type3A, %add3A_105 : vector<16xi32>
        %mul3A_107 = arith.constant -1640531535 : i32
        %mul3A_108 = vector.broadcast %mul3A_107 : i32 to vector<16xi32>
        %mul3A_109 = arith.muli %convert_element_type3A_77, %mul3A_108 : vector<16xi32>
        %add3A_110 = arith.constant -1640531535 : i32
        %add3A_111 = vector.broadcast %add3A_110 : i32 to vector<16xi32>
        %add3A_112 = arith.addi %mul3A_109, %add3A_111 : vector<16xi32>
        %mul3A_113 = arith.constant 805459861 : i32
        %mul3A_114 = vector.broadcast %mul3A_113 : i32 to vector<16xi32>
        %mul3A_115 = arith.muli %convert_element_type3A_97, %mul3A_114 : vector<16xi32>
        %add3A_116 = arith.constant 805459861 : i32
        %add3A_117 = vector.broadcast %add3A_116 : i32 to vector<16xi32>
        %add3A_118 = arith.addi %mul3A_115, %add3A_117 : vector<16xi32>
        %xor3A = arith.xori %convert_element_type3A, %mul3A_109 : vector<16xi32>
        %xor3A_119 = arith.xori %xor3A, %mul3A_115 : vector<16xi32>
        %and3A = arith.constant 2097151 : i32
        %and3A_120 = vector.broadcast %and3A : i32 to vector<16xi32>
        %and3A_121 = arith.andi %xor3A_119, %and3A_120 : vector<16xi32>
        %swap3A_122 = arith.index_cast %while3A_46 : i32 to index
        %swap3A_123 = arith.constant 0 : index
        %swap3A_124 = tpu.vector_load %arg6[%swap3A_122, %swap3A_123] {strides = array<i32>} : memref<32x128xi32, #tpu.memory_space<vmem>>, vector<16xi32>,
        tpu.vector_store %arg6[%swap3A_122, %swap3A_123], %and3A_121 {strides = array<i32>} : memref<32x128xi32, #tpu.memory_space<vmem>>, vector<16xi32>,
        %xor3A_125 = arith.xori %convert_element_type3A, %mul3A_109 : vector<16xi32>
        %xor3A_126 = arith.xori %xor3A_125, %add3A_118 : vector<16xi32>
        %and3A_127 = arith.constant 2097151 : i32
        %and3A_128 = vector.broadcast %and3A_127 : i32 to vector<16xi32>
        %and3A_129 = arith.andi %xor3A_126, %and3A_128 : vector<16xi32>
        %swap3A_130 = arith.index_cast %while3A_46 : i32 to index
        %swap3A_131 = arith.constant 16 : index
        %swap3A_132 = tpu.vector_load %arg6[%swap3A_130, %swap3A_131] {strides = array<i32>} : memref<32x128xi32, #tpu.memory_space<vmem>>, vector<16xi32>,
        tpu.vector_store %arg6[%swap3A_130, %swap3A_131], %and3A_129 {strides = array<i32>} : memref<32x128xi32, #tpu.memory_space<vmem>>, vector<16xi32>,
        %xor3A_133 = arith.xori %convert_element_type3A, %add3A_112 : vector<16xi32>
        %xor3A_134 = arith.xori %xor3A_133, %mul3A_115 : vector<16xi32>
        %and3A_135 = arith.constant 2097151 : i32
        %and3A_136 = vector.broadcast %and3A_135 : i32 to vector<16xi32>
        %and3A_137 = arith.andi %xor3A_134, %and3A_136 : vector<16xi32>
        %swap3A_138 = arith.index_cast %while3A_46 : i32 to index
        %swap3A_139 = arith.constant 32 : index
        %swap3A_140 = tpu.vector_load %arg6[%swap3A_138, %swap3A_139] {strides = array<i32>} : memref<32x128xi32, #tpu.memory_space<vmem>>, vector<16xi32>,
        tpu.vector_store %arg6[%swap3A_138, %swap3A_139], %and3A_137 {strides = array<i32>} : memref<32x128xi32, #tpu.memory_space<vmem>>, vector<16xi32>,
        %xor3A_141 = arith.xori %convert_element_type3A, %add3A_112 : vector<16xi32>
        %xor3A_142 = arith.xori %xor3A_141, %add3A_118 : vector<16xi32>
        %and3A_143 = arith.constant 2097151 : i32
        %and3A_144 = vector.broadcast %and3A_143 : i32 to vector<16xi32>
        %and3A_145 = arith.andi %xor3A_142, %and3A_144 : vector<16xi32>
        %swap3A_146 = arith.index_cast %while3A_46 : i32 to index
        %swap3A_147 = arith.constant 48 : index
        %swap3A_148 = tpu.vector_load %arg6[%swap3A_146, %swap3A_147] {strides = array<i32>} : memref<32x128xi32, #tpu.memory_space<vmem>>, vector<16xi32>,
        tpu.vector_store %arg6[%swap3A_146, %swap3A_147], %and3A_145 {strides = array<i32>} : memref<32x128xi32, #tpu.memory_space<vmem>>, vector<16xi32>,
        %xor3A_149 = arith.xori %add3A_106, %mul3A_109 : vector<16xi32>
        %xor3A_150 = arith.xori %xor3A_149, %mul3A_115 : vector<16xi32>
        %and3A_151 = arith.constant 2097151 : i32
        %and3A_152 = vector.broadcast %and3A_151 : i32 to vector<16xi32>
        %and3A_153 = arith.andi %xor3A_150, %and3A_152 : vector<16xi32>
        %swap3A_154 = arith.index_cast %while3A_46 : i32 to index
        %swap3A_155 = arith.constant 64 : index
        %swap3A_156 = tpu.vector_load %arg6[%swap3A_154, %swap3A_155] {strides = array<i32>} : memref<32x128xi32, #tpu.memory_space<vmem>>, vector<16xi32>,
        tpu.vector_store %arg6[%swap3A_154, %swap3A_155], %and3A_153 {strides = array<i32>} : memref<32x128xi32, #tpu.memory_space<vmem>>, vector<16xi32>,
        %xor3A_157 = arith.xori %add3A_106, %mul3A_109 : vector<16xi32>
        %xor3A_158 = arith.xori %xor3A_157, %add3A_118 : vector<16xi32>
        %and3A_159 = arith.constant 2097151 : i32
        %and3A_160 = vector.broadcast %and3A_159 : i32 to vector<16xi32>
        %and3A_161 = arith.andi %xor3A_158, %and3A_160 : vector<16xi32>
        %swap3A_162 = arith.index_cast %while3A_46 : i32 to index
        %swap3A_163 = arith.constant 80 : index
        %swap3A_164 = tpu.vector_load %arg6[%swap3A_162, %swap3A_163] {strides = array<i32>} : memref<32x128xi32, #tpu.memory_space<vmem>>, vector<16xi32>,
        tpu.vector_store %arg6[%swap3A_162, %swap3A_163], %and3A_161 {strides = array<i32>} : memref<32x128xi32, #tpu.memory_space<vmem>>, vector<16xi32>,
        %xor3A_165 = arith.xori %add3A_106, %add3A_112 : vector<16xi32>
        %xor3A_166 = arith.xori %xor3A_165, %mul3A_115 : vector<16xi32>
        %and3A_167 = arith.constant 2097151 : i32
        %and3A_168 = vector.broadcast %and3A_167 : i32 to vector<16xi32>
        %and3A_169 = arith.andi %xor3A_166, %and3A_168 : vector<16xi32>
        %swap3A_170 = arith.index_cast %while3A_46 : i32 to index
        %swap3A_171 = arith.constant 96 : index
        %swap3A_172 = tpu.vector_load %arg6[%swap3A_170, %swap3A_171] {strides = array<i32>} : memref<32x128xi32, #tpu.memory_space<vmem>>, vector<16xi32>,
        tpu.vector_store %arg6[%swap3A_170, %swap3A_171], %and3A_169 {strides = array<i32>} : memref<32x128xi32, #tpu.memory_space<vmem>>, vector<16xi32>,
        %xor3A_173 = arith.xori %add3A_106, %add3A_112 : vector<16xi32>
        %xor3A_174 = arith.xori %xor3A_173, %add3A_118 : vector<16xi32>
        %and3A_175 = arith.constant 2097151 : i32
        %and3A_176 = vector.broadcast %and3A_175 : i32 to vector<16xi32>
        %and3A_177 = arith.andi %xor3A_174, %and3A_176 : vector<16xi32>
        %swap3A_178 = arith.index_cast %while3A_46 : i32 to index
        %swap3A_179 = arith.constant 112 : index
        %swap3A_180 = tpu.vector_load %arg6[%swap3A_178, %swap3A_179] {strides = array<i32>} : memref<32x128xi32, #tpu.memory_space<vmem>>, vector<16xi32>,
        tpu.vector_store %arg6[%swap3A_178, %swap3A_179], %and3A_177 {strides = array<i32>} : memref<32x128xi32, #tpu.memory_space<vmem>>, vector<16xi32>,
        %mul3A_181 = arith.constant 128 : i32
        %mul3A_182 = arith.muli %while3A_46, %mul3A_181 : i32
        %dma_start3A = arith.constant 0 : i32
        %dma_start3A_183 = tpu.memref_slice %arg7[%mul3A_182, %dma_start3A] : memref<4096x8xf32, #tpu.memory_space<vmem>> -> memref<128x8xf32, #tpu.memory_space<vmem>>
        %dma_start3A_184 = arith.constant 0 : i32
        %dma_start3A_185 = tpu.memref_slice %arg6[%while3A_46, %dma_start3A_184] : memref<32x128xi32, #tpu.memory_space<vmem>> -> memref<1x128xi32, #tpu.memory_space<vmem>>
        %dma_start3A_186 = tpu.memref_squeeze %dma_start3A_185 : memref<1x128xi32, #tpu.memory_space<vmem>> -> memref<128xi32, #tpu.memory_space<vmem>>
        %dma_start3A_187 = arith.constant 0 : i32
        %dma_start3A_188 = arith.constant 0 : i32
        %dma_start3A_189 = tpu.memref_slice %arg3[%dma_start3A_187, %dma_start3A_188] : memref<2097152x8xf32, #tpu.memory_space<hbm>> -> memref<2097152x8xf32, #tpu.memory_space<hbm>>
        tpu.enqueue_indirect_dma source(%dma_start3A_189 : memref<2097152x8xf32, #tpu.memory_space<hbm>>) target(%dma_start3A_183 : memref<128x8xf32, #tpu.memory_space<vmem>>) offsets(%dma_start3A_186 : memref<128xi32, #tpu.memory_space<vmem>>) semaphore(%arg10 : memref<!tpu.dma_semaphore, #tpu.memory_space<semaphore_mem>>)
      }
      %dma_wait3A = arith.constant 0 : i32
      %dma_wait3A_28 = arith.constant 0 : i32
      %dma_wait3A_29 = tpu.memref_slice %arg3[%dma_wait3A, %dma_wait3A_28] : memref<2097152x8xf32, #tpu.memory_space<hbm>> -> memref<4096x8xf32, #tpu.memory_space<hbm>>
      %dma_wait3A_30 = arith.constant 0 : i32
      %dma_wait3A_31 = arith.constant 0 : i32
      %dma_wait3A_32 = tpu.memref_slice %arg3[%dma_wait3A_30, %dma_wait3A_31] : memref<2097152x8xf32, #tpu.memory_space<hbm>> -> memref<4096x8xf32, #tpu.memory_space<hbm>>
      tpu.wait_dma2 semaphore(%arg10 : memref<!tpu.dma_semaphore, #tpu.memory_space<semaphore_mem>>) src(%dma_wait3A_32 : memref<4096x8xf32, #tpu.memory_space<hbm>>) dst(%arg7 : memref<4096x8xf32, #tpu.memory_space<vmem>>)
      %while3A_33 = arith.constant 0 : i32
      %while3A_34 = arith.constant 0 : i32
      %while3A_35 = arith.constant 32 : i32
      %while3A_36 = arith.subi %while3A_35, %while3A_34 : i32
      %while3A_37 = arith.addi %while3A_34, %while3A_36 : i32
      %while3A_38 = arith.constant 1 : i32
      %while3A_39 = arith.divsi %while3A_36, %while3A_38 : i32
      %while3A_40 = arith.muli %while3A_39, %while3A_38 : i32
      %while3A_41 = arith.addi %while3A_34, %while3A_40 : i32
      %while3A_42 = arith.constant 1 : i32
      scf.for %while3A_46 = %while3A_34 to %while3A_41 step %while3A_42  : i32 {
        %mul3A_47 = arith.constant 16 : i32
        %mul3A_48 = arith.muli %while3A_46, %mul3A_47 : i32
        %get3A = arith.constant 0 : i64
        %get3A_49 = arith.index_cast %get3A : i64 to index
        %get3A_50 = arith.index_cast %mul3A_48 : i32 to index
        %get3A_51 = tpu.vector_load %arg5[%get3A_49, %get3A_50] {strides = array<i32>} : memref<3x512xf32, #tpu.memory_space<vmem>>, vector<16xf32>,
        %get3A_52 = arith.constant 1 : i64
        %get3A_53 = arith.index_cast %get3A_52 : i64 to index
        %get3A_54 = arith.index_cast %mul3A_48 : i32 to index
        %get3A_55 = tpu.vector_load %arg5[%get3A_53, %get3A_54] {strides = array<i32>} : memref<3x512xf32, #tpu.memory_space<vmem>>, vector<16xf32>,
        %get3A_56 = arith.constant 2 : i64
        %get3A_57 = arith.index_cast %get3A_56 : i64 to index
        %get3A_58 = arith.index_cast %mul3A_48 : i32 to index
        %get3A_59 = tpu.vector_load %arg5[%get3A_57, %get3A_58] {strides = array<i32>} : memref<3x512xf32, #tpu.memory_space<vmem>>, vector<16xf32>,
        %sub3A = arith.constant 1.000000e+00 : f32
        %sub3A_60 = vector.broadcast %sub3A : f32 to vector<16xf32>
        %sub3A_61 = arith.subf %sub3A_60, %get3A_51 : vector<16xf32>
        %sub3A_62 = arith.constant 1.000000e+00 : f32
        %sub3A_63 = vector.broadcast %sub3A_62 : f32 to vector<16xf32>
        %sub3A_64 = arith.subf %sub3A_63, %get3A_55 : vector<16xf32>
        %sub3A_65 = arith.constant 1.000000e+00 : f32
        %sub3A_66 = vector.broadcast %sub3A_65 : f32 to vector<16xf32>
        %sub3A_67 = arith.subf %sub3A_66, %get3A_59 : vector<16xf32>
        %mul3A_68 = arith.mulf %sub3A_61, %sub3A_64 : vector<16xf32>
        %mul3A_69 = arith.mulf %sub3A_61, %get3A_55 : vector<16xf32>
        %mul3A_70 = arith.mulf %get3A_51, %sub3A_64 : vector<16xf32>
        %mul3A_71 = arith.mulf %get3A_51, %get3A_55 : vector<16xf32>
        %broadcast_in_dim3A = arith.constant 0.000000e+00 : f32
        %broadcast_in_dim3A_72 = vector.broadcast %broadcast_in_dim3A : f32 to vector<16xf32>
        %broadcast_in_dim3A_73 = arith.constant 0.000000e+00 : f32
        %broadcast_in_dim3A_74 = vector.broadcast %broadcast_in_dim3A_73 : f32 to vector<16xf32>
        %broadcast_in_dim3A_75 = arith.constant 0.000000e+00 : f32
        %broadcast_in_dim3A_76 = vector.broadcast %broadcast_in_dim3A_75 : f32 to vector<16xf32>
        %broadcast_in_dim3A_77 = arith.constant 0.000000e+00 : f32
        %broadcast_in_dim3A_78 = vector.broadcast %broadcast_in_dim3A_77 : f32 to vector<16xf32>
        %broadcast_in_dim3A_79 = arith.constant 0.000000e+00 : f32
        %broadcast_in_dim3A_80 = vector.broadcast %broadcast_in_dim3A_79 : f32 to vector<16xf32>
        %broadcast_in_dim3A_81 = arith.constant 0.000000e+00 : f32
        %broadcast_in_dim3A_82 = vector.broadcast %broadcast_in_dim3A_81 : f32 to vector<16xf32>
        %broadcast_in_dim3A_83 = arith.constant 0.000000e+00 : f32
        %broadcast_in_dim3A_84 = vector.broadcast %broadcast_in_dim3A_83 : f32 to vector<16xf32>
        %broadcast_in_dim3A_85 = arith.constant 0.000000e+00 : f32
        %broadcast_in_dim3A_86 = vector.broadcast %broadcast_in_dim3A_85 : f32 to vector<16xf32>
        %mul3A_87 = arith.constant 128 : i32
        %mul3A_88 = arith.muli %while3A_46, %mul3A_87 : i32
        %mul3A_89 = arith.mulf %mul3A_68, %sub3A_67 : vector<16xf32>
        %add3A_90 = arith.constant 0 : i32
        %add3A_91 = arith.addi %mul3A_88, %add3A_90 : i32
        %broadcast_in_dim3A_92 = vector.broadcast %add3A_91 : i32 to vector<16xi32>
        %add3A_93 = arith.addi %broadcast_in_dim3A_92, %iota3A : vector<16xi32>
        %broadcast_in_dim3A_94 = arith.constant 0 : i32
        %broadcast_in_dim3A_95 = vector.broadcast %broadcast_in_dim3A_94 : i32 to vector<16xi32>
        %gather3A = tpu.vector_load_idx %arg7[%add3A_93, %broadcast_in_dim3A_95] : memref<4096x8xf32, #tpu.memory_space<vmem>>[vector<16xi32>, vector<16xi32>], vector<16xf32>,
        %mul3A_96 = arith.mulf %mul3A_89, %gather3A : vector<16xf32>
        %add3A_97 = arith.addf %broadcast_in_dim3A_72, %mul3A_96 : vector<16xf32>
        %broadcast_in_dim3A_98 = arith.constant 1 : i32
        %broadcast_in_dim3A_99 = vector.broadcast %broadcast_in_dim3A_98 : i32 to vector<16xi32>
        %gather3A_100 = tpu.vector_load_idx %arg7[%add3A_93, %broadcast_in_dim3A_99] : memref<4096x8xf32, #tpu.memory_space<vmem>>[vector<16xi32>, vector<16xi32>], vector<16xf32>,
        %mul3A_101 = arith.mulf %mul3A_89, %gather3A_100 : vector<16xf32>
        %add3A_102 = arith.addf %broadcast_in_dim3A_74, %mul3A_101 : vector<16xf32>
        %broadcast_in_dim3A_103 = arith.constant 2 : i32
        %broadcast_in_dim3A_104 = vector.broadcast %broadcast_in_dim3A_103 : i32 to vector<16xi32>
        %gather3A_105 = tpu.vector_load_idx %arg7[%add3A_93, %broadcast_in_dim3A_104] : memref<4096x8xf32, #tpu.memory_space<vmem>>[vector<16xi32>, vector<16xi32>], vector<16xf32>,
        %mul3A_106 = arith.mulf %mul3A_89, %gather3A_105 : vector<16xf32>
        %add3A_107 = arith.addf %broadcast_in_dim3A_76, %mul3A_106 : vector<16xf32>
        %broadcast_in_dim3A_108 = arith.constant 3 : i32
        %broadcast_in_dim3A_109 = vector.broadcast %broadcast_in_dim3A_108 : i32 to vector<16xi32>
        %gather3A_110 = tpu.vector_load_idx %arg7[%add3A_93, %broadcast_in_dim3A_109] : memref<4096x8xf32, #tpu.memory_space<vmem>>[vector<16xi32>, vector<16xi32>], vector<16xf32>,
        %mul3A_111 = arith.mulf %mul3A_89, %gather3A_110 : vector<16xf32>
        %add3A_112 = arith.addf %broadcast_in_dim3A_78, %mul3A_111 : vector<16xf32>
        %broadcast_in_dim3A_113 = arith.constant 4 : i32
        %broadcast_in_dim3A_114 = vector.broadcast %broadcast_in_dim3A_113 : i32 to vector<16xi32>
        %gather3A_115 = tpu.vector_load_idx %arg7[%add3A_93, %broadcast_in_dim3A_114] : memref<4096x8xf32, #tpu.memory_space<vmem>>[vector<16xi32>, vector<16xi32>], vector<16xf32>,
        %mul3A_116 = arith.mulf %mul3A_89, %gather3A_115 : vector<16xf32>
        %add3A_117 = arith.addf %broadcast_in_dim3A_80, %mul3A_116 : vector<16xf32>
        %broadcast_in_dim3A_118 = arith.constant 5 : i32
        %broadcast_in_dim3A_119 = vector.broadcast %broadcast_in_dim3A_118 : i32 to vector<16xi32>
        %gather3A_120 = tpu.vector_load_idx %arg7[%add3A_93, %broadcast_in_dim3A_119] : memref<4096x8xf32, #tpu.memory_space<vmem>>[vector<16xi32>, vector<16xi32>], vector<16xf32>,
        %mul3A_121 = arith.mulf %mul3A_89, %gather3A_120 : vector<16xf32>
        %add3A_122 = arith.addf %broadcast_in_dim3A_82, %mul3A_121 : vector<16xf32>
        %broadcast_in_dim3A_123 = arith.constant 6 : i32
        %broadcast_in_dim3A_124 = vector.broadcast %broadcast_in_dim3A_123 : i32 to vector<16xi32>
        %gather3A_125 = tpu.vector_load_idx %arg7[%add3A_93, %broadcast_in_dim3A_124] : memref<4096x8xf32, #tpu.memory_space<vmem>>[vector<16xi32>, vector<16xi32>], vector<16xf32>,
        %mul3A_126 = arith.mulf %mul3A_89, %gather3A_125 : vector<16xf32>
        %add3A_127 = arith.addf %broadcast_in_dim3A_84, %mul3A_126 : vector<16xf32>
        %broadcast_in_dim3A_128 = arith.constant 7 : i32
        %broadcast_in_dim3A_129 = vector.broadcast %broadcast_in_dim3A_128 : i32 to vector<16xi32>
        %gather3A_130 = tpu.vector_load_idx %arg7[%add3A_93, %broadcast_in_dim3A_129] : memref<4096x8xf32, #tpu.memory_space<vmem>>[vector<16xi32>, vector<16xi32>], vector<16xf32>,
        %mul3A_131 = arith.mulf %mul3A_89, %gather3A_130 : vector<16xf32>
        %add3A_132 = arith.addf %broadcast_in_dim3A_86, %mul3A_131 : vector<16xf32>
        %mul3A_133 = arith.mulf %mul3A_68, %get3A_59 : vector<16xf32>
        %add3A_134 = arith.constant 16 : i32
        %add3A_135 = arith.addi %mul3A_88, %add3A_134 : i32
        %broadcast_in_dim3A_136 = vector.broadcast %add3A_135 : i32 to vector<16xi32>
        %add3A_137 = arith.addi %broadcast_in_dim3A_136, %iota3A : vector<16xi32>
        %broadcast_in_dim3A_138 = arith.constant 0 : i32
        %broadcast_in_dim3A_139 = vector.broadcast %broadcast_in_dim3A_138 : i32 to vector<16xi32>
        %gather3A_140 = tpu.vector_load_idx %arg7[%add3A_137, %broadcast_in_dim3A_139] : memref<4096x8xf32, #tpu.memory_space<vmem>>[vector<16xi32>, vector<16xi32>], vector<16xf32>,
        %mul3A_141 = arith.mulf %mul3A_133, %gather3A_140 : vector<16xf32>
        %add3A_142 = arith.addf %add3A_97, %mul3A_141 : vector<16xf32>
        %broadcast_in_dim3A_143 = arith.constant 1 : i32
        %broadcast_in_dim3A_144 = vector.broadcast %broadcast_in_dim3A_143 : i32 to vector<16xi32>
        %gather3A_145 = tpu.vector_load_idx %arg7[%add3A_137, %broadcast_in_dim3A_144] : memref<4096x8xf32, #tpu.memory_space<vmem>>[vector<16xi32>, vector<16xi32>], vector<16xf32>,
        %mul3A_146 = arith.mulf %mul3A_133, %gather3A_145 : vector<16xf32>
        %add3A_147 = arith.addf %add3A_102, %mul3A_146 : vector<16xf32>
        %broadcast_in_dim3A_148 = arith.constant 2 : i32
        %broadcast_in_dim3A_149 = vector.broadcast %broadcast_in_dim3A_148 : i32 to vector<16xi32>
        %gather3A_150 = tpu.vector_load_idx %arg7[%add3A_137, %broadcast_in_dim3A_149] : memref<4096x8xf32, #tpu.memory_space<vmem>>[vector<16xi32>, vector<16xi32>], vector<16xf32>,
        %mul3A_151 = arith.mulf %mul3A_133, %gather3A_150 : vector<16xf32>
        %add3A_152 = arith.addf %add3A_107, %mul3A_151 : vector<16xf32>
        %broadcast_in_dim3A_153 = arith.constant 3 : i32
        %broadcast_in_dim3A_154 = vector.broadcast %broadcast_in_dim3A_153 : i32 to vector<16xi32>
        %gather3A_155 = tpu.vector_load_idx %arg7[%add3A_137, %broadcast_in_dim3A_154] : memref<4096x8xf32, #tpu.memory_space<vmem>>[vector<16xi32>, vector<16xi32>], vector<16xf32>,
        %mul3A_156 = arith.mulf %mul3A_133, %gather3A_155 : vector<16xf32>
        %add3A_157 = arith.addf %add3A_112, %mul3A_156 : vector<16xf32>
        %broadcast_in_dim3A_158 = arith.constant 4 : i32
        %broadcast_in_dim3A_159 = vector.broadcast %broadcast_in_dim3A_158 : i32 to vector<16xi32>
        %gather3A_160 = tpu.vector_load_idx %arg7[%add3A_137, %broadcast_in_dim3A_159] : memref<4096x8xf32, #tpu.memory_space<vmem>>[vector<16xi32>, vector<16xi32>], vector<16xf32>,
        %mul3A_161 = arith.mulf %mul3A_133, %gather3A_160 : vector<16xf32>
        %add3A_162 = arith.addf %add3A_117, %mul3A_161 : vector<16xf32>
        %broadcast_in_dim3A_163 = arith.constant 5 : i32
        %broadcast_in_dim3A_164 = vector.broadcast %broadcast_in_dim3A_163 : i32 to vector<16xi32>
        %gather3A_165 = tpu.vector_load_idx %arg7[%add3A_137, %broadcast_in_dim3A_164] : memref<4096x8xf32, #tpu.memory_space<vmem>>[vector<16xi32>, vector<16xi32>], vector<16xf32>,
        %mul3A_166 = arith.mulf %mul3A_133, %gather3A_165 : vector<16xf32>
        %add3A_167 = arith.addf %add3A_122, %mul3A_166 : vector<16xf32>
        %broadcast_in_dim3A_168 = arith.constant 6 : i32
        %broadcast_in_dim3A_169 = vector.broadcast %broadcast_in_dim3A_168 : i32 to vector<16xi32>
        %gather3A_170 = tpu.vector_load_idx %arg7[%add3A_137, %broadcast_in_dim3A_169] : memref<4096x8xf32, #tpu.memory_space<vmem>>[vector<16xi32>, vector<16xi32>], vector<16xf32>,
        %mul3A_171 = arith.mulf %mul3A_133, %gather3A_170 : vector<16xf32>
        %add3A_172 = arith.addf %add3A_127, %mul3A_171 : vector<16xf32>
        %broadcast_in_dim3A_173 = arith.constant 7 : i32
        %broadcast_in_dim3A_174 = vector.broadcast %broadcast_in_dim3A_173 : i32 to vector<16xi32>
        %gather3A_175 = tpu.vector_load_idx %arg7[%add3A_137, %broadcast_in_dim3A_174] : memref<4096x8xf32, #tpu.memory_space<vmem>>[vector<16xi32>, vector<16xi32>], vector<16xf32>,
        %mul3A_176 = arith.mulf %mul3A_133, %gather3A_175 : vector<16xf32>
        %add3A_177 = arith.addf %add3A_132, %mul3A_176 : vector<16xf32>
        %mul3A_178 = arith.mulf %mul3A_69, %sub3A_67 : vector<16xf32>
        %add3A_179 = arith.constant 32 : i32
        %add3A_180 = arith.addi %mul3A_88, %add3A_179 : i32
        %broadcast_in_dim3A_181 = vector.broadcast %add3A_180 : i32 to vector<16xi32>
        %add3A_182 = arith.addi %broadcast_in_dim3A_181, %iota3A : vector<16xi32>
        %broadcast_in_dim3A_183 = arith.constant 0 : i32
        %broadcast_in_dim3A_184 = vector.broadcast %broadcast_in_dim3A_183 : i32 to vector<16xi32>
        %gather3A_185 = tpu.vector_load_idx %arg7[%add3A_182, %broadcast_in_dim3A_184] : memref<4096x8xf32, #tpu.memory_space<vmem>>[vector<16xi32>, vector<16xi32>], vector<16xf32>,
        %mul3A_186 = arith.mulf %mul3A_178, %gather3A_185 : vector<16xf32>
        %add3A_187 = arith.addf %add3A_142, %mul3A_186 : vector<16xf32>
        %broadcast_in_dim3A_188 = arith.constant 1 : i32
        %broadcast_in_dim3A_189 = vector.broadcast %broadcast_in_dim3A_188 : i32 to vector<16xi32>
        %gather3A_190 = tpu.vector_load_idx %arg7[%add3A_182, %broadcast_in_dim3A_189] : memref<4096x8xf32, #tpu.memory_space<vmem>>[vector<16xi32>, vector<16xi32>], vector<16xf32>,
        %mul3A_191 = arith.mulf %mul3A_178, %gather3A_190 : vector<16xf32>
        %add3A_192 = arith.addf %add3A_147, %mul3A_191 : vector<16xf32>
        %broadcast_in_dim3A_193 = arith.constant 2 : i32
        %broadcast_in_dim3A_194 = vector.broadcast %broadcast_in_dim3A_193 : i32 to vector<16xi32>
        %gather3A_195 = tpu.vector_load_idx %arg7[%add3A_182, %broadcast_in_dim3A_194] : memref<4096x8xf32, #tpu.memory_space<vmem>>[vector<16xi32>, vector<16xi32>], vector<16xf32>,
        %mul3A_196 = arith.mulf %mul3A_178, %gather3A_195 : vector<16xf32>
        %add3A_197 = arith.addf %add3A_152, %mul3A_196 : vector<16xf32>
        %broadcast_in_dim3A_198 = arith.constant 3 : i32
        %broadcast_in_dim3A_199 = vector.broadcast %broadcast_in_dim3A_198 : i32 to vector<16xi32>
        %gather3A_200 = tpu.vector_load_idx %arg7[%add3A_182, %broadcast_in_dim3A_199] : memref<4096x8xf32, #tpu.memory_space<vmem>>[vector<16xi32>, vector<16xi32>], vector<16xf32>,
        %mul3A_201 = arith.mulf %mul3A_178, %gather3A_200 : vector<16xf32>
        %add3A_202 = arith.addf %add3A_157, %mul3A_201 : vector<16xf32>
        %broadcast_in_dim3A_203 = arith.constant 4 : i32
        %broadcast_in_dim3A_204 = vector.broadcast %broadcast_in_dim3A_203 : i32 to vector<16xi32>
        %gather3A_205 = tpu.vector_load_idx %arg7[%add3A_182, %broadcast_in_dim3A_204] : memref<4096x8xf32, #tpu.memory_space<vmem>>[vector<16xi32>, vector<16xi32>], vector<16xf32>,
        %mul3A_206 = arith.mulf %mul3A_178, %gather3A_205 : vector<16xf32>
        %add3A_207 = arith.addf %add3A_162, %mul3A_206 : vector<16xf32>
        %broadcast_in_dim3A_208 = arith.constant 5 : i32
        %broadcast_in_dim3A_209 = vector.broadcast %broadcast_in_dim3A_208 : i32 to vector<16xi32>
        %gather3A_210 = tpu.vector_load_idx %arg7[%add3A_182, %broadcast_in_dim3A_209] : memref<4096x8xf32, #tpu.memory_space<vmem>>[vector<16xi32>, vector<16xi32>], vector<16xf32>,
        %mul3A_211 = arith.mulf %mul3A_178, %gather3A_210 : vector<16xf32>
        %add3A_212 = arith.addf %add3A_167, %mul3A_211 : vector<16xf32>
        %broadcast_in_dim3A_213 = arith.constant 6 : i32
        %broadcast_in_dim3A_214 = vector.broadcast %broadcast_in_dim3A_213 : i32 to vector<16xi32>
        %gather3A_215 = tpu.vector_load_idx %arg7[%add3A_182, %broadcast_in_dim3A_214] : memref<4096x8xf32, #tpu.memory_space<vmem>>[vector<16xi32>, vector<16xi32>], vector<16xf32>,
        %mul3A_216 = arith.mulf %mul3A_178, %gather3A_215 : vector<16xf32>
        %add3A_217 = arith.addf %add3A_172, %mul3A_216 : vector<16xf32>
        %broadcast_in_dim3A_218 = arith.constant 7 : i32
        %broadcast_in_dim3A_219 = vector.broadcast %broadcast_in_dim3A_218 : i32 to vector<16xi32>
        %gather3A_220 = tpu.vector_load_idx %arg7[%add3A_182, %broadcast_in_dim3A_219] : memref<4096x8xf32, #tpu.memory_space<vmem>>[vector<16xi32>, vector<16xi32>], vector<16xf32>,
        %mul3A_221 = arith.mulf %mul3A_178, %gather3A_220 : vector<16xf32>
        %add3A_222 = arith.addf %add3A_177, %mul3A_221 : vector<16xf32>
        %mul3A_223 = arith.mulf %mul3A_69, %get3A_59 : vector<16xf32>
        %add3A_224 = arith.constant 48 : i32
        %add3A_225 = arith.addi %mul3A_88, %add3A_224 : i32
        %broadcast_in_dim3A_226 = vector.broadcast %add3A_225 : i32 to vector<16xi32>
        %add3A_227 = arith.addi %broadcast_in_dim3A_226, %iota3A : vector<16xi32>
        %broadcast_in_dim3A_228 = arith.constant 0 : i32
        %broadcast_in_dim3A_229 = vector.broadcast %broadcast_in_dim3A_228 : i32 to vector<16xi32>
        %gather3A_230 = tpu.vector_load_idx %arg7[%add3A_227, %broadcast_in_dim3A_229] : memref<4096x8xf32, #tpu.memory_space<vmem>>[vector<16xi32>, vector<16xi32>], vector<16xf32>,
        %mul3A_231 = arith.mulf %mul3A_223, %gather3A_230 : vector<16xf32>
        %add3A_232 = arith.addf %add3A_187, %mul3A_231 : vector<16xf32>
        %broadcast_in_dim3A_233 = arith.constant 1 : i32
        %broadcast_in_dim3A_234 = vector.broadcast %broadcast_in_dim3A_233 : i32 to vector<16xi32>
        %gather3A_235 = tpu.vector_load_idx %arg7[%add3A_227, %broadcast_in_dim3A_234] : memref<4096x8xf32, #tpu.memory_space<vmem>>[vector<16xi32>, vector<16xi32>], vector<16xf32>,
        %mul3A_236 = arith.mulf %mul3A_223, %gather3A_235 : vector<16xf32>
        %add3A_237 = arith.addf %add3A_192, %mul3A_236 : vector<16xf32>
        %broadcast_in_dim3A_238 = arith.constant 2 : i32
        %broadcast_in_dim3A_239 = vector.broadcast %broadcast_in_dim3A_238 : i32 to vector<16xi32>
        %gather3A_240 = tpu.vector_load_idx %arg7[%add3A_227, %broadcast_in_dim3A_239] : memref<4096x8xf32, #tpu.memory_space<vmem>>[vector<16xi32>, vector<16xi32>], vector<16xf32>,
        %mul3A_241 = arith.mulf %mul3A_223, %gather3A_240 : vector<16xf32>
        %add3A_242 = arith.addf %add3A_197, %mul3A_241 : vector<16xf32>
        %broadcast_in_dim3A_243 = arith.constant 3 : i32
        %broadcast_in_dim3A_244 = vector.broadcast %broadcast_in_dim3A_243 : i32 to vector<16xi32>
        %gather3A_245 = tpu.vector_load_idx %arg7[%add3A_227, %broadcast_in_dim3A_244] : memref<4096x8xf32, #tpu.memory_space<vmem>>[vector<16xi32>, vector<16xi32>], vector<16xf32>,
        %mul3A_246 = arith.mulf %mul3A_223, %gather3A_245 : vector<16xf32>
        %add3A_247 = arith.addf %add3A_202, %mul3A_246 : vector<16xf32>
        %broadcast_in_dim3A_248 = arith.constant 4 : i32
        %broadcast_in_dim3A_249 = vector.broadcast %broadcast_in_dim3A_248 : i32 to vector<16xi32>
        %gather3A_250 = tpu.vector_load_idx %arg7[%add3A_227, %broadcast_in_dim3A_249] : memref<4096x8xf32, #tpu.memory_space<vmem>>[vector<16xi32>, vector<16xi32>], vector<16xf32>,
        %mul3A_251 = arith.mulf %mul3A_223, %gather3A_250 : vector<16xf32>
        %add3A_252 = arith.addf %add3A_207, %mul3A_251 : vector<16xf32>
        %broadcast_in_dim3A_253 = arith.constant 5 : i32
        %broadcast_in_dim3A_254 = vector.broadcast %broadcast_in_dim3A_253 : i32 to vector<16xi32>
        %gather3A_255 = tpu.vector_load_idx %arg7[%add3A_227, %broadcast_in_dim3A_254] : memref<4096x8xf32, #tpu.memory_space<vmem>>[vector<16xi32>, vector<16xi32>], vector<16xf32>,
        %mul3A_256 = arith.mulf %mul3A_223, %gather3A_255 : vector<16xf32>
        %add3A_257 = arith.addf %add3A_212, %mul3A_256 : vector<16xf32>
        %broadcast_in_dim3A_258 = arith.constant 6 : i32
        %broadcast_in_dim3A_259 = vector.broadcast %broadcast_in_dim3A_258 : i32 to vector<16xi32>
        %gather3A_260 = tpu.vector_load_idx %arg7[%add3A_227, %broadcast_in_dim3A_259] : memref<4096x8xf32, #tpu.memory_space<vmem>>[vector<16xi32>, vector<16xi32>], vector<16xf32>,
        %mul3A_261 = arith.mulf %mul3A_223, %gather3A_260 : vector<16xf32>
        %add3A_262 = arith.addf %add3A_217, %mul3A_261 : vector<16xf32>
        %broadcast_in_dim3A_263 = arith.constant 7 : i32
        %broadcast_in_dim3A_264 = vector.broadcast %broadcast_in_dim3A_263 : i32 to vector<16xi32>
        %gather3A_265 = tpu.vector_load_idx %arg7[%add3A_227, %broadcast_in_dim3A_264] : memref<4096x8xf32, #tpu.memory_space<vmem>>[vector<16xi32>, vector<16xi32>], vector<16xf32>,
        %mul3A_266 = arith.mulf %mul3A_223, %gather3A_265 : vector<16xf32>
        %add3A_267 = arith.addf %add3A_222, %mul3A_266 : vector<16xf32>
        %mul3A_268 = arith.mulf %mul3A_70, %sub3A_67 : vector<16xf32>
        %add3A_269 = arith.constant 64 : i32
        %add3A_270 = arith.addi %mul3A_88, %add3A_269 : i32
        %broadcast_in_dim3A_271 = vector.broadcast %add3A_270 : i32 to vector<16xi32>
        %add3A_272 = arith.addi %broadcast_in_dim3A_271, %iota3A : vector<16xi32>
        %broadcast_in_dim3A_273 = arith.constant 0 : i32
        %broadcast_in_dim3A_274 = vector.broadcast %broadcast_in_dim3A_273 : i32 to vector<16xi32>
        %gather3A_275 = tpu.vector_load_idx %arg7[%add3A_272, %broadcast_in_dim3A_274] : memref<4096x8xf32, #tpu.memory_space<vmem>>[vector<16xi32>, vector<16xi32>], vector<16xf32>,
        %mul3A_276 = arith.mulf %mul3A_268, %gather3A_275 : vector<16xf32>
        %add3A_277 = arith.addf %add3A_232, %mul3A_276 : vector<16xf32>
        %broadcast_in_dim3A_278 = arith.constant 1 : i32
        %broadcast_in_dim3A_279 = vector.broadcast %broadcast_in_dim3A_278 : i32 to vector<16xi32>
        %gather3A_280 = tpu.vector_load_idx %arg7[%add3A_272, %broadcast_in_dim3A_279] : memref<4096x8xf32, #tpu.memory_space<vmem>>[vector<16xi32>, vector<16xi32>], vector<16xf32>,
        %mul3A_281 = arith.mulf %mul3A_268, %gather3A_280 : vector<16xf32>
        %add3A_282 = arith.addf %add3A_237, %mul3A_281 : vector<16xf32>
        %broadcast_in_dim3A_283 = arith.constant 2 : i32
        %broadcast_in_dim3A_284 = vector.broadcast %broadcast_in_dim3A_283 : i32 to vector<16xi32>
        %gather3A_285 = tpu.vector_load_idx %arg7[%add3A_272, %broadcast_in_dim3A_284] : memref<4096x8xf32, #tpu.memory_space<vmem>>[vector<16xi32>, vector<16xi32>], vector<16xf32>,
        %mul3A_286 = arith.mulf %mul3A_268, %gather3A_285 : vector<16xf32>
        %add3A_287 = arith.addf %add3A_242, %mul3A_286 : vector<16xf32>
        %broadcast_in_dim3A_288 = arith.constant 3 : i32
        %broadcast_in_dim3A_289 = vector.broadcast %broadcast_in_dim3A_288 : i32 to vector<16xi32>
        %gather3A_290 = tpu.vector_load_idx %arg7[%add3A_272, %broadcast_in_dim3A_289] : memref<4096x8xf32, #tpu.memory_space<vmem>>[vector<16xi32>, vector<16xi32>], vector<16xf32>,
        %mul3A_291 = arith.mulf %mul3A_268, %gather3A_290 : vector<16xf32>
        %add3A_292 = arith.addf %add3A_247, %mul3A_291 : vector<16xf32>
        %broadcast_in_dim3A_293 = arith.constant 4 : i32
        %broadcast_in_dim3A_294 = vector.broadcast %broadcast_in_dim3A_293 : i32 to vector<16xi32>
        %gather3A_295 = tpu.vector_load_idx %arg7[%add3A_272, %broadcast_in_dim3A_294] : memref<4096x8xf32, #tpu.memory_space<vmem>>[vector<16xi32>, vector<16xi32>], vector<16xf32>,
        %mul3A_296 = arith.mulf %mul3A_268, %gather3A_295 : vector<16xf32>
        %add3A_297 = arith.addf %add3A_252, %mul3A_296 : vector<16xf32>
        %broadcast_in_dim3A_298 = arith.constant 5 : i32
        %broadcast_in_dim3A_299 = vector.broadcast %broadcast_in_dim3A_298 : i32 to vector<16xi32>
        %gather3A_300 = tpu.vector_load_idx %arg7[%add3A_272, %broadcast_in_dim3A_299] : memref<4096x8xf32, #tpu.memory_space<vmem>>[vector<16xi32>, vector<16xi32>], vector<16xf32>,
        %mul3A_301 = arith.mulf %mul3A_268, %gather3A_300 : vector<16xf32>
        %add3A_302 = arith.addf %add3A_257, %mul3A_301 : vector<16xf32>
        %broadcast_in_dim3A_303 = arith.constant 6 : i32
        %broadcast_in_dim3A_304 = vector.broadcast %broadcast_in_dim3A_303 : i32 to vector<16xi32>
        %gather3A_305 = tpu.vector_load_idx %arg7[%add3A_272, %broadcast_in_dim3A_304] : memref<4096x8xf32, #tpu.memory_space<vmem>>[vector<16xi32>, vector<16xi32>], vector<16xf32>,
        %mul3A_306 = arith.mulf %mul3A_268, %gather3A_305 : vector<16xf32>
        %add3A_307 = arith.addf %add3A_262, %mul3A_306 : vector<16xf32>
        %broadcast_in_dim3A_308 = arith.constant 7 : i32
        %broadcast_in_dim3A_309 = vector.broadcast %broadcast_in_dim3A_308 : i32 to vector<16xi32>
        %gather3A_310 = tpu.vector_load_idx %arg7[%add3A_272, %broadcast_in_dim3A_309] : memref<4096x8xf32, #tpu.memory_space<vmem>>[vector<16xi32>, vector<16xi32>], vector<16xf32>,
        %mul3A_311 = arith.mulf %mul3A_268, %gather3A_310 : vector<16xf32>
        %add3A_312 = arith.addf %add3A_267, %mul3A_311 : vector<16xf32>
        %mul3A_313 = arith.mulf %mul3A_70, %get3A_59 : vector<16xf32>
        %add3A_314 = arith.constant 80 : i32
        %add3A_315 = arith.addi %mul3A_88, %add3A_314 : i32
        %broadcast_in_dim3A_316 = vector.broadcast %add3A_315 : i32 to vector<16xi32>
        %add3A_317 = arith.addi %broadcast_in_dim3A_316, %iota3A : vector<16xi32>
        %broadcast_in_dim3A_318 = arith.constant 0 : i32
        %broadcast_in_dim3A_319 = vector.broadcast %broadcast_in_dim3A_318 : i32 to vector<16xi32>
        %gather3A_320 = tpu.vector_load_idx %arg7[%add3A_317, %broadcast_in_dim3A_319] : memref<4096x8xf32, #tpu.memory_space<vmem>>[vector<16xi32>, vector<16xi32>], vector<16xf32>,
        %mul3A_321 = arith.mulf %mul3A_313, %gather3A_320 : vector<16xf32>
        %add3A_322 = arith.addf %add3A_277, %mul3A_321 : vector<16xf32>
        %broadcast_in_dim3A_323 = arith.constant 1 : i32
        %broadcast_in_dim3A_324 = vector.broadcast %broadcast_in_dim3A_323 : i32 to vector<16xi32>
        %gather3A_325 = tpu.vector_load_idx %arg7[%add3A_317, %broadcast_in_dim3A_324] : memref<4096x8xf32, #tpu.memory_space<vmem>>[vector<16xi32>, vector<16xi32>], vector<16xf32>,
        %mul3A_326 = arith.mulf %mul3A_313, %gather3A_325 : vector<16xf32>
        %add3A_327 = arith.addf %add3A_282, %mul3A_326 : vector<16xf32>
        %broadcast_in_dim3A_328 = arith.constant 2 : i32
        %broadcast_in_dim3A_329 = vector.broadcast %broadcast_in_dim3A_328 : i32 to vector<16xi32>
        %gather3A_330 = tpu.vector_load_idx %arg7[%add3A_317, %broadcast_in_dim3A_329] : memref<4096x8xf32, #tpu.memory_space<vmem>>[vector<16xi32>, vector<16xi32>], vector<16xf32>,
        %mul3A_331 = arith.mulf %mul3A_313, %gather3A_330 : vector<16xf32>
        %add3A_332 = arith.addf %add3A_287, %mul3A_331 : vector<16xf32>
        %broadcast_in_dim3A_333 = arith.constant 3 : i32
        %broadcast_in_dim3A_334 = vector.broadcast %broadcast_in_dim3A_333 : i32 to vector<16xi32>
        %gather3A_335 = tpu.vector_load_idx %arg7[%add3A_317, %broadcast_in_dim3A_334] : memref<4096x8xf32, #tpu.memory_space<vmem>>[vector<16xi32>, vector<16xi32>], vector<16xf32>,
        %mul3A_336 = arith.mulf %mul3A_313, %gather3A_335 : vector<16xf32>
        %add3A_337 = arith.addf %add3A_292, %mul3A_336 : vector<16xf32>
        %broadcast_in_dim3A_338 = arith.constant 4 : i32
        %broadcast_in_dim3A_339 = vector.broadcast %broadcast_in_dim3A_338 : i32 to vector<16xi32>
        %gather3A_340 = tpu.vector_load_idx %arg7[%add3A_317, %broadcast_in_dim3A_339] : memref<4096x8xf32, #tpu.memory_space<vmem>>[vector<16xi32>, vector<16xi32>], vector<16xf32>,
        %mul3A_341 = arith.mulf %mul3A_313, %gather3A_340 : vector<16xf32>
        %add3A_342 = arith.addf %add3A_297, %mul3A_341 : vector<16xf32>
        %broadcast_in_dim3A_343 = arith.constant 5 : i32
        %broadcast_in_dim3A_344 = vector.broadcast %broadcast_in_dim3A_343 : i32 to vector<16xi32>
        %gather3A_345 = tpu.vector_load_idx %arg7[%add3A_317, %broadcast_in_dim3A_344] : memref<4096x8xf32, #tpu.memory_space<vmem>>[vector<16xi32>, vector<16xi32>], vector<16xf32>,
        %mul3A_346 = arith.mulf %mul3A_313, %gather3A_345 : vector<16xf32>
        %add3A_347 = arith.addf %add3A_302, %mul3A_346 : vector<16xf32>
        %broadcast_in_dim3A_348 = arith.constant 6 : i32
        %broadcast_in_dim3A_349 = vector.broadcast %broadcast_in_dim3A_348 : i32 to vector<16xi32>
        %gather3A_350 = tpu.vector_load_idx %arg7[%add3A_317, %broadcast_in_dim3A_349] : memref<4096x8xf32, #tpu.memory_space<vmem>>[vector<16xi32>, vector<16xi32>], vector<16xf32>,
        %mul3A_351 = arith.mulf %mul3A_313, %gather3A_350 : vector<16xf32>
        %add3A_352 = arith.addf %add3A_307, %mul3A_351 : vector<16xf32>
        %broadcast_in_dim3A_353 = arith.constant 7 : i32
        %broadcast_in_dim3A_354 = vector.broadcast %broadcast_in_dim3A_353 : i32 to vector<16xi32>
        %gather3A_355 = tpu.vector_load_idx %arg7[%add3A_317, %broadcast_in_dim3A_354] : memref<4096x8xf32, #tpu.memory_space<vmem>>[vector<16xi32>, vector<16xi32>], vector<16xf32>,
        %mul3A_356 = arith.mulf %mul3A_313, %gather3A_355 : vector<16xf32>
        %add3A_357 = arith.addf %add3A_312, %mul3A_356 : vector<16xf32>
        %mul3A_358 = arith.mulf %mul3A_71, %sub3A_67 : vector<16xf32>
        %add3A_359 = arith.constant 96 : i32
        %add3A_360 = arith.addi %mul3A_88, %add3A_359 : i32
        %broadcast_in_dim3A_361 = vector.broadcast %add3A_360 : i32 to vector<16xi32>
        %add3A_362 = arith.addi %broadcast_in_dim3A_361, %iota3A : vector<16xi32>
        %broadcast_in_dim3A_363 = arith.constant 0 : i32
        %broadcast_in_dim3A_364 = vector.broadcast %broadcast_in_dim3A_363 : i32 to vector<16xi32>
        %gather3A_365 = tpu.vector_load_idx %arg7[%add3A_362, %broadcast_in_dim3A_364] : memref<4096x8xf32, #tpu.memory_space<vmem>>[vector<16xi32>, vector<16xi32>], vector<16xf32>,
        %mul3A_366 = arith.mulf %mul3A_358, %gather3A_365 : vector<16xf32>
        %add3A_367 = arith.addf %add3A_322, %mul3A_366 : vector<16xf32>
        %broadcast_in_dim3A_368 = arith.constant 1 : i32
        %broadcast_in_dim3A_369 = vector.broadcast %broadcast_in_dim3A_368 : i32 to vector<16xi32>
        %gather3A_370 = tpu.vector_load_idx %arg7[%add3A_362, %broadcast_in_dim3A_369] : memref<4096x8xf32, #tpu.memory_space<vmem>>[vector<16xi32>, vector<16xi32>], vector<16xf32>,
        %mul3A_371 = arith.mulf %mul3A_358, %gather3A_370 : vector<16xf32>
        %add3A_372 = arith.addf %add3A_327, %mul3A_371 : vector<16xf32>
        %broadcast_in_dim3A_373 = arith.constant 2 : i32
        %broadcast_in_dim3A_374 = vector.broadcast %broadcast_in_dim3A_373 : i32 to vector<16xi32>
        %gather3A_375 = tpu.vector_load_idx %arg7[%add3A_362, %broadcast_in_dim3A_374] : memref<4096x8xf32, #tpu.memory_space<vmem>>[vector<16xi32>, vector<16xi32>], vector<16xf32>,
        %mul3A_376 = arith.mulf %mul3A_358, %gather3A_375 : vector<16xf32>
        %add3A_377 = arith.addf %add3A_332, %mul3A_376 : vector<16xf32>
        %broadcast_in_dim3A_378 = arith.constant 3 : i32
        %broadcast_in_dim3A_379 = vector.broadcast %broadcast_in_dim3A_378 : i32 to vector<16xi32>
        %gather3A_380 = tpu.vector_load_idx %arg7[%add3A_362, %broadcast_in_dim3A_379] : memref<4096x8xf32, #tpu.memory_space<vmem>>[vector<16xi32>, vector<16xi32>], vector<16xf32>,
        %mul3A_381 = arith.mulf %mul3A_358, %gather3A_380 : vector<16xf32>
        %add3A_382 = arith.addf %add3A_337, %mul3A_381 : vector<16xf32>
        %broadcast_in_dim3A_383 = arith.constant 4 : i32
        %broadcast_in_dim3A_384 = vector.broadcast %broadcast_in_dim3A_383 : i32 to vector<16xi32>
        %gather3A_385 = tpu.vector_load_idx %arg7[%add3A_362, %broadcast_in_dim3A_384] : memref<4096x8xf32, #tpu.memory_space<vmem>>[vector<16xi32>, vector<16xi32>], vector<16xf32>,
        %mul3A_386 = arith.mulf %mul3A_358, %gather3A_385 : vector<16xf32>
        %add3A_387 = arith.addf %add3A_342, %mul3A_386 : vector<16xf32>
        %broadcast_in_dim3A_388 = arith.constant 5 : i32
        %broadcast_in_dim3A_389 = vector.broadcast %broadcast_in_dim3A_388 : i32 to vector<16xi32>
        %gather3A_390 = tpu.vector_load_idx %arg7[%add3A_362, %broadcast_in_dim3A_389] : memref<4096x8xf32, #tpu.memory_space<vmem>>[vector<16xi32>, vector<16xi32>], vector<16xf32>,
        %mul3A_391 = arith.mulf %mul3A_358, %gather3A_390 : vector<16xf32>
        %add3A_392 = arith.addf %add3A_347, %mul3A_391 : vector<16xf32>
        %broadcast_in_dim3A_393 = arith.constant 6 : i32
        %broadcast_in_dim3A_394 = vector.broadcast %broadcast_in_dim3A_393 : i32 to vector<16xi32>
        %gather3A_395 = tpu.vector_load_idx %arg7[%add3A_362, %broadcast_in_dim3A_394] : memref<4096x8xf32, #tpu.memory_space<vmem>>[vector<16xi32>, vector<16xi32>], vector<16xf32>,
        %mul3A_396 = arith.mulf %mul3A_358, %gather3A_395 : vector<16xf32>
        %add3A_397 = arith.addf %add3A_352, %mul3A_396 : vector<16xf32>
        %broadcast_in_dim3A_398 = arith.constant 7 : i32
        %broadcast_in_dim3A_399 = vector.broadcast %broadcast_in_dim3A_398 : i32 to vector<16xi32>
        %gather3A_400 = tpu.vector_load_idx %arg7[%add3A_362, %broadcast_in_dim3A_399] : memref<4096x8xf32, #tpu.memory_space<vmem>>[vector<16xi32>, vector<16xi32>], vector<16xf32>,
        %mul3A_401 = arith.mulf %mul3A_358, %gather3A_400 : vector<16xf32>
        %add3A_402 = arith.addf %add3A_357, %mul3A_401 : vector<16xf32>
        %mul3A_403 = arith.mulf %mul3A_71, %get3A_59 : vector<16xf32>
        %add3A_404 = arith.constant 112 : i32
        %add3A_405 = arith.addi %mul3A_88, %add3A_404 : i32
        %broadcast_in_dim3A_406 = vector.broadcast %add3A_405 : i32 to vector<16xi32>
        %add3A_407 = arith.addi %broadcast_in_dim3A_406, %iota3A : vector<16xi32>
        %broadcast_in_dim3A_408 = arith.constant 0 : i32
        %broadcast_in_dim3A_409 = vector.broadcast %broadcast_in_dim3A_408 : i32 to vector<16xi32>
        %gather3A_410 = tpu.vector_load_idx %arg7[%add3A_407, %broadcast_in_dim3A_409] : memref<4096x8xf32, #tpu.memory_space<vmem>>[vector<16xi32>, vector<16xi32>], vector<16xf32>,
        %mul3A_411 = arith.mulf %mul3A_403, %gather3A_410 : vector<16xf32>
        %add3A_412 = arith.addf %add3A_367, %mul3A_411 : vector<16xf32>
        %broadcast_in_dim3A_413 = arith.constant 1 : i32
        %broadcast_in_dim3A_414 = vector.broadcast %broadcast_in_dim3A_413 : i32 to vector<16xi32>
        %gather3A_415 = tpu.vector_load_idx %arg7[%add3A_407, %broadcast_in_dim3A_414] : memref<4096x8xf32, #tpu.memory_space<vmem>>[vector<16xi32>, vector<16xi32>], vector<16xf32>,
        %mul3A_416 = arith.mulf %mul3A_403, %gather3A_415 : vector<16xf32>
        %add3A_417 = arith.addf %add3A_372, %mul3A_416 : vector<16xf32>
        %broadcast_in_dim3A_418 = arith.constant 2 : i32
        %broadcast_in_dim3A_419 = vector.broadcast %broadcast_in_dim3A_418 : i32 to vector<16xi32>
        %gather3A_420 = tpu.vector_load_idx %arg7[%add3A_407, %broadcast_in_dim3A_419] : memref<4096x8xf32, #tpu.memory_space<vmem>>[vector<16xi32>, vector<16xi32>], vector<16xf32>,
        %mul3A_421 = arith.mulf %mul3A_403, %gather3A_420 : vector<16xf32>
        %add3A_422 = arith.addf %add3A_377, %mul3A_421 : vector<16xf32>
        %broadcast_in_dim3A_423 = arith.constant 3 : i32
        %broadcast_in_dim3A_424 = vector.broadcast %broadcast_in_dim3A_423 : i32 to vector<16xi32>
        %gather3A_425 = tpu.vector_load_idx %arg7[%add3A_407, %broadcast_in_dim3A_424] : memref<4096x8xf32, #tpu.memory_space<vmem>>[vector<16xi32>, vector<16xi32>], vector<16xf32>,
        %mul3A_426 = arith.mulf %mul3A_403, %gather3A_425 : vector<16xf32>
        %add3A_427 = arith.addf %add3A_382, %mul3A_426 : vector<16xf32>
        %broadcast_in_dim3A_428 = arith.constant 4 : i32
        %broadcast_in_dim3A_429 = vector.broadcast %broadcast_in_dim3A_428 : i32 to vector<16xi32>
        %gather3A_430 = tpu.vector_load_idx %arg7[%add3A_407, %broadcast_in_dim3A_429] : memref<4096x8xf32, #tpu.memory_space<vmem>>[vector<16xi32>, vector<16xi32>], vector<16xf32>,
        %mul3A_431 = arith.mulf %mul3A_403, %gather3A_430 : vector<16xf32>
        %add3A_432 = arith.addf %add3A_387, %mul3A_431 : vector<16xf32>
        %broadcast_in_dim3A_433 = arith.constant 5 : i32
        %broadcast_in_dim3A_434 = vector.broadcast %broadcast_in_dim3A_433 : i32 to vector<16xi32>
        %gather3A_435 = tpu.vector_load_idx %arg7[%add3A_407, %broadcast_in_dim3A_434] : memref<4096x8xf32, #tpu.memory_space<vmem>>[vector<16xi32>, vector<16xi32>], vector<16xf32>,
        %mul3A_436 = arith.mulf %mul3A_403, %gather3A_435 : vector<16xf32>
        %add3A_437 = arith.addf %add3A_392, %mul3A_436 : vector<16xf32>
        %broadcast_in_dim3A_438 = arith.constant 6 : i32
        %broadcast_in_dim3A_439 = vector.broadcast %broadcast_in_dim3A_438 : i32 to vector<16xi32>
        %gather3A_440 = tpu.vector_load_idx %arg7[%add3A_407, %broadcast_in_dim3A_439] : memref<4096x8xf32, #tpu.memory_space<vmem>>[vector<16xi32>, vector<16xi32>], vector<16xf32>,
        %mul3A_441 = arith.mulf %mul3A_403, %gather3A_440 : vector<16xf32>
        %add3A_442 = arith.addf %add3A_397, %mul3A_441 : vector<16xf32>
        %broadcast_in_dim3A_443 = arith.constant 7 : i32
        %broadcast_in_dim3A_444 = vector.broadcast %broadcast_in_dim3A_443 : i32 to vector<16xi32>
        %gather3A_445 = tpu.vector_load_idx %arg7[%add3A_407, %broadcast_in_dim3A_444] : memref<4096x8xf32, #tpu.memory_space<vmem>>[vector<16xi32>, vector<16xi32>], vector<16xf32>,
        %mul3A_446 = arith.mulf %mul3A_403, %gather3A_445 : vector<16xf32>
        %add3A_447 = arith.addf %add3A_402, %mul3A_446 : vector<16xf32>
        %div3A = arith.constant 8 : i32
        %div3A_448 = arith.divsi %while3A_46, %div3A : i32
        %mul3A_449 = arith.constant 1024 : i32
        %mul3A_450 = arith.muli %div3A_448, %mul3A_449 : i32
        %rem3A = arith.constant 8 : i32
        %rem3A_451 = arith.remsi %while3A_46, %rem3A : i32
        %mul3A_452 = arith.constant 16 : i32
        %mul3A_453 = arith.muli %rem3A_451, %mul3A_452 : i32
        %add3A_454 = arith.addi %mul3A_450, %mul3A_453 : i32
        %add3A_455 = arith.constant 0 : i32
        %add3A_456 = arith.addi %add3A_454, %add3A_455 : i32
        %swap3A = arith.index_cast %add3A_456 : i32 to index
        %swap3A_457 = tpu.vector_load %arg8[%swap3A] {strides = array<i32>} : memref<4096xf32, #tpu.memory_space<vmem>>, vector<16xf32>,
        tpu.vector_store %arg8[%swap3A], %add3A_412 {strides = array<i32>} : memref<4096xf32, #tpu.memory_space<vmem>>, vector<16xf32>,
        %add3A_458 = arith.constant 128 : i32
        %add3A_459 = arith.addi %add3A_454, %add3A_458 : i32
        %swap3A_460 = arith.index_cast %add3A_459 : i32 to index
        %swap3A_461 = tpu.vector_load %arg8[%swap3A_460] {strides = array<i32>} : memref<4096xf32, #tpu.memory_space<vmem>>, vector<16xf32>,
        tpu.vector_store %arg8[%swap3A_460], %add3A_417 {strides = array<i32>} : memref<4096xf32, #tpu.memory_space<vmem>>, vector<16xf32>,
        %add3A_462 = arith.constant 256 : i32
        %add3A_463 = arith.addi %add3A_454, %add3A_462 : i32
        %swap3A_464 = arith.index_cast %add3A_463 : i32 to index
        %swap3A_465 = tpu.vector_load %arg8[%swap3A_464] {strides = array<i32>} : memref<4096xf32, #tpu.memory_space<vmem>>, vector<16xf32>,
        tpu.vector_store %arg8[%swap3A_464], %add3A_422 {strides = array<i32>} : memref<4096xf32, #tpu.memory_space<vmem>>, vector<16xf32>,
        %add3A_466 = arith.constant 384 : i32
        %add3A_467 = arith.addi %add3A_454, %add3A_466 : i32
        %swap3A_468 = arith.index_cast %add3A_467 : i32 to index
        %swap3A_469 = tpu.vector_load %arg8[%swap3A_468] {strides = array<i32>} : memref<4096xf32, #tpu.memory_space<vmem>>, vector<16xf32>,
        tpu.vector_store %arg8[%swap3A_468], %add3A_427 {strides = array<i32>} : memref<4096xf32, #tpu.memory_space<vmem>>, vector<16xf32>,
        %add3A_470 = arith.constant 512 : i32
        %add3A_471 = arith.addi %add3A_454, %add3A_470 : i32
        %swap3A_472 = arith.index_cast %add3A_471 : i32 to index
        %swap3A_473 = tpu.vector_load %arg8[%swap3A_472] {strides = array<i32>} : memref<4096xf32, #tpu.memory_space<vmem>>, vector<16xf32>,
        tpu.vector_store %arg8[%swap3A_472], %add3A_432 {strides = array<i32>} : memref<4096xf32, #tpu.memory_space<vmem>>, vector<16xf32>,
        %add3A_474 = arith.constant 640 : i32
        %add3A_475 = arith.addi %add3A_454, %add3A_474 : i32
        %swap3A_476 = arith.index_cast %add3A_475 : i32 to index
        %swap3A_477 = tpu.vector_load %arg8[%swap3A_476] {strides = array<i32>} : memref<4096xf32, #tpu.memory_space<vmem>>, vector<16xf32>,
        tpu.vector_store %arg8[%swap3A_476], %add3A_437 {strides = array<i32>} : memref<4096xf32, #tpu.memory_space<vmem>>, vector<16xf32>,
        %add3A_478 = arith.constant 768 : i32
        %add3A_479 = arith.addi %add3A_454, %add3A_478 : i32
        %swap3A_480 = arith.index_cast %add3A_479 : i32 to index
        %swap3A_481 = tpu.vector_load %arg8[%swap3A_480] {strides = array<i32>} : memref<4096xf32, #tpu.memory_space<vmem>>, vector<16xf32>,
        tpu.vector_store %arg8[%swap3A_480], %add3A_442 {strides = array<i32>} : memref<4096xf32, #tpu.memory_space<vmem>>, vector<16xf32>,
        %add3A_482 = arith.constant 896 : i32
        %add3A_483 = arith.addi %add3A_454, %add3A_482 : i32
        %swap3A_484 = arith.index_cast %add3A_483 : i32 to index
        %swap3A_485 = tpu.vector_load %arg8[%swap3A_484] {strides = array<i32>} : memref<4096xf32, #tpu.memory_space<vmem>>, vector<16xf32>,
        tpu.vector_store %arg8[%swap3A_484], %add3A_447 {strides = array<i32>} : memref<4096xf32, #tpu.memory_space<vmem>>, vector<16xf32>,
      }
      %while3A_43 = arith.constant 1 : i32
      scf.for %while3A_46 = %while3A_41 to %while3A_37 step %while3A_43  : i32 {
        %mul3A_47 = arith.constant 16 : i32
        %mul3A_48 = arith.muli %while3A_46, %mul3A_47 : i32
        %get3A = arith.constant 0 : i64
        %get3A_49 = arith.index_cast %get3A : i64 to index
        %get3A_50 = arith.index_cast %mul3A_48 : i32 to index
        %get3A_51 = tpu.vector_load %arg5[%get3A_49, %get3A_50] {strides = array<i32>} : memref<3x512xf32, #tpu.memory_space<vmem>>, vector<16xf32>,
        %get3A_52 = arith.constant 1 : i64
        %get3A_53 = arith.index_cast %get3A_52 : i64 to index
        %get3A_54 = arith.index_cast %mul3A_48 : i32 to index
        %get3A_55 = tpu.vector_load %arg5[%get3A_53, %get3A_54] {strides = array<i32>} : memref<3x512xf32, #tpu.memory_space<vmem>>, vector<16xf32>,
        %get3A_56 = arith.constant 2 : i64
        %get3A_57 = arith.index_cast %get3A_56 : i64 to index
        %get3A_58 = arith.index_cast %mul3A_48 : i32 to index
        %get3A_59 = tpu.vector_load %arg5[%get3A_57, %get3A_58] {strides = array<i32>} : memref<3x512xf32, #tpu.memory_space<vmem>>, vector<16xf32>,
        %sub3A = arith.constant 1.000000e+00 : f32
        %sub3A_60 = vector.broadcast %sub3A : f32 to vector<16xf32>
        %sub3A_61 = arith.subf %sub3A_60, %get3A_51 : vector<16xf32>
        %sub3A_62 = arith.constant 1.000000e+00 : f32
        %sub3A_63 = vector.broadcast %sub3A_62 : f32 to vector<16xf32>
        %sub3A_64 = arith.subf %sub3A_63, %get3A_55 : vector<16xf32>
        %sub3A_65 = arith.constant 1.000000e+00 : f32
        %sub3A_66 = vector.broadcast %sub3A_65 : f32 to vector<16xf32>
        %sub3A_67 = arith.subf %sub3A_66, %get3A_59 : vector<16xf32>
        %mul3A_68 = arith.mulf %sub3A_61, %sub3A_64 : vector<16xf32>
        %mul3A_69 = arith.mulf %sub3A_61, %get3A_55 : vector<16xf32>
        %mul3A_70 = arith.mulf %get3A_51, %sub3A_64 : vector<16xf32>
        %mul3A_71 = arith.mulf %get3A_51, %get3A_55 : vector<16xf32>
        %broadcast_in_dim3A = arith.constant 0.000000e+00 : f32
        %broadcast_in_dim3A_72 = vector.broadcast %broadcast_in_dim3A : f32 to vector<16xf32>
        %broadcast_in_dim3A_73 = arith.constant 0.000000e+00 : f32
        %broadcast_in_dim3A_74 = vector.broadcast %broadcast_in_dim3A_73 : f32 to vector<16xf32>
        %broadcast_in_dim3A_75 = arith.constant 0.000000e+00 : f32
        %broadcast_in_dim3A_76 = vector.broadcast %broadcast_in_dim3A_75 : f32 to vector<16xf32>
        %broadcast_in_dim3A_77 = arith.constant 0.000000e+00 : f32
        %broadcast_in_dim3A_78 = vector.broadcast %broadcast_in_dim3A_77 : f32 to vector<16xf32>
        %broadcast_in_dim3A_79 = arith.constant 0.000000e+00 : f32
        %broadcast_in_dim3A_80 = vector.broadcast %broadcast_in_dim3A_79 : f32 to vector<16xf32>
        %broadcast_in_dim3A_81 = arith.constant 0.000000e+00 : f32
        %broadcast_in_dim3A_82 = vector.broadcast %broadcast_in_dim3A_81 : f32 to vector<16xf32>
        %broadcast_in_dim3A_83 = arith.constant 0.000000e+00 : f32
        %broadcast_in_dim3A_84 = vector.broadcast %broadcast_in_dim3A_83 : f32 to vector<16xf32>
        %broadcast_in_dim3A_85 = arith.constant 0.000000e+00 : f32
        %broadcast_in_dim3A_86 = vector.broadcast %broadcast_in_dim3A_85 : f32 to vector<16xf32>
        %mul3A_87 = arith.constant 128 : i32
        %mul3A_88 = arith.muli %while3A_46, %mul3A_87 : i32
        %mul3A_89 = arith.mulf %mul3A_68, %sub3A_67 : vector<16xf32>
        %add3A_90 = arith.constant 0 : i32
        %add3A_91 = arith.addi %mul3A_88, %add3A_90 : i32
        %broadcast_in_dim3A_92 = vector.broadcast %add3A_91 : i32 to vector<16xi32>
        %add3A_93 = arith.addi %broadcast_in_dim3A_92, %iota3A : vector<16xi32>
        %broadcast_in_dim3A_94 = arith.constant 0 : i32
        %broadcast_in_dim3A_95 = vector.broadcast %broadcast_in_dim3A_94 : i32 to vector<16xi32>
        %gather3A = tpu.vector_load_idx %arg7[%add3A_93, %broadcast_in_dim3A_95] : memref<4096x8xf32, #tpu.memory_space<vmem>>[vector<16xi32>, vector<16xi32>], vector<16xf32>,
        %mul3A_96 = arith.mulf %mul3A_89, %gather3A : vector<16xf32>
        %add3A_97 = arith.addf %broadcast_in_dim3A_72, %mul3A_96 : vector<16xf32>
        %broadcast_in_dim3A_98 = arith.constant 1 : i32
        %broadcast_in_dim3A_99 = vector.broadcast %broadcast_in_dim3A_98 : i32 to vector<16xi32>
        %gather3A_100 = tpu.vector_load_idx %arg7[%add3A_93, %broadcast_in_dim3A_99] : memref<4096x8xf32, #tpu.memory_space<vmem>>[vector<16xi32>, vector<16xi32>], vector<16xf32>,
        %mul3A_101 = arith.mulf %mul3A_89, %gather3A_100 : vector<16xf32>
        %add3A_102 = arith.addf %broadcast_in_dim3A_74, %mul3A_101 : vector<16xf32>
        %broadcast_in_dim3A_103 = arith.constant 2 : i32
        %broadcast_in_dim3A_104 = vector.broadcast %broadcast_in_dim3A_103 : i32 to vector<16xi32>
        %gather3A_105 = tpu.vector_load_idx %arg7[%add3A_93, %broadcast_in_dim3A_104] : memref<4096x8xf32, #tpu.memory_space<vmem>>[vector<16xi32>, vector<16xi32>], vector<16xf32>,
        %mul3A_106 = arith.mulf %mul3A_89, %gather3A_105 : vector<16xf32>
        %add3A_107 = arith.addf %broadcast_in_dim3A_76, %mul3A_106 : vector<16xf32>
        %broadcast_in_dim3A_108 = arith.constant 3 : i32
        %broadcast_in_dim3A_109 = vector.broadcast %broadcast_in_dim3A_108 : i32 to vector<16xi32>
        %gather3A_110 = tpu.vector_load_idx %arg7[%add3A_93, %broadcast_in_dim3A_109] : memref<4096x8xf32, #tpu.memory_space<vmem>>[vector<16xi32>, vector<16xi32>], vector<16xf32>,
        %mul3A_111 = arith.mulf %mul3A_89, %gather3A_110 : vector<16xf32>
        %add3A_112 = arith.addf %broadcast_in_dim3A_78, %mul3A_111 : vector<16xf32>
        %broadcast_in_dim3A_113 = arith.constant 4 : i32
        %broadcast_in_dim3A_114 = vector.broadcast %broadcast_in_dim3A_113 : i32 to vector<16xi32>
        %gather3A_115 = tpu.vector_load_idx %arg7[%add3A_93, %broadcast_in_dim3A_114] : memref<4096x8xf32, #tpu.memory_space<vmem>>[vector<16xi32>, vector<16xi32>], vector<16xf32>,
        %mul3A_116 = arith.mulf %mul3A_89, %gather3A_115 : vector<16xf32>
        %add3A_117 = arith.addf %broadcast_in_dim3A_80, %mul3A_116 : vector<16xf32>
        %broadcast_in_dim3A_118 = arith.constant 5 : i32
        %broadcast_in_dim3A_119 = vector.broadcast %broadcast_in_dim3A_118 : i32 to vector<16xi32>
        %gather3A_120 = tpu.vector_load_idx %arg7[%add3A_93, %broadcast_in_dim3A_119] : memref<4096x8xf32, #tpu.memory_space<vmem>>[vector<16xi32>, vector<16xi32>], vector<16xf32>,
        %mul3A_121 = arith.mulf %mul3A_89, %gather3A_120 : vector<16xf32>
        %add3A_122 = arith.addf %broadcast_in_dim3A_82, %mul3A_121 : vector<16xf32>
        %broadcast_in_dim3A_123 = arith.constant 6 : i32
        %broadcast_in_dim3A_124 = vector.broadcast %broadcast_in_dim3A_123 : i32 to vector<16xi32>
        %gather3A_125 = tpu.vector_load_idx %arg7[%add3A_93, %broadcast_in_dim3A_124] : memref<4096x8xf32, #tpu.memory_space<vmem>>[vector<16xi32>, vector<16xi32>], vector<16xf32>,
        %mul3A_126 = arith.mulf %mul3A_89, %gather3A_125 : vector<16xf32>
        %add3A_127 = arith.addf %broadcast_in_dim3A_84, %mul3A_126 : vector<16xf32>
        %broadcast_in_dim3A_128 = arith.constant 7 : i32
        %broadcast_in_dim3A_129 = vector.broadcast %broadcast_in_dim3A_128 : i32 to vector<16xi32>
        %gather3A_130 = tpu.vector_load_idx %arg7[%add3A_93, %broadcast_in_dim3A_129] : memref<4096x8xf32, #tpu.memory_space<vmem>>[vector<16xi32>, vector<16xi32>], vector<16xf32>,
        %mul3A_131 = arith.mulf %mul3A_89, %gather3A_130 : vector<16xf32>
        %add3A_132 = arith.addf %broadcast_in_dim3A_86, %mul3A_131 : vector<16xf32>
        %mul3A_133 = arith.mulf %mul3A_68, %get3A_59 : vector<16xf32>
        %add3A_134 = arith.constant 16 : i32
        %add3A_135 = arith.addi %mul3A_88, %add3A_134 : i32
        %broadcast_in_dim3A_136 = vector.broadcast %add3A_135 : i32 to vector<16xi32>
        %add3A_137 = arith.addi %broadcast_in_dim3A_136, %iota3A : vector<16xi32>
        %broadcast_in_dim3A_138 = arith.constant 0 : i32
        %broadcast_in_dim3A_139 = vector.broadcast %broadcast_in_dim3A_138 : i32 to vector<16xi32>
        %gather3A_140 = tpu.vector_load_idx %arg7[%add3A_137, %broadcast_in_dim3A_139] : memref<4096x8xf32, #tpu.memory_space<vmem>>[vector<16xi32>, vector<16xi32>], vector<16xf32>,
        %mul3A_141 = arith.mulf %mul3A_133, %gather3A_140 : vector<16xf32>
        %add3A_142 = arith.addf %add3A_97, %mul3A_141 : vector<16xf32>
        %broadcast_in_dim3A_143 = arith.constant 1 : i32
        %broadcast_in_dim3A_144 = vector.broadcast %broadcast_in_dim3A_143 : i32 to vector<16xi32>
        %gather3A_145 = tpu.vector_load_idx %arg7[%add3A_137, %broadcast_in_dim3A_144] : memref<4096x8xf32, #tpu.memory_space<vmem>>[vector<16xi32>, vector<16xi32>], vector<16xf32>,
        %mul3A_146 = arith.mulf %mul3A_133, %gather3A_145 : vector<16xf32>
        %add3A_147 = arith.addf %add3A_102, %mul3A_146 : vector<16xf32>
        %broadcast_in_dim3A_148 = arith.constant 2 : i32
        %broadcast_in_dim3A_149 = vector.broadcast %broadcast_in_dim3A_148 : i32 to vector<16xi32>
        %gather3A_150 = tpu.vector_load_idx %arg7[%add3A_137, %broadcast_in_dim3A_149] : memref<4096x8xf32, #tpu.memory_space<vmem>>[vector<16xi32>, vector<16xi32>], vector<16xf32>,
        %mul3A_151 = arith.mulf %mul3A_133, %gather3A_150 : vector<16xf32>
        %add3A_152 = arith.addf %add3A_107, %mul3A_151 : vector<16xf32>
        %broadcast_in_dim3A_153 = arith.constant 3 : i32
        %broadcast_in_dim3A_154 = vector.broadcast %broadcast_in_dim3A_153 : i32 to vector<16xi32>
        %gather3A_155 = tpu.vector_load_idx %arg7[%add3A_137, %broadcast_in_dim3A_154] : memref<4096x8xf32, #tpu.memory_space<vmem>>[vector<16xi32>, vector<16xi32>], vector<16xf32>,
        %mul3A_156 = arith.mulf %mul3A_133, %gather3A_155 : vector<16xf32>
        %add3A_157 = arith.addf %add3A_112, %mul3A_156 : vector<16xf32>
        %broadcast_in_dim3A_158 = arith.constant 4 : i32
        %broadcast_in_dim3A_159 = vector.broadcast %broadcast_in_dim3A_158 : i32 to vector<16xi32>
        %gather3A_160 = tpu.vector_load_idx %arg7[%add3A_137, %broadcast_in_dim3A_159] : memref<4096x8xf32, #tpu.memory_space<vmem>>[vector<16xi32>, vector<16xi32>], vector<16xf32>,
        %mul3A_161 = arith.mulf %mul3A_133, %gather3A_160 : vector<16xf32>
        %add3A_162 = arith.addf %add3A_117, %mul3A_161 : vector<16xf32>
        %broadcast_in_dim3A_163 = arith.constant 5 : i32
        %broadcast_in_dim3A_164 = vector.broadcast %broadcast_in_dim3A_163 : i32 to vector<16xi32>
        %gather3A_165 = tpu.vector_load_idx %arg7[%add3A_137, %broadcast_in_dim3A_164] : memref<4096x8xf32, #tpu.memory_space<vmem>>[vector<16xi32>, vector<16xi32>], vector<16xf32>,
        %mul3A_166 = arith.mulf %mul3A_133, %gather3A_165 : vector<16xf32>
        %add3A_167 = arith.addf %add3A_122, %mul3A_166 : vector<16xf32>
        %broadcast_in_dim3A_168 = arith.constant 6 : i32
        %broadcast_in_dim3A_169 = vector.broadcast %broadcast_in_dim3A_168 : i32 to vector<16xi32>
        %gather3A_170 = tpu.vector_load_idx %arg7[%add3A_137, %broadcast_in_dim3A_169] : memref<4096x8xf32, #tpu.memory_space<vmem>>[vector<16xi32>, vector<16xi32>], vector<16xf32>,
        %mul3A_171 = arith.mulf %mul3A_133, %gather3A_170 : vector<16xf32>
        %add3A_172 = arith.addf %add3A_127, %mul3A_171 : vector<16xf32>
        %broadcast_in_dim3A_173 = arith.constant 7 : i32
        %broadcast_in_dim3A_174 = vector.broadcast %broadcast_in_dim3A_173 : i32 to vector<16xi32>
        %gather3A_175 = tpu.vector_load_idx %arg7[%add3A_137, %broadcast_in_dim3A_174] : memref<4096x8xf32, #tpu.memory_space<vmem>>[vector<16xi32>, vector<16xi32>], vector<16xf32>,
        %mul3A_176 = arith.mulf %mul3A_133, %gather3A_175 : vector<16xf32>
        %add3A_177 = arith.addf %add3A_132, %mul3A_176 : vector<16xf32>
        %mul3A_178 = arith.mulf %mul3A_69, %sub3A_67 : vector<16xf32>
        %add3A_179 = arith.constant 32 : i32
        %add3A_180 = arith.addi %mul3A_88, %add3A_179 : i32
        %broadcast_in_dim3A_181 = vector.broadcast %add3A_180 : i32 to vector<16xi32>
        %add3A_182 = arith.addi %broadcast_in_dim3A_181, %iota3A : vector<16xi32>
        %broadcast_in_dim3A_183 = arith.constant 0 : i32
        %broadcast_in_dim3A_184 = vector.broadcast %broadcast_in_dim3A_183 : i32 to vector<16xi32>
        %gather3A_185 = tpu.vector_load_idx %arg7[%add3A_182, %broadcast_in_dim3A_184] : memref<4096x8xf32, #tpu.memory_space<vmem>>[vector<16xi32>, vector<16xi32>], vector<16xf32>,
        %mul3A_186 = arith.mulf %mul3A_178, %gather3A_185 : vector<16xf32>
        %add3A_187 = arith.addf %add3A_142, %mul3A_186 : vector<16xf32>
        %broadcast_in_dim3A_188 = arith.constant 1 : i32
        %broadcast_in_dim3A_189 = vector.broadcast %broadcast_in_dim3A_188 : i32 to vector<16xi32>
        %gather3A_190 = tpu.vector_load_idx %arg7[%add3A_182, %broadcast_in_dim3A_189] : memref<4096x8xf32, #tpu.memory_space<vmem>>[vector<16xi32>, vector<16xi32>], vector<16xf32>,
        %mul3A_191 = arith.mulf %mul3A_178, %gather3A_190 : vector<16xf32>
        %add3A_192 = arith.addf %add3A_147, %mul3A_191 : vector<16xf32>
        %broadcast_in_dim3A_193 = arith.constant 2 : i32
        %broadcast_in_dim3A_194 = vector.broadcast %broadcast_in_dim3A_193 : i32 to vector<16xi32>
        %gather3A_195 = tpu.vector_load_idx %arg7[%add3A_182, %broadcast_in_dim3A_194] : memref<4096x8xf32, #tpu.memory_space<vmem>>[vector<16xi32>, vector<16xi32>], vector<16xf32>,
        %mul3A_196 = arith.mulf %mul3A_178, %gather3A_195 : vector<16xf32>
        %add3A_197 = arith.addf %add3A_152, %mul3A_196 : vector<16xf32>
        %broadcast_in_dim3A_198 = arith.constant 3 : i32
        %broadcast_in_dim3A_199 = vector.broadcast %broadcast_in_dim3A_198 : i32 to vector<16xi32>
        %gather3A_200 = tpu.vector_load_idx %arg7[%add3A_182, %broadcast_in_dim3A_199] : memref<4096x8xf32, #tpu.memory_space<vmem>>[vector<16xi32>, vector<16xi32>], vector<16xf32>,
        %mul3A_201 = arith.mulf %mul3A_178, %gather3A_200 : vector<16xf32>
        %add3A_202 = arith.addf %add3A_157, %mul3A_201 : vector<16xf32>
        %broadcast_in_dim3A_203 = arith.constant 4 : i32
        %broadcast_in_dim3A_204 = vector.broadcast %broadcast_in_dim3A_203 : i32 to vector<16xi32>
        %gather3A_205 = tpu.vector_load_idx %arg7[%add3A_182, %broadcast_in_dim3A_204] : memref<4096x8xf32, #tpu.memory_space<vmem>>[vector<16xi32>, vector<16xi32>], vector<16xf32>,
        %mul3A_206 = arith.mulf %mul3A_178, %gather3A_205 : vector<16xf32>
        %add3A_207 = arith.addf %add3A_162, %mul3A_206 : vector<16xf32>
        %broadcast_in_dim3A_208 = arith.constant 5 : i32
        %broadcast_in_dim3A_209 = vector.broadcast %broadcast_in_dim3A_208 : i32 to vector<16xi32>
        %gather3A_210 = tpu.vector_load_idx %arg7[%add3A_182, %broadcast_in_dim3A_209] : memref<4096x8xf32, #tpu.memory_space<vmem>>[vector<16xi32>, vector<16xi32>], vector<16xf32>,
        %mul3A_211 = arith.mulf %mul3A_178, %gather3A_210 : vector<16xf32>
        %add3A_212 = arith.addf %add3A_167, %mul3A_211 : vector<16xf32>
        %broadcast_in_dim3A_213 = arith.constant 6 : i32
        %broadcast_in_dim3A_214 = vector.broadcast %broadcast_in_dim3A_213 : i32 to vector<16xi32>
        %gather3A_215 = tpu.vector_load_idx %arg7[%add3A_182, %broadcast_in_dim3A_214] : memref<4096x8xf32, #tpu.memory_space<vmem>>[vector<16xi32>, vector<16xi32>], vector<16xf32>,
        %mul3A_216 = arith.mulf %mul3A_178, %gather3A_215 : vector<16xf32>
        %add3A_217 = arith.addf %add3A_172, %mul3A_216 : vector<16xf32>
        %broadcast_in_dim3A_218 = arith.constant 7 : i32
        %broadcast_in_dim3A_219 = vector.broadcast %broadcast_in_dim3A_218 : i32 to vector<16xi32>
        %gather3A_220 = tpu.vector_load_idx %arg7[%add3A_182, %broadcast_in_dim3A_219] : memref<4096x8xf32, #tpu.memory_space<vmem>>[vector<16xi32>, vector<16xi32>], vector<16xf32>,
        %mul3A_221 = arith.mulf %mul3A_178, %gather3A_220 : vector<16xf32>
        %add3A_222 = arith.addf %add3A_177, %mul3A_221 : vector<16xf32>
        %mul3A_223 = arith.mulf %mul3A_69, %get3A_59 : vector<16xf32>
        %add3A_224 = arith.constant 48 : i32
        %add3A_225 = arith.addi %mul3A_88, %add3A_224 : i32
        %broadcast_in_dim3A_226 = vector.broadcast %add3A_225 : i32 to vector<16xi32>
        %add3A_227 = arith.addi %broadcast_in_dim3A_226, %iota3A : vector<16xi32>
        %broadcast_in_dim3A_228 = arith.constant 0 : i32
        %broadcast_in_dim3A_229 = vector.broadcast %broadcast_in_dim3A_228 : i32 to vector<16xi32>
        %gather3A_230 = tpu.vector_load_idx %arg7[%add3A_227, %broadcast_in_dim3A_229] : memref<4096x8xf32, #tpu.memory_space<vmem>>[vector<16xi32>, vector<16xi32>], vector<16xf32>,
        %mul3A_231 = arith.mulf %mul3A_223, %gather3A_230 : vector<16xf32>
        %add3A_232 = arith.addf %add3A_187, %mul3A_231 : vector<16xf32>
        %broadcast_in_dim3A_233 = arith.constant 1 : i32
        %broadcast_in_dim3A_234 = vector.broadcast %broadcast_in_dim3A_233 : i32 to vector<16xi32>
        %gather3A_235 = tpu.vector_load_idx %arg7[%add3A_227, %broadcast_in_dim3A_234] : memref<4096x8xf32, #tpu.memory_space<vmem>>[vector<16xi32>, vector<16xi32>], vector<16xf32>,
        %mul3A_236 = arith.mulf %mul3A_223, %gather3A_235 : vector<16xf32>
        %add3A_237 = arith.addf %add3A_192, %mul3A_236 : vector<16xf32>
        %broadcast_in_dim3A_238 = arith.constant 2 : i32
        %broadcast_in_dim3A_239 = vector.broadcast %broadcast_in_dim3A_238 : i32 to vector<16xi32>
        %gather3A_240 = tpu.vector_load_idx %arg7[%add3A_227, %broadcast_in_dim3A_239] : memref<4096x8xf32, #tpu.memory_space<vmem>>[vector<16xi32>, vector<16xi32>], vector<16xf32>,
        %mul3A_241 = arith.mulf %mul3A_223, %gather3A_240 : vector<16xf32>
        %add3A_242 = arith.addf %add3A_197, %mul3A_241 : vector<16xf32>
        %broadcast_in_dim3A_243 = arith.constant 3 : i32
        %broadcast_in_dim3A_244 = vector.broadcast %broadcast_in_dim3A_243 : i32 to vector<16xi32>
        %gather3A_245 = tpu.vector_load_idx %arg7[%add3A_227, %broadcast_in_dim3A_244] : memref<4096x8xf32, #tpu.memory_space<vmem>>[vector<16xi32>, vector<16xi32>], vector<16xf32>,
        %mul3A_246 = arith.mulf %mul3A_223, %gather3A_245 : vector<16xf32>
        %add3A_247 = arith.addf %add3A_202, %mul3A_246 : vector<16xf32>
        %broadcast_in_dim3A_248 = arith.constant 4 : i32
        %broadcast_in_dim3A_249 = vector.broadcast %broadcast_in_dim3A_248 : i32 to vector<16xi32>
        %gather3A_250 = tpu.vector_load_idx %arg7[%add3A_227, %broadcast_in_dim3A_249] : memref<4096x8xf32, #tpu.memory_space<vmem>>[vector<16xi32>, vector<16xi32>], vector<16xf32>,
        %mul3A_251 = arith.mulf %mul3A_223, %gather3A_250 : vector<16xf32>
        %add3A_252 = arith.addf %add3A_207, %mul3A_251 : vector<16xf32>
        %broadcast_in_dim3A_253 = arith.constant 5 : i32
        %broadcast_in_dim3A_254 = vector.broadcast %broadcast_in_dim3A_253 : i32 to vector<16xi32>
        %gather3A_255 = tpu.vector_load_idx %arg7[%add3A_227, %broadcast_in_dim3A_254] : memref<4096x8xf32, #tpu.memory_space<vmem>>[vector<16xi32>, vector<16xi32>], vector<16xf32>,
        %mul3A_256 = arith.mulf %mul3A_223, %gather3A_255 : vector<16xf32>
        %add3A_257 = arith.addf %add3A_212, %mul3A_256 : vector<16xf32>
        %broadcast_in_dim3A_258 = arith.constant 6 : i32
        %broadcast_in_dim3A_259 = vector.broadcast %broadcast_in_dim3A_258 : i32 to vector<16xi32>
        %gather3A_260 = tpu.vector_load_idx %arg7[%add3A_227, %broadcast_in_dim3A_259] : memref<4096x8xf32, #tpu.memory_space<vmem>>[vector<16xi32>, vector<16xi32>], vector<16xf32>,
        %mul3A_261 = arith.mulf %mul3A_223, %gather3A_260 : vector<16xf32>
        %add3A_262 = arith.addf %add3A_217, %mul3A_261 : vector<16xf32>
        %broadcast_in_dim3A_263 = arith.constant 7 : i32
        %broadcast_in_dim3A_264 = vector.broadcast %broadcast_in_dim3A_263 : i32 to vector<16xi32>
        %gather3A_265 = tpu.vector_load_idx %arg7[%add3A_227, %broadcast_in_dim3A_264] : memref<4096x8xf32, #tpu.memory_space<vmem>>[vector<16xi32>, vector<16xi32>], vector<16xf32>,
        %mul3A_266 = arith.mulf %mul3A_223, %gather3A_265 : vector<16xf32>
        %add3A_267 = arith.addf %add3A_222, %mul3A_266 : vector<16xf32>
        %mul3A_268 = arith.mulf %mul3A_70, %sub3A_67 : vector<16xf32>
        %add3A_269 = arith.constant 64 : i32
        %add3A_270 = arith.addi %mul3A_88, %add3A_269 : i32
        %broadcast_in_dim3A_271 = vector.broadcast %add3A_270 : i32 to vector<16xi32>
        %add3A_272 = arith.addi %broadcast_in_dim3A_271, %iota3A : vector<16xi32>
        %broadcast_in_dim3A_273 = arith.constant 0 : i32
        %broadcast_in_dim3A_274 = vector.broadcast %broadcast_in_dim3A_273 : i32 to vector<16xi32>
        %gather3A_275 = tpu.vector_load_idx %arg7[%add3A_272, %broadcast_in_dim3A_274] : memref<4096x8xf32, #tpu.memory_space<vmem>>[vector<16xi32>, vector<16xi32>], vector<16xf32>,
        %mul3A_276 = arith.mulf %mul3A_268, %gather3A_275 : vector<16xf32>
        %add3A_277 = arith.addf %add3A_232, %mul3A_276 : vector<16xf32>
        %broadcast_in_dim3A_278 = arith.constant 1 : i32
        %broadcast_in_dim3A_279 = vector.broadcast %broadcast_in_dim3A_278 : i32 to vector<16xi32>
        %gather3A_280 = tpu.vector_load_idx %arg7[%add3A_272, %broadcast_in_dim3A_279] : memref<4096x8xf32, #tpu.memory_space<vmem>>[vector<16xi32>, vector<16xi32>], vector<16xf32>,
        %mul3A_281 = arith.mulf %mul3A_268, %gather3A_280 : vector<16xf32>
        %add3A_282 = arith.addf %add3A_237, %mul3A_281 : vector<16xf32>
        %broadcast_in_dim3A_283 = arith.constant 2 : i32
        %broadcast_in_dim3A_284 = vector.broadcast %broadcast_in_dim3A_283 : i32 to vector<16xi32>
        %gather3A_285 = tpu.vector_load_idx %arg7[%add3A_272, %broadcast_in_dim3A_284] : memref<4096x8xf32, #tpu.memory_space<vmem>>[vector<16xi32>, vector<16xi32>], vector<16xf32>,
        %mul3A_286 = arith.mulf %mul3A_268, %gather3A_285 : vector<16xf32>
        %add3A_287 = arith.addf %add3A_242, %mul3A_286 : vector<16xf32>
        %broadcast_in_dim3A_288 = arith.constant 3 : i32
        %broadcast_in_dim3A_289 = vector.broadcast %broadcast_in_dim3A_288 : i32 to vector<16xi32>
        %gather3A_290 = tpu.vector_load_idx %arg7[%add3A_272, %broadcast_in_dim3A_289] : memref<4096x8xf32, #tpu.memory_space<vmem>>[vector<16xi32>, vector<16xi32>], vector<16xf32>,
        %mul3A_291 = arith.mulf %mul3A_268, %gather3A_290 : vector<16xf32>
        %add3A_292 = arith.addf %add3A_247, %mul3A_291 : vector<16xf32>
        %broadcast_in_dim3A_293 = arith.constant 4 : i32
        %broadcast_in_dim3A_294 = vector.broadcast %broadcast_in_dim3A_293 : i32 to vector<16xi32>
        %gather3A_295 = tpu.vector_load_idx %arg7[%add3A_272, %broadcast_in_dim3A_294] : memref<4096x8xf32, #tpu.memory_space<vmem>>[vector<16xi32>, vector<16xi32>], vector<16xf32>,
        %mul3A_296 = arith.mulf %mul3A_268, %gather3A_295 : vector<16xf32>
        %add3A_297 = arith.addf %add3A_252, %mul3A_296 : vector<16xf32>
        %broadcast_in_dim3A_298 = arith.constant 5 : i32
        %broadcast_in_dim3A_299 = vector.broadcast %broadcast_in_dim3A_298 : i32 to vector<16xi32>
        %gather3A_300 = tpu.vector_load_idx %arg7[%add3A_272, %broadcast_in_dim3A_299] : memref<4096x8xf32, #tpu.memory_space<vmem>>[vector<16xi32>, vector<16xi32>], vector<16xf32>,
        %mul3A_301 = arith.mulf %mul3A_268, %gather3A_300 : vector<16xf32>
        %add3A_302 = arith.addf %add3A_257, %mul3A_301 : vector<16xf32>
        %broadcast_in_dim3A_303 = arith.constant 6 : i32
        %broadcast_in_dim3A_304 = vector.broadcast %broadcast_in_dim3A_303 : i32 to vector<16xi32>
        %gather3A_305 = tpu.vector_load_idx %arg7[%add3A_272, %broadcast_in_dim3A_304] : memref<4096x8xf32, #tpu.memory_space<vmem>>[vector<16xi32>, vector<16xi32>], vector<16xf32>,
        %mul3A_306 = arith.mulf %mul3A_268, %gather3A_305 : vector<16xf32>
        %add3A_307 = arith.addf %add3A_262, %mul3A_306 : vector<16xf32>
        %broadcast_in_dim3A_308 = arith.constant 7 : i32
        %broadcast_in_dim3A_309 = vector.broadcast %broadcast_in_dim3A_308 : i32 to vector<16xi32>
        %gather3A_310 = tpu.vector_load_idx %arg7[%add3A_272, %broadcast_in_dim3A_309] : memref<4096x8xf32, #tpu.memory_space<vmem>>[vector<16xi32>, vector<16xi32>], vector<16xf32>,
        %mul3A_311 = arith.mulf %mul3A_268, %gather3A_310 : vector<16xf32>
        %add3A_312 = arith.addf %add3A_267, %mul3A_311 : vector<16xf32>
        %mul3A_313 = arith.mulf %mul3A_70, %get3A_59 : vector<16xf32>
        %add3A_314 = arith.constant 80 : i32
        %add3A_315 = arith.addi %mul3A_88, %add3A_314 : i32
        %broadcast_in_dim3A_316 = vector.broadcast %add3A_315 : i32 to vector<16xi32>
        %add3A_317 = arith.addi %broadcast_in_dim3A_316, %iota3A : vector<16xi32>
        %broadcast_in_dim3A_318 = arith.constant 0 : i32
        %broadcast_in_dim3A_319 = vector.broadcast %broadcast_in_dim3A_318 : i32 to vector<16xi32>
        %gather3A_320 = tpu.vector_load_idx %arg7[%add3A_317, %broadcast_in_dim3A_319] : memref<4096x8xf32, #tpu.memory_space<vmem>>[vector<16xi32>, vector<16xi32>], vector<16xf32>,
        %mul3A_321 = arith.mulf %mul3A_313, %gather3A_320 : vector<16xf32>
        %add3A_322 = arith.addf %add3A_277, %mul3A_321 : vector<16xf32>
        %broadcast_in_dim3A_323 = arith.constant 1 : i32
        %broadcast_in_dim3A_324 = vector.broadcast %broadcast_in_dim3A_323 : i32 to vector<16xi32>
        %gather3A_325 = tpu.vector_load_idx %arg7[%add3A_317, %broadcast_in_dim3A_324] : memref<4096x8xf32, #tpu.memory_space<vmem>>[vector<16xi32>, vector<16xi32>], vector<16xf32>,
        %mul3A_326 = arith.mulf %mul3A_313, %gather3A_325 : vector<16xf32>
        %add3A_327 = arith.addf %add3A_282, %mul3A_326 : vector<16xf32>
        %broadcast_in_dim3A_328 = arith.constant 2 : i32
        %broadcast_in_dim3A_329 = vector.broadcast %broadcast_in_dim3A_328 : i32 to vector<16xi32>
        %gather3A_330 = tpu.vector_load_idx %arg7[%add3A_317, %broadcast_in_dim3A_329] : memref<4096x8xf32, #tpu.memory_space<vmem>>[vector<16xi32>, vector<16xi32>], vector<16xf32>,
        %mul3A_331 = arith.mulf %mul3A_313, %gather3A_330 : vector<16xf32>
        %add3A_332 = arith.addf %add3A_287, %mul3A_331 : vector<16xf32>
        %broadcast_in_dim3A_333 = arith.constant 3 : i32
        %broadcast_in_dim3A_334 = vector.broadcast %broadcast_in_dim3A_333 : i32 to vector<16xi32>
        %gather3A_335 = tpu.vector_load_idx %arg7[%add3A_317, %broadcast_in_dim3A_334] : memref<4096x8xf32, #tpu.memory_space<vmem>>[vector<16xi32>, vector<16xi32>], vector<16xf32>,
        %mul3A_336 = arith.mulf %mul3A_313, %gather3A_335 : vector<16xf32>
        %add3A_337 = arith.addf %add3A_292, %mul3A_336 : vector<16xf32>
        %broadcast_in_dim3A_338 = arith.constant 4 : i32
        %broadcast_in_dim3A_339 = vector.broadcast %broadcast_in_dim3A_338 : i32 to vector<16xi32>
        %gather3A_340 = tpu.vector_load_idx %arg7[%add3A_317, %broadcast_in_dim3A_339] : memref<4096x8xf32, #tpu.memory_space<vmem>>[vector<16xi32>, vector<16xi32>], vector<16xf32>,
        %mul3A_341 = arith.mulf %mul3A_313, %gather3A_340 : vector<16xf32>
        %add3A_342 = arith.addf %add3A_297, %mul3A_341 : vector<16xf32>
        %broadcast_in_dim3A_343 = arith.constant 5 : i32
        %broadcast_in_dim3A_344 = vector.broadcast %broadcast_in_dim3A_343 : i32 to vector<16xi32>
        %gather3A_345 = tpu.vector_load_idx %arg7[%add3A_317, %broadcast_in_dim3A_344] : memref<4096x8xf32, #tpu.memory_space<vmem>>[vector<16xi32>, vector<16xi32>], vector<16xf32>,
        %mul3A_346 = arith.mulf %mul3A_313, %gather3A_345 : vector<16xf32>
        %add3A_347 = arith.addf %add3A_302, %mul3A_346 : vector<16xf32>
        %broadcast_in_dim3A_348 = arith.constant 6 : i32
        %broadcast_in_dim3A_349 = vector.broadcast %broadcast_in_dim3A_348 : i32 to vector<16xi32>
        %gather3A_350 = tpu.vector_load_idx %arg7[%add3A_317, %broadcast_in_dim3A_349] : memref<4096x8xf32, #tpu.memory_space<vmem>>[vector<16xi32>, vector<16xi32>], vector<16xf32>,
        %mul3A_351 = arith.mulf %mul3A_313, %gather3A_350 : vector<16xf32>
        %add3A_352 = arith.addf %add3A_307, %mul3A_351 : vector<16xf32>
        %broadcast_in_dim3A_353 = arith.constant 7 : i32
        %broadcast_in_dim3A_354 = vector.broadcast %broadcast_in_dim3A_353 : i32 to vector<16xi32>
        %gather3A_355 = tpu.vector_load_idx %arg7[%add3A_317, %broadcast_in_dim3A_354] : memref<4096x8xf32, #tpu.memory_space<vmem>>[vector<16xi32>, vector<16xi32>], vector<16xf32>,
        %mul3A_356 = arith.mulf %mul3A_313, %gather3A_355 : vector<16xf32>
        %add3A_357 = arith.addf %add3A_312, %mul3A_356 : vector<16xf32>
        %mul3A_358 = arith.mulf %mul3A_71, %sub3A_67 : vector<16xf32>
        %add3A_359 = arith.constant 96 : i32
        %add3A_360 = arith.addi %mul3A_88, %add3A_359 : i32
        %broadcast_in_dim3A_361 = vector.broadcast %add3A_360 : i32 to vector<16xi32>
        %add3A_362 = arith.addi %broadcast_in_dim3A_361, %iota3A : vector<16xi32>
        %broadcast_in_dim3A_363 = arith.constant 0 : i32
        %broadcast_in_dim3A_364 = vector.broadcast %broadcast_in_dim3A_363 : i32 to vector<16xi32>
        %gather3A_365 = tpu.vector_load_idx %arg7[%add3A_362, %broadcast_in_dim3A_364] : memref<4096x8xf32, #tpu.memory_space<vmem>>[vector<16xi32>, vector<16xi32>], vector<16xf32>,
        %mul3A_366 = arith.mulf %mul3A_358, %gather3A_365 : vector<16xf32>
        %add3A_367 = arith.addf %add3A_322, %mul3A_366 : vector<16xf32>
        %broadcast_in_dim3A_368 = arith.constant 1 : i32
        %broadcast_in_dim3A_369 = vector.broadcast %broadcast_in_dim3A_368 : i32 to vector<16xi32>
        %gather3A_370 = tpu.vector_load_idx %arg7[%add3A_362, %broadcast_in_dim3A_369] : memref<4096x8xf32, #tpu.memory_space<vmem>>[vector<16xi32>, vector<16xi32>], vector<16xf32>,
        %mul3A_371 = arith.mulf %mul3A_358, %gather3A_370 : vector<16xf32>
        %add3A_372 = arith.addf %add3A_327, %mul3A_371 : vector<16xf32>
        %broadcast_in_dim3A_373 = arith.constant 2 : i32
        %broadcast_in_dim3A_374 = vector.broadcast %broadcast_in_dim3A_373 : i32 to vector<16xi32>
        %gather3A_375 = tpu.vector_load_idx %arg7[%add3A_362, %broadcast_in_dim3A_374] : memref<4096x8xf32, #tpu.memory_space<vmem>>[vector<16xi32>, vector<16xi32>], vector<16xf32>,
        %mul3A_376 = arith.mulf %mul3A_358, %gather3A_375 : vector<16xf32>
        %add3A_377 = arith.addf %add3A_332, %mul3A_376 : vector<16xf32>
        %broadcast_in_dim3A_378 = arith.constant 3 : i32
        %broadcast_in_dim3A_379 = vector.broadcast %broadcast_in_dim3A_378 : i32 to vector<16xi32>
        %gather3A_380 = tpu.vector_load_idx %arg7[%add3A_362, %broadcast_in_dim3A_379] : memref<4096x8xf32, #tpu.memory_space<vmem>>[vector<16xi32>, vector<16xi32>], vector<16xf32>,
        %mul3A_381 = arith.mulf %mul3A_358, %gather3A_380 : vector<16xf32>
        %add3A_382 = arith.addf %add3A_337, %mul3A_381 : vector<16xf32>
        %broadcast_in_dim3A_383 = arith.constant 4 : i32
        %broadcast_in_dim3A_384 = vector.broadcast %broadcast_in_dim3A_383 : i32 to vector<16xi32>
        %gather3A_385 = tpu.vector_load_idx %arg7[%add3A_362, %broadcast_in_dim3A_384] : memref<4096x8xf32, #tpu.memory_space<vmem>>[vector<16xi32>, vector<16xi32>], vector<16xf32>,
        %mul3A_386 = arith.mulf %mul3A_358, %gather3A_385 : vector<16xf32>
        %add3A_387 = arith.addf %add3A_342, %mul3A_386 : vector<16xf32>
        %broadcast_in_dim3A_388 = arith.constant 5 : i32
        %broadcast_in_dim3A_389 = vector.broadcast %broadcast_in_dim3A_388 : i32 to vector<16xi32>
        %gather3A_390 = tpu.vector_load_idx %arg7[%add3A_362, %broadcast_in_dim3A_389] : memref<4096x8xf32, #tpu.memory_space<vmem>>[vector<16xi32>, vector<16xi32>], vector<16xf32>,
        %mul3A_391 = arith.mulf %mul3A_358, %gather3A_390 : vector<16xf32>
        %add3A_392 = arith.addf %add3A_347, %mul3A_391 : vector<16xf32>
        %broadcast_in_dim3A_393 = arith.constant 6 : i32
        %broadcast_in_dim3A_394 = vector.broadcast %broadcast_in_dim3A_393 : i32 to vector<16xi32>
        %gather3A_395 = tpu.vector_load_idx %arg7[%add3A_362, %broadcast_in_dim3A_394] : memref<4096x8xf32, #tpu.memory_space<vmem>>[vector<16xi32>, vector<16xi32>], vector<16xf32>,
        %mul3A_396 = arith.mulf %mul3A_358, %gather3A_395 : vector<16xf32>
        %add3A_397 = arith.addf %add3A_352, %mul3A_396 : vector<16xf32>
        %broadcast_in_dim3A_398 = arith.constant 7 : i32
        %broadcast_in_dim3A_399 = vector.broadcast %broadcast_in_dim3A_398 : i32 to vector<16xi32>
        %gather3A_400 = tpu.vector_load_idx %arg7[%add3A_362, %broadcast_in_dim3A_399] : memref<4096x8xf32, #tpu.memory_space<vmem>>[vector<16xi32>, vector<16xi32>], vector<16xf32>,
        %mul3A_401 = arith.mulf %mul3A_358, %gather3A_400 : vector<16xf32>
        %add3A_402 = arith.addf %add3A_357, %mul3A_401 : vector<16xf32>
        %mul3A_403 = arith.mulf %mul3A_71, %get3A_59 : vector<16xf32>
        %add3A_404 = arith.constant 112 : i32
        %add3A_405 = arith.addi %mul3A_88, %add3A_404 : i32
        %broadcast_in_dim3A_406 = vector.broadcast %add3A_405 : i32 to vector<16xi32>
        %add3A_407 = arith.addi %broadcast_in_dim3A_406, %iota3A : vector<16xi32>
        %broadcast_in_dim3A_408 = arith.constant 0 : i32
        %broadcast_in_dim3A_409 = vector.broadcast %broadcast_in_dim3A_408 : i32 to vector<16xi32>
        %gather3A_410 = tpu.vector_load_idx %arg7[%add3A_407, %broadcast_in_dim3A_409] : memref<4096x8xf32, #tpu.memory_space<vmem>>[vector<16xi32>, vector<16xi32>], vector<16xf32>,
        %mul3A_411 = arith.mulf %mul3A_403, %gather3A_410 : vector<16xf32>
        %add3A_412 = arith.addf %add3A_367, %mul3A_411 : vector<16xf32>
        %broadcast_in_dim3A_413 = arith.constant 1 : i32
        %broadcast_in_dim3A_414 = vector.broadcast %broadcast_in_dim3A_413 : i32 to vector<16xi32>
        %gather3A_415 = tpu.vector_load_idx %arg7[%add3A_407, %broadcast_in_dim3A_414] : memref<4096x8xf32, #tpu.memory_space<vmem>>[vector<16xi32>, vector<16xi32>], vector<16xf32>,
        %mul3A_416 = arith.mulf %mul3A_403, %gather3A_415 : vector<16xf32>
        %add3A_417 = arith.addf %add3A_372, %mul3A_416 : vector<16xf32>
        %broadcast_in_dim3A_418 = arith.constant 2 : i32
        %broadcast_in_dim3A_419 = vector.broadcast %broadcast_in_dim3A_418 : i32 to vector<16xi32>
        %gather3A_420 = tpu.vector_load_idx %arg7[%add3A_407, %broadcast_in_dim3A_419] : memref<4096x8xf32, #tpu.memory_space<vmem>>[vector<16xi32>, vector<16xi32>], vector<16xf32>,
        %mul3A_421 = arith.mulf %mul3A_403, %gather3A_420 : vector<16xf32>
        %add3A_422 = arith.addf %add3A_377, %mul3A_421 : vector<16xf32>
        %broadcast_in_dim3A_423 = arith.constant 3 : i32
        %broadcast_in_dim3A_424 = vector.broadcast %broadcast_in_dim3A_423 : i32 to vector<16xi32>
        %gather3A_425 = tpu.vector_load_idx %arg7[%add3A_407, %broadcast_in_dim3A_424] : memref<4096x8xf32, #tpu.memory_space<vmem>>[vector<16xi32>, vector<16xi32>], vector<16xf32>,
        %mul3A_426 = arith.mulf %mul3A_403, %gather3A_425 : vector<16xf32>
        %add3A_427 = arith.addf %add3A_382, %mul3A_426 : vector<16xf32>
        %broadcast_in_dim3A_428 = arith.constant 4 : i32
        %broadcast_in_dim3A_429 = vector.broadcast %broadcast_in_dim3A_428 : i32 to vector<16xi32>
        %gather3A_430 = tpu.vector_load_idx %arg7[%add3A_407, %broadcast_in_dim3A_429] : memref<4096x8xf32, #tpu.memory_space<vmem>>[vector<16xi32>, vector<16xi32>], vector<16xf32>,
        %mul3A_431 = arith.mulf %mul3A_403, %gather3A_430 : vector<16xf32>
        %add3A_432 = arith.addf %add3A_387, %mul3A_431 : vector<16xf32>
        %broadcast_in_dim3A_433 = arith.constant 5 : i32
        %broadcast_in_dim3A_434 = vector.broadcast %broadcast_in_dim3A_433 : i32 to vector<16xi32>
        %gather3A_435 = tpu.vector_load_idx %arg7[%add3A_407, %broadcast_in_dim3A_434] : memref<4096x8xf32, #tpu.memory_space<vmem>>[vector<16xi32>, vector<16xi32>], vector<16xf32>,
        %mul3A_436 = arith.mulf %mul3A_403, %gather3A_435 : vector<16xf32>
        %add3A_437 = arith.addf %add3A_392, %mul3A_436 : vector<16xf32>
        %broadcast_in_dim3A_438 = arith.constant 6 : i32
        %broadcast_in_dim3A_439 = vector.broadcast %broadcast_in_dim3A_438 : i32 to vector<16xi32>
        %gather3A_440 = tpu.vector_load_idx %arg7[%add3A_407, %broadcast_in_dim3A_439] : memref<4096x8xf32, #tpu.memory_space<vmem>>[vector<16xi32>, vector<16xi32>], vector<16xf32>,
        %mul3A_441 = arith.mulf %mul3A_403, %gather3A_440 : vector<16xf32>
        %add3A_442 = arith.addf %add3A_397, %mul3A_441 : vector<16xf32>
        %broadcast_in_dim3A_443 = arith.constant 7 : i32
        %broadcast_in_dim3A_444 = vector.broadcast %broadcast_in_dim3A_443 : i32 to vector<16xi32>
        %gather3A_445 = tpu.vector_load_idx %arg7[%add3A_407, %broadcast_in_dim3A_444] : memref<4096x8xf32, #tpu.memory_space<vmem>>[vector<16xi32>, vector<16xi32>], vector<16xf32>,
        %mul3A_446 = arith.mulf %mul3A_403, %gather3A_445 : vector<16xf32>
        %add3A_447 = arith.addf %add3A_402, %mul3A_446 : vector<16xf32>
        %div3A = arith.constant 8 : i32
        %div3A_448 = arith.divsi %while3A_46, %div3A : i32
        %mul3A_449 = arith.constant 1024 : i32
        %mul3A_450 = arith.muli %div3A_448, %mul3A_449 : i32
        %rem3A = arith.constant 8 : i32
        %rem3A_451 = arith.remsi %while3A_46, %rem3A : i32
        %mul3A_452 = arith.constant 16 : i32
        %mul3A_453 = arith.muli %rem3A_451, %mul3A_452 : i32
        %add3A_454 = arith.addi %mul3A_450, %mul3A_453 : i32
        %add3A_455 = arith.constant 0 : i32
        %add3A_456 = arith.addi %add3A_454, %add3A_455 : i32
        %swap3A = arith.index_cast %add3A_456 : i32 to index
        %swap3A_457 = tpu.vector_load %arg8[%swap3A] {strides = array<i32>} : memref<4096xf32, #tpu.memory_space<vmem>>, vector<16xf32>,
        tpu.vector_store %arg8[%swap3A], %add3A_412 {strides = array<i32>} : memref<4096xf32, #tpu.memory_space<vmem>>, vector<16xf32>,
        %add3A_458 = arith.constant 128 : i32
        %add3A_459 = arith.addi %add3A_454, %add3A_458 : i32
        %swap3A_460 = arith.index_cast %add3A_459 : i32 to index
        %swap3A_461 = tpu.vector_load %arg8[%swap3A_460] {strides = array<i32>} : memref<4096xf32, #tpu.memory_space<vmem>>, vector<16xf32>,
        tpu.vector_store %arg8[%swap3A_460], %add3A_417 {strides = array<i32>} : memref<4096xf32, #tpu.memory_space<vmem>>, vector<16xf32>,
        %add3A_462 = arith.constant 256 : i32
        %add3A_463 = arith.addi %add3A_454, %add3A_462 : i32
        %swap3A_464 = arith.index_cast %add3A_463 : i32 to index
        %swap3A_465 = tpu.vector_load %arg8[%swap3A_464] {strides = array<i32>} : memref<4096xf32, #tpu.memory_space<vmem>>, vector<16xf32>,
        tpu.vector_store %arg8[%swap3A_464], %add3A_422 {strides = array<i32>} : memref<4096xf32, #tpu.memory_space<vmem>>, vector<16xf32>,
        %add3A_466 = arith.constant 384 : i32
        %add3A_467 = arith.addi %add3A_454, %add3A_466 : i32
        %swap3A_468 = arith.index_cast %add3A_467 : i32 to index
        %swap3A_469 = tpu.vector_load %arg8[%swap3A_468] {strides = array<i32>} : memref<4096xf32, #tpu.memory_space<vmem>>, vector<16xf32>,
        tpu.vector_store %arg8[%swap3A_468], %add3A_427 {strides = array<i32>} : memref<4096xf32, #tpu.memory_space<vmem>>, vector<16xf32>,
        %add3A_470 = arith.constant 512 : i32
        %add3A_471 = arith.addi %add3A_454, %add3A_470 : i32
        %swap3A_472 = arith.index_cast %add3A_471 : i32 to index
        %swap3A_473 = tpu.vector_load %arg8[%swap3A_472] {strides = array<i32>} : memref<4096xf32, #tpu.memory_space<vmem>>, vector<16xf32>,
        tpu.vector_store %arg8[%swap3A_472], %add3A_432 {strides = array<i32>} : memref<4096xf32, #tpu.memory_space<vmem>>, vector<16xf32>,
        %add3A_474 = arith.constant 640 : i32
        %add3A_475 = arith.addi %add3A_454, %add3A_474 : i32
        %swap3A_476 = arith.index_cast %add3A_475 : i32 to index
        %swap3A_477 = tpu.vector_load %arg8[%swap3A_476] {strides = array<i32>} : memref<4096xf32, #tpu.memory_space<vmem>>, vector<16xf32>,
        tpu.vector_store %arg8[%swap3A_476], %add3A_437 {strides = array<i32>} : memref<4096xf32, #tpu.memory_space<vmem>>, vector<16xf32>,
        %add3A_478 = arith.constant 768 : i32
        %add3A_479 = arith.addi %add3A_454, %add3A_478 : i32
        %swap3A_480 = arith.index_cast %add3A_479 : i32 to index
        %swap3A_481 = tpu.vector_load %arg8[%swap3A_480] {strides = array<i32>} : memref<4096xf32, #tpu.memory_space<vmem>>, vector<16xf32>,
        tpu.vector_store %arg8[%swap3A_480], %add3A_442 {strides = array<i32>} : memref<4096xf32, #tpu.memory_space<vmem>>, vector<16xf32>,
        %add3A_482 = arith.constant 896 : i32
        %add3A_483 = arith.addi %add3A_454, %add3A_482 : i32
        %swap3A_484 = arith.index_cast %add3A_483 : i32 to index
        %swap3A_485 = tpu.vector_load %arg8[%swap3A_484] {strides = array<i32>} : memref<4096xf32, #tpu.memory_space<vmem>>, vector<16xf32>,
        tpu.vector_store %arg8[%swap3A_484], %add3A_447 {strides = array<i32>} : memref<4096xf32, #tpu.memory_space<vmem>>, vector<16xf32>,
      }
      %mul3A_44 = arith.constant 8 : i32
      %mul3A_45 = arith.muli %add3A_16, %mul3A_44 : i32
      "tpu.region"() ({
        %run_scoped3A = tpu.sem_alloc : memref<!tpu.dma_semaphore, #tpu.memory_space<semaphore_mem>>
        %dma_start3A = tpu.memref_slice %arg4[%mul3A_45] : memref<8388608xf32, #tpu.memory_space<hbm>> -> memref<4096xf32, #tpu.memory_space<hbm>>
        %dma_start3A_46 = tpu.memref_slice %arg4[%mul3A_45] : memref<8388608xf32, #tpu.memory_space<hbm>> -> memref<4096xf32, #tpu.memory_space<hbm>>
        tpu.enqueue_dma source(%arg8 : memref<4096xf32, #tpu.memory_space<vmem>>) target(%dma_start3A_46 : memref<4096xf32, #tpu.memory_space<hbm>>) target_semaphore(%run_scoped3A : memref<!tpu.dma_semaphore, #tpu.memory_space<semaphore_mem>>)
        %dma_wait3A_47 = tpu.memref_slice %arg4[%mul3A_45] : memref<8388608xf32, #tpu.memory_space<hbm>> -> memref<4096xf32, #tpu.memory_space<hbm>>
        %dma_wait3A_48 = tpu.memref_slice %arg4[%mul3A_45] : memref<8388608xf32, #tpu.memory_space<hbm>> -> memref<4096xf32, #tpu.memory_space<hbm>>
        tpu.wait_dma2 semaphore(%run_scoped3A : memref<!tpu.dma_semaphore, #tpu.memory_space<semaphore_mem>>) src(%arg8 : memref<4096xf32, #tpu.memory_space<vmem>>) dst(%dma_wait3A_48 : memref<4096xf32, #tpu.memory_space<hbm>>)
        tpu.yield
      }) : () -> ()
    }
    %while3A_12 = arith.constant 1 : i32
    scf.for %while3A_13 = %while3A_10 to %while3A_6 step %while3A_12  : i32 {
      %mul3A_14 = arith.constant 512 : i32
      %mul3A_15 = arith.muli %while3A_13, %mul3A_14 : i32
      %add3A_16 = arith.addi %mul3A_2, %mul3A_15 : i32
      "tpu.region"() ({
        %run_scoped3A = tpu.sem_alloc : memref<!tpu.dma_semaphore, #tpu.memory_space<semaphore_mem>>
        %dma_start3A = arith.constant 0 : i32
        %dma_start3A_46 = tpu.memref_slice %arg2[%dma_start3A, %add3A_16] : memref<3x1048576xf32, #tpu.memory_space<hbm>> -> memref<3x512xf32, #tpu.memory_space<hbm>>
        %dma_start3A_47 = arith.constant 0 : i32
        %dma_start3A_48 = tpu.memref_slice %arg2[%dma_start3A_47, %add3A_16] : memref<3x1048576xf32, #tpu.memory_space<hbm>> -> memref<3x512xf32, #tpu.memory_space<hbm>>
        tpu.enqueue_dma source(%dma_start3A_48 : memref<3x512xf32, #tpu.memory_space<hbm>>) target(%arg9 : memref<3x512xf32, #tpu.memory_space<vmem>>) target_semaphore(%run_scoped3A : memref<!tpu.dma_semaphore, #tpu.memory_space<semaphore_mem>>)
        %dma_wait3A_49 = arith.constant 0 : i32
        %dma_wait3A_50 = tpu.memref_slice %arg2[%dma_wait3A_49, %add3A_16] : memref<3x1048576xf32, #tpu.memory_space<hbm>> -> memref<3x512xf32, #tpu.memory_space<hbm>>
        %dma_wait3A_51 = arith.constant 0 : i32
        %dma_wait3A_52 = tpu.memref_slice %arg2[%dma_wait3A_51, %add3A_16] : memref<3x1048576xf32, #tpu.memory_space<hbm>> -> memref<3x512xf32, #tpu.memory_space<hbm>>
        tpu.wait_dma2 semaphore(%run_scoped3A : memref<!tpu.dma_semaphore, #tpu.memory_space<semaphore_mem>>) src(%dma_wait3A_52 : memref<3x512xf32, #tpu.memory_space<hbm>>) dst(%arg9 : memref<3x512xf32, #tpu.memory_space<vmem>>)
        tpu.yield
      }) : () -> ()
      %while3A_17 = arith.constant 0 : i32
      %while3A_18 = arith.constant 0 : i32
      %while3A_19 = arith.constant 32 : i32
      %while3A_20 = arith.subi %while3A_19, %while3A_18 : i32
      %while3A_21 = arith.addi %while3A_18, %while3A_20 : i32
      %while3A_22 = arith.constant 1 : i32
      %while3A_23 = arith.divsi %while3A_20, %while3A_22 : i32
      %while3A_24 = arith.muli %while3A_23, %while3A_22 : i32
      %while3A_25 = arith.addi %while3A_18, %while3A_24 : i32
      %while3A_26 = arith.constant 1 : i32
      scf.for %while3A_46 = %while3A_18 to %while3A_25 step %while3A_26  : i32 {
        %mul3A_47 = arith.constant 16 : i32
        %mul3A_48 = arith.muli %while3A_46, %mul3A_47 : i32
        %get3A = arith.constant 0 : i64
        %get3A_49 = arith.index_cast %get3A : i64 to index
        %get3A_50 = arith.index_cast %mul3A_48 : i32 to index
        %get3A_51 = tpu.vector_load %arg9[%get3A_49, %get3A_50] {strides = array<i32>} : memref<3x512xf32, #tpu.memory_space<vmem>>, vector<16xf32>,
        %add3A_52 = arith.constant 1.000000e+00 : f32
        %add3A_53 = vector.broadcast %add3A_52 : f32 to vector<16xf32>
        %add3A_54 = arith.addf %get3A_51, %add3A_53 : vector<16xf32>
        %div3A = arith.constant 2.000000e+00 : f32
        %div3A_55 = vector.broadcast %div3A : f32 to vector<16xf32>
        %div3A_56 = arith.divf %add3A_54, %div3A_55 : vector<16xf32>
        %mul3A_57 = arith.constant 1.000000e+02 : f32
        %mul3A_58 = vector.broadcast %mul3A_57 : f32 to vector<16xf32>
        %mul3A_59 = arith.mulf %div3A_56, %mul3A_58 : vector<16xf32>
        %convert_element_type3A = arith.fptosi %mul3A_59 : vector<16xf32> to vector<16xi32>
        %convert_element_type3A_60 = arith.sitofp %convert_element_type3A : vector<16xi32> to vector<16xf32>
        %sub3A = arith.subf %mul3A_59, %convert_element_type3A_60 : vector<16xf32>
        %swap3A = arith.constant 0 : i64
        %swap3A_61 = arith.index_cast %swap3A : i64 to index
        %swap3A_62 = arith.index_cast %mul3A_48 : i32 to index
        %swap3A_63 = tpu.vector_load %arg5[%swap3A_61, %swap3A_62] {strides = array<i32>} : memref<3x512xf32, #tpu.memory_space<vmem>>, vector<16xf32>,
        tpu.vector_store %arg5[%swap3A_61, %swap3A_62], %sub3A {strides = array<i32>} : memref<3x512xf32, #tpu.memory_space<vmem>>, vector<16xf32>,
        %get3A_64 = arith.constant 1 : i64
        %get3A_65 = arith.index_cast %get3A_64 : i64 to index
        %get3A_66 = arith.index_cast %mul3A_48 : i32 to index
        %get3A_67 = tpu.vector_load %arg9[%get3A_65, %get3A_66] {strides = array<i32>} : memref<3x512xf32, #tpu.memory_space<vmem>>, vector<16xf32>,
        %add3A_68 = arith.constant 1.000000e+00 : f32
        %add3A_69 = vector.broadcast %add3A_68 : f32 to vector<16xf32>
        %add3A_70 = arith.addf %get3A_67, %add3A_69 : vector<16xf32>
        %div3A_71 = arith.constant 2.000000e+00 : f32
        %div3A_72 = vector.broadcast %div3A_71 : f32 to vector<16xf32>
        %div3A_73 = arith.divf %add3A_70, %div3A_72 : vector<16xf32>
        %mul3A_74 = arith.constant 1.000000e+02 : f32
        %mul3A_75 = vector.broadcast %mul3A_74 : f32 to vector<16xf32>
        %mul3A_76 = arith.mulf %div3A_73, %mul3A_75 : vector<16xf32>
        %convert_element_type3A_77 = arith.fptosi %mul3A_76 : vector<16xf32> to vector<16xi32>
        %convert_element_type3A_78 = arith.sitofp %convert_element_type3A_77 : vector<16xi32> to vector<16xf32>
        %sub3A_79 = arith.subf %mul3A_76, %convert_element_type3A_78 : vector<16xf32>
        %swap3A_80 = arith.constant 1 : i64
        %swap3A_81 = arith.index_cast %swap3A_80 : i64 to index
        %swap3A_82 = arith.index_cast %mul3A_48 : i32 to index
        %swap3A_83 = tpu.vector_load %arg5[%swap3A_81, %swap3A_82] {strides = array<i32>} : memref<3x512xf32, #tpu.memory_space<vmem>>, vector<16xf32>,
        tpu.vector_store %arg5[%swap3A_81, %swap3A_82], %sub3A_79 {strides = array<i32>} : memref<3x512xf32, #tpu.memory_space<vmem>>, vector<16xf32>,
        %get3A_84 = arith.constant 2 : i64
        %get3A_85 = arith.index_cast %get3A_84 : i64 to index
        %get3A_86 = arith.index_cast %mul3A_48 : i32 to index
        %get3A_87 = tpu.vector_load %arg9[%get3A_85, %get3A_86] {strides = array<i32>} : memref<3x512xf32, #tpu.memory_space<vmem>>, vector<16xf32>,
        %add3A_88 = arith.constant 1.000000e+00 : f32
        %add3A_89 = vector.broadcast %add3A_88 : f32 to vector<16xf32>
        %add3A_90 = arith.addf %get3A_87, %add3A_89 : vector<16xf32>
        %div3A_91 = arith.constant 2.000000e+00 : f32
        %div3A_92 = vector.broadcast %div3A_91 : f32 to vector<16xf32>
        %div3A_93 = arith.divf %add3A_90, %div3A_92 : vector<16xf32>
        %mul3A_94 = arith.constant 1.000000e+02 : f32
        %mul3A_95 = vector.broadcast %mul3A_94 : f32 to vector<16xf32>
        %mul3A_96 = arith.mulf %div3A_93, %mul3A_95 : vector<16xf32>
        %convert_element_type3A_97 = arith.fptosi %mul3A_96 : vector<16xf32> to vector<16xi32>
        %convert_element_type3A_98 = arith.sitofp %convert_element_type3A_97 : vector<16xi32> to vector<16xf32>
        %sub3A_99 = arith.subf %mul3A_96, %convert_element_type3A_98 : vector<16xf32>
        %swap3A_100 = arith.constant 2 : i64
        %swap3A_101 = arith.index_cast %swap3A_100 : i64 to index
        %swap3A_102 = arith.index_cast %mul3A_48 : i32 to index
        %swap3A_103 = tpu.vector_load %arg5[%swap3A_101, %swap3A_102] {strides = array<i32>} : memref<3x512xf32, #tpu.memory_space<vmem>>, vector<16xf32>,
        tpu.vector_store %arg5[%swap3A_101, %swap3A_102], %sub3A_99 {strides = array<i32>} : memref<3x512xf32, #tpu.memory_space<vmem>>, vector<16xf32>,
        %add3A_104 = arith.constant 1 : i32
        %add3A_105 = vector.broadcast %add3A_104 : i32 to vector<16xi32>
        %add3A_106 = arith.addi %convert_element_type3A, %add3A_105 : vector<16xi32>
        %mul3A_107 = arith.constant -1640531535 : i32
        %mul3A_108 = vector.broadcast %mul3A_107 : i32 to vector<16xi32>
        %mul3A_109 = arith.muli %convert_element_type3A_77, %mul3A_108 : vector<16xi32>
        %add3A_110 = arith.constant -1640531535 : i32
        %add3A_111 = vector.broadcast %add3A_110 : i32 to vector<16xi32>
        %add3A_112 = arith.addi %mul3A_109, %add3A_111 : vector<16xi32>
        %mul3A_113 = arith.constant 805459861 : i32
        %mul3A_114 = vector.broadcast %mul3A_113 : i32 to vector<16xi32>
        %mul3A_115 = arith.muli %convert_element_type3A_97, %mul3A_114 : vector<16xi32>
        %add3A_116 = arith.constant 805459861 : i32
        %add3A_117 = vector.broadcast %add3A_116 : i32 to vector<16xi32>
        %add3A_118 = arith.addi %mul3A_115, %add3A_117 : vector<16xi32>
        %xor3A = arith.xori %convert_element_type3A, %mul3A_109 : vector<16xi32>
        %xor3A_119 = arith.xori %xor3A, %mul3A_115 : vector<16xi32>
        %and3A = arith.constant 2097151 : i32
        %and3A_120 = vector.broadcast %and3A : i32 to vector<16xi32>
        %and3A_121 = arith.andi %xor3A_119, %and3A_120 : vector<16xi32>
        %swap3A_122 = arith.index_cast %while3A_46 : i32 to index
        %swap3A_123 = arith.constant 0 : index
        %swap3A_124 = tpu.vector_load %arg6[%swap3A_122, %swap3A_123] {strides = array<i32>} : memref<32x128xi32, #tpu.memory_space<vmem>>, vector<16xi32>,
        tpu.vector_store %arg6[%swap3A_122, %swap3A_123], %and3A_121 {strides = array<i32>} : memref<32x128xi32, #tpu.memory_space<vmem>>, vector<16xi32>,
        %xor3A_125 = arith.xori %convert_element_type3A, %mul3A_109 : vector<16xi32>
        %xor3A_126 = arith.xori %xor3A_125, %add3A_118 : vector<16xi32>
        %and3A_127 = arith.constant 2097151 : i32
        %and3A_128 = vector.broadcast %and3A_127 : i32 to vector<16xi32>
        %and3A_129 = arith.andi %xor3A_126, %and3A_128 : vector<16xi32>
        %swap3A_130 = arith.index_cast %while3A_46 : i32 to index
        %swap3A_131 = arith.constant 16 : index
        %swap3A_132 = tpu.vector_load %arg6[%swap3A_130, %swap3A_131] {strides = array<i32>} : memref<32x128xi32, #tpu.memory_space<vmem>>, vector<16xi32>,
        tpu.vector_store %arg6[%swap3A_130, %swap3A_131], %and3A_129 {strides = array<i32>} : memref<32x128xi32, #tpu.memory_space<vmem>>, vector<16xi32>,
        %xor3A_133 = arith.xori %convert_element_type3A, %add3A_112 : vector<16xi32>
        %xor3A_134 = arith.xori %xor3A_133, %mul3A_115 : vector<16xi32>
        %and3A_135 = arith.constant 2097151 : i32
        %and3A_136 = vector.broadcast %and3A_135 : i32 to vector<16xi32>
        %and3A_137 = arith.andi %xor3A_134, %and3A_136 : vector<16xi32>
        %swap3A_138 = arith.index_cast %while3A_46 : i32 to index
        %swap3A_139 = arith.constant 32 : index
        %swap3A_140 = tpu.vector_load %arg6[%swap3A_138, %swap3A_139] {strides = array<i32>} : memref<32x128xi32, #tpu.memory_space<vmem>>, vector<16xi32>,
        tpu.vector_store %arg6[%swap3A_138, %swap3A_139], %and3A_137 {strides = array<i32>} : memref<32x128xi32, #tpu.memory_space<vmem>>, vector<16xi32>,
        %xor3A_141 = arith.xori %convert_element_type3A, %add3A_112 : vector<16xi32>
        %xor3A_142 = arith.xori %xor3A_141, %add3A_118 : vector<16xi32>
        %and3A_143 = arith.constant 2097151 : i32
        %and3A_144 = vector.broadcast %and3A_143 : i32 to vector<16xi32>
        %and3A_145 = arith.andi %xor3A_142, %and3A_144 : vector<16xi32>
        %swap3A_146 = arith.index_cast %while3A_46 : i32 to index
        %swap3A_147 = arith.constant 48 : index
        %swap3A_148 = tpu.vector_load %arg6[%swap3A_146, %swap3A_147] {strides = array<i32>} : memref<32x128xi32, #tpu.memory_space<vmem>>, vector<16xi32>,
        tpu.vector_store %arg6[%swap3A_146, %swap3A_147], %and3A_145 {strides = array<i32>} : memref<32x128xi32, #tpu.memory_space<vmem>>, vector<16xi32>,
        %xor3A_149 = arith.xori %add3A_106, %mul3A_109 : vector<16xi32>
        %xor3A_150 = arith.xori %xor3A_149, %mul3A_115 : vector<16xi32>
        %and3A_151 = arith.constant 2097151 : i32
        %and3A_152 = vector.broadcast %and3A_151 : i32 to vector<16xi32>
        %and3A_153 = arith.andi %xor3A_150, %and3A_152 : vector<16xi32>
        %swap3A_154 = arith.index_cast %while3A_46 : i32 to index
        %swap3A_155 = arith.constant 64 : index
        %swap3A_156 = tpu.vector_load %arg6[%swap3A_154, %swap3A_155] {strides = array<i32>} : memref<32x128xi32, #tpu.memory_space<vmem>>, vector<16xi32>,
        tpu.vector_store %arg6[%swap3A_154, %swap3A_155], %and3A_153 {strides = array<i32>} : memref<32x128xi32, #tpu.memory_space<vmem>>, vector<16xi32>,
        %xor3A_157 = arith.xori %add3A_106, %mul3A_109 : vector<16xi32>
        %xor3A_158 = arith.xori %xor3A_157, %add3A_118 : vector<16xi32>
        %and3A_159 = arith.constant 2097151 : i32
        %and3A_160 = vector.broadcast %and3A_159 : i32 to vector<16xi32>
        %and3A_161 = arith.andi %xor3A_158, %and3A_160 : vector<16xi32>
        %swap3A_162 = arith.index_cast %while3A_46 : i32 to index
        %swap3A_163 = arith.constant 80 : index
        %swap3A_164 = tpu.vector_load %arg6[%swap3A_162, %swap3A_163] {strides = array<i32>} : memref<32x128xi32, #tpu.memory_space<vmem>>, vector<16xi32>,
        tpu.vector_store %arg6[%swap3A_162, %swap3A_163], %and3A_161 {strides = array<i32>} : memref<32x128xi32, #tpu.memory_space<vmem>>, vector<16xi32>,
        %xor3A_165 = arith.xori %add3A_106, %add3A_112 : vector<16xi32>
        %xor3A_166 = arith.xori %xor3A_165, %mul3A_115 : vector<16xi32>
        %and3A_167 = arith.constant 2097151 : i32
        %and3A_168 = vector.broadcast %and3A_167 : i32 to vector<16xi32>
        %and3A_169 = arith.andi %xor3A_166, %and3A_168 : vector<16xi32>
        %swap3A_170 = arith.index_cast %while3A_46 : i32 to index
        %swap3A_171 = arith.constant 96 : index
        %swap3A_172 = tpu.vector_load %arg6[%swap3A_170, %swap3A_171] {strides = array<i32>} : memref<32x128xi32, #tpu.memory_space<vmem>>, vector<16xi32>,
        tpu.vector_store %arg6[%swap3A_170, %swap3A_171], %and3A_169 {strides = array<i32>} : memref<32x128xi32, #tpu.memory_space<vmem>>, vector<16xi32>,
        %xor3A_173 = arith.xori %add3A_106, %add3A_112 : vector<16xi32>
        %xor3A_174 = arith.xori %xor3A_173, %add3A_118 : vector<16xi32>
        %and3A_175 = arith.constant 2097151 : i32
        %and3A_176 = vector.broadcast %and3A_175 : i32 to vector<16xi32>
        %and3A_177 = arith.andi %xor3A_174, %and3A_176 : vector<16xi32>
        %swap3A_178 = arith.index_cast %while3A_46 : i32 to index
        %swap3A_179 = arith.constant 112 : index
        %swap3A_180 = tpu.vector_load %arg6[%swap3A_178, %swap3A_179] {strides = array<i32>} : memref<32x128xi32, #tpu.memory_space<vmem>>, vector<16xi32>,
        tpu.vector_store %arg6[%swap3A_178, %swap3A_179], %and3A_177 {strides = array<i32>} : memref<32x128xi32, #tpu.memory_space<vmem>>, vector<16xi32>,
        %mul3A_181 = arith.constant 128 : i32
        %mul3A_182 = arith.muli %while3A_46, %mul3A_181 : i32
        %dma_start3A = arith.constant 0 : i32
        %dma_start3A_183 = tpu.memref_slice %arg7[%mul3A_182, %dma_start3A] : memref<4096x8xf32, #tpu.memory_space<vmem>> -> memref<128x8xf32, #tpu.memory_space<vmem>>
        %dma_start3A_184 = arith.constant 0 : i32
        %dma_start3A_185 = tpu.memref_slice %arg6[%while3A_46, %dma_start3A_184] : memref<32x128xi32, #tpu.memory_space<vmem>> -> memref<1x128xi32, #tpu.memory_space<vmem>>
        %dma_start3A_186 = tpu.memref_squeeze %dma_start3A_185 : memref<1x128xi32, #tpu.memory_space<vmem>> -> memref<128xi32, #tpu.memory_space<vmem>>
        %dma_start3A_187 = arith.constant 0 : i32
        %dma_start3A_188 = arith.constant 0 : i32
        %dma_start3A_189 = tpu.memref_slice %arg3[%dma_start3A_187, %dma_start3A_188] : memref<2097152x8xf32, #tpu.memory_space<hbm>> -> memref<2097152x8xf32, #tpu.memory_space<hbm>>
        tpu.enqueue_indirect_dma source(%dma_start3A_189 : memref<2097152x8xf32, #tpu.memory_space<hbm>>) target(%dma_start3A_183 : memref<128x8xf32, #tpu.memory_space<vmem>>) offsets(%dma_start3A_186 : memref<128xi32, #tpu.memory_space<vmem>>) semaphore(%arg10 : memref<!tpu.dma_semaphore, #tpu.memory_space<semaphore_mem>>)
      }
      %while3A_27 = arith.constant 1 : i32
      scf.for %while3A_46 = %while3A_25 to %while3A_21 step %while3A_27  : i32 {
        %mul3A_47 = arith.constant 16 : i32
        %mul3A_48 = arith.muli %while3A_46, %mul3A_47 : i32
        %get3A = arith.constant 0 : i64
        %get3A_49 = arith.index_cast %get3A : i64 to index
        %get3A_50 = arith.index_cast %mul3A_48 : i32 to index
        %get3A_51 = tpu.vector_load %arg9[%get3A_49, %get3A_50] {strides = array<i32>} : memref<3x512xf32, #tpu.memory_space<vmem>>, vector<16xf32>,
        %add3A_52 = arith.constant 1.000000e+00 : f32
        %add3A_53 = vector.broadcast %add3A_52 : f32 to vector<16xf32>
        %add3A_54 = arith.addf %get3A_51, %add3A_53 : vector<16xf32>
        %div3A = arith.constant 2.000000e+00 : f32
        %div3A_55 = vector.broadcast %div3A : f32 to vector<16xf32>
        %div3A_56 = arith.divf %add3A_54, %div3A_55 : vector<16xf32>
        %mul3A_57 = arith.constant 1.000000e+02 : f32
        %mul3A_58 = vector.broadcast %mul3A_57 : f32 to vector<16xf32>
        %mul3A_59 = arith.mulf %div3A_56, %mul3A_58 : vector<16xf32>
        %convert_element_type3A = arith.fptosi %mul3A_59 : vector<16xf32> to vector<16xi32>
        %convert_element_type3A_60 = arith.sitofp %convert_element_type3A : vector<16xi32> to vector<16xf32>
        %sub3A = arith.subf %mul3A_59, %convert_element_type3A_60 : vector<16xf32>
        %swap3A = arith.constant 0 : i64
        %swap3A_61 = arith.index_cast %swap3A : i64 to index
        %swap3A_62 = arith.index_cast %mul3A_48 : i32 to index
        %swap3A_63 = tpu.vector_load %arg5[%swap3A_61, %swap3A_62] {strides = array<i32>} : memref<3x512xf32, #tpu.memory_space<vmem>>, vector<16xf32>,
        tpu.vector_store %arg5[%swap3A_61, %swap3A_62], %sub3A {strides = array<i32>} : memref<3x512xf32, #tpu.memory_space<vmem>>, vector<16xf32>,
        %get3A_64 = arith.constant 1 : i64
        %get3A_65 = arith.index_cast %get3A_64 : i64 to index
        %get3A_66 = arith.index_cast %mul3A_48 : i32 to index
        %get3A_67 = tpu.vector_load %arg9[%get3A_65, %get3A_66] {strides = array<i32>} : memref<3x512xf32, #tpu.memory_space<vmem>>, vector<16xf32>,
        %add3A_68 = arith.constant 1.000000e+00 : f32
        %add3A_69 = vector.broadcast %add3A_68 : f32 to vector<16xf32>
        %add3A_70 = arith.addf %get3A_67, %add3A_69 : vector<16xf32>
        %div3A_71 = arith.constant 2.000000e+00 : f32
        %div3A_72 = vector.broadcast %div3A_71 : f32 to vector<16xf32>
        %div3A_73 = arith.divf %add3A_70, %div3A_72 : vector<16xf32>
        %mul3A_74 = arith.constant 1.000000e+02 : f32
        %mul3A_75 = vector.broadcast %mul3A_74 : f32 to vector<16xf32>
        %mul3A_76 = arith.mulf %div3A_73, %mul3A_75 : vector<16xf32>
        %convert_element_type3A_77 = arith.fptosi %mul3A_76 : vector<16xf32> to vector<16xi32>
        %convert_element_type3A_78 = arith.sitofp %convert_element_type3A_77 : vector<16xi32> to vector<16xf32>
        %sub3A_79 = arith.subf %mul3A_76, %convert_element_type3A_78 : vector<16xf32>
        %swap3A_80 = arith.constant 1 : i64
        %swap3A_81 = arith.index_cast %swap3A_80 : i64 to index
        %swap3A_82 = arith.index_cast %mul3A_48 : i32 to index
        %swap3A_83 = tpu.vector_load %arg5[%swap3A_81, %swap3A_82] {strides = array<i32>} : memref<3x512xf32, #tpu.memory_space<vmem>>, vector<16xf32>,
        tpu.vector_store %arg5[%swap3A_81, %swap3A_82], %sub3A_79 {strides = array<i32>} : memref<3x512xf32, #tpu.memory_space<vmem>>, vector<16xf32>,
        %get3A_84 = arith.constant 2 : i64
        %get3A_85 = arith.index_cast %get3A_84 : i64 to index
        %get3A_86 = arith.index_cast %mul3A_48 : i32 to index
        %get3A_87 = tpu.vector_load %arg9[%get3A_85, %get3A_86] {strides = array<i32>} : memref<3x512xf32, #tpu.memory_space<vmem>>, vector<16xf32>,
        %add3A_88 = arith.constant 1.000000e+00 : f32
        %add3A_89 = vector.broadcast %add3A_88 : f32 to vector<16xf32>
        %add3A_90 = arith.addf %get3A_87, %add3A_89 : vector<16xf32>
        %div3A_91 = arith.constant 2.000000e+00 : f32
        %div3A_92 = vector.broadcast %div3A_91 : f32 to vector<16xf32>
        %div3A_93 = arith.divf %add3A_90, %div3A_92 : vector<16xf32>
        %mul3A_94 = arith.constant 1.000000e+02 : f32
        %mul3A_95 = vector.broadcast %mul3A_94 : f32 to vector<16xf32>
        %mul3A_96 = arith.mulf %div3A_93, %mul3A_95 : vector<16xf32>
        %convert_element_type3A_97 = arith.fptosi %mul3A_96 : vector<16xf32> to vector<16xi32>
        %convert_element_type3A_98 = arith.sitofp %convert_element_type3A_97 : vector<16xi32> to vector<16xf32>
        %sub3A_99 = arith.subf %mul3A_96, %convert_element_type3A_98 : vector<16xf32>
        %swap3A_100 = arith.constant 2 : i64
        %swap3A_101 = arith.index_cast %swap3A_100 : i64 to index
        %swap3A_102 = arith.index_cast %mul3A_48 : i32 to index
        %swap3A_103 = tpu.vector_load %arg5[%swap3A_101, %swap3A_102] {strides = array<i32>} : memref<3x512xf32, #tpu.memory_space<vmem>>, vector<16xf32>,
        tpu.vector_store %arg5[%swap3A_101, %swap3A_102], %sub3A_99 {strides = array<i32>} : memref<3x512xf32, #tpu.memory_space<vmem>>, vector<16xf32>,
        %add3A_104 = arith.constant 1 : i32
        %add3A_105 = vector.broadcast %add3A_104 : i32 to vector<16xi32>
        %add3A_106 = arith.addi %convert_element_type3A, %add3A_105 : vector<16xi32>
        %mul3A_107 = arith.constant -1640531535 : i32
        %mul3A_108 = vector.broadcast %mul3A_107 : i32 to vector<16xi32>
        %mul3A_109 = arith.muli %convert_element_type3A_77, %mul3A_108 : vector<16xi32>
        %add3A_110 = arith.constant -1640531535 : i32
        %add3A_111 = vector.broadcast %add3A_110 : i32 to vector<16xi32>
        %add3A_112 = arith.addi %mul3A_109, %add3A_111 : vector<16xi32>
        %mul3A_113 = arith.constant 805459861 : i32
        %mul3A_114 = vector.broadcast %mul3A_113 : i32 to vector<16xi32>
        %mul3A_115 = arith.muli %convert_element_type3A_97, %mul3A_114 : vector<16xi32>
        %add3A_116 = arith.constant 805459861 : i32
        %add3A_117 = vector.broadcast %add3A_116 : i32 to vector<16xi32>
        %add3A_118 = arith.addi %mul3A_115, %add3A_117 : vector<16xi32>
        %xor3A = arith.xori %convert_element_type3A, %mul3A_109 : vector<16xi32>
        %xor3A_119 = arith.xori %xor3A, %mul3A_115 : vector<16xi32>
        %and3A = arith.constant 2097151 : i32
        %and3A_120 = vector.broadcast %and3A : i32 to vector<16xi32>
        %and3A_121 = arith.andi %xor3A_119, %and3A_120 : vector<16xi32>
        %swap3A_122 = arith.index_cast %while3A_46 : i32 to index
        %swap3A_123 = arith.constant 0 : index
        %swap3A_124 = tpu.vector_load %arg6[%swap3A_122, %swap3A_123] {strides = array<i32>} : memref<32x128xi32, #tpu.memory_space<vmem>>, vector<16xi32>,
        tpu.vector_store %arg6[%swap3A_122, %swap3A_123], %and3A_121 {strides = array<i32>} : memref<32x128xi32, #tpu.memory_space<vmem>>, vector<16xi32>,
        %xor3A_125 = arith.xori %convert_element_type3A, %mul3A_109 : vector<16xi32>
        %xor3A_126 = arith.xori %xor3A_125, %add3A_118 : vector<16xi32>
        %and3A_127 = arith.constant 2097151 : i32
        %and3A_128 = vector.broadcast %and3A_127 : i32 to vector<16xi32>
        %and3A_129 = arith.andi %xor3A_126, %and3A_128 : vector<16xi32>
        %swap3A_130 = arith.index_cast %while3A_46 : i32 to index
        %swap3A_131 = arith.constant 16 : index
        %swap3A_132 = tpu.vector_load %arg6[%swap3A_130, %swap3A_131] {strides = array<i32>} : memref<32x128xi32, #tpu.memory_space<vmem>>, vector<16xi32>,
        tpu.vector_store %arg6[%swap3A_130, %swap3A_131], %and3A_129 {strides = array<i32>} : memref<32x128xi32, #tpu.memory_space<vmem>>, vector<16xi32>,
        %xor3A_133 = arith.xori %convert_element_type3A, %add3A_112 : vector<16xi32>
        %xor3A_134 = arith.xori %xor3A_133, %mul3A_115 : vector<16xi32>
        %and3A_135 = arith.constant 2097151 : i32
        %and3A_136 = vector.broadcast %and3A_135 : i32 to vector<16xi32>
        %and3A_137 = arith.andi %xor3A_134, %and3A_136 : vector<16xi32>
        %swap3A_138 = arith.index_cast %while3A_46 : i32 to index
        %swap3A_139 = arith.constant 32 : index
        %swap3A_140 = tpu.vector_load %arg6[%swap3A_138, %swap3A_139] {strides = array<i32>} : memref<32x128xi32, #tpu.memory_space<vmem>>, vector<16xi32>,
        tpu.vector_store %arg6[%swap3A_138, %swap3A_139], %and3A_137 {strides = array<i32>} : memref<32x128xi32, #tpu.memory_space<vmem>>, vector<16xi32>,
        %xor3A_141 = arith.xori %convert_element_type3A, %add3A_112 : vector<16xi32>
        %xor3A_142 = arith.xori %xor3A_141, %add3A_118 : vector<16xi32>
        %and3A_143 = arith.constant 2097151 : i32
        %and3A_144 = vector.broadcast %and3A_143 : i32 to vector<16xi32>
        %and3A_145 = arith.andi %xor3A_142, %and3A_144 : vector<16xi32>
        %swap3A_146 = arith.index_cast %while3A_46 : i32 to index
        %swap3A_147 = arith.constant 48 : index
        %swap3A_148 = tpu.vector_load %arg6[%swap3A_146, %swap3A_147] {strides = array<i32>} : memref<32x128xi32, #tpu.memory_space<vmem>>, vector<16xi32>,
        tpu.vector_store %arg6[%swap3A_146, %swap3A_147], %and3A_145 {strides = array<i32>} : memref<32x128xi32, #tpu.memory_space<vmem>>, vector<16xi32>,
        %xor3A_149 = arith.xori %add3A_106, %mul3A_109 : vector<16xi32>
        %xor3A_150 = arith.xori %xor3A_149, %mul3A_115 : vector<16xi32>
        %and3A_151 = arith.constant 2097151 : i32
        %and3A_152 = vector.broadcast %and3A_151 : i32 to vector<16xi32>
        %and3A_153 = arith.andi %xor3A_150, %and3A_152 : vector<16xi32>
        %swap3A_154 = arith.index_cast %while3A_46 : i32 to index
        %swap3A_155 = arith.constant 64 : index
        %swap3A_156 = tpu.vector_load %arg6[%swap3A_154, %swap3A_155] {strides = array<i32>} : memref<32x128xi32, #tpu.memory_space<vmem>>, vector<16xi32>,
        tpu.vector_store %arg6[%swap3A_154, %swap3A_155], %and3A_153 {strides = array<i32>} : memref<32x128xi32, #tpu.memory_space<vmem>>, vector<16xi32>,
        %xor3A_157 = arith.xori %add3A_106, %mul3A_109 : vector<16xi32>
        %xor3A_158 = arith.xori %xor3A_157, %add3A_118 : vector<16xi32>
        %and3A_159 = arith.constant 2097151 : i32
        %and3A_160 = vector.broadcast %and3A_159 : i32 to vector<16xi32>
        %and3A_161 = arith.andi %xor3A_158, %and3A_160 : vector<16xi32>
        %swap3A_162 = arith.index_cast %while3A_46 : i32 to index
        %swap3A_163 = arith.constant 80 : index
        %swap3A_164 = tpu.vector_load %arg6[%swap3A_162, %swap3A_163] {strides = array<i32>} : memref<32x128xi32, #tpu.memory_space<vmem>>, vector<16xi32>,
        tpu.vector_store %arg6[%swap3A_162, %swap3A_163], %and3A_161 {strides = array<i32>} : memref<32x128xi32, #tpu.memory_space<vmem>>, vector<16xi32>,
        %xor3A_165 = arith.xori %add3A_106, %add3A_112 : vector<16xi32>
        %xor3A_166 = arith.xori %xor3A_165, %mul3A_115 : vector<16xi32>
        %and3A_167 = arith.constant 2097151 : i32
        %and3A_168 = vector.broadcast %and3A_167 : i32 to vector<16xi32>
        %and3A_169 = arith.andi %xor3A_166, %and3A_168 : vector<16xi32>
        %swap3A_170 = arith.index_cast %while3A_46 : i32 to index
        %swap3A_171 = arith.constant 96 : index
        %swap3A_172 = tpu.vector_load %arg6[%swap3A_170, %swap3A_171] {strides = array<i32>} : memref<32x128xi32, #tpu.memory_space<vmem>>, vector<16xi32>,
        tpu.vector_store %arg6[%swap3A_170, %swap3A_171], %and3A_169 {strides = array<i32>} : memref<32x128xi32, #tpu.memory_space<vmem>>, vector<16xi32>,
        %xor3A_173 = arith.xori %add3A_106, %add3A_112 : vector<16xi32>
        %xor3A_174 = arith.xori %xor3A_173, %add3A_118 : vector<16xi32>
        %and3A_175 = arith.constant 2097151 : i32
        %and3A_176 = vector.broadcast %and3A_175 : i32 to vector<16xi32>
        %and3A_177 = arith.andi %xor3A_174, %and3A_176 : vector<16xi32>
        %swap3A_178 = arith.index_cast %while3A_46 : i32 to index
        %swap3A_179 = arith.constant 112 : index
        %swap3A_180 = tpu.vector_load %arg6[%swap3A_178, %swap3A_179] {strides = array<i32>} : memref<32x128xi32, #tpu.memory_space<vmem>>, vector<16xi32>,
        tpu.vector_store %arg6[%swap3A_178, %swap3A_179], %and3A_177 {strides = array<i32>} : memref<32x128xi32, #tpu.memory_space<vmem>>, vector<16xi32>,
        %mul3A_181 = arith.constant 128 : i32
        %mul3A_182 = arith.muli %while3A_46, %mul3A_181 : i32
        %dma_start3A = arith.constant 0 : i32
        %dma_start3A_183 = tpu.memref_slice %arg7[%mul3A_182, %dma_start3A] : memref<4096x8xf32, #tpu.memory_space<vmem>> -> memref<128x8xf32, #tpu.memory_space<vmem>>
        %dma_start3A_184 = arith.constant 0 : i32
        %dma_start3A_185 = tpu.memref_slice %arg6[%while3A_46, %dma_start3A_184] : memref<32x128xi32, #tpu.memory_space<vmem>> -> memref<1x128xi32, #tpu.memory_space<vmem>>
        %dma_start3A_186 = tpu.memref_squeeze %dma_start3A_185 : memref<1x128xi32, #tpu.memory_space<vmem>> -> memref<128xi32, #tpu.memory_space<vmem>>
        %dma_start3A_187 = arith.constant 0 : i32
        %dma_start3A_188 = arith.constant 0 : i32
        %dma_start3A_189 = tpu.memref_slice %arg3[%dma_start3A_187, %dma_start3A_188] : memref<2097152x8xf32, #tpu.memory_space<hbm>> -> memref<2097152x8xf32, #tpu.memory_space<hbm>>
        tpu.enqueue_indirect_dma source(%dma_start3A_189 : memref<2097152x8xf32, #tpu.memory_space<hbm>>) target(%dma_start3A_183 : memref<128x8xf32, #tpu.memory_space<vmem>>) offsets(%dma_start3A_186 : memref<128xi32, #tpu.memory_space<vmem>>) semaphore(%arg10 : memref<!tpu.dma_semaphore, #tpu.memory_space<semaphore_mem>>)
      }
      %dma_wait3A = arith.constant 0 : i32
      %dma_wait3A_28 = arith.constant 0 : i32
      %dma_wait3A_29 = tpu.memref_slice %arg3[%dma_wait3A, %dma_wait3A_28] : memref<2097152x8xf32, #tpu.memory_space<hbm>> -> memref<4096x8xf32, #tpu.memory_space<hbm>>
      %dma_wait3A_30 = arith.constant 0 : i32
      %dma_wait3A_31 = arith.constant 0 : i32
      %dma_wait3A_32 = tpu.memref_slice %arg3[%dma_wait3A_30, %dma_wait3A_31] : memref<2097152x8xf32, #tpu.memory_space<hbm>> -> memref<4096x8xf32, #tpu.memory_space<hbm>>
      tpu.wait_dma2 semaphore(%arg10 : memref<!tpu.dma_semaphore, #tpu.memory_space<semaphore_mem>>) src(%dma_wait3A_32 : memref<4096x8xf32, #tpu.memory_space<hbm>>) dst(%arg7 : memref<4096x8xf32, #tpu.memory_space<vmem>>)
      %while3A_33 = arith.constant 0 : i32
      %while3A_34 = arith.constant 0 : i32
      %while3A_35 = arith.constant 32 : i32
      %while3A_36 = arith.subi %while3A_35, %while3A_34 : i32
      %while3A_37 = arith.addi %while3A_34, %while3A_36 : i32
      %while3A_38 = arith.constant 1 : i32
      %while3A_39 = arith.divsi %while3A_36, %while3A_38 : i32
      %while3A_40 = arith.muli %while3A_39, %while3A_38 : i32
      %while3A_41 = arith.addi %while3A_34, %while3A_40 : i32
      %while3A_42 = arith.constant 1 : i32
      scf.for %while3A_46 = %while3A_34 to %while3A_41 step %while3A_42  : i32 {
        %mul3A_47 = arith.constant 16 : i32
        %mul3A_48 = arith.muli %while3A_46, %mul3A_47 : i32
        %get3A = arith.constant 0 : i64
        %get3A_49 = arith.index_cast %get3A : i64 to index
        %get3A_50 = arith.index_cast %mul3A_48 : i32 to index
        %get3A_51 = tpu.vector_load %arg5[%get3A_49, %get3A_50] {strides = array<i32>} : memref<3x512xf32, #tpu.memory_space<vmem>>, vector<16xf32>,
        %get3A_52 = arith.constant 1 : i64
        %get3A_53 = arith.index_cast %get3A_52 : i64 to index
        %get3A_54 = arith.index_cast %mul3A_48 : i32 to index
        %get3A_55 = tpu.vector_load %arg5[%get3A_53, %get3A_54] {strides = array<i32>} : memref<3x512xf32, #tpu.memory_space<vmem>>, vector<16xf32>,
        %get3A_56 = arith.constant 2 : i64
        %get3A_57 = arith.index_cast %get3A_56 : i64 to index
        %get3A_58 = arith.index_cast %mul3A_48 : i32 to index
        %get3A_59 = tpu.vector_load %arg5[%get3A_57, %get3A_58] {strides = array<i32>} : memref<3x512xf32, #tpu.memory_space<vmem>>, vector<16xf32>,
        %sub3A = arith.constant 1.000000e+00 : f32
        %sub3A_60 = vector.broadcast %sub3A : f32 to vector<16xf32>
        %sub3A_61 = arith.subf %sub3A_60, %get3A_51 : vector<16xf32>
        %sub3A_62 = arith.constant 1.000000e+00 : f32
        %sub3A_63 = vector.broadcast %sub3A_62 : f32 to vector<16xf32>
        %sub3A_64 = arith.subf %sub3A_63, %get3A_55 : vector<16xf32>
        %sub3A_65 = arith.constant 1.000000e+00 : f32
        %sub3A_66 = vector.broadcast %sub3A_65 : f32 to vector<16xf32>
        %sub3A_67 = arith.subf %sub3A_66, %get3A_59 : vector<16xf32>
        %mul3A_68 = arith.mulf %sub3A_61, %sub3A_64 : vector<16xf32>
        %mul3A_69 = arith.mulf %sub3A_61, %get3A_55 : vector<16xf32>
        %mul3A_70 = arith.mulf %get3A_51, %sub3A_64 : vector<16xf32>
        %mul3A_71 = arith.mulf %get3A_51, %get3A_55 : vector<16xf32>
        %broadcast_in_dim3A = arith.constant 0.000000e+00 : f32
        %broadcast_in_dim3A_72 = vector.broadcast %broadcast_in_dim3A : f32 to vector<16xf32>
        %broadcast_in_dim3A_73 = arith.constant 0.000000e+00 : f32
        %broadcast_in_dim3A_74 = vector.broadcast %broadcast_in_dim3A_73 : f32 to vector<16xf32>
        %broadcast_in_dim3A_75 = arith.constant 0.000000e+00 : f32
        %broadcast_in_dim3A_76 = vector.broadcast %broadcast_in_dim3A_75 : f32 to vector<16xf32>
        %broadcast_in_dim3A_77 = arith.constant 0.000000e+00 : f32
        %broadcast_in_dim3A_78 = vector.broadcast %broadcast_in_dim3A_77 : f32 to vector<16xf32>
        %broadcast_in_dim3A_79 = arith.constant 0.000000e+00 : f32
        %broadcast_in_dim3A_80 = vector.broadcast %broadcast_in_dim3A_79 : f32 to vector<16xf32>
        %broadcast_in_dim3A_81 = arith.constant 0.000000e+00 : f32
        %broadcast_in_dim3A_82 = vector.broadcast %broadcast_in_dim3A_81 : f32 to vector<16xf32>
        %broadcast_in_dim3A_83 = arith.constant 0.000000e+00 : f32
        %broadcast_in_dim3A_84 = vector.broadcast %broadcast_in_dim3A_83 : f32 to vector<16xf32>
        %broadcast_in_dim3A_85 = arith.constant 0.000000e+00 : f32
        %broadcast_in_dim3A_86 = vector.broadcast %broadcast_in_dim3A_85 : f32 to vector<16xf32>
        %mul3A_87 = arith.constant 128 : i32
        %mul3A_88 = arith.muli %while3A_46, %mul3A_87 : i32
        %mul3A_89 = arith.mulf %mul3A_68, %sub3A_67 : vector<16xf32>
        %add3A_90 = arith.constant 0 : i32
        %add3A_91 = arith.addi %mul3A_88, %add3A_90 : i32
        %broadcast_in_dim3A_92 = vector.broadcast %add3A_91 : i32 to vector<16xi32>
        %add3A_93 = arith.addi %broadcast_in_dim3A_92, %iota3A : vector<16xi32>
        %broadcast_in_dim3A_94 = arith.constant 0 : i32
        %broadcast_in_dim3A_95 = vector.broadcast %broadcast_in_dim3A_94 : i32 to vector<16xi32>
        %gather3A = tpu.vector_load_idx %arg7[%add3A_93, %broadcast_in_dim3A_95] : memref<4096x8xf32, #tpu.memory_space<vmem>>[vector<16xi32>, vector<16xi32>], vector<16xf32>,
        %mul3A_96 = arith.mulf %mul3A_89, %gather3A : vector<16xf32>
        %add3A_97 = arith.addf %broadcast_in_dim3A_72, %mul3A_96 : vector<16xf32>
        %broadcast_in_dim3A_98 = arith.constant 1 : i32
        %broadcast_in_dim3A_99 = vector.broadcast %broadcast_in_dim3A_98 : i32 to vector<16xi32>
        %gather3A_100 = tpu.vector_load_idx %arg7[%add3A_93, %broadcast_in_dim3A_99] : memref<4096x8xf32, #tpu.memory_space<vmem>>[vector<16xi32>, vector<16xi32>], vector<16xf32>,
        %mul3A_101 = arith.mulf %mul3A_89, %gather3A_100 : vector<16xf32>
        %add3A_102 = arith.addf %broadcast_in_dim3A_74, %mul3A_101 : vector<16xf32>
        %broadcast_in_dim3A_103 = arith.constant 2 : i32
        %broadcast_in_dim3A_104 = vector.broadcast %broadcast_in_dim3A_103 : i32 to vector<16xi32>
        %gather3A_105 = tpu.vector_load_idx %arg7[%add3A_93, %broadcast_in_dim3A_104] : memref<4096x8xf32, #tpu.memory_space<vmem>>[vector<16xi32>, vector<16xi32>], vector<16xf32>,
        %mul3A_106 = arith.mulf %mul3A_89, %gather3A_105 : vector<16xf32>
        %add3A_107 = arith.addf %broadcast_in_dim3A_76, %mul3A_106 : vector<16xf32>
        %broadcast_in_dim3A_108 = arith.constant 3 : i32
        %broadcast_in_dim3A_109 = vector.broadcast %broadcast_in_dim3A_108 : i32 to vector<16xi32>
        %gather3A_110 = tpu.vector_load_idx %arg7[%add3A_93, %broadcast_in_dim3A_109] : memref<4096x8xf32, #tpu.memory_space<vmem>>[vector<16xi32>, vector<16xi32>], vector<16xf32>,
        %mul3A_111 = arith.mulf %mul3A_89, %gather3A_110 : vector<16xf32>
        %add3A_112 = arith.addf %broadcast_in_dim3A_78, %mul3A_111 : vector<16xf32>
        %broadcast_in_dim3A_113 = arith.constant 4 : i32
        %broadcast_in_dim3A_114 = vector.broadcast %broadcast_in_dim3A_113 : i32 to vector<16xi32>
        %gather3A_115 = tpu.vector_load_idx %arg7[%add3A_93, %broadcast_in_dim3A_114] : memref<4096x8xf32, #tpu.memory_space<vmem>>[vector<16xi32>, vector<16xi32>], vector<16xf32>,
        %mul3A_116 = arith.mulf %mul3A_89, %gather3A_115 : vector<16xf32>
        %add3A_117 = arith.addf %broadcast_in_dim3A_80, %mul3A_116 : vector<16xf32>
        %broadcast_in_dim3A_118 = arith.constant 5 : i32
        %broadcast_in_dim3A_119 = vector.broadcast %broadcast_in_dim3A_118 : i32 to vector<16xi32>
        %gather3A_120 = tpu.vector_load_idx %arg7[%add3A_93, %broadcast_in_dim3A_119] : memref<4096x8xf32, #tpu.memory_space<vmem>>[vector<16xi32>, vector<16xi32>], vector<16xf32>,
        %mul3A_121 = arith.mulf %mul3A_89, %gather3A_120 : vector<16xf32>
        %add3A_122 = arith.addf %broadcast_in_dim3A_82, %mul3A_121 : vector<16xf32>
        %broadcast_in_dim3A_123 = arith.constant 6 : i32
        %broadcast_in_dim3A_124 = vector.broadcast %broadcast_in_dim3A_123 : i32 to vector<16xi32>
        %gather3A_125 = tpu.vector_load_idx %arg7[%add3A_93, %broadcast_in_dim3A_124] : memref<4096x8xf32, #tpu.memory_space<vmem>>[vector<16xi32>, vector<16xi32>], vector<16xf32>,
        %mul3A_126 = arith.mulf %mul3A_89, %gather3A_125 : vector<16xf32>
        %add3A_127 = arith.addf %broadcast_in_dim3A_84, %mul3A_126 : vector<16xf32>
        %broadcast_in_dim3A_128 = arith.constant 7 : i32
        %broadcast_in_dim3A_129 = vector.broadcast %broadcast_in_dim3A_128 : i32 to vector<16xi32>
        %gather3A_130 = tpu.vector_load_idx %arg7[%add3A_93, %broadcast_in_dim3A_129] : memref<4096x8xf32, #tpu.memory_space<vmem>>[vector<16xi32>, vector<16xi32>], vector<16xf32>,
        %mul3A_131 = arith.mulf %mul3A_89, %gather3A_130 : vector<16xf32>
        %add3A_132 = arith.addf %broadcast_in_dim3A_86, %mul3A_131 : vector<16xf32>
        %mul3A_133 = arith.mulf %mul3A_68, %get3A_59 : vector<16xf32>
        %add3A_134 = arith.constant 16 : i32
        %add3A_135 = arith.addi %mul3A_88, %add3A_134 : i32
        %broadcast_in_dim3A_136 = vector.broadcast %add3A_135 : i32 to vector<16xi32>
        %add3A_137 = arith.addi %broadcast_in_dim3A_136, %iota3A : vector<16xi32>
        %broadcast_in_dim3A_138 = arith.constant 0 : i32
        %broadcast_in_dim3A_139 = vector.broadcast %broadcast_in_dim3A_138 : i32 to vector<16xi32>
        %gather3A_140 = tpu.vector_load_idx %arg7[%add3A_137, %broadcast_in_dim3A_139] : memref<4096x8xf32, #tpu.memory_space<vmem>>[vector<16xi32>, vector<16xi32>], vector<16xf32>,
        %mul3A_141 = arith.mulf %mul3A_133, %gather3A_140 : vector<16xf32>
        %add3A_142 = arith.addf %add3A_97, %mul3A_141 : vector<16xf32>
        %broadcast_in_dim3A_143 = arith.constant 1 : i32
        %broadcast_in_dim3A_144 = vector.broadcast %broadcast_in_dim3A_143 : i32 to vector<16xi32>
        %gather3A_145 = tpu.vector_load_idx %arg7[%add3A_137, %broadcast_in_dim3A_144] : memref<4096x8xf32, #tpu.memory_space<vmem>>[vector<16xi32>, vector<16xi32>], vector<16xf32>,
        %mul3A_146 = arith.mulf %mul3A_133, %gather3A_145 : vector<16xf32>
        %add3A_147 = arith.addf %add3A_102, %mul3A_146 : vector<16xf32>
        %broadcast_in_dim3A_148 = arith.constant 2 : i32
        %broadcast_in_dim3A_149 = vector.broadcast %broadcast_in_dim3A_148 : i32 to vector<16xi32>
        %gather3A_150 = tpu.vector_load_idx %arg7[%add3A_137, %broadcast_in_dim3A_149] : memref<4096x8xf32, #tpu.memory_space<vmem>>[vector<16xi32>, vector<16xi32>], vector<16xf32>,
        %mul3A_151 = arith.mulf %mul3A_133, %gather3A_150 : vector<16xf32>
        %add3A_152 = arith.addf %add3A_107, %mul3A_151 : vector<16xf32>
        %broadcast_in_dim3A_153 = arith.constant 3 : i32
        %broadcast_in_dim3A_154 = vector.broadcast %broadcast_in_dim3A_153 : i32 to vector<16xi32>
        %gather3A_155 = tpu.vector_load_idx %arg7[%add3A_137, %broadcast_in_dim3A_154] : memref<4096x8xf32, #tpu.memory_space<vmem>>[vector<16xi32>, vector<16xi32>], vector<16xf32>,
        %mul3A_156 = arith.mulf %mul3A_133, %gather3A_155 : vector<16xf32>
        %add3A_157 = arith.addf %add3A_112, %mul3A_156 : vector<16xf32>
        %broadcast_in_dim3A_158 = arith.constant 4 : i32
        %broadcast_in_dim3A_159 = vector.broadcast %broadcast_in_dim3A_158 : i32 to vector<16xi32>
        %gather3A_160 = tpu.vector_load_idx %arg7[%add3A_137, %broadcast_in_dim3A_159] : memref<4096x8xf32, #tpu.memory_space<vmem>>[vector<16xi32>, vector<16xi32>], vector<16xf32>,
        %mul3A_161 = arith.mulf %mul3A_133, %gather3A_160 : vector<16xf32>
        %add3A_162 = arith.addf %add3A_117, %mul3A_161 : vector<16xf32>
        %broadcast_in_dim3A_163 = arith.constant 5 : i32
        %broadcast_in_dim3A_164 = vector.broadcast %broadcast_in_dim3A_163 : i32 to vector<16xi32>
        %gather3A_165 = tpu.vector_load_idx %arg7[%add3A_137, %broadcast_in_dim3A_164] : memref<4096x8xf32, #tpu.memory_space<vmem>>[vector<16xi32>, vector<16xi32>], vector<16xf32>,
        %mul3A_166 = arith.mulf %mul3A_133, %gather3A_165 : vector<16xf32>
        %add3A_167 = arith.addf %add3A_122, %mul3A_166 : vector<16xf32>
        %broadcast_in_dim3A_168 = arith.constant 6 : i32
        %broadcast_in_dim3A_169 = vector.broadcast %broadcast_in_dim3A_168 : i32 to vector<16xi32>
        %gather3A_170 = tpu.vector_load_idx %arg7[%add3A_137, %broadcast_in_dim3A_169] : memref<4096x8xf32, #tpu.memory_space<vmem>>[vector<16xi32>, vector<16xi32>], vector<16xf32>,
        %mul3A_171 = arith.mulf %mul3A_133, %gather3A_170 : vector<16xf32>
        %add3A_172 = arith.addf %add3A_127, %mul3A_171 : vector<16xf32>
        %broadcast_in_dim3A_173 = arith.constant 7 : i32
        %broadcast_in_dim3A_174 = vector.broadcast %broadcast_in_dim3A_173 : i32 to vector<16xi32>
        %gather3A_175 = tpu.vector_load_idx %arg7[%add3A_137, %broadcast_in_dim3A_174] : memref<4096x8xf32, #tpu.memory_space<vmem>>[vector<16xi32>, vector<16xi32>], vector<16xf32>,
        %mul3A_176 = arith.mulf %mul3A_133, %gather3A_175 : vector<16xf32>
        %add3A_177 = arith.addf %add3A_132, %mul3A_176 : vector<16xf32>
        %mul3A_178 = arith.mulf %mul3A_69, %sub3A_67 : vector<16xf32>
        %add3A_179 = arith.constant 32 : i32
        %add3A_180 = arith.addi %mul3A_88, %add3A_179 : i32
        %broadcast_in_dim3A_181 = vector.broadcast %add3A_180 : i32 to vector<16xi32>
        %add3A_182 = arith.addi %broadcast_in_dim3A_181, %iota3A : vector<16xi32>
        %broadcast_in_dim3A_183 = arith.constant 0 : i32
        %broadcast_in_dim3A_184 = vector.broadcast %broadcast_in_dim3A_183 : i32 to vector<16xi32>
        %gather3A_185 = tpu.vector_load_idx %arg7[%add3A_182, %broadcast_in_dim3A_184] : memref<4096x8xf32, #tpu.memory_space<vmem>>[vector<16xi32>, vector<16xi32>], vector<16xf32>,
        %mul3A_186 = arith.mulf %mul3A_178, %gather3A_185 : vector<16xf32>
        %add3A_187 = arith.addf %add3A_142, %mul3A_186 : vector<16xf32>
        %broadcast_in_dim3A_188 = arith.constant 1 : i32
        %broadcast_in_dim3A_189 = vector.broadcast %broadcast_in_dim3A_188 : i32 to vector<16xi32>
        %gather3A_190 = tpu.vector_load_idx %arg7[%add3A_182, %broadcast_in_dim3A_189] : memref<4096x8xf32, #tpu.memory_space<vmem>>[vector<16xi32>, vector<16xi32>], vector<16xf32>,
        %mul3A_191 = arith.mulf %mul3A_178, %gather3A_190 : vector<16xf32>
        %add3A_192 = arith.addf %add3A_147, %mul3A_191 : vector<16xf32>
        %broadcast_in_dim3A_193 = arith.constant 2 : i32
        %broadcast_in_dim3A_194 = vector.broadcast %broadcast_in_dim3A_193 : i32 to vector<16xi32>
        %gather3A_195 = tpu.vector_load_idx %arg7[%add3A_182, %broadcast_in_dim3A_194] : memref<4096x8xf32, #tpu.memory_space<vmem>>[vector<16xi32>, vector<16xi32>], vector<16xf32>,
        %mul3A_196 = arith.mulf %mul3A_178, %gather3A_195 : vector<16xf32>
        %add3A_197 = arith.addf %add3A_152, %mul3A_196 : vector<16xf32>
        %broadcast_in_dim3A_198 = arith.constant 3 : i32
        %broadcast_in_dim3A_199 = vector.broadcast %broadcast_in_dim3A_198 : i32 to vector<16xi32>
        %gather3A_200 = tpu.vector_load_idx %arg7[%add3A_182, %broadcast_in_dim3A_199] : memref<4096x8xf32, #tpu.memory_space<vmem>>[vector<16xi32>, vector<16xi32>], vector<16xf32>,
        %mul3A_201 = arith.mulf %mul3A_178, %gather3A_200 : vector<16xf32>
        %add3A_202 = arith.addf %add3A_157, %mul3A_201 : vector<16xf32>
        %broadcast_in_dim3A_203 = arith.constant 4 : i32
        %broadcast_in_dim3A_204 = vector.broadcast %broadcast_in_dim3A_203 : i32 to vector<16xi32>
        %gather3A_205 = tpu.vector_load_idx %arg7[%add3A_182, %broadcast_in_dim3A_204] : memref<4096x8xf32, #tpu.memory_space<vmem>>[vector<16xi32>, vector<16xi32>], vector<16xf32>,
        %mul3A_206 = arith.mulf %mul3A_178, %gather3A_205 : vector<16xf32>
        %add3A_207 = arith.addf %add3A_162, %mul3A_206 : vector<16xf32>
        %broadcast_in_dim3A_208 = arith.constant 5 : i32
        %broadcast_in_dim3A_209 = vector.broadcast %broadcast_in_dim3A_208 : i32 to vector<16xi32>
        %gather3A_210 = tpu.vector_load_idx %arg7[%add3A_182, %broadcast_in_dim3A_209] : memref<4096x8xf32, #tpu.memory_space<vmem>>[vector<16xi32>, vector<16xi32>], vector<16xf32>,
        %mul3A_211 = arith.mulf %mul3A_178, %gather3A_210 : vector<16xf32>
        %add3A_212 = arith.addf %add3A_167, %mul3A_211 : vector<16xf32>
        %broadcast_in_dim3A_213 = arith.constant 6 : i32
        %broadcast_in_dim3A_214 = vector.broadcast %broadcast_in_dim3A_213 : i32 to vector<16xi32>
        %gather3A_215 = tpu.vector_load_idx %arg7[%add3A_182, %broadcast_in_dim3A_214] : memref<4096x8xf32, #tpu.memory_space<vmem>>[vector<16xi32>, vector<16xi32>], vector<16xf32>,
        %mul3A_216 = arith.mulf %mul3A_178, %gather3A_215 : vector<16xf32>
        %add3A_217 = arith.addf %add3A_172, %mul3A_216 : vector<16xf32>
        %broadcast_in_dim3A_218 = arith.constant 7 : i32
        %broadcast_in_dim3A_219 = vector.broadcast %broadcast_in_dim3A_218 : i32 to vector<16xi32>
        %gather3A_220 = tpu.vector_load_idx %arg7[%add3A_182, %broadcast_in_dim3A_219] : memref<4096x8xf32, #tpu.memory_space<vmem>>[vector<16xi32>, vector<16xi32>], vector<16xf32>,
        %mul3A_221 = arith.mulf %mul3A_178, %gather3A_220 : vector<16xf32>
        %add3A_222 = arith.addf %add3A_177, %mul3A_221 : vector<16xf32>
        %mul3A_223 = arith.mulf %mul3A_69, %get3A_59 : vector<16xf32>
        %add3A_224 = arith.constant 48 : i32
        %add3A_225 = arith.addi %mul3A_88, %add3A_224 : i32
        %broadcast_in_dim3A_226 = vector.broadcast %add3A_225 : i32 to vector<16xi32>
        %add3A_227 = arith.addi %broadcast_in_dim3A_226, %iota3A : vector<16xi32>
        %broadcast_in_dim3A_228 = arith.constant 0 : i32
        %broadcast_in_dim3A_229 = vector.broadcast %broadcast_in_dim3A_228 : i32 to vector<16xi32>
        %gather3A_230 = tpu.vector_load_idx %arg7[%add3A_227, %broadcast_in_dim3A_229] : memref<4096x8xf32, #tpu.memory_space<vmem>>[vector<16xi32>, vector<16xi32>], vector<16xf32>,
        %mul3A_231 = arith.mulf %mul3A_223, %gather3A_230 : vector<16xf32>
        %add3A_232 = arith.addf %add3A_187, %mul3A_231 : vector<16xf32>
        %broadcast_in_dim3A_233 = arith.constant 1 : i32
        %broadcast_in_dim3A_234 = vector.broadcast %broadcast_in_dim3A_233 : i32 to vector<16xi32>
        %gather3A_235 = tpu.vector_load_idx %arg7[%add3A_227, %broadcast_in_dim3A_234] : memref<4096x8xf32, #tpu.memory_space<vmem>>[vector<16xi32>, vector<16xi32>], vector<16xf32>,
        %mul3A_236 = arith.mulf %mul3A_223, %gather3A_235 : vector<16xf32>
        %add3A_237 = arith.addf %add3A_192, %mul3A_236 : vector<16xf32>
        %broadcast_in_dim3A_238 = arith.constant 2 : i32
        %broadcast_in_dim3A_239 = vector.broadcast %broadcast_in_dim3A_238 : i32 to vector<16xi32>
        %gather3A_240 = tpu.vector_load_idx %arg7[%add3A_227, %broadcast_in_dim3A_239] : memref<4096x8xf32, #tpu.memory_space<vmem>>[vector<16xi32>, vector<16xi32>], vector<16xf32>,
        %mul3A_241 = arith.mulf %mul3A_223, %gather3A_240 : vector<16xf32>
        %add3A_242 = arith.addf %add3A_197, %mul3A_241 : vector<16xf32>
        %broadcast_in_dim3A_243 = arith.constant 3 : i32
        %broadcast_in_dim3A_244 = vector.broadcast %broadcast_in_dim3A_243 : i32 to vector<16xi32>
        %gather3A_245 = tpu.vector_load_idx %arg7[%add3A_227, %broadcast_in_dim3A_244] : memref<4096x8xf32, #tpu.memory_space<vmem>>[vector<16xi32>, vector<16xi32>], vector<16xf32>,
        %mul3A_246 = arith.mulf %mul3A_223, %gather3A_245 : vector<16xf32>
        %add3A_247 = arith.addf %add3A_202, %mul3A_246 : vector<16xf32>
        %broadcast_in_dim3A_248 = arith.constant 4 : i32
        %broadcast_in_dim3A_249 = vector.broadcast %broadcast_in_dim3A_248 : i32 to vector<16xi32>
        %gather3A_250 = tpu.vector_load_idx %arg7[%add3A_227, %broadcast_in_dim3A_249] : memref<4096x8xf32, #tpu.memory_space<vmem>>[vector<16xi32>, vector<16xi32>], vector<16xf32>,
        %mul3A_251 = arith.mulf %mul3A_223, %gather3A_250 : vector<16xf32>
        %add3A_252 = arith.addf %add3A_207, %mul3A_251 : vector<16xf32>
        %broadcast_in_dim3A_253 = arith.constant 5 : i32
        %broadcast_in_dim3A_254 = vector.broadcast %broadcast_in_dim3A_253 : i32 to vector<16xi32>
        %gather3A_255 = tpu.vector_load_idx %arg7[%add3A_227, %broadcast_in_dim3A_254] : memref<4096x8xf32, #tpu.memory_space<vmem>>[vector<16xi32>, vector<16xi32>], vector<16xf32>,
        %mul3A_256 = arith.mulf %mul3A_223, %gather3A_255 : vector<16xf32>
        %add3A_257 = arith.addf %add3A_212, %mul3A_256 : vector<16xf32>
        %broadcast_in_dim3A_258 = arith.constant 6 : i32
        %broadcast_in_dim3A_259 = vector.broadcast %broadcast_in_dim3A_258 : i32 to vector<16xi32>
        %gather3A_260 = tpu.vector_load_idx %arg7[%add3A_227, %broadcast_in_dim3A_259] : memref<4096x8xf32, #tpu.memory_space<vmem>>[vector<16xi32>, vector<16xi32>], vector<16xf32>,
        %mul3A_261 = arith.mulf %mul3A_223, %gather3A_260 : vector<16xf32>
        %add3A_262 = arith.addf %add3A_217, %mul3A_261 : vector<16xf32>
        %broadcast_in_dim3A_263 = arith.constant 7 : i32
        %broadcast_in_dim3A_264 = vector.broadcast %broadcast_in_dim3A_263 : i32 to vector<16xi32>
        %gather3A_265 = tpu.vector_load_idx %arg7[%add3A_227, %broadcast_in_dim3A_264] : memref<4096x8xf32, #tpu.memory_space<vmem>>[vector<16xi32>, vector<16xi32>], vector<16xf32>,
        %mul3A_266 = arith.mulf %mul3A_223, %gather3A_265 : vector<16xf32>
        %add3A_267 = arith.addf %add3A_222, %mul3A_266 : vector<16xf32>
        %mul3A_268 = arith.mulf %mul3A_70, %sub3A_67 : vector<16xf32>
        %add3A_269 = arith.constant 64 : i32
        %add3A_270 = arith.addi %mul3A_88, %add3A_269 : i32
        %broadcast_in_dim3A_271 = vector.broadcast %add3A_270 : i32 to vector<16xi32>
        %add3A_272 = arith.addi %broadcast_in_dim3A_271, %iota3A : vector<16xi32>
        %broadcast_in_dim3A_273 = arith.constant 0 : i32
        %broadcast_in_dim3A_274 = vector.broadcast %broadcast_in_dim3A_273 : i32 to vector<16xi32>
        %gather3A_275 = tpu.vector_load_idx %arg7[%add3A_272, %broadcast_in_dim3A_274] : memref<4096x8xf32, #tpu.memory_space<vmem>>[vector<16xi32>, vector<16xi32>], vector<16xf32>,
        %mul3A_276 = arith.mulf %mul3A_268, %gather3A_275 : vector<16xf32>
        %add3A_277 = arith.addf %add3A_232, %mul3A_276 : vector<16xf32>
        %broadcast_in_dim3A_278 = arith.constant 1 : i32
        %broadcast_in_dim3A_279 = vector.broadcast %broadcast_in_dim3A_278 : i32 to vector<16xi32>
        %gather3A_280 = tpu.vector_load_idx %arg7[%add3A_272, %broadcast_in_dim3A_279] : memref<4096x8xf32, #tpu.memory_space<vmem>>[vector<16xi32>, vector<16xi32>], vector<16xf32>,
        %mul3A_281 = arith.mulf %mul3A_268, %gather3A_280 : vector<16xf32>
        %add3A_282 = arith.addf %add3A_237, %mul3A_281 : vector<16xf32>
        %broadcast_in_dim3A_283 = arith.constant 2 : i32
        %broadcast_in_dim3A_284 = vector.broadcast %broadcast_in_dim3A_283 : i32 to vector<16xi32>
        %gather3A_285 = tpu.vector_load_idx %arg7[%add3A_272, %broadcast_in_dim3A_284] : memref<4096x8xf32, #tpu.memory_space<vmem>>[vector<16xi32>, vector<16xi32>], vector<16xf32>,
        %mul3A_286 = arith.mulf %mul3A_268, %gather3A_285 : vector<16xf32>
        %add3A_287 = arith.addf %add3A_242, %mul3A_286 : vector<16xf32>
        %broadcast_in_dim3A_288 = arith.constant 3 : i32
        %broadcast_in_dim3A_289 = vector.broadcast %broadcast_in_dim3A_288 : i32 to vector<16xi32>
        %gather3A_290 = tpu.vector_load_idx %arg7[%add3A_272, %broadcast_in_dim3A_289] : memref<4096x8xf32, #tpu.memory_space<vmem>>[vector<16xi32>, vector<16xi32>], vector<16xf32>,
        %mul3A_291 = arith.mulf %mul3A_268, %gather3A_290 : vector<16xf32>
        %add3A_292 = arith.addf %add3A_247, %mul3A_291 : vector<16xf32>
        %broadcast_in_dim3A_293 = arith.constant 4 : i32
        %broadcast_in_dim3A_294 = vector.broadcast %broadcast_in_dim3A_293 : i32 to vector<16xi32>
        %gather3A_295 = tpu.vector_load_idx %arg7[%add3A_272, %broadcast_in_dim3A_294] : memref<4096x8xf32, #tpu.memory_space<vmem>>[vector<16xi32>, vector<16xi32>], vector<16xf32>,
        %mul3A_296 = arith.mulf %mul3A_268, %gather3A_295 : vector<16xf32>
        %add3A_297 = arith.addf %add3A_252, %mul3A_296 : vector<16xf32>
        %broadcast_in_dim3A_298 = arith.constant 5 : i32
        %broadcast_in_dim3A_299 = vector.broadcast %broadcast_in_dim3A_298 : i32 to vector<16xi32>
        %gather3A_300 = tpu.vector_load_idx %arg7[%add3A_272, %broadcast_in_dim3A_299] : memref<4096x8xf32, #tpu.memory_space<vmem>>[vector<16xi32>, vector<16xi32>], vector<16xf32>,
        %mul3A_301 = arith.mulf %mul3A_268, %gather3A_300 : vector<16xf32>
        %add3A_302 = arith.addf %add3A_257, %mul3A_301 : vector<16xf32>
        %broadcast_in_dim3A_303 = arith.constant 6 : i32
        %broadcast_in_dim3A_304 = vector.broadcast %broadcast_in_dim3A_303 : i32 to vector<16xi32>
        %gather3A_305 = tpu.vector_load_idx %arg7[%add3A_272, %broadcast_in_dim3A_304] : memref<4096x8xf32, #tpu.memory_space<vmem>>[vector<16xi32>, vector<16xi32>], vector<16xf32>,
        %mul3A_306 = arith.mulf %mul3A_268, %gather3A_305 : vector<16xf32>
        %add3A_307 = arith.addf %add3A_262, %mul3A_306 : vector<16xf32>
        %broadcast_in_dim3A_308 = arith.constant 7 : i32
        %broadcast_in_dim3A_309 = vector.broadcast %broadcast_in_dim3A_308 : i32 to vector<16xi32>
        %gather3A_310 = tpu.vector_load_idx %arg7[%add3A_272, %broadcast_in_dim3A_309] : memref<4096x8xf32, #tpu.memory_space<vmem>>[vector<16xi32>, vector<16xi32>], vector<16xf32>,
        %mul3A_311 = arith.mulf %mul3A_268, %gather3A_310 : vector<16xf32>
        %add3A_312 = arith.addf %add3A_267, %mul3A_311 : vector<16xf32>
        %mul3A_313 = arith.mulf %mul3A_70, %get3A_59 : vector<16xf32>
        %add3A_314 = arith.constant 80 : i32
        %add3A_315 = arith.addi %mul3A_88, %add3A_314 : i32
        %broadcast_in_dim3A_316 = vector.broadcast %add3A_315 : i32 to vector<16xi32>
        %add3A_317 = arith.addi %broadcast_in_dim3A_316, %iota3A : vector<16xi32>
        %broadcast_in_dim3A_318 = arith.constant 0 : i32
        %broadcast_in_dim3A_319 = vector.broadcast %broadcast_in_dim3A_318 : i32 to vector<16xi32>
        %gather3A_320 = tpu.vector_load_idx %arg7[%add3A_317, %broadcast_in_dim3A_319] : memref<4096x8xf32, #tpu.memory_space<vmem>>[vector<16xi32>, vector<16xi32>], vector<16xf32>,
        %mul3A_321 = arith.mulf %mul3A_313, %gather3A_320 : vector<16xf32>
        %add3A_322 = arith.addf %add3A_277, %mul3A_321 : vector<16xf32>
        %broadcast_in_dim3A_323 = arith.constant 1 : i32
        %broadcast_in_dim3A_324 = vector.broadcast %broadcast_in_dim3A_323 : i32 to vector<16xi32>
        %gather3A_325 = tpu.vector_load_idx %arg7[%add3A_317, %broadcast_in_dim3A_324] : memref<4096x8xf32, #tpu.memory_space<vmem>>[vector<16xi32>, vector<16xi32>], vector<16xf32>,
        %mul3A_326 = arith.mulf %mul3A_313, %gather3A_325 : vector<16xf32>
        %add3A_327 = arith.addf %add3A_282, %mul3A_326 : vector<16xf32>
        %broadcast_in_dim3A_328 = arith.constant 2 : i32
        %broadcast_in_dim3A_329 = vector.broadcast %broadcast_in_dim3A_328 : i32 to vector<16xi32>
        %gather3A_330 = tpu.vector_load_idx %arg7[%add3A_317, %broadcast_in_dim3A_329] : memref<4096x8xf32, #tpu.memory_space<vmem>>[vector<16xi32>, vector<16xi32>], vector<16xf32>,
        %mul3A_331 = arith.mulf %mul3A_313, %gather3A_330 : vector<16xf32>
        %add3A_332 = arith.addf %add3A_287, %mul3A_331 : vector<16xf32>
        %broadcast_in_dim3A_333 = arith.constant 3 : i32
        %broadcast_in_dim3A_334 = vector.broadcast %broadcast_in_dim3A_333 : i32 to vector<16xi32>
        %gather3A_335 = tpu.vector_load_idx %arg7[%add3A_317, %broadcast_in_dim3A_334] : memref<4096x8xf32, #tpu.memory_space<vmem>>[vector<16xi32>, vector<16xi32>], vector<16xf32>,
        %mul3A_336 = arith.mulf %mul3A_313, %gather3A_335 : vector<16xf32>
        %add3A_337 = arith.addf %add3A_292, %mul3A_336 : vector<16xf32>
        %broadcast_in_dim3A_338 = arith.constant 4 : i32
        %broadcast_in_dim3A_339 = vector.broadcast %broadcast_in_dim3A_338 : i32 to vector<16xi32>
        %gather3A_340 = tpu.vector_load_idx %arg7[%add3A_317, %broadcast_in_dim3A_339] : memref<4096x8xf32, #tpu.memory_space<vmem>>[vector<16xi32>, vector<16xi32>], vector<16xf32>,
        %mul3A_341 = arith.mulf %mul3A_313, %gather3A_340 : vector<16xf32>
        %add3A_342 = arith.addf %add3A_297, %mul3A_341 : vector<16xf32>
        %broadcast_in_dim3A_343 = arith.constant 5 : i32
        %broadcast_in_dim3A_344 = vector.broadcast %broadcast_in_dim3A_343 : i32 to vector<16xi32>
        %gather3A_345 = tpu.vector_load_idx %arg7[%add3A_317, %broadcast_in_dim3A_344] : memref<4096x8xf32, #tpu.memory_space<vmem>>[vector<16xi32>, vector<16xi32>], vector<16xf32>,
        %mul3A_346 = arith.mulf %mul3A_313, %gather3A_345 : vector<16xf32>
        %add3A_347 = arith.addf %add3A_302, %mul3A_346 : vector<16xf32>
        %broadcast_in_dim3A_348 = arith.constant 6 : i32
        %broadcast_in_dim3A_349 = vector.broadcast %broadcast_in_dim3A_348 : i32 to vector<16xi32>
        %gather3A_350 = tpu.vector_load_idx %arg7[%add3A_317, %broadcast_in_dim3A_349] : memref<4096x8xf32, #tpu.memory_space<vmem>>[vector<16xi32>, vector<16xi32>], vector<16xf32>,
        %mul3A_351 = arith.mulf %mul3A_313, %gather3A_350 : vector<16xf32>
        %add3A_352 = arith.addf %add3A_307, %mul3A_351 : vector<16xf32>
        %broadcast_in_dim3A_353 = arith.constant 7 : i32
        %broadcast_in_dim3A_354 = vector.broadcast %broadcast_in_dim3A_353 : i32 to vector<16xi32>
        %gather3A_355 = tpu.vector_load_idx %arg7[%add3A_317, %broadcast_in_dim3A_354] : memref<4096x8xf32, #tpu.memory_space<vmem>>[vector<16xi32>, vector<16xi32>], vector<16xf32>,
        %mul3A_356 = arith.mulf %mul3A_313, %gather3A_355 : vector<16xf32>
        %add3A_357 = arith.addf %add3A_312, %mul3A_356 : vector<16xf32>
        %mul3A_358 = arith.mulf %mul3A_71, %sub3A_67 : vector<16xf32>
        %add3A_359 = arith.constant 96 : i32
        %add3A_360 = arith.addi %mul3A_88, %add3A_359 : i32
        %broadcast_in_dim3A_361 = vector.broadcast %add3A_360 : i32 to vector<16xi32>
        %add3A_362 = arith.addi %broadcast_in_dim3A_361, %iota3A : vector<16xi32>
        %broadcast_in_dim3A_363 = arith.constant 0 : i32
        %broadcast_in_dim3A_364 = vector.broadcast %broadcast_in_dim3A_363 : i32 to vector<16xi32>
        %gather3A_365 = tpu.vector_load_idx %arg7[%add3A_362, %broadcast_in_dim3A_364] : memref<4096x8xf32, #tpu.memory_space<vmem>>[vector<16xi32>, vector<16xi32>], vector<16xf32>,
        %mul3A_366 = arith.mulf %mul3A_358, %gather3A_365 : vector<16xf32>
        %add3A_367 = arith.addf %add3A_322, %mul3A_366 : vector<16xf32>
        %broadcast_in_dim3A_368 = arith.constant 1 : i32
        %broadcast_in_dim3A_369 = vector.broadcast %broadcast_in_dim3A_368 : i32 to vector<16xi32>
        %gather3A_370 = tpu.vector_load_idx %arg7[%add3A_362, %broadcast_in_dim3A_369] : memref<4096x8xf32, #tpu.memory_space<vmem>>[vector<16xi32>, vector<16xi32>], vector<16xf32>,
        %mul3A_371 = arith.mulf %mul3A_358, %gather3A_370 : vector<16xf32>
        %add3A_372 = arith.addf %add3A_327, %mul3A_371 : vector<16xf32>
        %broadcast_in_dim3A_373 = arith.constant 2 : i32
        %broadcast_in_dim3A_374 = vector.broadcast %broadcast_in_dim3A_373 : i32 to vector<16xi32>
        %gather3A_375 = tpu.vector_load_idx %arg7[%add3A_362, %broadcast_in_dim3A_374] : memref<4096x8xf32, #tpu.memory_space<vmem>>[vector<16xi32>, vector<16xi32>], vector<16xf32>,
        %mul3A_376 = arith.mulf %mul3A_358, %gather3A_375 : vector<16xf32>
        %add3A_377 = arith.addf %add3A_332, %mul3A_376 : vector<16xf32>
        %broadcast_in_dim3A_378 = arith.constant 3 : i32
        %broadcast_in_dim3A_379 = vector.broadcast %broadcast_in_dim3A_378 : i32 to vector<16xi32>
        %gather3A_380 = tpu.vector_load_idx %arg7[%add3A_362, %broadcast_in_dim3A_379] : memref<4096x8xf32, #tpu.memory_space<vmem>>[vector<16xi32>, vector<16xi32>], vector<16xf32>,
        %mul3A_381 = arith.mulf %mul3A_358, %gather3A_380 : vector<16xf32>
        %add3A_382 = arith.addf %add3A_337, %mul3A_381 : vector<16xf32>
        %broadcast_in_dim3A_383 = arith.constant 4 : i32
        %broadcast_in_dim3A_384 = vector.broadcast %broadcast_in_dim3A_383 : i32 to vector<16xi32>
        %gather3A_385 = tpu.vector_load_idx %arg7[%add3A_362, %broadcast_in_dim3A_384] : memref<4096x8xf32, #tpu.memory_space<vmem>>[vector<16xi32>, vector<16xi32>], vector<16xf32>,
        %mul3A_386 = arith.mulf %mul3A_358, %gather3A_385 : vector<16xf32>
        %add3A_387 = arith.addf %add3A_342, %mul3A_386 : vector<16xf32>
        %broadcast_in_dim3A_388 = arith.constant 5 : i32
        %broadcast_in_dim3A_389 = vector.broadcast %broadcast_in_dim3A_388 : i32 to vector<16xi32>
        %gather3A_390 = tpu.vector_load_idx %arg7[%add3A_362, %broadcast_in_dim3A_389] : memref<4096x8xf32, #tpu.memory_space<vmem>>[vector<16xi32>, vector<16xi32>], vector<16xf32>,
        %mul3A_391 = arith.mulf %mul3A_358, %gather3A_390 : vector<16xf32>
        %add3A_392 = arith.addf %add3A_347, %mul3A_391 : vector<16xf32>
        %broadcast_in_dim3A_393 = arith.constant 6 : i32
        %broadcast_in_dim3A_394 = vector.broadcast %broadcast_in_dim3A_393 : i32 to vector<16xi32>
        %gather3A_395 = tpu.vector_load_idx %arg7[%add3A_362, %broadcast_in_dim3A_394] : memref<4096x8xf32, #tpu.memory_space<vmem>>[vector<16xi32>, vector<16xi32>], vector<16xf32>,
        %mul3A_396 = arith.mulf %mul3A_358, %gather3A_395 : vector<16xf32>
        %add3A_397 = arith.addf %add3A_352, %mul3A_396 : vector<16xf32>
        %broadcast_in_dim3A_398 = arith.constant 7 : i32
        %broadcast_in_dim3A_399 = vector.broadcast %broadcast_in_dim3A_398 : i32 to vector<16xi32>
        %gather3A_400 = tpu.vector_load_idx %arg7[%add3A_362, %broadcast_in_dim3A_399] : memref<4096x8xf32, #tpu.memory_space<vmem>>[vector<16xi32>, vector<16xi32>], vector<16xf32>,
        %mul3A_401 = arith.mulf %mul3A_358, %gather3A_400 : vector<16xf32>
        %add3A_402 = arith.addf %add3A_357, %mul3A_401 : vector<16xf32>
        %mul3A_403 = arith.mulf %mul3A_71, %get3A_59 : vector<16xf32>
        %add3A_404 = arith.constant 112 : i32
        %add3A_405 = arith.addi %mul3A_88, %add3A_404 : i32
        %broadcast_in_dim3A_406 = vector.broadcast %add3A_405 : i32 to vector<16xi32>
        %add3A_407 = arith.addi %broadcast_in_dim3A_406, %iota3A : vector<16xi32>
        %broadcast_in_dim3A_408 = arith.constant 0 : i32
        %broadcast_in_dim3A_409 = vector.broadcast %broadcast_in_dim3A_408 : i32 to vector<16xi32>
        %gather3A_410 = tpu.vector_load_idx %arg7[%add3A_407, %broadcast_in_dim3A_409] : memref<4096x8xf32, #tpu.memory_space<vmem>>[vector<16xi32>, vector<16xi32>], vector<16xf32>,
        %mul3A_411 = arith.mulf %mul3A_403, %gather3A_410 : vector<16xf32>
        %add3A_412 = arith.addf %add3A_367, %mul3A_411 : vector<16xf32>
        %broadcast_in_dim3A_413 = arith.constant 1 : i32
        %broadcast_in_dim3A_414 = vector.broadcast %broadcast_in_dim3A_413 : i32 to vector<16xi32>
        %gather3A_415 = tpu.vector_load_idx %arg7[%add3A_407, %broadcast_in_dim3A_414] : memref<4096x8xf32, #tpu.memory_space<vmem>>[vector<16xi32>, vector<16xi32>], vector<16xf32>,
        %mul3A_416 = arith.mulf %mul3A_403, %gather3A_415 : vector<16xf32>
        %add3A_417 = arith.addf %add3A_372, %mul3A_416 : vector<16xf32>
        %broadcast_in_dim3A_418 = arith.constant 2 : i32
        %broadcast_in_dim3A_419 = vector.broadcast %broadcast_in_dim3A_418 : i32 to vector<16xi32>
        %gather3A_420 = tpu.vector_load_idx %arg7[%add3A_407, %broadcast_in_dim3A_419] : memref<4096x8xf32, #tpu.memory_space<vmem>>[vector<16xi32>, vector<16xi32>], vector<16xf32>,
        %mul3A_421 = arith.mulf %mul3A_403, %gather3A_420 : vector<16xf32>
        %add3A_422 = arith.addf %add3A_377, %mul3A_421 : vector<16xf32>
        %broadcast_in_dim3A_423 = arith.constant 3 : i32
        %broadcast_in_dim3A_424 = vector.broadcast %broadcast_in_dim3A_423 : i32 to vector<16xi32>
        %gather3A_425 = tpu.vector_load_idx %arg7[%add3A_407, %broadcast_in_dim3A_424] : memref<4096x8xf32, #tpu.memory_space<vmem>>[vector<16xi32>, vector<16xi32>], vector<16xf32>,
        %mul3A_426 = arith.mulf %mul3A_403, %gather3A_425 : vector<16xf32>
        %add3A_427 = arith.addf %add3A_382, %mul3A_426 : vector<16xf32>
        %broadcast_in_dim3A_428 = arith.constant 4 : i32
        %broadcast_in_dim3A_429 = vector.broadcast %broadcast_in_dim3A_428 : i32 to vector<16xi32>
        %gather3A_430 = tpu.vector_load_idx %arg7[%add3A_407, %broadcast_in_dim3A_429] : memref<4096x8xf32, #tpu.memory_space<vmem>>[vector<16xi32>, vector<16xi32>], vector<16xf32>,
        %mul3A_431 = arith.mulf %mul3A_403, %gather3A_430 : vector<16xf32>
        %add3A_432 = arith.addf %add3A_387, %mul3A_431 : vector<16xf32>
        %broadcast_in_dim3A_433 = arith.constant 5 : i32
        %broadcast_in_dim3A_434 = vector.broadcast %broadcast_in_dim3A_433 : i32 to vector<16xi32>
        %gather3A_435 = tpu.vector_load_idx %arg7[%add3A_407, %broadcast_in_dim3A_434] : memref<4096x8xf32, #tpu.memory_space<vmem>>[vector<16xi32>, vector<16xi32>], vector<16xf32>,
        %mul3A_436 = arith.mulf %mul3A_403, %gather3A_435 : vector<16xf32>
        %add3A_437 = arith.addf %add3A_392, %mul3A_436 : vector<16xf32>
        %broadcast_in_dim3A_438 = arith.constant 6 : i32
        %broadcast_in_dim3A_439 = vector.broadcast %broadcast_in_dim3A_438 : i32 to vector<16xi32>
        %gather3A_440 = tpu.vector_load_idx %arg7[%add3A_407, %broadcast_in_dim3A_439] : memref<4096x8xf32, #tpu.memory_space<vmem>>[vector<16xi32>, vector<16xi32>], vector<16xf32>,
        %mul3A_441 = arith.mulf %mul3A_403, %gather3A_440 : vector<16xf32>
        %add3A_442 = arith.addf %add3A_397, %mul3A_441 : vector<16xf32>
        %broadcast_in_dim3A_443 = arith.constant 7 : i32
        %broadcast_in_dim3A_444 = vector.broadcast %broadcast_in_dim3A_443 : i32 to vector<16xi32>
        %gather3A_445 = tpu.vector_load_idx %arg7[%add3A_407, %broadcast_in_dim3A_444] : memref<4096x8xf32, #tpu.memory_space<vmem>>[vector<16xi32>, vector<16xi32>], vector<16xf32>,
        %mul3A_446 = arith.mulf %mul3A_403, %gather3A_445 : vector<16xf32>
        %add3A_447 = arith.addf %add3A_402, %mul3A_446 : vector<16xf32>
        %div3A = arith.constant 8 : i32
        %div3A_448 = arith.divsi %while3A_46, %div3A : i32
        %mul3A_449 = arith.constant 1024 : i32
        %mul3A_450 = arith.muli %div3A_448, %mul3A_449 : i32
        %rem3A = arith.constant 8 : i32
        %rem3A_451 = arith.remsi %while3A_46, %rem3A : i32
        %mul3A_452 = arith.constant 16 : i32
        %mul3A_453 = arith.muli %rem3A_451, %mul3A_452 : i32
        %add3A_454 = arith.addi %mul3A_450, %mul3A_453 : i32
        %add3A_455 = arith.constant 0 : i32
        %add3A_456 = arith.addi %add3A_454, %add3A_455 : i32
        %swap3A = arith.index_cast %add3A_456 : i32 to index
        %swap3A_457 = tpu.vector_load %arg8[%swap3A] {strides = array<i32>} : memref<4096xf32, #tpu.memory_space<vmem>>, vector<16xf32>,
        tpu.vector_store %arg8[%swap3A], %add3A_412 {strides = array<i32>} : memref<4096xf32, #tpu.memory_space<vmem>>, vector<16xf32>,
        %add3A_458 = arith.constant 128 : i32
        %add3A_459 = arith.addi %add3A_454, %add3A_458 : i32
        %swap3A_460 = arith.index_cast %add3A_459 : i32 to index
        %swap3A_461 = tpu.vector_load %arg8[%swap3A_460] {strides = array<i32>} : memref<4096xf32, #tpu.memory_space<vmem>>, vector<16xf32>,
        tpu.vector_store %arg8[%swap3A_460], %add3A_417 {strides = array<i32>} : memref<4096xf32, #tpu.memory_space<vmem>>, vector<16xf32>,
        %add3A_462 = arith.constant 256 : i32
        %add3A_463 = arith.addi %add3A_454, %add3A_462 : i32
        %swap3A_464 = arith.index_cast %add3A_463 : i32 to index
        %swap3A_465 = tpu.vector_load %arg8[%swap3A_464] {strides = array<i32>} : memref<4096xf32, #tpu.memory_space<vmem>>, vector<16xf32>,
        tpu.vector_store %arg8[%swap3A_464], %add3A_422 {strides = array<i32>} : memref<4096xf32, #tpu.memory_space<vmem>>, vector<16xf32>,
        %add3A_466 = arith.constant 384 : i32
        %add3A_467 = arith.addi %add3A_454, %add3A_466 : i32
        %swap3A_468 = arith.index_cast %add3A_467 : i32 to index
        %swap3A_469 = tpu.vector_load %arg8[%swap3A_468] {strides = array<i32>} : memref<4096xf32, #tpu.memory_space<vmem>>, vector<16xf32>,
        tpu.vector_store %arg8[%swap3A_468], %add3A_427 {strides = array<i32>} : memref<4096xf32, #tpu.memory_space<vmem>>, vector<16xf32>,
        %add3A_470 = arith.constant 512 : i32
        %add3A_471 = arith.addi %add3A_454, %add3A_470 : i32
        %swap3A_472 = arith.index_cast %add3A_471 : i32 to index
        %swap3A_473 = tpu.vector_load %arg8[%swap3A_472] {strides = array<i32>} : memref<4096xf32, #tpu.memory_space<vmem>>, vector<16xf32>,
        tpu.vector_store %arg8[%swap3A_472], %add3A_432 {strides = array<i32>} : memref<4096xf32, #tpu.memory_space<vmem>>, vector<16xf32>,
        %add3A_474 = arith.constant 640 : i32
        %add3A_475 = arith.addi %add3A_454, %add3A_474 : i32
        %swap3A_476 = arith.index_cast %add3A_475 : i32 to index
        %swap3A_477 = tpu.vector_load %arg8[%swap3A_476] {strides = array<i32>} : memref<4096xf32, #tpu.memory_space<vmem>>, vector<16xf32>,
        tpu.vector_store %arg8[%swap3A_476], %add3A_437 {strides = array<i32>} : memref<4096xf32, #tpu.memory_space<vmem>>, vector<16xf32>,
        %add3A_478 = arith.constant 768 : i32
        %add3A_479 = arith.addi %add3A_454, %add3A_478 : i32
        %swap3A_480 = arith.index_cast %add3A_479 : i32 to index
        %swap3A_481 = tpu.vector_load %arg8[%swap3A_480] {strides = array<i32>} : memref<4096xf32, #tpu.memory_space<vmem>>, vector<16xf32>,
        tpu.vector_store %arg8[%swap3A_480], %add3A_442 {strides = array<i32>} : memref<4096xf32, #tpu.memory_space<vmem>>, vector<16xf32>,
        %add3A_482 = arith.constant 896 : i32
        %add3A_483 = arith.addi %add3A_454, %add3A_482 : i32
        %swap3A_484 = arith.index_cast %add3A_483 : i32 to index
        %swap3A_485 = tpu.vector_load %arg8[%swap3A_484] {strides = array<i32>} : memref<4096xf32, #tpu.memory_space<vmem>>, vector<16xf32>,
        tpu.vector_store %arg8[%swap3A_484], %add3A_447 {strides = array<i32>} : memref<4096xf32, #tpu.memory_space<vmem>>, vector<16xf32>,
      }
      %while3A_43 = arith.constant 1 : i32
      scf.for %while3A_46 = %while3A_41 to %while3A_37 step %while3A_43  : i32 {
        %mul3A_47 = arith.constant 16 : i32
        %mul3A_48 = arith.muli %while3A_46, %mul3A_47 : i32
        %get3A = arith.constant 0 : i64
        %get3A_49 = arith.index_cast %get3A : i64 to index
        %get3A_50 = arith.index_cast %mul3A_48 : i32 to index
        %get3A_51 = tpu.vector_load %arg5[%get3A_49, %get3A_50] {strides = array<i32>} : memref<3x512xf32, #tpu.memory_space<vmem>>, vector<16xf32>,
        %get3A_52 = arith.constant 1 : i64
        %get3A_53 = arith.index_cast %get3A_52 : i64 to index
        %get3A_54 = arith.index_cast %mul3A_48 : i32 to index
        %get3A_55 = tpu.vector_load %arg5[%get3A_53, %get3A_54] {strides = array<i32>} : memref<3x512xf32, #tpu.memory_space<vmem>>, vector<16xf32>,
        %get3A_56 = arith.constant 2 : i64
        %get3A_57 = arith.index_cast %get3A_56 : i64 to index
        %get3A_58 = arith.index_cast %mul3A_48 : i32 to index
        %get3A_59 = tpu.vector_load %arg5[%get3A_57, %get3A_58] {strides = array<i32>} : memref<3x512xf32, #tpu.memory_space<vmem>>, vector<16xf32>,
        %sub3A = arith.constant 1.000000e+00 : f32
        %sub3A_60 = vector.broadcast %sub3A : f32 to vector<16xf32>
        %sub3A_61 = arith.subf %sub3A_60, %get3A_51 : vector<16xf32>
        %sub3A_62 = arith.constant 1.000000e+00 : f32
        %sub3A_63 = vector.broadcast %sub3A_62 : f32 to vector<16xf32>
        %sub3A_64 = arith.subf %sub3A_63, %get3A_55 : vector<16xf32>
        %sub3A_65 = arith.constant 1.000000e+00 : f32
        %sub3A_66 = vector.broadcast %sub3A_65 : f32 to vector<16xf32>
        %sub3A_67 = arith.subf %sub3A_66, %get3A_59 : vector<16xf32>
        %mul3A_68 = arith.mulf %sub3A_61, %sub3A_64 : vector<16xf32>
        %mul3A_69 = arith.mulf %sub3A_61, %get3A_55 : vector<16xf32>
        %mul3A_70 = arith.mulf %get3A_51, %sub3A_64 : vector<16xf32>
        %mul3A_71 = arith.mulf %get3A_51, %get3A_55 : vector<16xf32>
        %broadcast_in_dim3A = arith.constant 0.000000e+00 : f32
        %broadcast_in_dim3A_72 = vector.broadcast %broadcast_in_dim3A : f32 to vector<16xf32>
        %broadcast_in_dim3A_73 = arith.constant 0.000000e+00 : f32
        %broadcast_in_dim3A_74 = vector.broadcast %broadcast_in_dim3A_73 : f32 to vector<16xf32>
        %broadcast_in_dim3A_75 = arith.constant 0.000000e+00 : f32
        %broadcast_in_dim3A_76 = vector.broadcast %broadcast_in_dim3A_75 : f32 to vector<16xf32>
        %broadcast_in_dim3A_77 = arith.constant 0.000000e+00 : f32
        %broadcast_in_dim3A_78 = vector.broadcast %broadcast_in_dim3A_77 : f32 to vector<16xf32>
        %broadcast_in_dim3A_79 = arith.constant 0.000000e+00 : f32
        %broadcast_in_dim3A_80 = vector.broadcast %broadcast_in_dim3A_79 : f32 to vector<16xf32>
        %broadcast_in_dim3A_81 = arith.constant 0.000000e+00 : f32
        %broadcast_in_dim3A_82 = vector.broadcast %broadcast_in_dim3A_81 : f32 to vector<16xf32>
        %broadcast_in_dim3A_83 = arith.constant 0.000000e+00 : f32
        %broadcast_in_dim3A_84 = vector.broadcast %broadcast_in_dim3A_83 : f32 to vector<16xf32>
        %broadcast_in_dim3A_85 = arith.constant 0.000000e+00 : f32
        %broadcast_in_dim3A_86 = vector.broadcast %broadcast_in_dim3A_85 : f32 to vector<16xf32>
        %mul3A_87 = arith.constant 128 : i32
        %mul3A_88 = arith.muli %while3A_46, %mul3A_87 : i32
        %mul3A_89 = arith.mulf %mul3A_68, %sub3A_67 : vector<16xf32>
        %add3A_90 = arith.constant 0 : i32
        %add3A_91 = arith.addi %mul3A_88, %add3A_90 : i32
        %broadcast_in_dim3A_92 = vector.broadcast %add3A_91 : i32 to vector<16xi32>
        %add3A_93 = arith.addi %broadcast_in_dim3A_92, %iota3A : vector<16xi32>
        %broadcast_in_dim3A_94 = arith.constant 0 : i32
        %broadcast_in_dim3A_95 = vector.broadcast %broadcast_in_dim3A_94 : i32 to vector<16xi32>
        %gather3A = tpu.vector_load_idx %arg7[%add3A_93, %broadcast_in_dim3A_95] : memref<4096x8xf32, #tpu.memory_space<vmem>>[vector<16xi32>, vector<16xi32>], vector<16xf32>,
        %mul3A_96 = arith.mulf %mul3A_89, %gather3A : vector<16xf32>
        %add3A_97 = arith.addf %broadcast_in_dim3A_72, %mul3A_96 : vector<16xf32>
        %broadcast_in_dim3A_98 = arith.constant 1 : i32
        %broadcast_in_dim3A_99 = vector.broadcast %broadcast_in_dim3A_98 : i32 to vector<16xi32>
        %gather3A_100 = tpu.vector_load_idx %arg7[%add3A_93, %broadcast_in_dim3A_99] : memref<4096x8xf32, #tpu.memory_space<vmem>>[vector<16xi32>, vector<16xi32>], vector<16xf32>,
        %mul3A_101 = arith.mulf %mul3A_89, %gather3A_100 : vector<16xf32>
        %add3A_102 = arith.addf %broadcast_in_dim3A_74, %mul3A_101 : vector<16xf32>
        %broadcast_in_dim3A_103 = arith.constant 2 : i32
        %broadcast_in_dim3A_104 = vector.broadcast %broadcast_in_dim3A_103 : i32 to vector<16xi32>
        %gather3A_105 = tpu.vector_load_idx %arg7[%add3A_93, %broadcast_in_dim3A_104] : memref<4096x8xf32, #tpu.memory_space<vmem>>[vector<16xi32>, vector<16xi32>], vector<16xf32>,
        %mul3A_106 = arith.mulf %mul3A_89, %gather3A_105 : vector<16xf32>
        %add3A_107 = arith.addf %broadcast_in_dim3A_76, %mul3A_106 : vector<16xf32>
        %broadcast_in_dim3A_108 = arith.constant 3 : i32
        %broadcast_in_dim3A_109 = vector.broadcast %broadcast_in_dim3A_108 : i32 to vector<16xi32>
        %gather3A_110 = tpu.vector_load_idx %arg7[%add3A_93, %broadcast_in_dim3A_109] : memref<4096x8xf32, #tpu.memory_space<vmem>>[vector<16xi32>, vector<16xi32>], vector<16xf32>,
        %mul3A_111 = arith.mulf %mul3A_89, %gather3A_110 : vector<16xf32>
        %add3A_112 = arith.addf %broadcast_in_dim3A_78, %mul3A_111 : vector<16xf32>
        %broadcast_in_dim3A_113 = arith.constant 4 : i32
        %broadcast_in_dim3A_114 = vector.broadcast %broadcast_in_dim3A_113 : i32 to vector<16xi32>
        %gather3A_115 = tpu.vector_load_idx %arg7[%add3A_93, %broadcast_in_dim3A_114] : memref<4096x8xf32, #tpu.memory_space<vmem>>[vector<16xi32>, vector<16xi32>], vector<16xf32>,
        %mul3A_116 = arith.mulf %mul3A_89, %gather3A_115 : vector<16xf32>
        %add3A_117 = arith.addf %broadcast_in_dim3A_80, %mul3A_116 : vector<16xf32>
        %broadcast_in_dim3A_118 = arith.constant 5 : i32
        %broadcast_in_dim3A_119 = vector.broadcast %broadcast_in_dim3A_118 : i32 to vector<16xi32>
        %gather3A_120 = tpu.vector_load_idx %arg7[%add3A_93, %broadcast_in_dim3A_119] : memref<4096x8xf32, #tpu.memory_space<vmem>>[vector<16xi32>, vector<16xi32>], vector<16xf32>,
        %mul3A_121 = arith.mulf %mul3A_89, %gather3A_120 : vector<16xf32>
        %add3A_122 = arith.addf %broadcast_in_dim3A_82, %mul3A_121 : vector<16xf32>
        %broadcast_in_dim3A_123 = arith.constant 6 : i32
        %broadcast_in_dim3A_124 = vector.broadcast %broadcast_in_dim3A_123 : i32 to vector<16xi32>
        %gather3A_125 = tpu.vector_load_idx %arg7[%add3A_93, %broadcast_in_dim3A_124] : memref<4096x8xf32, #tpu.memory_space<vmem>>[vector<16xi32>, vector<16xi32>], vector<16xf32>,
        %mul3A_126 = arith.mulf %mul3A_89, %gather3A_125 : vector<16xf32>
        %add3A_127 = arith.addf %broadcast_in_dim3A_84, %mul3A_126 : vector<16xf32>
        %broadcast_in_dim3A_128 = arith.constant 7 : i32
        %broadcast_in_dim3A_129 = vector.broadcast %broadcast_in_dim3A_128 : i32 to vector<16xi32>
        %gather3A_130 = tpu.vector_load_idx %arg7[%add3A_93, %broadcast_in_dim3A_129] : memref<4096x8xf32, #tpu.memory_space<vmem>>[vector<16xi32>, vector<16xi32>], vector<16xf32>,
        %mul3A_131 = arith.mulf %mul3A_89, %gather3A_130 : vector<16xf32>
        %add3A_132 = arith.addf %broadcast_in_dim3A_86, %mul3A_131 : vector<16xf32>
        %mul3A_133 = arith.mulf %mul3A_68, %get3A_59 : vector<16xf32>
        %add3A_134 = arith.constant 16 : i32
        %add3A_135 = arith.addi %mul3A_88, %add3A_134 : i32
        %broadcast_in_dim3A_136 = vector.broadcast %add3A_135 : i32 to vector<16xi32>
        %add3A_137 = arith.addi %broadcast_in_dim3A_136, %iota3A : vector<16xi32>
        %broadcast_in_dim3A_138 = arith.constant 0 : i32
        %broadcast_in_dim3A_139 = vector.broadcast %broadcast_in_dim3A_138 : i32 to vector<16xi32>
        %gather3A_140 = tpu.vector_load_idx %arg7[%add3A_137, %broadcast_in_dim3A_139] : memref<4096x8xf32, #tpu.memory_space<vmem>>[vector<16xi32>, vector<16xi32>], vector<16xf32>,
        %mul3A_141 = arith.mulf %mul3A_133, %gather3A_140 : vector<16xf32>
        %add3A_142 = arith.addf %add3A_97, %mul3A_141 : vector<16xf32>
        %broadcast_in_dim3A_143 = arith.constant 1 : i32
        %broadcast_in_dim3A_144 = vector.broadcast %broadcast_in_dim3A_143 : i32 to vector<16xi32>
        %gather3A_145 = tpu.vector_load_idx %arg7[%add3A_137, %broadcast_in_dim3A_144] : memref<4096x8xf32, #tpu.memory_space<vmem>>[vector<16xi32>, vector<16xi32>], vector<16xf32>,
        %mul3A_146 = arith.mulf %mul3A_133, %gather3A_145 : vector<16xf32>
        %add3A_147 = arith.addf %add3A_102, %mul3A_146 : vector<16xf32>
        %broadcast_in_dim3A_148 = arith.constant 2 : i32
        %broadcast_in_dim3A_149 = vector.broadcast %broadcast_in_dim3A_148 : i32 to vector<16xi32>
        %gather3A_150 = tpu.vector_load_idx %arg7[%add3A_137, %broadcast_in_dim3A_149] : memref<4096x8xf32, #tpu.memory_space<vmem>>[vector<16xi32>, vector<16xi32>], vector<16xf32>,
        %mul3A_151 = arith.mulf %mul3A_133, %gather3A_150 : vector<16xf32>
        %add3A_152 = arith.addf %add3A_107, %mul3A_151 : vector<16xf32>
        %broadcast_in_dim3A_153 = arith.constant 3 : i32
        %broadcast_in_dim3A_154 = vector.broadcast %broadcast_in_dim3A_153 : i32 to vector<16xi32>
        %gather3A_155 = tpu.vector_load_idx %arg7[%add3A_137, %broadcast_in_dim3A_154] : memref<4096x8xf32, #tpu.memory_space<vmem>>[vector<16xi32>, vector<16xi32>], vector<16xf32>,
        %mul3A_156 = arith.mulf %mul3A_133, %gather3A_155 : vector<16xf32>
        %add3A_157 = arith.addf %add3A_112, %mul3A_156 : vector<16xf32>
        %broadcast_in_dim3A_158 = arith.constant 4 : i32
        %broadcast_in_dim3A_159 = vector.broadcast %broadcast_in_dim3A_158 : i32 to vector<16xi32>
        %gather3A_160 = tpu.vector_load_idx %arg7[%add3A_137, %broadcast_in_dim3A_159] : memref<4096x8xf32, #tpu.memory_space<vmem>>[vector<16xi32>, vector<16xi32>], vector<16xf32>,
        %mul3A_161 = arith.mulf %mul3A_133, %gather3A_160 : vector<16xf32>
        %add3A_162 = arith.addf %add3A_117, %mul3A_161 : vector<16xf32>
        %broadcast_in_dim3A_163 = arith.constant 5 : i32
        %broadcast_in_dim3A_164 = vector.broadcast %broadcast_in_dim3A_163 : i32 to vector<16xi32>
        %gather3A_165 = tpu.vector_load_idx %arg7[%add3A_137, %broadcast_in_dim3A_164] : memref<4096x8xf32, #tpu.memory_space<vmem>>[vector<16xi32>, vector<16xi32>], vector<16xf32>,
        %mul3A_166 = arith.mulf %mul3A_133, %gather3A_165 : vector<16xf32>
        %add3A_167 = arith.addf %add3A_122, %mul3A_166 : vector<16xf32>
        %broadcast_in_dim3A_168 = arith.constant 6 : i32
        %broadcast_in_dim3A_169 = vector.broadcast %broadcast_in_dim3A_168 : i32 to vector<16xi32>
        %gather3A_170 = tpu.vector_load_idx %arg7[%add3A_137, %broadcast_in_dim3A_169] : memref<4096x8xf32, #tpu.memory_space<vmem>>[vector<16xi32>, vector<16xi32>], vector<16xf32>,
        %mul3A_171 = arith.mulf %mul3A_133, %gather3A_170 : vector<16xf32>
        %add3A_172 = arith.addf %add3A_127, %mul3A_171 : vector<16xf32>
        %broadcast_in_dim3A_173 = arith.constant 7 : i32
        %broadcast_in_dim3A_174 = vector.broadcast %broadcast_in_dim3A_173 : i32 to vector<16xi32>
        %gather3A_175 = tpu.vector_load_idx %arg7[%add3A_137, %broadcast_in_dim3A_174] : memref<4096x8xf32, #tpu.memory_space<vmem>>[vector<16xi32>, vector<16xi32>], vector<16xf32>,
        %mul3A_176 = arith.mulf %mul3A_133, %gather3A_175 : vector<16xf32>
        %add3A_177 = arith.addf %add3A_132, %mul3A_176 : vector<16xf32>
        %mul3A_178 = arith.mulf %mul3A_69, %sub3A_67 : vector<16xf32>
        %add3A_179 = arith.constant 32 : i32
        %add3A_180 = arith.addi %mul3A_88, %add3A_179 : i32
        %broadcast_in_dim3A_181 = vector.broadcast %add3A_180 : i32 to vector<16xi32>
        %add3A_182 = arith.addi %broadcast_in_dim3A_181, %iota3A : vector<16xi32>
        %broadcast_in_dim3A_183 = arith.constant 0 : i32
        %broadcast_in_dim3A_184 = vector.broadcast %broadcast_in_dim3A_183 : i32 to vector<16xi32>
        %gather3A_185 = tpu.vector_load_idx %arg7[%add3A_182, %broadcast_in_dim3A_184] : memref<4096x8xf32, #tpu.memory_space<vmem>>[vector<16xi32>, vector<16xi32>], vector<16xf32>,
        %mul3A_186 = arith.mulf %mul3A_178, %gather3A_185 : vector<16xf32>
        %add3A_187 = arith.addf %add3A_142, %mul3A_186 : vector<16xf32>
        %broadcast_in_dim3A_188 = arith.constant 1 : i32
        %broadcast_in_dim3A_189 = vector.broadcast %broadcast_in_dim3A_188 : i32 to vector<16xi32>
        %gather3A_190 = tpu.vector_load_idx %arg7[%add3A_182, %broadcast_in_dim3A_189] : memref<4096x8xf32, #tpu.memory_space<vmem>>[vector<16xi32>, vector<16xi32>], vector<16xf32>,
        %mul3A_191 = arith.mulf %mul3A_178, %gather3A_190 : vector<16xf32>
        %add3A_192 = arith.addf %add3A_147, %mul3A_191 : vector<16xf32>
        %broadcast_in_dim3A_193 = arith.constant 2 : i32
        %broadcast_in_dim3A_194 = vector.broadcast %broadcast_in_dim3A_193 : i32 to vector<16xi32>
        %gather3A_195 = tpu.vector_load_idx %arg7[%add3A_182, %broadcast_in_dim3A_194] : memref<4096x8xf32, #tpu.memory_space<vmem>>[vector<16xi32>, vector<16xi32>], vector<16xf32>,
        %mul3A_196 = arith.mulf %mul3A_178, %gather3A_195 : vector<16xf32>
        %add3A_197 = arith.addf %add3A_152, %mul3A_196 : vector<16xf32>
        %broadcast_in_dim3A_198 = arith.constant 3 : i32
        %broadcast_in_dim3A_199 = vector.broadcast %broadcast_in_dim3A_198 : i32 to vector<16xi32>
        %gather3A_200 = tpu.vector_load_idx %arg7[%add3A_182, %broadcast_in_dim3A_199] : memref<4096x8xf32, #tpu.memory_space<vmem>>[vector<16xi32>, vector<16xi32>], vector<16xf32>,
        %mul3A_201 = arith.mulf %mul3A_178, %gather3A_200 : vector<16xf32>
        %add3A_202 = arith.addf %add3A_157, %mul3A_201 : vector<16xf32>
        %broadcast_in_dim3A_203 = arith.constant 4 : i32
        %broadcast_in_dim3A_204 = vector.broadcast %broadcast_in_dim3A_203 : i32 to vector<16xi32>
        %gather3A_205 = tpu.vector_load_idx %arg7[%add3A_182, %broadcast_in_dim3A_204] : memref<4096x8xf32, #tpu.memory_space<vmem>>[vector<16xi32>, vector<16xi32>], vector<16xf32>,
        %mul3A_206 = arith.mulf %mul3A_178, %gather3A_205 : vector<16xf32>
        %add3A_207 = arith.addf %add3A_162, %mul3A_206 : vector<16xf32>
        %broadcast_in_dim3A_208 = arith.constant 5 : i32
        %broadcast_in_dim3A_209 = vector.broadcast %broadcast_in_dim3A_208 : i32 to vector<16xi32>
        %gather3A_210 = tpu.vector_load_idx %arg7[%add3A_182, %broadcast_in_dim3A_209] : memref<4096x8xf32, #tpu.memory_space<vmem>>[vector<16xi32>, vector<16xi32>], vector<16xf32>,
        %mul3A_211 = arith.mulf %mul3A_178, %gather3A_210 : vector<16xf32>
        %add3A_212 = arith.addf %add3A_167, %mul3A_211 : vector<16xf32>
        %broadcast_in_dim3A_213 = arith.constant 6 : i32
        %broadcast_in_dim3A_214 = vector.broadcast %broadcast_in_dim3A_213 : i32 to vector<16xi32>
        %gather3A_215 = tpu.vector_load_idx %arg7[%add3A_182, %broadcast_in_dim3A_214] : memref<4096x8xf32, #tpu.memory_space<vmem>>[vector<16xi32>, vector<16xi32>], vector<16xf32>,
        %mul3A_216 = arith.mulf %mul3A_178, %gather3A_215 : vector<16xf32>
        %add3A_217 = arith.addf %add3A_172, %mul3A_216 : vector<16xf32>
        %broadcast_in_dim3A_218 = arith.constant 7 : i32
        %broadcast_in_dim3A_219 = vector.broadcast %broadcast_in_dim3A_218 : i32 to vector<16xi32>
        %gather3A_220 = tpu.vector_load_idx %arg7[%add3A_182, %broadcast_in_dim3A_219] : memref<4096x8xf32, #tpu.memory_space<vmem>>[vector<16xi32>, vector<16xi32>], vector<16xf32>,
        %mul3A_221 = arith.mulf %mul3A_178, %gather3A_220 : vector<16xf32>
        %add3A_222 = arith.addf %add3A_177, %mul3A_221 : vector<16xf32>
        %mul3A_223 = arith.mulf %mul3A_69, %get3A_59 : vector<16xf32>
        %add3A_224 = arith.constant 48 : i32
        %add3A_225 = arith.addi %mul3A_88, %add3A_224 : i32
        %broadcast_in_dim3A_226 = vector.broadcast %add3A_225 : i32 to vector<16xi32>
        %add3A_227 = arith.addi %broadcast_in_dim3A_226, %iota3A : vector<16xi32>
        %broadcast_in_dim3A_228 = arith.constant 0 : i32
        %broadcast_in_dim3A_229 = vector.broadcast %broadcast_in_dim3A_228 : i32 to vector<16xi32>
        %gather3A_230 = tpu.vector_load_idx %arg7[%add3A_227, %broadcast_in_dim3A_229] : memref<4096x8xf32, #tpu.memory_space<vmem>>[vector<16xi32>, vector<16xi32>], vector<16xf32>,
        %mul3A_231 = arith.mulf %mul3A_223, %gather3A_230 : vector<16xf32>
        %add3A_232 = arith.addf %add3A_187, %mul3A_231 : vector<16xf32>
        %broadcast_in_dim3A_233 = arith.constant 1 : i32
        %broadcast_in_dim3A_234 = vector.broadcast %broadcast_in_dim3A_233 : i32 to vector<16xi32>
        %gather3A_235 = tpu.vector_load_idx %arg7[%add3A_227, %broadcast_in_dim3A_234] : memref<4096x8xf32, #tpu.memory_space<vmem>>[vector<16xi32>, vector<16xi32>], vector<16xf32>,
        %mul3A_236 = arith.mulf %mul3A_223, %gather3A_235 : vector<16xf32>
        %add3A_237 = arith.addf %add3A_192, %mul3A_236 : vector<16xf32>
        %broadcast_in_dim3A_238 = arith.constant 2 : i32
        %broadcast_in_dim3A_239 = vector.broadcast %broadcast_in_dim3A_238 : i32 to vector<16xi32>
        %gather3A_240 = tpu.vector_load_idx %arg7[%add3A_227, %broadcast_in_dim3A_239] : memref<4096x8xf32, #tpu.memory_space<vmem>>[vector<16xi32>, vector<16xi32>], vector<16xf32>,
        %mul3A_241 = arith.mulf %mul3A_223, %gather3A_240 : vector<16xf32>
        %add3A_242 = arith.addf %add3A_197, %mul3A_241 : vector<16xf32>
        %broadcast_in_dim3A_243 = arith.constant 3 : i32
        %broadcast_in_dim3A_244 = vector.broadcast %broadcast_in_dim3A_243 : i32 to vector<16xi32>
        %gather3A_245 = tpu.vector_load_idx %arg7[%add3A_227, %broadcast_in_dim3A_244] : memref<4096x8xf32, #tpu.memory_space<vmem>>[vector<16xi32>, vector<16xi32>], vector<16xf32>,
        %mul3A_246 = arith.mulf %mul3A_223, %gather3A_245 : vector<16xf32>
        %add3A_247 = arith.addf %add3A_202, %mul3A_246 : vector<16xf32>
        %broadcast_in_dim3A_248 = arith.constant 4 : i32
        %broadcast_in_dim3A_249 = vector.broadcast %broadcast_in_dim3A_248 : i32 to vector<16xi32>
        %gather3A_250 = tpu.vector_load_idx %arg7[%add3A_227, %broadcast_in_dim3A_249] : memref<4096x8xf32, #tpu.memory_space<vmem>>[vector<16xi32>, vector<16xi32>], vector<16xf32>,
        %mul3A_251 = arith.mulf %mul3A_223, %gather3A_250 : vector<16xf32>
        %add3A_252 = arith.addf %add3A_207, %mul3A_251 : vector<16xf32>
        %broadcast_in_dim3A_253 = arith.constant 5 : i32
        %broadcast_in_dim3A_254 = vector.broadcast %broadcast_in_dim3A_253 : i32 to vector<16xi32>
        %gather3A_255 = tpu.vector_load_idx %arg7[%add3A_227, %broadcast_in_dim3A_254] : memref<4096x8xf32, #tpu.memory_space<vmem>>[vector<16xi32>, vector<16xi32>], vector<16xf32>,
        %mul3A_256 = arith.mulf %mul3A_223, %gather3A_255 : vector<16xf32>
        %add3A_257 = arith.addf %add3A_212, %mul3A_256 : vector<16xf32>
        %broadcast_in_dim3A_258 = arith.constant 6 : i32
        %broadcast_in_dim3A_259 = vector.broadcast %broadcast_in_dim3A_258 : i32 to vector<16xi32>
        %gather3A_260 = tpu.vector_load_idx %arg7[%add3A_227, %broadcast_in_dim3A_259] : memref<4096x8xf32, #tpu.memory_space<vmem>>[vector<16xi32>, vector<16xi32>], vector<16xf32>,
        %mul3A_261 = arith.mulf %mul3A_223, %gather3A_260 : vector<16xf32>
        %add3A_262 = arith.addf %add3A_217, %mul3A_261 : vector<16xf32>
        %broadcast_in_dim3A_263 = arith.constant 7 : i32
        %broadcast_in_dim3A_264 = vector.broadcast %broadcast_in_dim3A_263 : i32 to vector<16xi32>
        %gather3A_265 = tpu.vector_load_idx %arg7[%add3A_227, %broadcast_in_dim3A_264] : memref<4096x8xf32, #tpu.memory_space<vmem>>[vector<16xi32>, vector<16xi32>], vector<16xf32>,
        %mul3A_266 = arith.mulf %mul3A_223, %gather3A_265 : vector<16xf32>
        %add3A_267 = arith.addf %add3A_222, %mul3A_266 : vector<16xf32>
        %mul3A_268 = arith.mulf %mul3A_70, %sub3A_67 : vector<16xf32>
        %add3A_269 = arith.constant 64 : i32
        %add3A_270 = arith.addi %mul3A_88, %add3A_269 : i32
        %broadcast_in_dim3A_271 = vector.broadcast %add3A_270 : i32 to vector<16xi32>
        %add3A_272 = arith.addi %broadcast_in_dim3A_271, %iota3A : vector<16xi32>
        %broadcast_in_dim3A_273 = arith.constant 0 : i32
        %broadcast_in_dim3A_274 = vector.broadcast %broadcast_in_dim3A_273 : i32 to vector<16xi32>
        %gather3A_275 = tpu.vector_load_idx %arg7[%add3A_272, %broadcast_in_dim3A_274] : memref<4096x8xf32, #tpu.memory_space<vmem>>[vector<16xi32>, vector<16xi32>], vector<16xf32>,
        %mul3A_276 = arith.mulf %mul3A_268, %gather3A_275 : vector<16xf32>
        %add3A_277 = arith.addf %add3A_232, %mul3A_276 : vector<16xf32>
        %broadcast_in_dim3A_278 = arith.constant 1 : i32
        %broadcast_in_dim3A_279 = vector.broadcast %broadcast_in_dim3A_278 : i32 to vector<16xi32>
        %gather3A_280 = tpu.vector_load_idx %arg7[%add3A_272, %broadcast_in_dim3A_279] : memref<4096x8xf32, #tpu.memory_space<vmem>>[vector<16xi32>, vector<16xi32>], vector<16xf32>,
        %mul3A_281 = arith.mulf %mul3A_268, %gather3A_280 : vector<16xf32>
        %add3A_282 = arith.addf %add3A_237, %mul3A_281 : vector<16xf32>
        %broadcast_in_dim3A_283 = arith.constant 2 : i32
        %broadcast_in_dim3A_284 = vector.broadcast %broadcast_in_dim3A_283 : i32 to vector<16xi32>
        %gather3A_285 = tpu.vector_load_idx %arg7[%add3A_272, %broadcast_in_dim3A_284] : memref<4096x8xf32, #tpu.memory_space<vmem>>[vector<16xi32>, vector<16xi32>], vector<16xf32>,
        %mul3A_286 = arith.mulf %mul3A_268, %gather3A_285 : vector<16xf32>
        %add3A_287 = arith.addf %add3A_242, %mul3A_286 : vector<16xf32>
        %broadcast_in_dim3A_288 = arith.constant 3 : i32
        %broadcast_in_dim3A_289 = vector.broadcast %broadcast_in_dim3A_288 : i32 to vector<16xi32>
        %gather3A_290 = tpu.vector_load_idx %arg7[%add3A_272, %broadcast_in_dim3A_289] : memref<4096x8xf32, #tpu.memory_space<vmem>>[vector<16xi32>, vector<16xi32>], vector<16xf32>,
        %mul3A_291 = arith.mulf %mul3A_268, %gather3A_290 : vector<16xf32>
        %add3A_292 = arith.addf %add3A_247, %mul3A_291 : vector<16xf32>
        %broadcast_in_dim3A_293 = arith.constant 4 : i32
        %broadcast_in_dim3A_294 = vector.broadcast %broadcast_in_dim3A_293 : i32 to vector<16xi32>
        %gather3A_295 = tpu.vector_load_idx %arg7[%add3A_272, %broadcast_in_dim3A_294] : memref<4096x8xf32, #tpu.memory_space<vmem>>[vector<16xi32>, vector<16xi32>], vector<16xf32>,
        %mul3A_296 = arith.mulf %mul3A_268, %gather3A_295 : vector<16xf32>
        %add3A_297 = arith.addf %add3A_252, %mul3A_296 : vector<16xf32>
        %broadcast_in_dim3A_298 = arith.constant 5 : i32
        %broadcast_in_dim3A_299 = vector.broadcast %broadcast_in_dim3A_298 : i32 to vector<16xi32>
        %gather3A_300 = tpu.vector_load_idx %arg7[%add3A_272, %broadcast_in_dim3A_299] : memref<4096x8xf32, #tpu.memory_space<vmem>>[vector<16xi32>, vector<16xi32>], vector<16xf32>,
        %mul3A_301 = arith.mulf %mul3A_268, %gather3A_300 : vector<16xf32>
        %add3A_302 = arith.addf %add3A_257, %mul3A_301 : vector<16xf32>
        %broadcast_in_dim3A_303 = arith.constant 6 : i32
        %broadcast_in_dim3A_304 = vector.broadcast %broadcast_in_dim3A_303 : i32 to vector<16xi32>
        %gather3A_305 = tpu.vector_load_idx %arg7[%add3A_272, %broadcast_in_dim3A_304] : memref<4096x8xf32, #tpu.memory_space<vmem>>[vector<16xi32>, vector<16xi32>], vector<16xf32>,
        %mul3A_306 = arith.mulf %mul3A_268, %gather3A_305 : vector<16xf32>
        %add3A_307 = arith.addf %add3A_262, %mul3A_306 : vector<16xf32>
        %broadcast_in_dim3A_308 = arith.constant 7 : i32
        %broadcast_in_dim3A_309 = vector.broadcast %broadcast_in_dim3A_308 : i32 to vector<16xi32>
        %gather3A_310 = tpu.vector_load_idx %arg7[%add3A_272, %broadcast_in_dim3A_309] : memref<4096x8xf32, #tpu.memory_space<vmem>>[vector<16xi32>, vector<16xi32>], vector<16xf32>,
        %mul3A_311 = arith.mulf %mul3A_268, %gather3A_310 : vector<16xf32>
        %add3A_312 = arith.addf %add3A_267, %mul3A_311 : vector<16xf32>
        %mul3A_313 = arith.mulf %mul3A_70, %get3A_59 : vector<16xf32>
        %add3A_314 = arith.constant 80 : i32
        %add3A_315 = arith.addi %mul3A_88, %add3A_314 : i32
        %broadcast_in_dim3A_316 = vector.broadcast %add3A_315 : i32 to vector<16xi32>
        %add3A_317 = arith.addi %broadcast_in_dim3A_316, %iota3A : vector<16xi32>
        %broadcast_in_dim3A_318 = arith.constant 0 : i32
        %broadcast_in_dim3A_319 = vector.broadcast %broadcast_in_dim3A_318 : i32 to vector<16xi32>
        %gather3A_320 = tpu.vector_load_idx %arg7[%add3A_317, %broadcast_in_dim3A_319] : memref<4096x8xf32, #tpu.memory_space<vmem>>[vector<16xi32>, vector<16xi32>], vector<16xf32>,
        %mul3A_321 = arith.mulf %mul3A_313, %gather3A_320 : vector<16xf32>
        %add3A_322 = arith.addf %add3A_277, %mul3A_321 : vector<16xf32>
        %broadcast_in_dim3A_323 = arith.constant 1 : i32
        %broadcast_in_dim3A_324 = vector.broadcast %broadcast_in_dim3A_323 : i32 to vector<16xi32>
        %gather3A_325 = tpu.vector_load_idx %arg7[%add3A_317, %broadcast_in_dim3A_324] : memref<4096x8xf32, #tpu.memory_space<vmem>>[vector<16xi32>, vector<16xi32>], vector<16xf32>,
        %mul3A_326 = arith.mulf %mul3A_313, %gather3A_325 : vector<16xf32>
        %add3A_327 = arith.addf %add3A_282, %mul3A_326 : vector<16xf32>
        %broadcast_in_dim3A_328 = arith.constant 2 : i32
        %broadcast_in_dim3A_329 = vector.broadcast %broadcast_in_dim3A_328 : i32 to vector<16xi32>
        %gather3A_330 = tpu.vector_load_idx %arg7[%add3A_317, %broadcast_in_dim3A_329] : memref<4096x8xf32, #tpu.memory_space<vmem>>[vector<16xi32>, vector<16xi32>], vector<16xf32>,
        %mul3A_331 = arith.mulf %mul3A_313, %gather3A_330 : vector<16xf32>
        %add3A_332 = arith.addf %add3A_287, %mul3A_331 : vector<16xf32>
        %broadcast_in_dim3A_333 = arith.constant 3 : i32
        %broadcast_in_dim3A_334 = vector.broadcast %broadcast_in_dim3A_333 : i32 to vector<16xi32>
        %gather3A_335 = tpu.vector_load_idx %arg7[%add3A_317, %broadcast_in_dim3A_334] : memref<4096x8xf32, #tpu.memory_space<vmem>>[vector<16xi32>, vector<16xi32>], vector<16xf32>,
        %mul3A_336 = arith.mulf %mul3A_313, %gather3A_335 : vector<16xf32>
        %add3A_337 = arith.addf %add3A_292, %mul3A_336 : vector<16xf32>
        %broadcast_in_dim3A_338 = arith.constant 4 : i32
        %broadcast_in_dim3A_339 = vector.broadcast %broadcast_in_dim3A_338 : i32 to vector<16xi32>
        %gather3A_340 = tpu.vector_load_idx %arg7[%add3A_317, %broadcast_in_dim3A_339] : memref<4096x8xf32, #tpu.memory_space<vmem>>[vector<16xi32>, vector<16xi32>], vector<16xf32>,
        %mul3A_341 = arith.mulf %mul3A_313, %gather3A_340 : vector<16xf32>
        %add3A_342 = arith.addf %add3A_297, %mul3A_341 : vector<16xf32>
        %broadcast_in_dim3A_343 = arith.constant 5 : i32
        %broadcast_in_dim3A_344 = vector.broadcast %broadcast_in_dim3A_343 : i32 to vector<16xi32>
        %gather3A_345 = tpu.vector_load_idx %arg7[%add3A_317, %broadcast_in_dim3A_344] : memref<4096x8xf32, #tpu.memory_space<vmem>>[vector<16xi32>, vector<16xi32>], vector<16xf32>,
        %mul3A_346 = arith.mulf %mul3A_313, %gather3A_345 : vector<16xf32>
        %add3A_347 = arith.addf %add3A_302, %mul3A_346 : vector<16xf32>
        %broadcast_in_dim3A_348 = arith.constant 6 : i32
        %broadcast_in_dim3A_349 = vector.broadcast %broadcast_in_dim3A_348 : i32 to vector<16xi32>
        %gather3A_350 = tpu.vector_load_idx %arg7[%add3A_317, %broadcast_in_dim3A_349] : memref<4096x8xf32, #tpu.memory_space<vmem>>[vector<16xi32>, vector<16xi32>], vector<16xf32>,
        %mul3A_351 = arith.mulf %mul3A_313, %gather3A_350 : vector<16xf32>
        %add3A_352 = arith.addf %add3A_307, %mul3A_351 : vector<16xf32>
        %broadcast_in_dim3A_353 = arith.constant 7 : i32
        %broadcast_in_dim3A_354 = vector.broadcast %broadcast_in_dim3A_353 : i32 to vector<16xi32>
        %gather3A_355 = tpu.vector_load_idx %arg7[%add3A_317, %broadcast_in_dim3A_354] : memref<4096x8xf32, #tpu.memory_space<vmem>>[vector<16xi32>, vector<16xi32>], vector<16xf32>,
        %mul3A_356 = arith.mulf %mul3A_313, %gather3A_355 : vector<16xf32>
        %add3A_357 = arith.addf %add3A_312, %mul3A_356 : vector<16xf32>
        %mul3A_358 = arith.mulf %mul3A_71, %sub3A_67 : vector<16xf32>
        %add3A_359 = arith.constant 96 : i32
        %add3A_360 = arith.addi %mul3A_88, %add3A_359 : i32
        %broadcast_in_dim3A_361 = vector.broadcast %add3A_360 : i32 to vector<16xi32>
        %add3A_362 = arith.addi %broadcast_in_dim3A_361, %iota3A : vector<16xi32>
        %broadcast_in_dim3A_363 = arith.constant 0 : i32
        %broadcast_in_dim3A_364 = vector.broadcast %broadcast_in_dim3A_363 : i32 to vector<16xi32>
        %gather3A_365 = tpu.vector_load_idx %arg7[%add3A_362, %broadcast_in_dim3A_364] : memref<4096x8xf32, #tpu.memory_space<vmem>>[vector<16xi32>, vector<16xi32>], vector<16xf32>,
        %mul3A_366 = arith.mulf %mul3A_358, %gather3A_365 : vector<16xf32>
        %add3A_367 = arith.addf %add3A_322, %mul3A_366 : vector<16xf32>
        %broadcast_in_dim3A_368 = arith.constant 1 : i32
        %broadcast_in_dim3A_369 = vector.broadcast %broadcast_in_dim3A_368 : i32 to vector<16xi32>
        %gather3A_370 = tpu.vector_load_idx %arg7[%add3A_362, %broadcast_in_dim3A_369] : memref<4096x8xf32, #tpu.memory_space<vmem>>[vector<16xi32>, vector<16xi32>], vector<16xf32>,
        %mul3A_371 = arith.mulf %mul3A_358, %gather3A_370 : vector<16xf32>
        %add3A_372 = arith.addf %add3A_327, %mul3A_371 : vector<16xf32>
        %broadcast_in_dim3A_373 = arith.constant 2 : i32
        %broadcast_in_dim3A_374 = vector.broadcast %broadcast_in_dim3A_373 : i32 to vector<16xi32>
        %gather3A_375 = tpu.vector_load_idx %arg7[%add3A_362, %broadcast_in_dim3A_374] : memref<4096x8xf32, #tpu.memory_space<vmem>>[vector<16xi32>, vector<16xi32>], vector<16xf32>,
        %mul3A_376 = arith.mulf %mul3A_358, %gather3A_375 : vector<16xf32>
        %add3A_377 = arith.addf %add3A_332, %mul3A_376 : vector<16xf32>
        %broadcast_in_dim3A_378 = arith.constant 3 : i32
        %broadcast_in_dim3A_379 = vector.broadcast %broadcast_in_dim3A_378 : i32 to vector<16xi32>
        %gather3A_380 = tpu.vector_load_idx %arg7[%add3A_362, %broadcast_in_dim3A_379] : memref<4096x8xf32, #tpu.memory_space<vmem>>[vector<16xi32>, vector<16xi32>], vector<16xf32>,
        %mul3A_381 = arith.mulf %mul3A_358, %gather3A_380 : vector<16xf32>
        %add3A_382 = arith.addf %add3A_337, %mul3A_381 : vector<16xf32>
        %broadcast_in_dim3A_383 = arith.constant 4 : i32
        %broadcast_in_dim3A_384 = vector.broadcast %broadcast_in_dim3A_383 : i32 to vector<16xi32>
        %gather3A_385 = tpu.vector_load_idx %arg7[%add3A_362, %broadcast_in_dim3A_384] : memref<4096x8xf32, #tpu.memory_space<vmem>>[vector<16xi32>, vector<16xi32>], vector<16xf32>,
        %mul3A_386 = arith.mulf %mul3A_358, %gather3A_385 : vector<16xf32>
        %add3A_387 = arith.addf %add3A_342, %mul3A_386 : vector<16xf32>
        %broadcast_in_dim3A_388 = arith.constant 5 : i32
        %broadcast_in_dim3A_389 = vector.broadcast %broadcast_in_dim3A_388 : i32 to vector<16xi32>
        %gather3A_390 = tpu.vector_load_idx %arg7[%add3A_362, %broadcast_in_dim3A_389] : memref<4096x8xf32, #tpu.memory_space<vmem>>[vector<16xi32>, vector<16xi32>], vector<16xf32>,
        %mul3A_391 = arith.mulf %mul3A_358, %gather3A_390 : vector<16xf32>
        %add3A_392 = arith.addf %add3A_347, %mul3A_391 : vector<16xf32>
        %broadcast_in_dim3A_393 = arith.constant 6 : i32
        %broadcast_in_dim3A_394 = vector.broadcast %broadcast_in_dim3A_393 : i32 to vector<16xi32>
        %gather3A_395 = tpu.vector_load_idx %arg7[%add3A_362, %broadcast_in_dim3A_394] : memref<4096x8xf32, #tpu.memory_space<vmem>>[vector<16xi32>, vector<16xi32>], vector<16xf32>,
        %mul3A_396 = arith.mulf %mul3A_358, %gather3A_395 : vector<16xf32>
        %add3A_397 = arith.addf %add3A_352, %mul3A_396 : vector<16xf32>
        %broadcast_in_dim3A_398 = arith.constant 7 : i32
        %broadcast_in_dim3A_399 = vector.broadcast %broadcast_in_dim3A_398 : i32 to vector<16xi32>
        %gather3A_400 = tpu.vector_load_idx %arg7[%add3A_362, %broadcast_in_dim3A_399] : memref<4096x8xf32, #tpu.memory_space<vmem>>[vector<16xi32>, vector<16xi32>], vector<16xf32>,
        %mul3A_401 = arith.mulf %mul3A_358, %gather3A_400 : vector<16xf32>
        %add3A_402 = arith.addf %add3A_357, %mul3A_401 : vector<16xf32>
        %mul3A_403 = arith.mulf %mul3A_71, %get3A_59 : vector<16xf32>
        %add3A_404 = arith.constant 112 : i32
        %add3A_405 = arith.addi %mul3A_88, %add3A_404 : i32
        %broadcast_in_dim3A_406 = vector.broadcast %add3A_405 : i32 to vector<16xi32>
        %add3A_407 = arith.addi %broadcast_in_dim3A_406, %iota3A : vector<16xi32>
        %broadcast_in_dim3A_408 = arith.constant 0 : i32
        %broadcast_in_dim3A_409 = vector.broadcast %broadcast_in_dim3A_408 : i32 to vector<16xi32>
        %gather3A_410 = tpu.vector_load_idx %arg7[%add3A_407, %broadcast_in_dim3A_409] : memref<4096x8xf32, #tpu.memory_space<vmem>>[vector<16xi32>, vector<16xi32>], vector<16xf32>,
        %mul3A_411 = arith.mulf %mul3A_403, %gather3A_410 : vector<16xf32>
        %add3A_412 = arith.addf %add3A_367, %mul3A_411 : vector<16xf32>
        %broadcast_in_dim3A_413 = arith.constant 1 : i32
        %broadcast_in_dim3A_414 = vector.broadcast %broadcast_in_dim3A_413 : i32 to vector<16xi32>
        %gather3A_415 = tpu.vector_load_idx %arg7[%add3A_407, %broadcast_in_dim3A_414] : memref<4096x8xf32, #tpu.memory_space<vmem>>[vector<16xi32>, vector<16xi32>], vector<16xf32>,
        %mul3A_416 = arith.mulf %mul3A_403, %gather3A_415 : vector<16xf32>
        %add3A_417 = arith.addf %add3A_372, %mul3A_416 : vector<16xf32>
        %broadcast_in_dim3A_418 = arith.constant 2 : i32
        %broadcast_in_dim3A_419 = vector.broadcast %broadcast_in_dim3A_418 : i32 to vector<16xi32>
        %gather3A_420 = tpu.vector_load_idx %arg7[%add3A_407, %broadcast_in_dim3A_419] : memref<4096x8xf32, #tpu.memory_space<vmem>>[vector<16xi32>, vector<16xi32>], vector<16xf32>,
        %mul3A_421 = arith.mulf %mul3A_403, %gather3A_420 : vector<16xf32>
        %add3A_422 = arith.addf %add3A_377, %mul3A_421 : vector<16xf32>
        %broadcast_in_dim3A_423 = arith.constant 3 : i32
        %broadcast_in_dim3A_424 = vector.broadcast %broadcast_in_dim3A_423 : i32 to vector<16xi32>
        %gather3A_425 = tpu.vector_load_idx %arg7[%add3A_407, %broadcast_in_dim3A_424] : memref<4096x8xf32, #tpu.memory_space<vmem>>[vector<16xi32>, vector<16xi32>], vector<16xf32>,
        %mul3A_426 = arith.mulf %mul3A_403, %gather3A_425 : vector<16xf32>
        %add3A_427 = arith.addf %add3A_382, %mul3A_426 : vector<16xf32>
        %broadcast_in_dim3A_428 = arith.constant 4 : i32
        %broadcast_in_dim3A_429 = vector.broadcast %broadcast_in_dim3A_428 : i32 to vector<16xi32>
        %gather3A_430 = tpu.vector_load_idx %arg7[%add3A_407, %broadcast_in_dim3A_429] : memref<4096x8xf32, #tpu.memory_space<vmem>>[vector<16xi32>, vector<16xi32>], vector<16xf32>,
        %mul3A_431 = arith.mulf %mul3A_403, %gather3A_430 : vector<16xf32>
        %add3A_432 = arith.addf %add3A_387, %mul3A_431 : vector<16xf32>
        %broadcast_in_dim3A_433 = arith.constant 5 : i32
        %broadcast_in_dim3A_434 = vector.broadcast %broadcast_in_dim3A_433 : i32 to vector<16xi32>
        %gather3A_435 = tpu.vector_load_idx %arg7[%add3A_407, %broadcast_in_dim3A_434] : memref<4096x8xf32, #tpu.memory_space<vmem>>[vector<16xi32>, vector<16xi32>], vector<16xf32>,
        %mul3A_436 = arith.mulf %mul3A_403, %gather3A_435 : vector<16xf32>
        %add3A_437 = arith.addf %add3A_392, %mul3A_436 : vector<16xf32>
        %broadcast_in_dim3A_438 = arith.constant 6 : i32
        %broadcast_in_dim3A_439 = vector.broadcast %broadcast_in_dim3A_438 : i32 to vector<16xi32>
        %gather3A_440 = tpu.vector_load_idx %arg7[%add3A_407, %broadcast_in_dim3A_439] : memref<4096x8xf32, #tpu.memory_space<vmem>>[vector<16xi32>, vector<16xi32>], vector<16xf32>,
        %mul3A_441 = arith.mulf %mul3A_403, %gather3A_440 : vector<16xf32>
        %add3A_442 = arith.addf %add3A_397, %mul3A_441 : vector<16xf32>
        %broadcast_in_dim3A_443 = arith.constant 7 : i32
        %broadcast_in_dim3A_444 = vector.broadcast %broadcast_in_dim3A_443 : i32 to vector<16xi32>
        %gather3A_445 = tpu.vector_load_idx %arg7[%add3A_407, %broadcast_in_dim3A_444] : memref<4096x8xf32, #tpu.memory_space<vmem>>[vector<16xi32>, vector<16xi32>], vector<16xf32>,
        %mul3A_446 = arith.mulf %mul3A_403, %gather3A_445 : vector<16xf32>
        %add3A_447 = arith.addf %add3A_402, %mul3A_446 : vector<16xf32>
        %div3A = arith.constant 8 : i32
        %div3A_448 = arith.divsi %while3A_46, %div3A : i32
        %mul3A_449 = arith.constant 1024 : i32
        %mul3A_450 = arith.muli %div3A_448, %mul3A_449 : i32
        %rem3A = arith.constant 8 : i32
        %rem3A_451 = arith.remsi %while3A_46, %rem3A : i32
        %mul3A_452 = arith.constant 16 : i32
        %mul3A_453 = arith.muli %rem3A_451, %mul3A_452 : i32
        %add3A_454 = arith.addi %mul3A_450, %mul3A_453 : i32
        %add3A_455 = arith.constant 0 : i32
        %add3A_456 = arith.addi %add3A_454, %add3A_455 : i32
        %swap3A = arith.index_cast %add3A_456 : i32 to index
        %swap3A_457 = tpu.vector_load %arg8[%swap3A] {strides = array<i32>} : memref<4096xf32, #tpu.memory_space<vmem>>, vector<16xf32>,
        tpu.vector_store %arg8[%swap3A], %add3A_412 {strides = array<i32>} : memref<4096xf32, #tpu.memory_space<vmem>>, vector<16xf32>,
        %add3A_458 = arith.constant 128 : i32
        %add3A_459 = arith.addi %add3A_454, %add3A_458 : i32
        %swap3A_460 = arith.index_cast %add3A_459 : i32 to index
        %swap3A_461 = tpu.vector_load %arg8[%swap3A_460] {strides = array<i32>} : memref<4096xf32, #tpu.memory_space<vmem>>, vector<16xf32>,
        tpu.vector_store %arg8[%swap3A_460], %add3A_417 {strides = array<i32>} : memref<4096xf32, #tpu.memory_space<vmem>>, vector<16xf32>,
        %add3A_462 = arith.constant 256 : i32
        %add3A_463 = arith.addi %add3A_454, %add3A_462 : i32
        %swap3A_464 = arith.index_cast %add3A_463 : i32 to index
        %swap3A_465 = tpu.vector_load %arg8[%swap3A_464] {strides = array<i32>} : memref<4096xf32, #tpu.memory_space<vmem>>, vector<16xf32>,
        tpu.vector_store %arg8[%swap3A_464], %add3A_422 {strides = array<i32>} : memref<4096xf32, #tpu.memory_space<vmem>>, vector<16xf32>,
        %add3A_466 = arith.constant 384 : i32
        %add3A_467 = arith.addi %add3A_454, %add3A_466 : i32
        %swap3A_468 = arith.index_cast %add3A_467 : i32 to index
        %swap3A_469 = tpu.vector_load %arg8[%swap3A_468] {strides = array<i32>} : memref<4096xf32, #tpu.memory_space<vmem>>, vector<16xf32>,
        tpu.vector_store %arg8[%swap3A_468], %add3A_427 {strides = array<i32>} : memref<4096xf32, #tpu.memory_space<vmem>>, vector<16xf32>,
        %add3A_470 = arith.constant 512 : i32
        %add3A_471 = arith.addi %add3A_454, %add3A_470 : i32
        %swap3A_472 = arith.index_cast %add3A_471 : i32 to index
        %swap3A_473 = tpu.vector_load %arg8[%swap3A_472] {strides = array<i32>} : memref<4096xf32, #tpu.memory_space<vmem>>, vector<16xf32>,
        tpu.vector_store %arg8[%swap3A_472], %add3A_432 {strides = array<i32>} : memref<4096xf32, #tpu.memory_space<vmem>>, vector<16xf32>,
        %add3A_474 = arith.constant 640 : i32
        %add3A_475 = arith.addi %add3A_454, %add3A_474 : i32
        %swap3A_476 = arith.index_cast %add3A_475 : i32 to index
        %swap3A_477 = tpu.vector_load %arg8[%swap3A_476] {strides = array<i32>} : memref<4096xf32, #tpu.memory_space<vmem>>, vector<16xf32>,
        tpu.vector_store %arg8[%swap3A_476], %add3A_437 {strides = array<i32>} : memref<4096xf32, #tpu.memory_space<vmem>>, vector<16xf32>,
        %add3A_478 = arith.constant 768 : i32
        %add3A_479 = arith.addi %add3A_454, %add3A_478 : i32
        %swap3A_480 = arith.index_cast %add3A_479 : i32 to index
        %swap3A_481 = tpu.vector_load %arg8[%swap3A_480] {strides = array<i32>} : memref<4096xf32, #tpu.memory_space<vmem>>, vector<16xf32>,
        tpu.vector_store %arg8[%swap3A_480], %add3A_442 {strides = array<i32>} : memref<4096xf32, #tpu.memory_space<vmem>>, vector<16xf32>,
        %add3A_482 = arith.constant 896 : i32
        %add3A_483 = arith.addi %add3A_454, %add3A_482 : i32
        %swap3A_484 = arith.index_cast %add3A_483 : i32 to index
        %swap3A_485 = tpu.vector_load %arg8[%swap3A_484] {strides = array<i32>} : memref<4096xf32, #tpu.memory_space<vmem>>, vector<16xf32>,
        tpu.vector_store %arg8[%swap3A_484], %add3A_447 {strides = array<i32>} : memref<4096xf32, #tpu.memory_space<vmem>>, vector<16xf32>,
      }
      %mul3A_44 = arith.constant 8 : i32
      %mul3A_45 = arith.muli %add3A_16, %mul3A_44 : i32
      "tpu.region"() ({
        %run_scoped3A = tpu.sem_alloc : memref<!tpu.dma_semaphore, #tpu.memory_space<semaphore_mem>>
        %dma_start3A = tpu.memref_slice %arg4[%mul3A_45] : memref<8388608xf32, #tpu.memory_space<hbm>> -> memref<4096xf32, #tpu.memory_space<hbm>>
        %dma_start3A_46 = tpu.memref_slice %arg4[%mul3A_45] : memref<8388608xf32, #tpu.memory_space<hbm>> -> memref<4096xf32, #tpu.memory_space<hbm>>
        tpu.enqueue_dma source(%arg8 : memref<4096xf32, #tpu.memory_space<vmem>>) target(%dma_start3A_46 : memref<4096xf32, #tpu.memory_space<hbm>>) target_semaphore(%run_scoped3A : memref<!tpu.dma_semaphore, #tpu.memory_space<semaphore_mem>>)
        %dma_wait3A_47 = tpu.memref_slice %arg4[%mul3A_45] : memref<8388608xf32, #tpu.memory_space<hbm>> -> memref<4096xf32, #tpu.memory_space<hbm>>
        %dma_wait3A_48 = tpu.memref_slice %arg4[%mul3A_45] : memref<8388608xf32, #tpu.memory_space<hbm>> -> memref<4096xf32, #tpu.memory_space<hbm>>
        tpu.wait_dma2 semaphore(%run_scoped3A : memref<!tpu.dma_semaphore, #tpu.memory_space<semaphore_mem>>) src(%arg8 : memref<4096xf32, #tpu.memory_space<vmem>>) dst(%dma_wait3A_48 : memref<4096xf32, #tpu.memory_space<hbm>>)
        tpu.yield
      }) : () -> ()
    }
    return
  }
}

</mosaic_0001>

<sc_bundles>
// kernel: kernel.4.cloned.1.call-start
scs
__scs_entry_jumppad:
0x0: {  	(pc) =	sbr.rel $0x88, $3  }
0x1: {  	(tag) =	ssettag $0x0;
	lr =	simm.s32 $0x1  }
0x2: {  	[smem:$0x3F9F] =	sst lr;
	_ =	strace $0xD0000000  }
0x3: {  	_ = 	snop  }
0x4: {  	_ = 	snop  }
0x5: {  	_ = 	snop  }
0x6: {  	_ = 	snop  }
0x7: {  	_ = 	snop  }
__scs_overlays_trampoline_lowered:
0x8: {  	[smem:$0x3FAE] =	sst s0  }
0x9: {  	[smem:$0x3FAF] =	sst s1  }
0xa: {  	[smem:$0x3FB0] =	sst s2  }
0xb: {  	[smem:$0x3FB1] =	sst s3  }
0xc: {  	[smem:$0x3FB2] =	sst s4  }
0xd: {  	[smem:$0x3FB3] =	sst s5  }
0xe: {  	[smem:$0x3FB4] =	sst s6  }
0xf: {  	[smem:$0x3FB5] =	sst s7  }
0x10: {  	[smem:$0x3FB6] =	sst s8  }
0x11: {  	[smem:$0x3FB7] =	sst s9;
	s0 =	simm.s32 @!p0 $0x0  }
0x12: {  	s1 =	sld [smem:$0x3F9D];
	s0 =	simm.s32 @p0 $0x1  }
0x13: {  	[smem:$0x3FB8] =	sst s0;
	s0 =	simm.s32 @!p1 $0x0  }
0x14: {  	s2 =	sld [smem:$0x3F9C];
	s0 =	simm.s32 @p1 $0x1  }
0x15: {  	[smem:$0x3FB9] =	sst s0;
	s0 =	simm.s32 @!p2 $0x0  }
0x16: {  	s3 =	sld [smem:$0x3FDB];
	s0 =	simm.s32 @p2 $0x1  }
0x17: {  	s4 =	simm.s32 $0x1BF5;
	[smem:$0x3FBB] =	sst s0  }
0x18: {  	s0 =	sld [smem:$0x3F9E];
	_ =	swait.ge [sflag:s4], $0x0  }
0x19: {  	s7 =	sld [smem:$0x3F9F]  }
0x1a: {  	s8 =	sadd.s32 $0xFFFFE003, lr  }
0x1b: {  	s9 =	sadd.s32 $0xFFFFFEF7, lr;
	s5 =	simm.s32 $0xFFFFFFFF;
	p2 =	slt.u32 s8, $0xFFFFF086  }
0x1c: {  	p1 =	slt.u32 s9, $0xF7A;
	s5 =	simm.s32 @!p2 $0x0  }
0x1d: {  	s5 =	simm.s32 @p1 $0x1;
	p0 =	seq.s32 s7, s2  }
0x1e: {  	s7 =	smul.u32 @!p0 $0xF7A, s2;
	p2 =	seq.s32 @!p0 s5, $0x0  }
0x1f: {  	s9 =	smul.u32 $0xF7A, s1;
	s8 =	simm.s32 @!p0 $0x1BF5;
	p2 =	por !p2, p0  }
0x20: {  	[sflag:s8] =	ssyncset.s32 @!p0 $0xFFFFF086;
	s6 =	sadd.s32 @!p0 s3, s7;
	s7 =	simm.s32 @!p0 $0x108  }
0x21: {  	s3 =	sadd.s32 s3, s9;
	s6 =	sadd.s32 @!p0 $0x88, s6;
	s7 =	simm.s32 @p2 $0x1082  }
0x22: {  	[simem:s7], [sflag:s8] =	dma.local @!p0 [hbm:s6], $0xF7A  }
0x23: {  	s9 =	sor.u32 $0xD0000000, s2;
	s6 =	simm.s32 $0x108;
	_ =	swait.ge @!p0 [sflag:s8], $0x0  }
0x24: {  	s3 =	sadd.s32 $0x88, s3;
	s6 =	simm.s32 @!p1 $0x1082;
	[sflag:s4] =	ssyncset.s32 $0xFFFFF086  }
0x25: {  	[simem:s6], [sflag:s4] =	dma.local [hbm:s3], $0xF7A  }
0x26: {  	[smem:$0x3F9F] =	sst s1;
	(tag) =	ssettag s2;
	_ =	strace s9  }
0x27: {  	s1 =	sld [smem:$0x3FAF]  }
0x28: {  	s2 =	sld [smem:$0x3FB0]  }
0x29: {  	s4 =	sld [smem:$0x3FB2]  }
0x2a: {  	p0 =	seq.s32 s5, $0x0;
	s5 =	sld [smem:$0x3FB3]  }
0x2b: {  	s6 =	sld [smem:$0x3FB4]  }
0x2c: {  	s7 =	sld [smem:$0x3FB5]  }
0x2d: {  	s3 =	simm.s32 $0x108;
	s8 =	sld [smem:$0x3FB6]  }
0x2e: {  	s3 =	simm.s32 @!p0 $0x1082;
	s9 =	sld [smem:$0x3FB7]  }
0x2f: {  	lr =	sadd.s32 s0, s3;
	s0 =	sld [smem:$0x3FAE]  }
0x30: {  	s3 =	sld [smem:$0x3FB1]  }
0x31: {  	[smem:$0x3FBA] =	sst s10  }
0x32: {  	s10 =	sld [smem:$0x3FB8];
	_ =	sdelay $0x3  }
0x33: {  	p0 =	seq.s32 s10, $0x1;
	s10 =	sld [smem:$0x3FBA];
	_ =	sdelay $0x3  }
0x34: {  	[smem:$0x3FBA] =	sst s10  }
0x35: {  	s10 =	sld [smem:$0x3FB9];
	_ =	sdelay $0x3  }
0x36: {  	p1 =	seq.s32 s10, $0x1;
	s10 =	sld [smem:$0x3FBA];
	_ =	sdelay $0x3  }
0x37: {  	[smem:$0x3FBA] =	sst s10  }
0x38: {  	s10 =	sld [smem:$0x3FBB]  }
0x39: {  	_ = 	snop;
	(pc) =	sbr.ind lr, $3  }
0x3a: {  	_ = 	snop  }
0x3b: {  	_ = 	snop  }
0x3c: {  	p2 =	seq.s32 s10, $0x1;
	s10 =	sld [smem:$0x3FBA]  }
0x3d: {  	_ =	shalt  }
0x3e: {  	_ =	shalt  }
0x3f: {  	_ =	shalt  }
0x40: {  	_ =	shalt  }
0x41: {  	_ =	shalt  }
0x42: {  	_ =	shalt  }
0x43: {  	_ =	shalt  }
0x44: {  	_ =	shalt  }
0x45: {  	_ =	shalt  }
0x46: {  	_ =	shalt  }
0x47: {  	_ =	shalt  }
0x48: {  	_ =	shalt  }
0x49: {  	_ =	shalt  }
0x4a: {  	_ =	shalt  }
0x4b: {  	_ =	shalt  }
0x4c: {  	_ =	shalt  }
0x4d: {  	_ =	shalt  }
0x4e: {  	_ =	shalt  }
0x4f: {  	_ =	shalt  }
0x50: {  	_ =	shalt  }
0x51: {  	_ =	shalt  }
0x52: {  	_ =	shalt  }
0x53: {  	_ =	shalt  }
0x54: {  	_ =	shalt  }
0x55: {  	_ =	shalt  }
0x56: {  	_ =	shalt  }
0x57: {  	_ =	shalt  }
0x58: {  	_ =	shalt  }
0x59: {  	_ =	shalt  }
0x5a: {  	_ =	shalt  }
0x5b: {  	_ =	shalt  }
0x5c: {  	_ =	shalt  }
0x5d: {  	_ =	shalt  }
0x5e: {  	_ =	shalt  }
0x5f: {  	_ =	shalt  }
0x60: {  	_ =	shalt  }
0x61: {  	_ =	shalt  }
0x62: {  	_ =	shalt  }
0x63: {  	_ =	shalt  }
0x64: {  	_ =	shalt  }
0x65: {  	_ =	shalt  }
0x66: {  	_ =	shalt  }
0x67: {  	_ =	shalt  }
0x68: {  	_ =	shalt  }
0x69: {  	_ =	shalt  }
0x6a: {  	_ =	shalt  }
0x6b: {  	_ =	shalt  }
0x6c: {  	_ =	shalt  }
0x6d: {  	_ =	shalt  }
0x6e: {  	_ =	shalt  }
0x6f: {  	_ =	shalt  }
0x70: {  	_ =	shalt  }
0x71: {  	_ =	shalt  }
0x72: {  	_ =	shalt  }
0x73: {  	_ =	shalt  }
0x74: {  	_ =	shalt  }
0x75: {  	_ =	shalt  }
0x76: {  	_ =	shalt  }
0x77: {  	_ =	shalt  }
0x78: {  	_ =	shalt  }
0x79: {  	_ =	shalt  }
0x7a: {  	_ =	shalt  }
0x7b: {  	_ =	shalt  }
0x7c: {  	_ =	shalt  }
0x7d: {  	_ =	shalt  }
0x7e: {  	_ =	shalt  }
0x7f: {  	_ =	shalt  }
0x80: {  	_ =	shalt  }
0x81: {  	_ =	shalt  }
0x82: {  	_ =	shalt  }
0x83: {  	_ =	shalt  }
0x84: {  	_ =	shalt  }
0x85: {  	_ =	shalt  }
0x86: {  	_ =	shalt  }
0x87: {  	_ =	shalt  }
.Lfunc_end0:
.L_simem_size_0:
called_computation_lowered:
.L_overlay_start_0:
0x88: {  	s2 =	sld [smem:$0x3FD9]  }
0x89: {  	s3 =	sld [smem:$0x3FFE];
	_ =	sdelay $0x1  }
0x8a: {  	s1 =	srdreg.scid  }
0x8b: {  	s0 =	sand.u32 $0x1, s1  }
0x8c: {  	s17 =	sshll.u32 s0, $0xA;
	s2 =	sadd.s32 s3, s2  }
0x8d: {  	s2 =	sadd.s32 s2, s17  }
0x8e: {  	[smem:$0x3FC6] =	sst s2  }
0x8f: {  	_ = 	snop  }
0x90: {  	s2 =	sld [smem:$0x3FC8];
	(tm) =	ssettm $0x1  }
0x91: {  	s18 =	sld [smem:$0x3FFB];
	_ =	sdelay $0x3  }
0x92: {  	_ =	strace s18  }
0x93: {  	s3 =	sld [smem:$0x3FFC];
	_ =	sdelay $0x3  }
0x94: {  	_ =	strace s3  }
0x95: {  	s3 =	sld [smem:$0x3FFD];
	_ =	sdelay $0x3  }
0x96: {  	_ =	strace s3  }
0x97: {  	_ =	strace $0x8FFFFFFF  }
0x98: {  	s19 =	sld [smem:$0x3FDB];
	_ =	sdelay $0x1  }
0x99: {  	s4 =	simm.s32 $_scs_section_size  }
0x9a: {  	s5 =	simm.s32 $_size__tile_overlayer_lowered;
	s6 =	simm.s32 $_tile_overlayer_lowered  }
0x9b: {  	s22 =	simm.s32 $0x1BFF;
	s21 =	sshll.u32 s6, $0x1;
	s3 =	sadd.s32 s4, s19  }
0x9c: {  	s7 =	simm.s32 $0x0;
	s20 =	sshll.u32 s5, $0x1;
	s5 =	sadd.s32 s21, s3  }
0x9d: {  	[timem:s7], [sflag:s22] =	dma.local [hbm:s5], s20  }
0x9e: {  	_ =	swait.ge [sflag:s22], s20  }
0x9f: {  	s4 =	ssub.s32 $0x0, s20;
	[sflag:s22] =	ssyncset.done $0x0  }
0xa0: {  	[sflag:s22] =	ssyncadd.s32 s4;
	_ =	sdelay $0x1  }
0xa1: {  	s23 =	simm.s32 $0x1B8B  }
0xa2: {  	_ =	swait.ge [sflag:s23], $0x1  }
0xa3: {  	[sflag:s23] =	ssyncset.done $0x0  }
0xa4: {  	s25 =	simm.s32 $0x1B8E;
	s24 =	sld [smem:$0x3FFE];
	[sflag:s23] =	ssyncadd.s32 $0xFFFFFFFF  }
0xa5: {  	s26 =	simm.s32 $execute0_lowered;
	[smem:$0x3FD2] =	sst s25  }
0xa6: {  	s5 =	sshll.u32 s26, $0x1;
	_ =	strace $0x80000046;
	[dreg:$0x1] =	wrdreg $0xFFFFFFFF  }
0xa7: {  	s28 =	simm.s32 $_size_execute0_lowered;
	s3 =	sadd.s32 s3, s5;
	[dreg:$0x0] =	wrdreg $0x0  }
0xa8: {  	s5 =	sshll.u32 s28, $0x1;
	[dreg:$0x2] =	wrdreg s3  }
0xa9: {  	[dreg:$0x3] =	wrdreg s5  }
0xaa: {  	[dreg:$0x4] =	wrdreg $0xC0  }
0xab: {  	_ =	task [dreg:s7], $0x5FFFF  }
0xac: {  	[dreg:$0x1] =	wrdreg $0xFFFFFFFF  }
0xad: {  	[dreg:$0x0] =	wrdreg $0x60  }
0xae: {  	[dreg:$0x2] =	wrdreg s2  }
0xaf: {  	[dreg:$0x3] =	wrdreg s24  }
0xb0: {  	[dreg:$0x4] =	wrdreg $0x9  }
0xb1: {  	_ =	task.clear_ibuf [dreg:s7], $0x5FFFF;
	_ =	strace $0x90000046  }
0xb2: {  	s29 =	simm.s32 $0x9;
	_ =	strace $0x80000048  }
0xb3: {  	_ =	swait.ge [sflag:s29], $0x1  }
0xb4: {  	[sflag:s29] =	ssyncadd.s32 $0xFFFFFFFF  }
0xb5: {  	_ =	strace $0x90000048  }
0xb6: {  	_ =	sfence  }
0xb7: {  	s30 =	sld [smem:$0x0];
	_ =	sdelay $0x2  }
0xb8: {  	s31 =	sshll.u32 s1, $0xD;
	s1 =	sshrl.u32 s1, $0x2  }
0xb9: {  	s3 =	sand.u32 $0x4000, s31;
	s1 =	sadd.s32 s1, s30  }
0xba: {  	s0 =	sor.u32 s3, s0;
	s1 =	sshll.u32 s1, $0x11  }
0xbb: {  	s0 =	sor.u32 s1, s0  }
0xbc: {  	s0 =	sadd.s32 $0x8F2B, s0  }
0xbd: {  	[sflag:s0] =	ssyncadd.remote.s32 $0x1  }
0xbe: {  	_ =	sfence.sel $0xFFFF  }
0xbf: {  	[dreg:$0x0] =	wrdreg $0xFFFFFFFF;
	(pc) =	sbr.abs _section_cstart, $3  }
0xc0: {  	[dreg:$0x1] =	wrdreg $0xFFFFFFFF  }
0xc1: {  	_ =	task.clear_ibuf [dreg:s7], $0x2FFFF;
	_ =	strace $0x9FFFFFFF  }
0xc2: {  	(tm) =	ssettm $0x7FFFFFFF  }
0xc3: {  	_ =	shalt  }
tec
execute0_lowered:
.L_overlay_start_1:
0x0: {  	(tag) =	ssettag $0x1  }
0x1: {  	s1 =	rddreg [dreg:$0x0]  }
0x2: {  	s4 =	rddreg [dreg:$0x1]  }
0x3: {  	s3 =	srdreg.scid;
	s0 =	rddreg [dreg:$0x2];
	s2 =	simm.s32 $0x0;
	v0 =	vlaneseq.u32  }
0x4: {  	s8 =	simm.s32 $0x4000;
	s9 =	simm.s32 $0x0;
	s5 =	sand.u32 $0x1, s3;
	v0 =	vmul.u32 $0x8, v0  }
0x5: {  	[smem:$0x7FF] =	sst s2;
	s3 =	stileid.u32;
	s6 =	ssub.s32 $0x2, s5  }
0x6: {  	s4 =	sadd.s32 $0xA00, s4;
	_ =	strace $0x80000047;
	s7 =	sshrl.u32 s6, $0x1;
	v1 =	vor.u32 $0x1, v0  }
0x7: {  	s31 =	sshll.u32 s3, $0x11;
	s5 =	sshll.u32 s5, $0x10;
	v2 =	vor.u32 $0x2, v0;
	v3 =	vor.u32 $0x3, v0;
	v4 =	vor.u32 $0x4, v0;
	s6 =	ssub.s32 s6, s7  }
0x8: {  	s5 =	sor.u32 s5, s31;
	v5 =	vor.u32 $0x5, v0;
	v6 =	vor.u32 $0x6, v0;
	v7 =	vor.u32 $0x7, v0;
	s7 =	simm.s32 $0x1;
	s6 =	smax.u32 s6, $0x1  }
.LBB2_1:
0x9: {  	s10 =	simm.s32 $0x0  }
.LBB2_2:
0xa: {  	s11 =	sshll.u32 s10, $0xB  }
0xb: {  	s11 =	sadd.s32 s5, s11  }
0xc: {  	s12 =	sadd.s32 s1, s11  }
0xd: {  	[tilespmem:s2], [sflag:$0x1] =	stream.linear.gather [hbm4b:s12+s2], $0x4000, $0x38;
	[tilespmem:$0x8000] =	vst v63  }
0xe: {  	_ =	swait.ge [sflag:s7], $0x4000  }
0xf: {  	s13 =	simm.s32 $0x200;
	s14 =	simm.s32 $0x0;
	[sflag:s7] =	ssyncset.done $0x0  }
0x10: {  	s15 =	simm.s32 $0x787;
	s12 =	simm.s32 $0x387;
	[sflag:s7] =	ssyncadd.s32 $0xFFFFC000  }
.LBB2_3:
0x11: {  	p0 =	sne.s32 s15, $0x3F87;
	v8 =	vld [tilespmem:s13+$0xFFFFFE00];
	v9 =	vor.u32 s14, v0;
	_ =	sdelay $0x4  }
0x12: {  	s16 =	sadd.s32 $0xFFFFFCF9, s12;
	[tilespmem:v9+s8+$0x0] =	vst.idx.msk $0xffff, v8  }
0x13: {  	v9 =	vor.u32 s16, v0;
	v8 =	vld [tilespmem:s13+$0xFFFFFE10];
	_ =	sdelay $0x4  }
0x14: {  	s16 =	sadd.s32 $0xFFFFFD79, s12;
	[tilespmem:v9+s8+$0x0] =	vst.idx.msk $0xffff, v8  }
0x15: {  	v9 =	vor.u32 s16, v0;
	v8 =	vld [tilespmem:s13+$0xFFFFFE20];
	_ =	sdelay $0x4  }
0x16: {  	s16 =	sadd.s32 $0xFFFFFDF9, s12;
	[tilespmem:v9+s8+$0x0] =	vst.idx.msk $0xffff, v8  }
0x17: {  	v9 =	vor.u32 s16, v0;
	v8 =	vld [tilespmem:s13+$0xFFFFFE30];
	_ =	sdelay $0x4  }
0x18: {  	s16 =	sadd.s32 $0xFFFFFE79, s12;
	[tilespmem:v9+s8+$0x0] =	vst.idx.msk $0xffff, v8  }
0x19: {  	v9 =	vor.u32 s16, v0;
	v8 =	vld [tilespmem:s13+$0xFFFFFE40];
	_ =	sdelay $0x4  }
0x1a: {  	s16 =	sadd.s32 $0xFFFFFEF9, s12;
	[tilespmem:v9+s8+$0x0] =	vst.idx.msk $0xffff, v8  }
0x1b: {  	v9 =	vor.u32 s16, v0;
	v8 =	vld [tilespmem:s13+$0xFFFFFE50];
	_ =	sdelay $0x4  }
0x1c: {  	s16 =	sadd.s32 $0xFFFFFF79, s12;
	[tilespmem:v9+s8+$0x0] =	vst.idx.msk $0xffff, v8  }
0x1d: {  	v9 =	vor.u32 s16, v0;
	v8 =	vld [tilespmem:s13+$0xFFFFFE60];
	_ =	sdelay $0x4  }
0x1e: {  	s16 =	sadd.s32 $0xFFFFFFF9, s12;
	[tilespmem:v9+s8+$0x0] =	vst.idx.msk $0xffff, v8  }
0x1f: {  	v9 =	vor.u32 s16, v0;
	v8 =	vld [tilespmem:s13+$0xFFFFFE70];
	_ =	sdelay $0x4  }
0x20: {  	[tilespmem:v9+s8+$0x0] =	vst.idx.msk $0xffff, v8  }
0x21: {  	v9 =	vor.u32 s14, v1;
	v8 =	vld [tilespmem:s13+$0xFFFFFE80];
	_ =	sdelay $0x4  }
0x22: {  	s16 =	sadd.s32 $0xFFFFFCFA, s12;
	[tilespmem:v9+s8+$0x0] =	vst.idx.msk $0xffff, v8  }
0x23: {  	v9 =	vor.u32 s16, v1;
	v8 =	vld [tilespmem:s13+$0xFFFFFE90];
	_ =	sdelay $0x4  }
0x24: {  	s16 =	sadd.s32 $0xFFFFFD7A, s12;
	[tilespmem:v9+s8+$0x0] =	vst.idx.msk $0xffff, v8  }
0x25: {  	v9 =	vor.u32 s16, v1;
	v8 =	vld [tilespmem:s13+$0xFFFFFEA0];
	_ =	sdelay $0x4  }
0x26: {  	s16 =	sadd.s32 $0xFFFFFDFA, s12;
	[tilespmem:v9+s8+$0x0] =	vst.idx.msk $0xffff, v8  }
0x27: {  	v9 =	vor.u32 s16, v1;
	v8 =	vld [tilespmem:s13+$0xFFFFFEB0];
	_ =	sdelay $0x4  }
0x28: {  	s16 =	sadd.s32 $0xFFFFFE7A, s12;
	[tilespmem:v9+s8+$0x0] =	vst.idx.msk $0xffff, v8  }
0x29: {  	v9 =	vor.u32 s16, v1;
	v8 =	vld [tilespmem:s13+$0xFFFFFEC0];
	_ =	sdelay $0x4  }
0x2a: {  	s16 =	sadd.s32 $0xFFFFFEFA, s12;
	[tilespmem:v9+s8+$0x0] =	vst.idx.msk $0xffff, v8  }
0x2b: {  	v9 =	vor.u32 s16, v1;
	v8 =	vld [tilespmem:s13+$0xFFFFFED0];
	_ =	sdelay $0x4  }
0x2c: {  	s16 =	sadd.s32 $0xFFFFFF7A, s12;
	[tilespmem:v9+s8+$0x0] =	vst.idx.msk $0xffff, v8  }
0x2d: {  	v9 =	vor.u32 s16, v1;
	v8 =	vld [tilespmem:s13+$0xFFFFFEE0];
	_ =	sdelay $0x4  }
0x2e: {  	s16 =	sadd.s32 $0xFFFFFFFA, s12;
	[tilespmem:v9+s8+$0x0] =	vst.idx.msk $0xffff, v8  }
0x2f: {  	v9 =	vor.u32 s16, v1;
	v8 =	vld [tilespmem:s13+$0xFFFFFEF0];
	_ =	sdelay $0x4  }
0x30: {  	[tilespmem:v9+s8+$0x0] =	vst.idx.msk $0xffff, v8  }
0x31: {  	v9 =	vor.u32 s14, v2;
	v8 =	vld [tilespmem:s13+$0xFFFFFF00];
	_ =	sdelay $0x4  }
0x32: {  	s16 =	sadd.s32 $0xFFFFFCFB, s12;
	[tilespmem:v9+s8+$0x0] =	vst.idx.msk $0xffff, v8  }
0x33: {  	v9 =	vor.u32 s16, v2;
	v8 =	vld [tilespmem:s13+$0xFFFFFF10];
	_ =	sdelay $0x4  }
0x34: {  	s16 =	sadd.s32 $0xFFFFFD7B, s12;
	[tilespmem:v9+s8+$0x0] =	vst.idx.msk $0xffff, v8  }
0x35: {  	v9 =	vor.u32 s16, v2;
	v8 =	vld [tilespmem:s13+$0xFFFFFF20];
	_ =	sdelay $0x4  }
0x36: {  	s16 =	sadd.s32 $0xFFFFFDFB, s12;
	[tilespmem:v9+s8+$0x0] =	vst.idx.msk $0xffff, v8  }
0x37: {  	v9 =	vor.u32 s16, v2;
	v8 =	vld [tilespmem:s13+$0xFFFFFF30];
	_ =	sdelay $0x4  }
0x38: {  	s16 =	sadd.s32 $0xFFFFFE7B, s12;
	[tilespmem:v9+s8+$0x0] =	vst.idx.msk $0xffff, v8  }
0x39: {  	v9 =	vor.u32 s16, v2;
	v8 =	vld [tilespmem:s13+$0xFFFFFF40];
	_ =	sdelay $0x4  }
0x3a: {  	s16 =	sadd.s32 $0xFFFFFEFB, s12;
	[tilespmem:v9+s8+$0x0] =	vst.idx.msk $0xffff, v8  }
0x3b: {  	v9 =	vor.u32 s16, v2;
	v8 =	vld [tilespmem:s13+$0xFFFFFF50];
	_ =	sdelay $0x4  }
0x3c: {  	s16 =	sadd.s32 $0xFFFFFF7B, s12;
	[tilespmem:v9+s8+$0x0] =	vst.idx.msk $0xffff, v8  }
0x3d: {  	v9 =	vor.u32 s16, v2;
	v8 =	vld [tilespmem:s13+$0xFFFFFF60];
	_ =	sdelay $0x4  }
0x3e: {  	s16 =	sadd.s32 $0xFFFFFFFB, s12;
	[tilespmem:v9+s8+$0x0] =	vst.idx.msk $0xffff, v8  }
0x3f: {  	v9 =	vor.u32 s16, v2;
	v8 =	vld [tilespmem:s13+$0xFFFFFF70];
	_ =	sdelay $0x4  }
0x40: {  	[tilespmem:v9+s8+$0x0] =	vst.idx.msk $0xffff, v8  }
0x41: {  	v9 =	vor.u32 s14, v3;
	v8 =	vld [tilespmem:s13+$0xFFFFFF80];
	_ =	sdelay $0x4  }
0x42: {  	s16 =	sadd.s32 $0xFFFFFCFC, s12;
	[tilespmem:v9+s8+$0x0] =	vst.idx.msk $0xffff, v8  }
0x43: {  	v9 =	vor.u32 s16, v3;
	v8 =	vld [tilespmem:s13+$0xFFFFFF90];
	_ =	sdelay $0x4  }
0x44: {  	s16 =	sadd.s32 $0xFFFFFD7C, s12;
	[tilespmem:v9+s8+$0x0] =	vst.idx.msk $0xffff, v8  }
0x45: {  	v9 =	vor.u32 s16, v3;
	v8 =	vld [tilespmem:s13+$0xFFFFFFA0];
	_ =	sdelay $0x4  }
0x46: {  	s16 =	sadd.s32 $0xFFFFFDFC, s12;
	[tilespmem:v9+s8+$0x0] =	vst.idx.msk $0xffff, v8  }
0x47: {  	v9 =	vor.u32 s16, v3;
	v8 =	vld [tilespmem:s13+$0xFFFFFFB0];
	_ =	sdelay $0x4  }
0x48: {  	s16 =	sadd.s32 $0xFFFFFE7C, s12;
	[tilespmem:v9+s8+$0x0] =	vst.idx.msk $0xffff, v8  }
0x49: {  	v9 =	vor.u32 s16, v3;
	v8 =	vld [tilespmem:s13+$0xFFFFFFC0];
	_ =	sdelay $0x4  }
0x4a: {  	s16 =	sadd.s32 $0xFFFFFEFC, s12;
	[tilespmem:v9+s8+$0x0] =	vst.idx.msk $0xffff, v8  }
0x4b: {  	v9 =	vor.u32 s16, v3;
	v8 =	vld [tilespmem:s13+$0xFFFFFFD0];
	_ =	sdelay $0x4  }
0x4c: {  	s16 =	sadd.s32 $0xFFFFFF7C, s12;
	[tilespmem:v9+s8+$0x0] =	vst.idx.msk $0xffff, v8  }
0x4d: {  	v9 =	vor.u32 s16, v3;
	v8 =	vld [tilespmem:s13+$0xFFFFFFE0];
	_ =	sdelay $0x4  }
0x4e: {  	s16 =	sadd.s32 $0xFFFFFFFC, s12;
	[tilespmem:v9+s8+$0x0] =	vst.idx.msk $0xffff, v8  }
0x4f: {  	v9 =	vor.u32 s16, v3;
	v8 =	vld [tilespmem:s13+$0xFFFFFFF0];
	_ =	sdelay $0x4  }
0x50: {  	[tilespmem:v9+s8+$0x0] =	vst.idx.msk $0xffff, v8  }
0x51: {  	v9 =	vor.u32 s14, v4;
	v8 =	vld [tilespmem:s13+$0x0];
	_ =	sdelay $0x4  }
0x52: {  	s16 =	sadd.s32 $0xFFFFFCFD, s12;
	[tilespmem:v9+s8+$0x0] =	vst.idx.msk $0xffff, v8  }
0x53: {  	v9 =	vor.u32 s16, v4;
	v8 =	vld [tilespmem:s13+$0x10];
	_ =	sdelay $0x4  }
0x54: {  	s16 =	sadd.s32 $0xFFFFFD7D, s12;
	[tilespmem:v9+s8+$0x0] =	vst.idx.msk $0xffff, v8  }
0x55: {  	v9 =	vor.u32 s16, v4;
	v8 =	vld [tilespmem:s13+$0x20];
	_ =	sdelay $0x4  }
0x56: {  	s16 =	sadd.s32 $0xFFFFFDFD, s12;
	[tilespmem:v9+s8+$0x0] =	vst.idx.msk $0xffff, v8  }
0x57: {  	v9 =	vor.u32 s16, v4;
	v8 =	vld [tilespmem:s13+$0x30];
	_ =	sdelay $0x4  }
0x58: {  	s16 =	sadd.s32 $0xFFFFFE7D, s12;
	[tilespmem:v9+s8+$0x0] =	vst.idx.msk $0xffff, v8  }
0x59: {  	v9 =	vor.u32 s16, v4;
	v8 =	vld [tilespmem:s13+$0x40];
	_ =	sdelay $0x4  }
0x5a: {  	s16 =	sadd.s32 $0xFFFFFEFD, s12;
	[tilespmem:v9+s8+$0x0] =	vst.idx.msk $0xffff, v8  }
0x5b: {  	v9 =	vor.u32 s16, v4;
	v8 =	vld [tilespmem:s13+$0x50];
	_ =	sdelay $0x4  }
0x5c: {  	s16 =	sadd.s32 $0xFFFFFF7D, s12;
	[tilespmem:v9+s8+$0x0] =	vst.idx.msk $0xffff, v8  }
0x5d: {  	v9 =	vor.u32 s16, v4;
	v8 =	vld [tilespmem:s13+$0x60];
	_ =	sdelay $0x4  }
0x5e: {  	s16 =	sadd.s32 $0xFFFFFFFD, s12;
	[tilespmem:v9+s8+$0x0] =	vst.idx.msk $0xffff, v8  }
0x5f: {  	v9 =	vor.u32 s16, v4;
	v8 =	vld [tilespmem:s13+$0x70];
	_ =	sdelay $0x4  }
0x60: {  	[tilespmem:v9+s8+$0x0] =	vst.idx.msk $0xffff, v8  }
0x61: {  	v9 =	vor.u32 s14, v5;
	v8 =	vld [tilespmem:s13+$0x80];
	_ =	sdelay $0x4  }
0x62: {  	s16 =	sadd.s32 $0xFFFFFCFE, s12;
	[tilespmem:v9+s8+$0x0] =	vst.idx.msk $0xffff, v8  }
0x63: {  	v9 =	vor.u32 s16, v5;
	v8 =	vld [tilespmem:s13+$0x90];
	_ =	sdelay $0x4  }
0x64: {  	s16 =	sadd.s32 $0xFFFFFD7E, s12;
	[tilespmem:v9+s8+$0x0] =	vst.idx.msk $0xffff, v8  }
0x65: {  	v9 =	vor.u32 s16, v5;
	v8 =	vld [tilespmem:s13+$0xA0];
	_ =	sdelay $0x4  }
0x66: {  	s16 =	sadd.s32 $0xFFFFFDFE, s12;
	[tilespmem:v9+s8+$0x0] =	vst.idx.msk $0xffff, v8  }
0x67: {  	v9 =	vor.u32 s16, v5;
	v8 =	vld [tilespmem:s13+$0xB0];
	_ =	sdelay $0x4  }
0x68: {  	s16 =	sadd.s32 $0xFFFFFE7E, s12;
	[tilespmem:v9+s8+$0x0] =	vst.idx.msk $0xffff, v8  }
0x69: {  	v9 =	vor.u32 s16, v5;
	v8 =	vld [tilespmem:s13+$0xC0];
	_ =	sdelay $0x4  }
0x6a: {  	s16 =	sadd.s32 $0xFFFFFEFE, s12;
	[tilespmem:v9+s8+$0x0] =	vst.idx.msk $0xffff, v8  }
0x6b: {  	v9 =	vor.u32 s16, v5;
	v8 =	vld [tilespmem:s13+$0xD0];
	_ =	sdelay $0x4  }
0x6c: {  	s16 =	sadd.s32 $0xFFFFFF7E, s12;
	[tilespmem:v9+s8+$0x0] =	vst.idx.msk $0xffff, v8  }
0x6d: {  	v9 =	vor.u32 s16, v5;
	v8 =	vld [tilespmem:s13+$0xE0];
	_ =	sdelay $0x4  }
0x6e: {  	s16 =	sadd.s32 $0xFFFFFFFE, s12;
	[tilespmem:v9+s8+$0x0] =	vst.idx.msk $0xffff, v8  }
0x6f: {  	v9 =	vor.u32 s16, v5;
	v8 =	vld [tilespmem:s13+$0xF0];
	_ =	sdelay $0x4  }
0x70: {  	[tilespmem:v9+s8+$0x0] =	vst.idx.msk $0xffff, v8  }
0x71: {  	v9 =	vor.u32 s14, v6;
	v8 =	vld [tilespmem:s13+$0x100];
	_ =	sdelay $0x4  }
0x72: {  	s16 =	sadd.s32 $0xFFFFFCFF, s12;
	[tilespmem:v9+s8+$0x0] =	vst.idx.msk $0xffff, v8  }
0x73: {  	v9 =	vor.u32 s16, v6;
	v8 =	vld [tilespmem:s13+$0x110];
	_ =	sdelay $0x4  }
0x74: {  	s16 =	sadd.s32 $0xFFFFFD7F, s12;
	[tilespmem:v9+s8+$0x0] =	vst.idx.msk $0xffff, v8  }
0x75: {  	v9 =	vor.u32 s16, v6;
	v8 =	vld [tilespmem:s13+$0x120];
	_ =	sdelay $0x4  }
0x76: {  	s16 =	sadd.s32 $0xFFFFFDFF, s12;
	[tilespmem:v9+s8+$0x0] =	vst.idx.msk $0xffff, v8  }
0x77: {  	v9 =	vor.u32 s16, v6;
	v8 =	vld [tilespmem:s13+$0x130];
	_ =	sdelay $0x4  }
0x78: {  	s16 =	sadd.s32 $0xFFFFFE7F, s12;
	[tilespmem:v9+s8+$0x0] =	vst.idx.msk $0xffff, v8  }
0x79: {  	v9 =	vor.u32 s16, v6;
	v8 =	vld [tilespmem:s13+$0x140];
	_ =	sdelay $0x4  }
0x7a: {  	s16 =	sadd.s32 $0xFFFFFEFF, s12;
	[tilespmem:v9+s8+$0x0] =	vst.idx.msk $0xffff, v8  }
0x7b: {  	v9 =	vor.u32 s16, v6;
	v8 =	vld [tilespmem:s13+$0x150];
	_ =	sdelay $0x4  }
0x7c: {  	s16 =	sadd.s32 $0xFFFFFF7F, s12;
	[tilespmem:v9+s8+$0x0] =	vst.idx.msk $0xffff, v8  }
0x7d: {  	v9 =	vor.u32 s16, v6;
	v8 =	vld [tilespmem:s13+$0x160];
	_ =	sdelay $0x4  }
0x7e: {  	s16 =	sadd.s32 $0xFFFFFFFF, s12;
	[tilespmem:v9+s8+$0x0] =	vst.idx.msk $0xffff, v8  }
0x7f: {  	v9 =	vor.u32 s16, v6;
	v8 =	vld [tilespmem:s13+$0x170];
	_ =	sdelay $0x4  }
0x80: {  	[tilespmem:v9+s8+$0x0] =	vst.idx.msk $0xffff, v8  }
0x81: {  	v9 =	vor.u32 s14, v7;
	v8 =	vld [tilespmem:s13+$0x180];
	_ =	sdelay $0x4  }
0x82: {  	s14 =	sadd.s32 $0xFFFFFD00, s12;
	[tilespmem:v9+s8+$0x0] =	vst.idx.msk $0xffff, v8  }
0x83: {  	v9 =	vor.u32 s14, v7;
	v8 =	vld [tilespmem:s13+$0x190];
	_ =	sdelay $0x4  }
0x84: {  	s14 =	sadd.s32 $0xFFFFFD80, s12;
	[tilespmem:v9+s8+$0x0] =	vst.idx.msk $0xffff, v8  }
0x85: {  	v9 =	vor.u32 s14, v7;
	v8 =	vld [tilespmem:s13+$0x1A0];
	_ =	sdelay $0x4  }
0x86: {  	s14 =	sadd.s32 $0xFFFFFE00, s12;
	[tilespmem:v9+s8+$0x0] =	vst.idx.msk $0xffff, v8  }
0x87: {  	v9 =	vor.u32 s14, v7;
	v8 =	vld [tilespmem:s13+$0x1B0];
	_ =	sdelay $0x4  }
0x88: {  	s14 =	sadd.s32 $0xFFFFFE80, s12;
	[tilespmem:v9+s8+$0x0] =	vst.idx.msk $0xffff, v8  }
0x89: {  	v9 =	vor.u32 s14, v7;
	v8 =	vld [tilespmem:s13+$0x1C0];
	_ =	sdelay $0x4  }
0x8a: {  	s14 =	sadd.s32 $0xFFFFFF00, s12;
	[tilespmem:v9+s8+$0x0] =	vst.idx.msk $0xffff, v8  }
0x8b: {  	v9 =	vor.u32 s14, v7;
	v8 =	vld [tilespmem:s13+$0x1D0];
	_ =	sdelay $0x4  }
0x8c: {  	s14 =	sadd.s32 $0xFFFFFF80, s12;
	[tilespmem:v9+s8+$0x0] =	vst.idx.msk $0xffff, v8  }
0x8d: {  	v9 =	vor.u32 s14, v7;
	v8 =	vld [tilespmem:s13+$0x1E0];
	_ =	sdelay $0x4  }
0x8e: {  	[tilespmem:v9+s8+$0x0] =	vst.idx.msk $0xffff, v8  }
0x8f: {  	v9 =	vor.u32 s12, v7;
	s12 =	smov.u32 s15;
	v8 =	vld [tilespmem:s13+$0x1F0]  }
.Ltmp0:
0x90: {  	(pc) =	sbr.rel @p0 .LBB2_3-.Ltmp0, $2  }
0x91: {  	_ =	sdelay $0x2  }
0x92: {  	s15 =	sadd.s32 $0x400, s15;
	s14 =	sadd.s32 $0xFFFFFC79, s12;
	s13 =	sadd.s32 $0x400, s13;
	[tilespmem:v9+s8+$0x0] =	vst.idx.msk $0xffff, v8  }
0x93: {  	v8 =	vld [tilespmem:s13+$0xFFFFFE00];
	v9 =	vor.u32 s14, v0;
	_ =	sdelay $0x4  }
0x94: {  	s15 =	sadd.s32 $0xFFFFFCF9, s12;
	[tilespmem:v9+s8+$0x0] =	vst.idx.msk $0xffff, v8  }
0x95: {  	v53 =	vor.u32 s15, v0;
	v8 =	vld [tilespmem:s13+$0xFFFFFE10];
	_ =	sdelay $0x4  }
0x96: {  	s22 =	sadd.s32 $0xFFFFFD79, s12;
	[tilespmem:v53+s8+$0x0] =	vst.idx.msk $0xffff, v8  }
0x97: {  	v54 =	vor.u32 s22, v0;
	v8 =	vld [tilespmem:s13+$0xFFFFFE20];
	_ =	sdelay $0x4  }
0x98: {  	s23 =	sadd.s32 $0xFFFFFDF9, s12;
	[tilespmem:v54+s8+$0x0] =	vst.idx.msk $0xffff, v8  }
0x99: {  	v55 =	vor.u32 s23, v0;
	v8 =	vld [tilespmem:s13+$0xFFFFFE30];
	_ =	sdelay $0x4  }
0x9a: {  	s24 =	sadd.s32 $0xFFFFFE79, s12;
	[tilespmem:v55+s8+$0x0] =	vst.idx.msk $0xffff, v8  }
0x9b: {  	v56 =	vor.u32 s24, v0;
	v8 =	vld [tilespmem:s13+$0xFFFFFE40];
	_ =	sdelay $0x4  }
0x9c: {  	s25 =	sadd.s32 $0xFFFFFEF9, s12;
	[tilespmem:v56+s8+$0x0] =	vst.idx.msk $0xffff, v8  }
0x9d: {  	v57 =	vor.u32 s25, v0;
	v8 =	vld [tilespmem:s13+$0xFFFFFE50];
	_ =	sdelay $0x4  }
0x9e: {  	s26 =	sadd.s32 $0xFFFFFF79, s12;
	[tilespmem:v57+s8+$0x0] =	vst.idx.msk $0xffff, v8  }
0x9f: {  	v58 =	vor.u32 s26, v0;
	v8 =	vld [tilespmem:s13+$0xFFFFFE60];
	_ =	sdelay $0x4  }
0xa0: {  	s28 =	sadd.s32 $0xFFFFFFF9, s12;
	[tilespmem:v58+s8+$0x0] =	vst.idx.msk $0xffff, v8  }
0xa1: {  	v59 =	vor.u32 s28, v0;
	v8 =	vld [tilespmem:s13+$0xFFFFFE70];
	_ =	sdelay $0x4  }
0xa2: {  	[tilespmem:v59+s8+$0x0] =	vst.idx.msk $0xffff, v8  }
0xa3: {  	v60 =	vor.u32 s14, v1;
	v8 =	vld [tilespmem:s13+$0xFFFFFE80];
	_ =	sdelay $0x4  }
0xa4: {  	s29 =	sadd.s32 $0xFFFFFCFA, s12;
	[tilespmem:v60+s8+$0x0] =	vst.idx.msk $0xffff, v8  }
0xa5: {  	v61 =	vor.u32 s29, v1;
	v8 =	vld [tilespmem:s13+$0xFFFFFE90];
	_ =	sdelay $0x4  }
0xa6: {  	s30 =	sadd.s32 $0xFFFFFD7A, s12;
	[tilespmem:v61+s8+$0x0] =	vst.idx.msk $0xffff, v8  }
0xa7: {  	v62 =	vor.u32 s30, v1;
	v8 =	vld [tilespmem:s13+$0xFFFFFEA0];
	_ =	sdelay $0x4  }
0xa8: {  	s31 =	sadd.s32 $0xFFFFFDFA, s12;
	[tilespmem:v62+s8+$0x0] =	vst.idx.msk $0xffff, v8  }
0xa9: {  	v63 =	vor.u32 s31, v1;
	v8 =	vld [tilespmem:s13+$0xFFFFFEB0];
	_ =	sdelay $0x4  }
0xaa: {  	s16 =	sadd.s32 $0xFFFFFE7A, s12;
	[tilespmem:v63+s8+$0x0] =	vst.idx.msk $0xffff, v8  }
0xab: {  	v12 =	vor.u32 s16, v1;
	v8 =	vld [tilespmem:s13+$0xFFFFFEC0];
	_ =	sdelay $0x4  }
0xac: {  	s17 =	sadd.s32 $0xFFFFFEFA, s12;
	[tilespmem:v12+s8+$0x0] =	vst.idx.msk $0xffff, v8  }
0xad: {  	v13 =	vor.u32 s17, v1;
	v8 =	vld [tilespmem:s13+$0xFFFFFED0];
	_ =	sdelay $0x4  }
0xae: {  	s18 =	sadd.s32 $0xFFFFFF7A, s12;
	[tilespmem:v13+s8+$0x0] =	vst.idx.msk $0xffff, v8  }
0xaf: {  	v14 =	vor.u32 s18, v1;
	v8 =	vld [tilespmem:s13+$0xFFFFFEE0];
	_ =	sdelay $0x4  }
0xb0: {  	s19 =	sadd.s32 $0xFFFFFFFA, s12;
	[tilespmem:v14+s8+$0x0] =	vst.idx.msk $0xffff, v8  }
0xb1: {  	v15 =	vor.u32 s19, v1;
	v8 =	vld [tilespmem:s13+$0xFFFFFEF0];
	_ =	sdelay $0x4  }
0xb2: {  	[tilespmem:v15+s8+$0x0] =	vst.idx.msk $0xffff, v8  }
0xb3: {  	v16 =	vor.u32 s14, v2;
	v8 =	vld [tilespmem:s13+$0xFFFFFF00];
	_ =	sdelay $0x4  }
0xb4: {  	s20 =	sadd.s32 $0xFFFFFCFB, s12;
	[tilespmem:v16+s8+$0x0] =	vst.idx.msk $0xffff, v8  }
0xb5: {  	v17 =	vor.u32 s20, v2;
	v8 =	vld [tilespmem:s13+$0xFFFFFF10];
	_ =	sdelay $0x4  }
0xb6: {  	s21 =	sadd.s32 $0xFFFFFD7B, s12;
	[tilespmem:v17+s8+$0x0] =	vst.idx.msk $0xffff, v8  }
0xb7: {  	v18 =	vor.u32 s21, v2;
	v8 =	vld [tilespmem:s13+$0xFFFFFF20];
	_ =	sdelay $0x4  }
0xb8: {  	s22 =	sadd.s32 $0xFFFFFDFB, s12;
	[tilespmem:v18+s8+$0x0] =	vst.idx.msk $0xffff, v8  }
0xb9: {  	v19 =	vor.u32 s22, v2;
	v8 =	vld [tilespmem:s13+$0xFFFFFF30];
	_ =	sdelay $0x4  }
0xba: {  	s23 =	sadd.s32 $0xFFFFFE7B, s12;
	[tilespmem:v19+s8+$0x0] =	vst.idx.msk $0xffff, v8  }
0xbb: {  	v20 =	vor.u32 s23, v2;
	v8 =	vld [tilespmem:s13+$0xFFFFFF40];
	_ =	sdelay $0x4  }
0xbc: {  	s24 =	sadd.s32 $0xFFFFFEFB, s12;
	[tilespmem:v20+s8+$0x0] =	vst.idx.msk $0xffff, v8  }
0xbd: {  	v21 =	vor.u32 s24, v2;
	v8 =	vld [tilespmem:s13+$0xFFFFFF50];
	_ =	sdelay $0x4  }
0xbe: {  	s25 =	sadd.s32 $0xFFFFFF7B, s12;
	[tilespmem:v21+s8+$0x0] =	vst.idx.msk $0xffff, v8  }
0xbf: {  	v22 =	vor.u32 s25, v2;
	v8 =	vld [tilespmem:s13+$0xFFFFFF60];
	_ =	sdelay $0x4  }
0xc0: {  	s26 =	sadd.s32 $0xFFFFFFFB, s12;
	[tilespmem:v22+s8+$0x0] =	vst.idx.msk $0xffff, v8  }
0xc1: {  	v23 =	vor.u32 s26, v2;
	v8 =	vld [tilespmem:s13+$0xFFFFFF70];
	_ =	sdelay $0x4  }
0xc2: {  	[tilespmem:v23+s8+$0x0] =	vst.idx.msk $0xffff, v8  }
0xc3: {  	v24 =	vor.u32 s14, v3;
	v8 =	vld [tilespmem:s13+$0xFFFFFF80];
	_ =	sdelay $0x4  }
0xc4: {  	s28 =	sadd.s32 $0xFFFFFCFC, s12;
	[tilespmem:v24+s8+$0x0] =	vst.idx.msk $0xffff, v8  }
0xc5: {  	v25 =	vor.u32 s28, v3;
	v8 =	vld [tilespmem:s13+$0xFFFFFF90];
	_ =	sdelay $0x4  }
0xc6: {  	s29 =	sadd.s32 $0xFFFFFD7C, s12;
	[tilespmem:v25+s8+$0x0] =	vst.idx.msk $0xffff, v8  }
0xc7: {  	v26 =	vor.u32 s29, v3;
	v8 =	vld [tilespmem:s13+$0xFFFFFFA0];
	_ =	sdelay $0x4  }
0xc8: {  	s30 =	sadd.s32 $0xFFFFFDFC, s12;
	[tilespmem:v26+s8+$0x0] =	vst.idx.msk $0xffff, v8  }
0xc9: {  	v27 =	vor.u32 s30, v3;
	v8 =	vld [tilespmem:s13+$0xFFFFFFB0];
	_ =	sdelay $0x4  }
0xca: {  	s31 =	sadd.s32 $0xFFFFFE7C, s12;
	[tilespmem:v27+s8+$0x0] =	vst.idx.msk $0xffff, v8  }
0xcb: {  	v28 =	vor.u32 s31, v3;
	v8 =	vld [tilespmem:s13+$0xFFFFFFC0];
	_ =	sdelay $0x4  }
0xcc: {  	s16 =	sadd.s32 $0xFFFFFEFC, s12;
	[tilespmem:v28+s8+$0x0] =	vst.idx.msk $0xffff, v8  }
0xcd: {  	v29 =	vor.u32 s16, v3;
	v8 =	vld [tilespmem:s13+$0xFFFFFFD0];
	_ =	sdelay $0x4  }
0xce: {  	s17 =	sadd.s32 $0xFFFFFF7C, s12;
	[tilespmem:v29+s8+$0x0] =	vst.idx.msk $0xffff, v8  }
0xcf: {  	v30 =	vor.u32 s17, v3;
	v8 =	vld [tilespmem:s13+$0xFFFFFFE0];
	_ =	sdelay $0x4  }
0xd0: {  	s18 =	sadd.s32 $0xFFFFFFFC, s12;
	[tilespmem:v30+s8+$0x0] =	vst.idx.msk $0xffff, v8  }
0xd1: {  	v31 =	vor.u32 s18, v3;
	v8 =	vld [tilespmem:s13+$0xFFFFFFF0];
	_ =	sdelay $0x4  }
0xd2: {  	[tilespmem:v31+s8+$0x0] =	vst.idx.msk $0xffff, v8  }
0xd3: {  	v32 =	vor.u32 s14, v4;
	v8 =	vld [tilespmem:s13+$0x0];
	_ =	sdelay $0x4  }
0xd4: {  	s19 =	sadd.s32 $0xFFFFFCFD, s12;
	[tilespmem:v32+s8+$0x0] =	vst.idx.msk $0xffff, v8  }
0xd5: {  	v33 =	vor.u32 s19, v4;
	v8 =	vld [tilespmem:s13+$0x10];
	_ =	sdelay $0x4  }
0xd6: {  	s20 =	sadd.s32 $0xFFFFFD7D, s12;
	[tilespmem:v33+s8+$0x0] =	vst.idx.msk $0xffff, v8  }
0xd7: {  	v34 =	vor.u32 s20, v4;
	v8 =	vld [tilespmem:s13+$0x20];
	_ =	sdelay $0x4  }
0xd8: {  	s21 =	sadd.s32 $0xFFFFFDFD, s12;
	[tilespmem:v34+s8+$0x0] =	vst.idx.msk $0xffff, v8  }
0xd9: {  	v35 =	vor.u32 s21, v4;
	v8 =	vld [tilespmem:s13+$0x30];
	_ =	sdelay $0x4  }
0xda: {  	s22 =	sadd.s32 $0xFFFFFE7D, s12;
	[tilespmem:v35+s8+$0x0] =	vst.idx.msk $0xffff, v8  }
0xdb: {  	v36 =	vor.u32 s22, v4;
	v8 =	vld [tilespmem:s13+$0x40];
	_ =	sdelay $0x4  }
0xdc: {  	s23 =	sadd.s32 $0xFFFFFEFD, s12;
	[tilespmem:v36+s8+$0x0] =	vst.idx.msk $0xffff, v8  }
0xdd: {  	v37 =	vor.u32 s23, v4;
	v8 =	vld [tilespmem:s13+$0x50];
	_ =	sdelay $0x4  }
0xde: {  	s24 =	sadd.s32 $0xFFFFFF7D, s12;
	[tilespmem:v37+s8+$0x0] =	vst.idx.msk $0xffff, v8  }
0xdf: {  	v38 =	vor.u32 s24, v4;
	v8 =	vld [tilespmem:s13+$0x60];
	_ =	sdelay $0x4  }
0xe0: {  	s25 =	sadd.s32 $0xFFFFFFFD, s12;
	[tilespmem:v38+s8+$0x0] =	vst.idx.msk $0xffff, v8  }
0xe1: {  	v39 =	vor.u32 s25, v4;
	v8 =	vld [tilespmem:s13+$0x70];
	_ =	sdelay $0x4  }
0xe2: {  	[tilespmem:v39+s8+$0x0] =	vst.idx.msk $0xffff, v8  }
0xe3: {  	v40 =	vor.u32 s14, v5;
	v8 =	vld [tilespmem:s13+$0x80];
	_ =	sdelay $0x4  }
0xe4: {  	s26 =	sadd.s32 $0xFFFFFCFE, s12;
	[tilespmem:v40+s8+$0x0] =	vst.idx.msk $0xffff, v8  }
0xe5: {  	v41 =	vor.u32 s26, v5;
	v8 =	vld [tilespmem:s13+$0x90];
	_ =	sdelay $0x4  }
0xe6: {  	s28 =	sadd.s32 $0xFFFFFD7E, s12;
	[tilespmem:v41+s8+$0x0] =	vst.idx.msk $0xffff, v8  }
0xe7: {  	v42 =	vor.u32 s28, v5;
	v8 =	vld [tilespmem:s13+$0xA0];
	_ =	sdelay $0x4  }
0xe8: {  	s29 =	sadd.s32 $0xFFFFFDFE, s12;
	[tilespmem:v42+s8+$0x0] =	vst.idx.msk $0xffff, v8  }
0xe9: {  	v43 =	vor.u32 s29, v5;
	v8 =	vld [tilespmem:s13+$0xB0];
	_ =	sdelay $0x4  }
0xea: {  	s30 =	sadd.s32 $0xFFFFFE7E, s12;
	[tilespmem:v43+s8+$0x0] =	vst.idx.msk $0xffff, v8  }
0xeb: {  	v44 =	vor.u32 s30, v5;
	v8 =	vld [tilespmem:s13+$0xC0];
	_ =	sdelay $0x4  }
0xec: {  	s31 =	sadd.s32 $0xFFFFFEFE, s12;
	[tilespmem:v44+s8+$0x0] =	vst.idx.msk $0xffff, v8  }
0xed: {  	v45 =	vor.u32 s31, v5;
	v8 =	vld [tilespmem:s13+$0xD0];
	_ =	sdelay $0x4  }
0xee: {  	s16 =	sadd.s32 $0xFFFFFF7E, s12;
	[tilespmem:v45+s8+$0x0] =	vst.idx.msk $0xffff, v8  }
0xef: {  	v46 =	vor.u32 s16, v5;
	v8 =	vld [tilespmem:s13+$0xE0];
	_ =	sdelay $0x4  }
0xf0: {  	s17 =	sadd.s32 $0xFFFFFFFE, s12;
	[tilespmem:v46+s8+$0x0] =	vst.idx.msk $0xffff, v8  }
0xf1: {  	v47 =	vor.u32 s17, v5;
	v8 =	vld [tilespmem:s13+$0xF0];
	_ =	sdelay $0x4  }
0xf2: {  	[tilespmem:v47+s8+$0x0] =	vst.idx.msk $0xffff, v8  }
0xf3: {  	v48 =	vor.u32 s14, v6;
	v8 =	vld [tilespmem:s13+$0x100];
	_ =	sdelay $0x4  }
0xf4: {  	s18 =	sadd.s32 $0xFFFFFCFF, s12;
	[tilespmem:v48+s8+$0x0] =	vst.idx.msk $0xffff, v8  }
0xf5: {  	v49 =	vor.u32 s18, v6;
	v8 =	vld [tilespmem:s13+$0x110];
	_ =	sdelay $0x4  }
0xf6: {  	s19 =	sadd.s32 $0xFFFFFD7F, s12;
	[tilespmem:v49+s8+$0x0] =	vst.idx.msk $0xffff, v8  }
0xf7: {  	v50 =	vor.u32 s19, v6;
	v8 =	vld [tilespmem:s13+$0x120];
	_ =	sdelay $0x4  }
0xf8: {  	s20 =	sadd.s32 $0xFFFFFDFF, s12;
	[tilespmem:v50+s8+$0x0] =	vst.idx.msk $0xffff, v8  }
0xf9: {  	v51 =	vor.u32 s20, v6;
	v8 =	vld [tilespmem:s13+$0x130];
	_ =	sdelay $0x4  }
0xfa: {  	s21 =	sadd.s32 $0xFFFFFE7F, s12;
	[tilespmem:v51+s8+$0x0] =	vst.idx.msk $0xffff, v8  }
0xfb: {  	v52 =	vor.u32 s21, v6;
	v8 =	vld [tilespmem:s13+$0x140];
	_ =	sdelay $0x4  }
0xfc: {  	s22 =	sadd.s32 $0xFFFFFEFF, s12;
	[tilespmem:v52+s8+$0x0] =	vst.idx.msk $0xffff, v8  }
0xfd: {  	v53 =	vor.u32 s22, v6;
	v8 =	vld [tilespmem:s13+$0x150];
	_ =	sdelay $0x4  }
0xfe: {  	s23 =	sadd.s32 $0xFFFFFF7F, s12;
	[tilespmem:v53+s8+$0x0] =	vst.idx.msk $0xffff, v8  }
0xff: {  	v54 =	vor.u32 s23, v6;
	v8 =	vld [tilespmem:s13+$0x160];
	_ =	sdelay $0x4  }
0x100: {  	s24 =	sadd.s32 $0xFFFFFFFF, s12;
	[tilespmem:v54+s8+$0x0] =	vst.idx.msk $0xffff, v8  }
0x101: {  	v55 =	vor.u32 s24, v6;
	v8 =	vld [tilespmem:s13+$0x170];
	_ =	sdelay $0x4  }
0x102: {  	[tilespmem:v55+s8+$0x0] =	vst.idx.msk $0xffff, v8  }
0x103: {  	v56 =	vor.u32 s14, v7;
	v8 =	vld [tilespmem:s13+$0x180];
	_ =	sdelay $0x4  }
0x104: {  	s25 =	sadd.s32 $0xFFFFFD00, s12;
	[tilespmem:v56+s8+$0x0] =	vst.idx.msk $0xffff, v8  }
0x105: {  	v57 =	vor.u32 s25, v7;
	v8 =	vld [tilespmem:s13+$0x190];
	_ =	sdelay $0x4  }
0x106: {  	s26 =	sadd.s32 $0xFFFFFD80, s12;
	[tilespmem:v57+s8+$0x0] =	vst.idx.msk $0xffff, v8  }
0x107: {  	v58 =	vor.u32 s26, v7;
	v8 =	vld [tilespmem:s13+$0x1A0];
	_ =	sdelay $0x4  }
0x108: {  	s28 =	sadd.s32 $0xFFFFFE00, s12;
	[tilespmem:v58+s8+$0x0] =	vst.idx.msk $0xffff, v8  }
0x109: {  	v59 =	vor.u32 s28, v7;
	v8 =	vld [tilespmem:s13+$0x1B0];
	_ =	sdelay $0x4  }
0x10a: {  	s29 =	sadd.s32 $0xFFFFFE80, s12;
	[tilespmem:v59+s8+$0x0] =	vst.idx.msk $0xffff, v8  }
0x10b: {  	v60 =	vor.u32 s29, v7;
	v8 =	vld [tilespmem:s13+$0x1C0];
	_ =	sdelay $0x4  }
0x10c: {  	s30 =	sadd.s32 $0xFFFFFF00, s12;
	[tilespmem:v60+s8+$0x0] =	vst.idx.msk $0xffff, v8  }
0x10d: {  	v61 =	vor.u32 s30, v7;
	v8 =	vld [tilespmem:s13+$0x1D0];
	_ =	sdelay $0x4  }
0x10e: {  	s31 =	sadd.s32 $0xFFFFFF80, s12;
	[tilespmem:v61+s8+$0x0] =	vst.idx.msk $0xffff, v8  }
0x10f: {  	v62 =	vor.u32 s31, v7;
	v8 =	vld [tilespmem:s13+$0x1E0];
	_ =	sdelay $0x4  }
0x110: {  	[tilespmem:v62+s8+$0x0] =	vst.idx.msk $0xffff, v8  }
0x111: {  	v63 =	vor.u32 s12, v7;
	v8 =	vld [tilespmem:s13+$0x1F0];
	_ =	sdelay $0x2  }
0x112: {  	s10 =	sadd.s32 $0x1, s10  }
0x113: {  	p0 =	sne.s32 s10, $0x20  }
.Ltmp1:
0x114: {  	s11 =	sadd.s32 s4, s11;
	[tilespmem:v63+s8+$0x0] =	vst.idx.msk $0xffff, v8;
	(pc) =	sbr.rel @p0 .LBB2_2-.Ltmp1, $4  }
0x115: {  	[hbm4b:s11+s2] =	stream.linear.scatter [tilespmem:s8], [sflag:$0x1], $0x4000, $0x38;
	[tilespmem:$0x8000] =	vst v63  }
0x116: {  	_ =	swait.ge [sflag:s7], $0x4000  }
0x117: {  	[sflag:s7] =	ssyncset.done $0x0  }
0x118: {  	[sflag:s7] =	ssyncadd.s32 $0xFFFFC000  }
0x119: {  	s9 =	sadd.s32 $0x1, s9  }
0x11a: {  	p0 =	sne.s32 s9, s6  }
.Ltmp2:
0x11b: {  	_ = 	snop;
	(pc) =	sbr.rel @p0 .LBB2_1-.Ltmp2, $1  }
0x11c: {  	_ =	sdelay $0x3  }
0x11d: {  	_ =	sfence.sel $0x180000  }
0x11e: {  	[bflag:$0x0] =	sbarrier.arrive $0xFFFF  }
0x11f: {  	p0 =	sne.s32 s3, $0x0;
	_ =	strace $0x90000047  }
0x120: {  	s0 =	sadd.s32 @!p0 $0x100000, s0;
	[bflag:$0x2] =	sbarrier.arrive $0xFFFF  }
0x121: {  	[sflag:s0] =	ssyncadd.tile.s32 @!p0 $0x1;
	_ =	shalt  }
.Lfunc_end2:
_tile_overlayer_lowered:
.L_overlay_start_2:
0x122: {  	(tag) =	ssettag $0x2  }
0x123: {  	s0 =	rddreg [dreg:$0x0];
	s2 =	stileid.u32  }
0x124: {  	s1 =	rddreg [dreg:$0x1];
	p0 =	sne.s32 s2, $0x0  }
0x125: {  	s3 =	rddreg [dreg:$0x2];
	[bflag:$0x3] =	sbarrier.arrive $0xFFFF;
	s2 =	simm.s32 @!p0 $0x1C01  }
0x126: {  	[timem:s3], [sflag:s2] =	dma.local @!p0 [hbm:s0], s1  }
0x127: {  	s0 =	simm.s32 @!p0 $0x1  }
0x128: {  	_ =	swait.ge @!p0 [sflag:s0], s1  }
0x129: {  	s1 =	ssub.s32 @!p0 $0x0, s1;
	[sflag:s0] =	ssyncset.done @!p0 $0x0  }
0x12a: {  	[sflag:s0] =	ssyncadd.s32 @!p0 s1  }
0x12b: {  	[bflag:$0x3] =	sbarrier.arrive $0xFFFF  }
0x12c: {  	_ =	shalt  }

// kernel: kernel.7.cloned.1.call-start
scs
__scs_entry_jumppad:
0x0: {  	(pc) =	sbr.rel $0x88, $3  }
0x1: {  	(tag) =	ssettag $0x0;
	lr =	simm.s32 $0x1  }
0x2: {  	[smem:$0x3F9F] =	sst lr;
	_ =	strace $0xD0000000  }
0x3: {  	_ = 	snop  }
0x4: {  	_ = 	snop  }
0x5: {  	_ = 	snop  }
0x6: {  	_ = 	snop  }
0x7: {  	_ = 	snop  }
__scs_overlays_trampoline_lowered:
0x8: {  	[smem:$0x3FAE] =	sst s0  }
0x9: {  	[smem:$0x3FAF] =	sst s1  }
0xa: {  	[smem:$0x3FB0] =	sst s2  }
0xb: {  	[smem:$0x3FB1] =	sst s3  }
0xc: {  	[smem:$0x3FB2] =	sst s4  }
0xd: {  	[smem:$0x3FB3] =	sst s5  }
0xe: {  	[smem:$0x3FB4] =	sst s6  }
0xf: {  	[smem:$0x3FB5] =	sst s7  }
0x10: {  	[smem:$0x3FB6] =	sst s8  }
0x11: {  	[smem:$0x3FB7] =	sst s9;
	s0 =	simm.s32 @!p0 $0x0  }
0x12: {  	s1 =	sld [smem:$0x3F9D];
	s0 =	simm.s32 @p0 $0x1  }
0x13: {  	[smem:$0x3FB8] =	sst s0;
	s0 =	simm.s32 @!p1 $0x0  }
0x14: {  	s2 =	sld [smem:$0x3F9C];
	s0 =	simm.s32 @p1 $0x1  }
0x15: {  	[smem:$0x3FB9] =	sst s0;
	s0 =	simm.s32 @!p2 $0x0  }
0x16: {  	s3 =	sld [smem:$0x3FDB];
	s0 =	simm.s32 @p2 $0x1  }
0x17: {  	s4 =	simm.s32 $0x1BF5;
	[smem:$0x3FBB] =	sst s0  }
0x18: {  	s0 =	sld [smem:$0x3F9E];
	_ =	swait.ge [sflag:s4], $0x0  }
0x19: {  	s7 =	sld [smem:$0x3F9F]  }
0x1a: {  	s8 =	sadd.s32 $0xFFFFE003, lr  }
0x1b: {  	s9 =	sadd.s32 $0xFFFFFEF7, lr;
	s5 =	simm.s32 $0xFFFFFFFF;
	p2 =	slt.u32 s8, $0xFFFFF086  }
0x1c: {  	p1 =	slt.u32 s9, $0xF7A;
	s5 =	simm.s32 @!p2 $0x0  }
0x1d: {  	s5 =	simm.s32 @p1 $0x1;
	p0 =	seq.s32 s7, s2  }
0x1e: {  	s7 =	smul.u32 @!p0 $0xF7A, s2;
	p2 =	seq.s32 @!p0 s5, $0x0  }
0x1f: {  	s9 =	smul.u32 $0xF7A, s1;
	s8 =	simm.s32 @!p0 $0x1BF5;
	p2 =	por !p2, p0  }
0x20: {  	[sflag:s8] =	ssyncset.s32 @!p0 $0xFFFFF086;
	s6 =	sadd.s32 @!p0 s3, s7;
	s7 =	simm.s32 @!p0 $0x108  }
0x21: {  	s3 =	sadd.s32 s3, s9;
	s6 =	sadd.s32 @!p0 $0x88, s6;
	s7 =	simm.s32 @p2 $0x1082  }
0x22: {  	[simem:s7], [sflag:s8] =	dma.local @!p0 [hbm:s6], $0xF7A  }
0x23: {  	s9 =	sor.u32 $0xD0000000, s2;
	s6 =	simm.s32 $0x108;
	_ =	swait.ge @!p0 [sflag:s8], $0x0  }
0x24: {  	s3 =	sadd.s32 $0x88, s3;
	s6 =	simm.s32 @!p1 $0x1082;
	[sflag:s4] =	ssyncset.s32 $0xFFFFF086  }
0x25: {  	[simem:s6], [sflag:s4] =	dma.local [hbm:s3], $0xF7A  }
0x26: {  	[smem:$0x3F9F] =	sst s1;
	(tag) =	ssettag s2;
	_ =	strace s9  }
0x27: {  	s1 =	sld [smem:$0x3FAF]  }
0x28: {  	s2 =	sld [smem:$0x3FB0]  }
0x29: {  	s4 =	sld [smem:$0x3FB2]  }
0x2a: {  	p0 =	seq.s32 s5, $0x0;
	s5 =	sld [smem:$0x3FB3]  }
0x2b: {  	s6 =	sld [smem:$0x3FB4]  }
0x2c: {  	s7 =	sld [smem:$0x3FB5]  }
0x2d: {  	s3 =	simm.s32 $0x108;
	s8 =	sld [smem:$0x3FB6]  }
0x2e: {  	s3 =	simm.s32 @!p0 $0x1082;
	s9 =	sld [smem:$0x3FB7]  }
0x2f: {  	lr =	sadd.s32 s0, s3;
	s0 =	sld [smem:$0x3FAE]  }
0x30: {  	s3 =	sld [smem:$0x3FB1]  }
0x31: {  	[smem:$0x3FBA] =	sst s10  }
0x32: {  	s10 =	sld [smem:$0x3FB8];
	_ =	sdelay $0x3  }
0x33: {  	p0 =	seq.s32 s10, $0x1;
	s10 =	sld [smem:$0x3FBA];
	_ =	sdelay $0x3  }
0x34: {  	[smem:$0x3FBA] =	sst s10  }
0x35: {  	s10 =	sld [smem:$0x3FB9];
	_ =	sdelay $0x3  }
0x36: {  	p1 =	seq.s32 s10, $0x1;
	s10 =	sld [smem:$0x3FBA];
	_ =	sdelay $0x3  }
0x37: {  	[smem:$0x3FBA] =	sst s10  }
0x38: {  	s10 =	sld [smem:$0x3FBB]  }
0x39: {  	_ = 	snop;
	(pc) =	sbr.ind lr, $3  }
0x3a: {  	_ = 	snop  }
0x3b: {  	_ = 	snop  }
0x3c: {  	p2 =	seq.s32 s10, $0x1;
	s10 =	sld [smem:$0x3FBA]  }
0x3d: {  	_ =	shalt  }
0x3e: {  	_ =	shalt  }
0x3f: {  	_ =	shalt  }
0x40: {  	_ =	shalt  }
0x41: {  	_ =	shalt  }
0x42: {  	_ =	shalt  }
0x43: {  	_ =	shalt  }
0x44: {  	_ =	shalt  }
0x45: {  	_ =	shalt  }
0x46: {  	_ =	shalt  }
0x47: {  	_ =	shalt  }
0x48: {  	_ =	shalt  }
0x49: {  	_ =	shalt  }
0x4a: {  	_ =	shalt  }
0x4b: {  	_ =	shalt  }
0x4c: {  	_ =	shalt  }
0x4d: {  	_ =	shalt  }
0x4e: {  	_ =	shalt  }
0x4f: {  	_ =	shalt  }
0x50: {  	_ =	shalt  }
0x51: {  	_ =	shalt  }
0x52: {  	_ =	shalt  }
0x53: {  	_ =	shalt  }
0x54: {  	_ =	shalt  }
0x55: {  	_ =	shalt  }
0x56: {  	_ =	shalt  }
0x57: {  	_ =	shalt  }
0x58: {  	_ =	shalt  }
0x59: {  	_ =	shalt  }
0x5a: {  	_ =	shalt  }
0x5b: {  	_ =	shalt  }
0x5c: {  	_ =	shalt  }
0x5d: {  	_ =	shalt  }
0x5e: {  	_ =	shalt  }
0x5f: {  	_ =	shalt  }
0x60: {  	_ =	shalt  }
0x61: {  	_ =	shalt  }
0x62: {  	_ =	shalt  }
0x63: {  	_ =	shalt  }
0x64: {  	_ =	shalt  }
0x65: {  	_ =	shalt  }
0x66: {  	_ =	shalt  }
0x67: {  	_ =	shalt  }
0x68: {  	_ =	shalt  }
0x69: {  	_ =	shalt  }
0x6a: {  	_ =	shalt  }
0x6b: {  	_ =	shalt  }
0x6c: {  	_ =	shalt  }
0x6d: {  	_ =	shalt  }
0x6e: {  	_ =	shalt  }
0x6f: {  	_ =	shalt  }
0x70: {  	_ =	shalt  }
0x71: {  	_ =	shalt  }
0x72: {  	_ =	shalt  }
0x73: {  	_ =	shalt  }
0x74: {  	_ =	shalt  }
0x75: {  	_ =	shalt  }
0x76: {  	_ =	shalt  }
0x77: {  	_ =	shalt  }
0x78: {  	_ =	shalt  }
0x79: {  	_ =	shalt  }
0x7a: {  	_ =	shalt  }
0x7b: {  	_ =	shalt  }
0x7c: {  	_ =	shalt  }
0x7d: {  	_ =	shalt  }
0x7e: {  	_ =	shalt  }
0x7f: {  	_ =	shalt  }
0x80: {  	_ =	shalt  }
0x81: {  	_ =	shalt  }
0x82: {  	_ =	shalt  }
0x83: {  	_ =	shalt  }
0x84: {  	_ =	shalt  }
0x85: {  	_ =	shalt  }
0x86: {  	_ =	shalt  }
0x87: {  	_ =	shalt  }
.Lfunc_end0:
.L_simem_size_0:
called_computation.1_lowered:
.L_overlay_start_0:
0x88: {  	s2 =	sld [smem:$0x3FD9]  }
0x89: {  	s3 =	sld [smem:$0x3FFE];
	_ =	sdelay $0x1  }
0x8a: {  	s1 =	srdreg.scid  }
0x8b: {  	s0 =	sand.u32 $0x1, s1  }
0x8c: {  	s17 =	sshll.u32 s0, $0xA;
	s2 =	sadd.s32 s3, s2  }
0x8d: {  	s2 =	sadd.s32 s2, s17  }
0x8e: {  	[smem:$0x3FC6] =	sst s2  }
0x8f: {  	_ = 	snop  }
0x90: {  	s2 =	sld [smem:$0x3FD0];
	(tm) =	ssettm $0x1  }
0x91: {  	s18 =	sld [smem:$0x3FFB];
	_ =	sdelay $0x3  }
0x92: {  	_ =	strace s18  }
0x93: {  	s3 =	sld [smem:$0x3FFC];
	_ =	sdelay $0x3  }
0x94: {  	_ =	strace s3  }
0x95: {  	s3 =	sld [smem:$0x3FFD];
	_ =	sdelay $0x3  }
0x96: {  	_ =	strace s3  }
0x97: {  	_ =	strace $0x8FFFFFFF  }
0x98: {  	s19 =	sld [smem:$0x3FDB];
	_ =	sdelay $0x1  }
0x99: {  	s4 =	simm.s32 $_scs_section_size  }
0x9a: {  	s5 =	simm.s32 $_size__tile_overlayer_lowered;
	s6 =	simm.s32 $_tile_overlayer_lowered  }
0x9b: {  	s22 =	simm.s32 $0x1BFF;
	s21 =	sshll.u32 s6, $0x1;
	s3 =	sadd.s32 s4, s19  }
0x9c: {  	s7 =	simm.s32 $0x0;
	s20 =	sshll.u32 s5, $0x1;
	s5 =	sadd.s32 s21, s3  }
0x9d: {  	[timem:s7], [sflag:s22] =	dma.local [hbm:s5], s20  }
0x9e: {  	_ =	swait.ge [sflag:s22], s20  }
0x9f: {  	s4 =	ssub.s32 $0x0, s20;
	[sflag:s22] =	ssyncset.done $0x0  }
0xa0: {  	[sflag:s22] =	ssyncadd.s32 s4;
	_ =	sdelay $0x1  }
0xa1: {  	s23 =	simm.s32 $0x1B8B  }
0xa2: {  	_ =	swait.ge [sflag:s23], $0x1  }
0xa3: {  	[sflag:s23] =	ssyncset.done $0x0  }
0xa4: {  	s25 =	simm.s32 $0x1B8E;
	s24 =	sld [smem:$0x3FFE];
	[sflag:s23] =	ssyncadd.s32 $0xFFFFFFFF  }
0xa5: {  	s26 =	simm.s32 $execute0_lowered;
	[smem:$0x3FD2] =	sst s25  }
0xa6: {  	s5 =	sshll.u32 s26, $0x1;
	_ =	strace $0x80000049;
	[dreg:$0x1] =	wrdreg $0xFFFFFFFF  }
0xa7: {  	s28 =	simm.s32 $_size_execute0_lowered;
	s3 =	sadd.s32 s3, s5;
	[dreg:$0x0] =	wrdreg $0x0  }
0xa8: {  	s5 =	sshll.u32 s28, $0x1;
	[dreg:$0x2] =	wrdreg s3  }
0xa9: {  	[dreg:$0x3] =	wrdreg s5  }
0xaa: {  	[dreg:$0x4] =	wrdreg $0xC0  }
0xab: {  	_ =	task [dreg:s7], $0x5FFFF  }
0xac: {  	[dreg:$0x1] =	wrdreg $0xFFFFFFFF  }
0xad: {  	[dreg:$0x0] =	wrdreg $0x60  }
0xae: {  	[dreg:$0x2] =	wrdreg s24  }
0xaf: {  	[dreg:$0x3] =	wrdreg s2  }
0xb0: {  	[dreg:$0x4] =	wrdreg $0x9  }
0xb1: {  	_ =	task.clear_ibuf [dreg:s7], $0x5FFFF;
	_ =	strace $0x90000049  }
0xb2: {  	s29 =	simm.s32 $0x9;
	_ =	strace $0x8000004B  }
0xb3: {  	_ =	swait.ge [sflag:s29], $0x1  }
0xb4: {  	[sflag:s29] =	ssyncadd.s32 $0xFFFFFFFF  }
0xb5: {  	_ =	strace $0x9000004B  }
0xb6: {  	_ =	sfence  }
0xb7: {  	s30 =	sld [smem:$0x0];
	_ =	sdelay $0x2  }
0xb8: {  	s31 =	sshll.u32 s1, $0xD;
	s1 =	sshrl.u32 s1, $0x2  }
0xb9: {  	s3 =	sand.u32 $0x4000, s31;
	s1 =	sadd.s32 s1, s30  }
0xba: {  	s0 =	sor.u32 s3, s0;
	s1 =	sshll.u32 s1, $0x11  }
0xbb: {  	s0 =	sor.u32 s1, s0  }
0xbc: {  	s0 =	sadd.s32 $0x8F2B, s0  }
0xbd: {  	[sflag:s0] =	ssyncadd.remote.s32 $0x1  }
0xbe: {  	_ =	sfence.sel $0xFFFF  }
0xbf: {  	[dreg:$0x0] =	wrdreg $0xFFFFFFFF;
	(pc) =	sbr.abs _section_cstart, $3  }
0xc0: {  	[dreg:$0x1] =	wrdreg $0xFFFFFFFF  }
0xc1: {  	_ =	task.clear_ibuf [dreg:s7], $0x2FFFF;
	_ =	strace $0x9FFFFFFF  }
0xc2: {  	(tm) =	ssettm $0x7FFFFFFF  }
0xc3: {  	_ =	shalt  }
tec
execute0_lowered:
.L_overlay_start_1:
0x0: {  	(tag) =	ssettag $0x1  }
0x1: {  	s5 =	rddreg [dreg:$0x0]  }
0x2: {  	s1 =	rddreg [dreg:$0x1];
	s2 =	simm.s32 $0x0  }
0x3: {  	[smem:$0x7FF] =	sst s2  }
0x4: {  	s0 =	rddreg [dreg:$0x2];
	v0 =	vimm.f32 $2.000000000e+00;
	_ =	strace $0x8000004A  }
0x5: {  	(erf) = vrcp.f32 v0;
	_ =	sdelay $0x2  }
0x6: {  	s3 =	srdreg.scid;
	s9 =	simm.s32 $0x100000;
	s10 =	simm.s32 $0xA600  }
0x7: {  	s11 =	simm.s32 $0x2;
	s12 =	simm.s32 $0x80;
	s13 =	simm.s32 $0x1  }
0x8: {  	s14 =	simm.s32 $0x1600;
	s15 =	simm.s32 $0x9600;
	s6 =	sand.u32 $0x1, s3  }
0x9: {  	s16 =	simm.s32 $0x0;
	s4 =	sadd.s32 $0x200A00, s5;
	s7 =	ssub.s32 $0x2, s6  }
0xa: {  	s3 =	stileid.u32;
	s5 =	sadd.s32 $0xA00, s5;
	s8 =	sshrl.u32 s7, $0x1  }
0xb: {  	v1 =	vlaneseq.u32;
	s31 =	sshll.u32 s3, $0x10;
	s6 =	sshll.u32 s6, $0xF;
	s7 =	ssub.s32 s7, s8  }
0xc: {  	v1 =	vmul.u32 $0x8, v1;
	s6 =	sor.u32 s6, s31;
	s8 =	simm.s32 $0x200;
	s7 =	smax.u32 s7, $0x1;
	v0 =	vpop (erf)  }
.LBB2_1:
0xd: {  	s17 =	simm.s32 $0x0  }
.LBB2_2:
0xe: {  	s18 =	sshll.u32 s17, $0x9  }
0xf: {  	s18 =	sadd.s32 s6, s18  }
0x10: {  	s19 =	sshrl.u32 s18, $0x3  }
0x11: {  	s19 =	sadd.s32 s4, s19  }
0x12: {  	[tilespmem:s10], [sflag:$0x2] =	stream.strided.gather [hbm4b:s19+s8], $0x600, s9, s8, $0x38;
	[tilespmem:$0xAC00] =	vst v63  }
0x13: {  	_ =	swait.ge [sflag:s11], $0x600  }
0x14: {  	[sflag:s11] =	ssyncset.done $0x0  }
0x15: {  	s31 =	simm.s32 $0x0;
	[sflag:s11] =	ssyncadd.s32 $0xFFFFFA00  }
0x16: {  	v2 =	vld [tilespmem:s31+$0xA600]  }
0x17: {  	v3 =	vld [tilespmem:s31+$0xA800]  }
0x18: {  	v4 =	vld [tilespmem:s31+$0xAA00];
	_ =	sdelay $0x2  }
0x19: {  	v2 =	vadd.f32 $1.000000000e+00, v2  }
0x1a: {  	v3 =	vadd.f32 $1.000000000e+00, v3  }
0x1b: {  	v4 =	vadd.f32 $1.000000000e+00, v4;
	v2 =	vmul.f32 v2, v0  }
0x1c: {  	v3 =	vmul.f32 v3, v0  }
0x1d: {  	v4 =	vmul.f32 v4, v0;
	v2 =	vmul.f32 $1.000000000e+02, v2  }
0x1e: {  	v3 =	vmul.f32 $1.000000000e+02, v3  }
0x1f: {  	v4 =	vmul.f32 $1.000000000e+02, v4;
	v5 =	vtrunc.f32 v2  }
0x20: {  	v6 =	vtrunc.f32 v3;
	v5 =	vcvt.f32.s32 v5  }
0x21: {  	v7 =	vtrunc.f32 v4;
	v6 =	vcvt.f32.s32 v6  }
0x22: {  	v7 =	vcvt.f32.s32 v7;
	v8 =	vcvt.s32.f32 v5  }
0x23: {  	v9 =	vcvt.s32.f32 v6;
	v6 =	vmul.u32 $0x9E3779B1, v6  }
0x24: {  	v57 =	vcvt.s32.f32 v7;
	v2 =	vsub.f32 v2, v8  }
0x25: {  	v7 =	vmul.u32 $0x30025795, v7;
	v3 =	vsub.f32 v3, v9;
	v58 =	vadd.s32 $0x9E3779B1, v6  }
0x26: {  	v10 =	vadd.s32 $0x1, v5;
	v59 =	vxor.u32 v5, v58;
	[tilespmem:s31+$0x0] =	vst v2;
	v2 =	vsub.f32 v4, v57  }
0x27: {  	v60 =	vadd.s32 $0x30025795, v7;
	v9 =	vxor.u32 v10, v58;
	[tilespmem:s31+$0x200] =	vst v3;
	v3 =	vxor.u32 v7, v59  }
0x28: {  	s24 =	simm.s32 $0x600;
	v5 =	vxor.u32 v5, v6;
	v11 =	vxor.u32 v9, v60;
	[tilespmem:s31+$0x400] =	vst v2;
	v2 =	vand.u32 $0x1FFFFF, v3  }
0x29: {  	v61 =	vxor.u32 v5, v7;
	v3 =	vand.u32 $0x1FFFFF, v11;
	[tilespmem:s24+$0x20] =	vst v2  }
0x2a: {  	v62 =	vand.u32 $0x1FFFFF, v61;
	v2 =	vxor.u32 v7, v9;
	[tilespmem:s24+$0x70] =	vst v3  }
0x2b: {  	v5 =	vxor.u32 v5, v60;
	v3 =	vxor.u32 v10, v6;
	[tilespmem:s24+$0x0] =	vst v62;
	v2 =	vand.u32 $0x1FFFFF, v2  }
0x2c: {  	s25 =	simm.s32 $0x1600;
	s21 =	simm.s32 $0x1A00;
	v63 =	vxor.u32 v3, v60;
	v3 =	vxor.u32 v3, v7;
	[tilespmem:s24+$0x60] =	vst v2;
	v2 =	vand.u32 $0x1FFFFF, v5  }
0x2d: {  	s22 =	simm.s32 $0x680;
	s26 =	simm.s32 $0x1E00;
	v3 =	vand.u32 $0x1FFFFF, v3;
	[tilespmem:s24+$0x10] =	vst v2  }
0x2e: {  	s23 =	simm.s32 $0x80;
	s29 =	simm.s32 $0x700;
	s30 =	simm.s32 $0xC0;
	v4 =	vxor.u32 v59, v60;
	v2 =	vand.u32 $0x1FFFFF, v63;
	[tilespmem:s24+$0x40] =	vst v3  }
0x2f: {  	s28 =	simm.s32 $0x10;
	s20 =	simm.s32 $0x700;
	s19 =	simm.s32 $0x1E00;
	[tilespmem:s24+$0x50] =	vst v2;
	v2 =	vand.u32 $0x1FFFFF, v4  }
.LBB2_3:
0x30: {  	p0 =	sne.s32 s30, $0x7C0  }
0x31: {  	s26 =	sadd.s32 $0x400, s26;
	s29 =	sadd.s32 $0x80, s29;
	[tilespmem:s24+$0x30] =	vst v2;
	s31 =	smov.u32 s30  }
0x32: {  	[tilespmem:s25], [sflag:$0x1] =	stream.indirect.gather [hbm4b:s5+s12], $0x8, s24, s12, $0xb8;
	[tilespmem:$0xAC00] =	vst v63  }
0x33: {  	s30 =	sadd.s32 $0x40, s30;
	s25 =	smov.u32 s21;
	s21 =	smov.u32 s19;
	v2 =	vld [tilespmem:s28+$0xA600]  }
0x34: {  	s19 =	smov.u32 s26;
	s24 =	smov.u32 s22;
	s22 =	smov.u32 s20;
	v3 =	vld [tilespmem:s28+$0xAA00]  }
0x35: {  	s20 =	smov.u32 s29;
	v4 =	vld [tilespmem:s28+$0xA800];
	_ =	sdelay $0x3  }
0x36: {  	v2 =	vadd.f32 $1.000000000e+00, v2;
	v3 =	vadd.f32 $1.000000000e+00, v3  }
0x37: {  	v4 =	vadd.f32 $1.000000000e+00, v4  }
0x38: {  	v2 =	vmul.f32 v2, v0;
	v3 =	vmul.f32 v3, v0  }
0x39: {  	v4 =	vmul.f32 v4, v0  }
0x3a: {  	v2 =	vmul.f32 $1.000000000e+02, v2;
	v3 =	vmul.f32 $1.000000000e+02, v3  }
0x3b: {  	v4 =	vmul.f32 $1.000000000e+02, v4  }
0x3c: {  	v5 =	vtrunc.f32 v2;
	v6 =	vtrunc.f32 v3  }
0x3d: {  	v5 =	vcvt.f32.s32 v5;
	v7 =	vtrunc.f32 v4  }
0x3e: {  	v6 =	vcvt.f32.s32 v6;
	v7 =	vcvt.f32.s32 v7  }
0x3f: {  	v8 =	vcvt.s32.f32 v5  }
0x40: {  	v10 =	vmul.u32 $0x30025795, v6;
	v9 =	vcvt.s32.f32 v7;
	v7 =	vmul.u32 $0x9E3779B1, v7  }
0x41: {  	v6 =	vcvt.s32.f32 v6;
	v2 =	vsub.f32 v2, v8;
	v8 =	vadd.s32 $0x1, v5  }
0x42: {  	v11 =	vadd.s32 $0x30025795, v10;
	v4 =	vsub.f32 v4, v9;
	v9 =	vadd.s32 $0x9E3779B1, v7  }
0x43: {  	[tilespmem:s28+$0x0] =	vst v2;
	v2 =	vsub.f32 v3, v6;
	v3 =	vxor.u32 v5, v9;
	v6 =	vxor.u32 v8, v9  }
0x44: {  	v8 =	vxor.u32 v8, v7;
	[tilespmem:s28+$0x200] =	vst v4;
	v4 =	vxor.u32 v10, v3;
	v9 =	vxor.u32 v6, v11  }
0x45: {  	v3 =	vxor.u32 v3, v11;
	[tilespmem:s28+$0x400] =	vst v2;
	v2 =	vand.u32 $0x1FFFFF, v4;
	v4 =	vand.u32 $0x1FFFFF, v9  }
0x46: {  	v5 =	vxor.u32 v5, v7;
	[tilespmem:s24+$0x20] =	vst v2;
	v2 =	vand.u32 $0x1FFFFF, v3;
	v3 =	vxor.u32 v10, v6  }
0x47: {  	v6 =	vxor.u32 v5, v10;
	v5 =	vxor.u32 v5, v11;
	v3 =	vand.u32 $0x1FFFFF, v3;
	[tilespmem:s24+$0x70] =	vst v4  }
.Ltmp0:
0x48: {  	v4 =	vand.u32 $0x1FFFFF, v6;
	v5 =	vand.u32 $0x1FFFFF, v5;
	v6 =	vxor.u32 v8, v10;
	[tilespmem:s24+$0x60] =	vst v3;
	(pc) =	sbr.rel @p0 .LBB2_3-.Ltmp0, $4  }
0x49: {  	v3 =	vand.u32 $0x1FFFFF, v6;
	[tilespmem:s24+$0x0] =	vst v4;
	v4 =	vxor.u32 v8, v11  }
0x4a: {  	[tilespmem:s24+$0x10] =	vst v5;
	v4 =	vand.u32 $0x1FFFFF, v4  }
0x4b: {  	[tilespmem:s24+$0x50] =	vst v4  }
0x4c: {  	s28 =	sshra.s32 s23, $0x2;
	s23 =	smov.u32 s31;
	[tilespmem:s24+$0x40] =	vst v3  }
0x4d: {  	[tilespmem:s24+$0x30] =	vst v2  }
0x4e: {  	[tilespmem:s25], [sflag:$0x1] =	stream.indirect.gather [hbm4b:s5+s12], $0x8, s24, s12, $0xb8;
	[tilespmem:$0xAC00] =	vst v63  }
0x4f: {  	v2 =	vld [tilespmem:s28+$0xA600]  }
0x50: {  	v3 =	vld [tilespmem:s28+$0xA800]  }
0x51: {  	v4 =	vld [tilespmem:s28+$0xAA00];
	_ =	sdelay $0x2  }
0x52: {  	v2 =	vadd.f32 $1.000000000e+00, v2  }
0x53: {  	v3 =	vadd.f32 $1.000000000e+00, v3  }
0x54: {  	v4 =	vadd.f32 $1.000000000e+00, v4;
	v2 =	vmul.f32 v2, v0  }
0x55: {  	v3 =	vmul.f32 v3, v0  }
0x56: {  	v4 =	vmul.f32 v4, v0;
	v2 =	vmul.f32 $1.000000000e+02, v2  }
0x57: {  	v3 =	vmul.f32 $1.000000000e+02, v3  }
0x58: {  	v4 =	vmul.f32 $1.000000000e+02, v4;
	v5 =	vtrunc.f32 v2  }
0x59: {  	v6 =	vtrunc.f32 v3;
	v5 =	vcvt.f32.s32 v5  }
0x5a: {  	v7 =	vtrunc.f32 v4;
	v6 =	vcvt.f32.s32 v6  }
0x5b: {  	v7 =	vcvt.f32.s32 v7;
	v8 =	vcvt.s32.f32 v5  }
0x5c: {  	v9 =	vcvt.s32.f32 v6;
	v6 =	vmul.u32 $0x9E3779B1, v6  }
0x5d: {  	v42 =	vcvt.s32.f32 v7;
	v2 =	vsub.f32 v2, v8  }
0x5e: {  	v7 =	vmul.u32 $0x30025795, v7;
	v3 =	vsub.f32 v3, v9;
	v43 =	vadd.s32 $0x9E3779B1, v6  }
0x5f: {  	v10 =	vadd.s32 $0x1, v5;
	v44 =	vxor.u32 v5, v43;
	[tilespmem:s28+$0x0] =	vst v2;
	v2 =	vsub.f32 v4, v42  }
0x60: {  	v45 =	vadd.s32 $0x30025795, v7;
	v9 =	vxor.u32 v10, v43;
	[tilespmem:s28+$0x200] =	vst v3;
	v3 =	vxor.u32 v7, v44  }
0x61: {  	v5 =	vxor.u32 v5, v6;
	v11 =	vxor.u32 v9, v45;
	[tilespmem:s28+$0x400] =	vst v2;
	v2 =	vand.u32 $0x1FFFFF, v3  }
0x62: {  	v46 =	vxor.u32 v5, v7;
	v3 =	vand.u32 $0x1FFFFF, v11;
	[tilespmem:s22+$0x20] =	vst v2  }
0x63: {  	v47 =	vand.u32 $0x1FFFFF, v46;
	v2 =	vxor.u32 v7, v9;
	[tilespmem:s22+$0x70] =	vst v3  }
0x64: {  	v5 =	vxor.u32 v5, v45;
	v3 =	vxor.u32 v10, v6;
	[tilespmem:s22+$0x0] =	vst v47;
	v2 =	vand.u32 $0x1FFFFF, v2  }
0x65: {  	v48 =	vxor.u32 v3, v45;
	v3 =	vxor.u32 v3, v7;
	[tilespmem:s22+$0x60] =	vst v2;
	v2 =	vand.u32 $0x1FFFFF, v5  }
0x66: {  	v3 =	vand.u32 $0x1FFFFF, v3;
	[tilespmem:s22+$0x10] =	vst v2  }
0x67: {  	v4 =	vxor.u32 v44, v45;
	v2 =	vand.u32 $0x1FFFFF, v48;
	[tilespmem:s22+$0x40] =	vst v3  }
0x68: {  	[tilespmem:s22+$0x50] =	vst v2;
	v2 =	vand.u32 $0x1FFFFF, v4  }
0x69: {  	s23 =	sshra.s32 s23, $0x2;
	[tilespmem:s22+$0x30] =	vst v2  }
0x6a: {  	[tilespmem:s21], [sflag:$0x1] =	stream.indirect.gather [hbm4b:s5+s12], $0x8, s22, s12, $0xb8;
	[tilespmem:$0xAC00] =	vst v63  }
0x6b: {  	v2 =	vld [tilespmem:s23+$0xA600]  }
0x6c: {  	v3 =	vld [tilespmem:s23+$0xA800]  }
0x6d: {  	v49 =	vld [tilespmem:s23+$0xAA00];
	_ =	sdelay $0x2  }
0x6e: {  	v2 =	vadd.f32 $1.000000000e+00, v2  }
0x6f: {  	v3 =	vadd.f32 $1.000000000e+00, v3  }
0x70: {  	v4 =	vadd.f32 $1.000000000e+00, v49;
	v2 =	vmul.f32 v2, v0  }
0x71: {  	v3 =	vmul.f32 v3, v0  }
0x72: {  	v4 =	vmul.f32 v4, v0;
	v2 =	vmul.f32 $1.000000000e+02, v2  }
0x73: {  	v3 =	vmul.f32 $1.000000000e+02, v3  }
0x74: {  	v4 =	vmul.f32 $1.000000000e+02, v4;
	v50 =	vtrunc.f32 v2  }
0x75: {  	v51 =	vtrunc.f32 v3;
	v5 =	vcvt.f32.s32 v50  }
0x76: {  	v52 =	vtrunc.f32 v4;
	v6 =	vcvt.f32.s32 v51  }
0x77: {  	v7 =	vcvt.f32.s32 v52;
	v53 =	vcvt.s32.f32 v5  }
0x78: {  	v54 =	vcvt.s32.f32 v6;
	v6 =	vmul.u32 $0x9E3779B1, v6  }
0x79: {  	v55 =	vcvt.s32.f32 v7;
	v2 =	vsub.f32 v2, v53  }
0x7a: {  	v7 =	vmul.u32 $0x30025795, v7;
	v3 =	vsub.f32 v3, v54;
	v56 =	vadd.s32 $0x9E3779B1, v6  }
0x7b: {  	v57 =	vadd.s32 $0x1, v5;
	v58 =	vxor.u32 v5, v56;
	[tilespmem:s23+$0x0] =	vst v2;
	v2 =	vsub.f32 v4, v55  }
0x7c: {  	v59 =	vadd.s32 $0x30025795, v7;
	v9 =	vxor.u32 v57, v56;
	[tilespmem:s23+$0x200] =	vst v3;
	v3 =	vxor.u32 v7, v58  }
0x7d: {  	v5 =	vxor.u32 v5, v6;
	v60 =	vxor.u32 v9, v59;
	[tilespmem:s23+$0x400] =	vst v2;
	v2 =	vand.u32 $0x1FFFFF, v3  }
0x7e: {  	v61 =	vxor.u32 v5, v7;
	v3 =	vand.u32 $0x1FFFFF, v60;
	[tilespmem:s20+$0x20] =	vst v2  }
0x7f: {  	v62 =	vand.u32 $0x1FFFFF, v61;
	v2 =	vxor.u32 v7, v9;
	[tilespmem:s20+$0x70] =	vst v3  }
0x80: {  	v5 =	vxor.u32 v5, v59;
	v3 =	vxor.u32 v57, v6;
	[tilespmem:s20+$0x0] =	vst v62;
	v2 =	vand.u32 $0x1FFFFF, v2  }
0x81: {  	v63 =	vxor.u32 v3, v59;
	v3 =	vxor.u32 v3, v7;
	[tilespmem:s20+$0x60] =	vst v2;
	v2 =	vand.u32 $0x1FFFFF, v5  }
0x82: {  	v3 =	vand.u32 $0x1FFFFF, v3;
	[tilespmem:s20+$0x10] =	vst v2  }
0x83: {  	v4 =	vxor.u32 v58, v59;
	v2 =	vand.u32 $0x1FFFFF, v63;
	[tilespmem:s20+$0x40] =	vst v3  }
0x84: {  	[tilespmem:s20+$0x50] =	vst v2;
	v2 =	vand.u32 $0x1FFFFF, v4  }
0x85: {  	[tilespmem:s20+$0x30] =	vst v2  }
0x86: {  	[tilespmem:s19], [sflag:$0x1] =	stream.indirect.gather [hbm4b:s5+s12], $0x8, s20, s12, $0xb8;
	[tilespmem:$0xAC00] =	vst v63  }
0x87: {  	_ =	swait.ge [sflag:s13], $0x8000  }
0x88: {  	s21 =	simm.s32 $0x0;
	[sflag:s13] =	ssyncset.done $0x0  }
0x89: {  	s19 =	simm.s32 $0x0;
	s20 =	simm.s32 $0x200;
	[sflag:s13] =	ssyncadd.s32 $0xFFFF8000  }
.LBB2_5:
0x8a: {  	v2 =	vmov s21  }
0x8b: {  	v2 =	vshll.u32 v2, $0x3  }
0x8c: {  	v5 =	vor.u32 v1, v2  }
0x8d: {  	v7 =	vor.u32 $0x1, v5  }
0x8e: {  	v4 =	vld [tilespmem:s20+$0xFFFFFE00];
	v8 =	vor.u32 $0x2, v5  }
0x8f: {  	v6 =	vld [tilespmem:s20+$0x0];
	v9 =	vor.u32 $0x3, v5  }
0x90: {  	v2 =	vld [tilespmem:s20+$0x200];
	v13 =	vor.u32 $0x4, v5  }
0x91: {  	s22 =	sadd.s32 $0x10, s21;
	v14 =	vor.u32 $0x5, v5;
	v12 =	vld.idx.msk [tilespmem:v5+s14+$0x0], $0xffff  }
0x92: {  	s24 =	sadd.s32 $0x20, s21;
	v17 =	vmov s22;
	v16 =	vor.u32 $0x6, v5;
	v7 =	vld.idx.msk [tilespmem:v7+s14+$0x0], $0xffff  }
0x93: {  	v25 =	vmov s24;
	v54 =	vshll.u32 v17, $0x3;
	v18 =	vor.u32 $0x7, v5;
	v8 =	vld.idx.msk [tilespmem:v8+s14+$0x0], $0xffff  }
0x94: {  	s25 =	sadd.s32 $0x30, s21;
	v25 =	vshll.u32 v25, $0x3;
	v19 =	vor.u32 v1, v54;
	v9 =	vld.idx.msk [tilespmem:v9+s14+$0x0], $0xffff  }
0x95: {  	s28 =	sadd.s32 $0x50, s21;
	v28 =	vmov s25;
	v25 =	vor.u32 v1, v25;
	v13 =	vld.idx.msk [tilespmem:v13+s14+$0x0], $0xffff  }
0x96: {  	v29 =	vmov s28;
	v28 =	vshll.u32 v28, $0x3;
	v20 =	vor.u32 $0x1, v19;
	v57 =	vld.idx.msk [tilespmem:v14+s14+$0x0], $0xffff  }
0x97: {  	v28 =	vor.u32 v1, v28;
	v58 =	vor.u32 $0x2, v19;
	v21 =	vor.u32 $0x3, v19;
	v16 =	vld.idx.msk [tilespmem:v16+s14+$0x0], $0xffff  }
0x98: {  	v22 =	vor.u32 $0x4, v19;
	v23 =	vor.u32 $0x5, v19;
	v24 =	vor.u32 $0x6, v19;
	v60 =	vld.idx.msk [tilespmem:v18+s14+$0x0], $0xffff  }
0x99: {  	v26 =	vor.u32 $0x1, v25;
	v30 =	vor.u32 $0x2, v25;
	v27 =	vor.u32 $0x3, v25;
	v61 =	vld.idx.msk [tilespmem:v19+s14+$0x0], $0xffff  }
0x9a: {  	v33 =	vor.u32 $0x4, v25;
	v10 =	vsub.f32 $1.000000000e+00, v4;
	v11 =	vsub.f32 $1.000000000e+00, v6;
	v32 =	vld.idx.msk [tilespmem:v25+s14+$0x0], $0xffff  }
0x9b: {  	v36 =	vor.u32 $0x5, v25;
	v37 =	vor.u32 $0x6, v25;
	v40 =	vor.u32 $0x1, v28;
	v20 =	vld.idx.msk [tilespmem:v20+s14+$0x0], $0xffff  }
0x9c: {  	v3 =	vsub.f32 $1.000000000e+00, v2;
	v15 =	vmul.f32 v11, v10;
	v10 =	vmul.f32 v6, v10;
	v14 =	vld.idx.msk [tilespmem:v58+s14+$0x0], $0xffff  }
0x9d: {  	v45 =	vor.u32 $0x2, v28;
	v5 =	vmul.f32 v11, v4;
	v4 =	vmul.f32 v6, v4;
	v21 =	vld.idx.msk [tilespmem:v21+s14+$0x0], $0xffff  }
0x9e: {  	v48 =	vor.u32 $0x3, v28;
	v55 =	vmul.f32 v3, v15;
	v15 =	vmul.f32 v15, v2;
	v22 =	vld.idx.msk [tilespmem:v22+s14+$0x0], $0xffff  }
0x9f: {  	v50 =	vor.u32 $0x4, v28;
	v63 =	vld.idx.msk [tilespmem:v23+s14+$0x0], $0xffff;
	v38 =	vmul.f32 v3, v10;
	v10 =	vmul.f32 v2, v10  }
0xa0: {  	v53 =	vor.u32 $0x5, v28;
	v52 =	vld.idx.msk [tilespmem:v40+s14+$0x0], $0xffff;
	v40 =	vmul.f32 v3, v5;
	v5 =	vmul.f32 v5, v2  }
0xa1: {  	v54 =	vor.u32 $0x6, v28;
	v24 =	vld.idx.msk [tilespmem:v24+s14+$0x0], $0xffff;
	v3 =	vmul.f32 v3, v4;
	v2 =	vmul.f32 v2, v4  }
0xa2: {  	v19 =	vor.u32 $0x7, v19;
	v35 =	vld.idx.msk [tilespmem:v26+s14+$0x0], $0xffff;
	v56 =	vmul.f32 v55, v12;
	v7 =	vmul.f32 v7, v55  }
0xa3: {  	v25 =	vor.u32 $0x7, v25;
	v23 =	vld.idx.msk [tilespmem:v30+s14+$0x0], $0xffff;
	v8 =	vmul.f32 v8, v55;
	v9 =	vmul.f32 v9, v55  }
0xa4: {  	s29 =	sadd.s32 $0x60, s21;
	v44 =	vld.idx.msk [tilespmem:v37+s14+$0x0], $0xffff;
	v37 =	vshll.u32 v29, $0x3;
	v13 =	vmul.f32 v13, v55;
	v12 =	vmul.f32 v57, v55  }
0xa5: {  	v27 =	vld.idx.msk [tilespmem:v27+s14+$0x0], $0xffff;
	v30 =	vmov s29;
	v16 =	vmul.f32 v16, v55;
	v11 =	vmul.f32 v60, v55  }
0xa6: {  	s26 =	sadd.s32 $0x40, s21;
	v39 =	vld.idx.msk [tilespmem:v33+s14+$0x0], $0xffff;
	v30 =	vshll.u32 v30, $0x3;
	v62 =	vmul.f32 v61, v15;
	v20 =	vmul.f32 v20, v15  }
0xa7: {  	v55 =	vmov s26;
	v14 =	vmul.f32 v14, v15;
	v31 =	vmul.f32 v21, v15  }
0xa8: {  	v57 =	vor.u32 $0x7, v28;
	v34 =	vmul.f32 v22, v15;
	v18 =	vmul.f32 v63, v15  }
0xa9: {  	v61 =	vld.idx.msk [tilespmem:v54+s14+$0x0], $0xffff;
	v54 =	vor.u32 v1, v30;
	v24 =	vmul.f32 v24, v15;
	v42 =	vmul.f32 v35, v38  }
0xaa: {  	v59 =	vadd.f32 $0.0e+00, v56;
	v43 =	vmul.f32 v23, v38;
	v46 =	vmul.f32 v27, v38  }
0xab: {  	v51 =	vmul.f32 v39, v38;
	v27 =	vshll.u32 v55, $0x3;
	v22 =	vmul.f32 v44, v38  }
0xac: {  	v49 =	vld.idx.msk [tilespmem:v28+s14+$0x0], $0xffff;
	v17 =	vmul.f32 v52, v10;
	v7 =	vadd.f32 $0.0e+00, v7;
	v8 =	vadd.f32 $0.0e+00, v8  }
0xad: {  	v41 =	vld.idx.msk [tilespmem:v36+s14+$0x0], $0xffff;
	v39 =	vor.u32 v1, v37;
	v9 =	vadd.f32 $0.0e+00, v9;
	v13 =	vadd.f32 $0.0e+00, v13  }
0xae: {  	v19 =	vld.idx.msk [tilespmem:v19+s14+$0x0], $0xffff;
	v28 =	vor.u32 $0x7, v54;
	v12 =	vadd.f32 $0.0e+00, v12;
	v16 =	vadd.f32 $0.0e+00, v16  }
0xaf: {  	v56 =	vld.idx.msk [tilespmem:v45+s14+$0x0], $0xffff;
	v11 =	vadd.f32 $0.0e+00, v11;
	v45 =	vor.u32 $0x3, v39;
	v6 =	vadd.f32 v62, v59  }
0xb0: {  	v21 =	vld.idx.msk [tilespmem:v50+s14+$0x0], $0xffff;
	v50 =	vor.u32 $0x5, v39;
	v7 =	vadd.f32 v20, v7;
	v8 =	vadd.f32 v14, v8  }
0xb1: {  	v47 =	vld.idx.msk [tilespmem:v25+s14+$0x0], $0xffff;
	v59 =	vor.u32 v1, v27;
	v9 =	vadd.f32 v31, v9;
	v13 =	vadd.f32 v34, v13  }
0xb2: {  	v58 =	vld.idx.msk [tilespmem:v48+s14+$0x0], $0xffff;
	v12 =	vadd.f32 v18, v12;
	v16 =	vadd.f32 v24, v16;
	v14 =	vmul.f32 v32, v38  }
0xb3: {  	v60 =	vor.u32 $0x1, v59;
	v20 =	vmul.f32 v49, v10;
	v18 =	vld.idx.msk [tilespmem:v53+s14+$0x0], $0xffff;
	v27 =	vor.u32 $0x2, v59  }
0xb4: {  	v62 =	vor.u32 $0x3, v59;
	v32 =	vor.u32 $0x4, v59;
	v34 =	vor.u32 $0x5, v59;
	v63 =	vld.idx.msk [tilespmem:v57+s14+$0x0], $0xffff  }
0xb5: {  	v35 =	vor.u32 $0x6, v59;
	v25 =	vor.u32 $0x7, v59;
	v15 =	vmul.f32 v19, v15;
	v49 =	vld.idx.msk [tilespmem:v39+s14+$0x0], $0xffff  }
0xb6: {  	v19 =	vmul.f32 v47, v38;
	v6 =	vadd.f32 v14, v6;
	v7 =	vadd.f32 v42, v7;
	v53 =	vld.idx.msk [tilespmem:v45+s14+$0x0], $0xffff  }
0xb7: {  	v47 =	vor.u32 $0x4, v39;
	v8 =	vadd.f32 v43, v8;
	v9 =	vadd.f32 v46, v9;
	v57 =	vld.idx.msk [tilespmem:v50+s14+$0x0], $0xffff  }
0xb8: {  	v13 =	vadd.f32 v51, v13;
	v16 =	vadd.f32 v22, v16;
	v14 =	vmul.f32 v56, v10;
	v33 =	vld.idx.msk [tilespmem:v59+s14+$0x0], $0xffff  }
0xb9: {  	v21 =	vmul.f32 v21, v10;
	v42 =	vor.u32 $0x2, v39;
	v51 =	vor.u32 $0x6, v39;
	v24 =	vld.idx.msk [tilespmem:v60+s14+$0x0], $0xffff  }
0xba: {  	v11 =	vadd.f32 v15, v11;
	v15 =	vmul.f32 v41, v38;
	v6 =	vadd.f32 v20, v6;
	v36 =	vld.idx.msk [tilespmem:v27+s14+$0x0], $0xffff  }
0xbb: {  	v56 =	vor.u32 $0x1, v54;
	v7 =	vadd.f32 v17, v7;
	v8 =	vadd.f32 v14, v8;
	v38 =	vld.idx.msk [tilespmem:v62+s14+$0x0], $0xffff  }
0xbc: {  	v13 =	vadd.f32 v21, v13;
	v21 =	vor.u32 $0x7, v39;
	v12 =	vadd.f32 v15, v12;
	v20 =	vld.idx.msk [tilespmem:v32+s14+$0x0], $0xffff  }
0xbd: {  	v11 =	vadd.f32 v19, v11;
	v15 =	vmul.f32 v58, v10;
	v18 =	vmul.f32 v18, v10;
	v41 =	vld.idx.msk [tilespmem:v34+s14+$0x0], $0xffff  }
0xbe: {  	v27 =	vor.u32 $0x1, v39;
	v19 =	vmul.f32 v61, v10;
	v44 =	vld.idx.msk [tilespmem:v35+s14+$0x0], $0xffff;
	v58 =	vor.u32 $0x2, v54  }
0xbf: {  	s30 =	sadd.s32 $0x70, s21;
	v46 =	vld.idx.msk [tilespmem:v25+s14+$0x0], $0xffff;
	v60 =	vor.u32 $0x3, v54;
	v62 =	vor.u32 $0x4, v54;
	v34 =	vor.u32 $0x6, v54  }
0xc0: {  	v35 =	vmov s30;
	v10 =	vmul.f32 v63, v10;
	v55 =	vld.idx.msk [tilespmem:v47+s14+$0x0], $0xffff;
	v9 =	vadd.f32 v15, v9  }
0xc1: {  	v63 =	vld.idx.msk [tilespmem:v54+s14+$0x0], $0xffff;
	v30 =	vshll.u32 v35, $0x3;
	v12 =	vadd.f32 v18, v12;
	v16 =	vadd.f32 v19, v16  }
0xc2: {  	v26 =	vld.idx.msk [tilespmem:v42+s14+$0x0], $0xffff;
	v37 =	vor.u32 v1, v30;
	v10 =	vadd.f32 v10, v11;
	v18 =	vmul.f32 v57, v5  }
0xc3: {  	v59 =	vld.idx.msk [tilespmem:v51+s14+$0x0], $0xffff;
	v39 =	vor.u32 $0x2, v37;
	v43 =	vmul.f32 v33, v40;
	v48 =	vmul.f32 v24, v40  }
0xc4: {  	v30 =	vor.u32 $0x5, v37;
	v61 =	vld.idx.msk [tilespmem:v21+s14+$0x0], $0xffff;
	v14 =	vmul.f32 v36, v40;
	v15 =	vmul.f32 v38, v40  }
0xc5: {  	v47 =	vor.u32 $0x6, v37;
	v27 =	vld.idx.msk [tilespmem:v27+s14+$0x0], $0xffff;
	v52 =	vmul.f32 v20, v40;
	v17 =	vmul.f32 v41, v40  }
0xc6: {  	v33 =	vor.u32 $0x5, v54;
	v23 =	vmul.f32 v44, v40;
	v11 =	vmul.f32 v46, v40;
	v19 =	vld.idx.msk [tilespmem:v58+s14+$0x0], $0xffff  }
0xc7: {  	v24 =	vmul.f32 v49, v5;
	v25 =	vld.idx.msk [tilespmem:v60+s14+$0x0], $0xffff;
	v20 =	vmul.f32 v53, v5;
	v6 =	vadd.f32 v43, v6  }
0xc8: {  	v21 =	vld.idx.msk [tilespmem:v62+s14+$0x0], $0xffff;
	v38 =	vor.u32 $0x1, v37;
	v7 =	vadd.f32 v48, v7;
	v8 =	vadd.f32 v14, v8  }
0xc9: {  	v40 =	vld.idx.msk [tilespmem:v34+s14+$0x0], $0xffff;
	v41 =	vor.u32 $0x3, v37;
	v9 =	vadd.f32 v15, v9;
	v13 =	vadd.f32 v52, v13  }
0xca: {  	v44 =	vor.u32 $0x4, v37;
	v12 =	vadd.f32 v17, v12;
	v16 =	vadd.f32 v23, v16;
	v15 =	vld.idx.msk [tilespmem:v56+s14+$0x0], $0xffff  }
0xcb: {  	v10 =	vadd.f32 v11, v10;
	v36 =	vmul.f32 v26, v5;
	v14 =	vmul.f32 v55, v5;
	v45 =	vld.idx.msk [tilespmem:v37+s14+$0x0], $0xffff  }
0xcc: {  	v42 =	vmul.f32 v59, v5;
	v11 =	vmul.f32 v63, v3;
	v6 =	vadd.f32 v24, v6;
	v24 =	vld.idx.msk [tilespmem:v39+s14+$0x0], $0xffff  }
0xcd: {  	v26 =	vor.u32 $0x7, v37;
	v53 =	vld.idx.msk [tilespmem:v30+s14+$0x0], $0xffff;
	v8 =	vadd.f32 v36, v8;
	v9 =	vadd.f32 v20, v9  }
0xce: {  	v23 =	vld.idx.msk [tilespmem:v33+s14+$0x0], $0xffff;
	v13 =	vadd.f32 v14, v13;
	v12 =	vadd.f32 v18, v12;
	v27 =	vmul.f32 v27, v5  }
0xcf: {  	v14 =	vadd.f32 v42, v16;
	v5 =	vmul.f32 v61, v5;
	v46 =	vld.idx.msk [tilespmem:v38+s14+$0x0], $0xffff;
	v48 =	vmul.f32 v19, v3  }
0xd0: {  	v49 =	vld.idx.msk [tilespmem:v41+s14+$0x0], $0xffff;
	v6 =	vadd.f32 v11, v6;
	v50 =	vmul.f32 v25, v3;
	v52 =	vmul.f32 v21, v3  }
0xd1: {  	v51 =	vld.idx.msk [tilespmem:v44+s14+$0x0], $0xffff;
	v57 =	vmul.f32 v40, v3;
	v7 =	vadd.f32 v27, v7;
	v15 =	vmul.f32 v15, v3  }
0xd2: {  	v43 =	vld.idx.msk [tilespmem:v28+s14+$0x0], $0xffff;
	v5 =	vadd.f32 v5, v10;
	v4 =	vadd.f32 v48, v8;
	v18 =	vmul.f32 v45, v2  }
0xd3: {  	v17 =	vld.idx.msk [tilespmem:v47+s14+$0x0], $0xffff;
	v9 =	vadd.f32 v50, v9;
	v8 =	vadd.f32 v52, v13;
	v55 =	vmul.f32 v24, v2  }
0xd4: {  	s31 =	sand.u32 $0xC00, s21;
	s23 =	sand.u32 $0x70, s19;
	v56 =	vld.idx.msk [tilespmem:v26+s14+$0x0], $0xffff;
	v7 =	vadd.f32 v15, v7;
	v6 =	vadd.f32 v18, v6;
	v16 =	vmul.f32 v46, v2  }
0xd5: {  	s22 =	sor.u32 s23, s31;
	v54 =	vmul.f32 v23, v3;
	v10 =	vmul.f32 v49, v2;
	v4 =	vadd.f32 v55, v4  }
0xd6: {  	v59 =	vmul.f32 v53, v2;
	v58 =	vmul.f32 v51, v2;
	[tilespmem:s22+$0x9600] =	vst v6;
	v7 =	vadd.f32 v16, v7  }
0xd7: {  	v3 =	vmul.f32 v43, v3;
	v11 =	vadd.f32 v54, v12;
	v9 =	vadd.f32 v10, v9;
	[tilespmem:s22+$0x9700] =	vst v4  }
0xd8: {  	p0 =	sne.s32 s21, $0xF80;
	v61 =	vmul.f32 v17, v2;
	v6 =	vadd.f32 v57, v14;
	v60 =	vadd.f32 v58, v8;
	[tilespmem:s22+$0x9680] =	vst v7  }
.Ltmp1:
0xd9: {  	v3 =	vadd.f32 v3, v5;
	v2 =	vmul.f32 v56, v2;
	v62 =	vadd.f32 v59, v11;
	[tilespmem:s22+$0x9780] =	vst v9;
	(pc) =	sbr.rel @p0 .LBB2_5-.Ltmp1, $4  }
0xda: {  	v63 =	vadd.f32 v61, v6;
	[tilespmem:s22+$0x9800] =	vst v60  }
0xdb: {  	v2 =	vadd.f32 v2, v3;
	[tilespmem:s22+$0x9880] =	vst v62  }
0xdc: {  	[tilespmem:s22+$0x9900] =	vst v63  }
0xdd: {  	s19 =	sadd.s32 $0x10, s19;
	s21 =	sadd.s32 $0x80, s21;
	s20 =	sadd.s32 $0x10, s20;
	[tilespmem:s22+$0x9980] =	vst v2  }
0xde: {  	s17 =	sadd.s32 $0x1, s17  }
0xdf: {  	p0 =	sne.s32 s17, $0x40  }
.Ltmp2:
0xe0: {  	s18 =	sadd.s32 s1, s18;
	(pc) =	sbr.rel @p0 .LBB2_2-.Ltmp2, $4  }
0xe1: {  	[hbm4b:s18+s2] =	stream.linear.scatter [tilespmem:s15], [sflag:$0x2], $0x1000, $0x38;
	[tilespmem:$0xAC00] =	vst v63  }
0xe2: {  	_ =	swait.ge [sflag:s11], $0x1000  }
0xe3: {  	[sflag:s11] =	ssyncset.done $0x0  }
0xe4: {  	[sflag:s11] =	ssyncadd.s32 $0xFFFFF000  }
0xe5: {  	s16 =	sadd.s32 $0x1, s16  }
0xe6: {  	p0 =	sne.s32 s16, s7  }
.Ltmp3:
0xe7: {  	_ = 	snop;
	(pc) =	sbr.rel @p0 .LBB2_1-.Ltmp3, $1  }
0xe8: {  	_ =	sdelay $0x3  }
0xe9: {  	_ =	sfence.sel $0x180000  }
0xea: {  	[bflag:$0x0] =	sbarrier.arrive $0xFFFF  }
0xeb: {  	p0 =	sne.s32 s3, $0x0;
	_ =	strace $0x9000004A  }
0xec: {  	s0 =	sadd.s32 @!p0 $0x100000, s0;
	[bflag:$0x2] =	sbarrier.arrive $0xFFFF  }
0xed: {  	[sflag:s0] =	ssyncadd.tile.s32 @!p0 $0x1;
	_ =	shalt  }
.Lfunc_end2:
_tile_overlayer_lowered:
.L_overlay_start_2:
0xee: {  	(tag) =	ssettag $0x2  }
0xef: {  	s0 =	rddreg [dreg:$0x0];
	s2 =	stileid.u32  }
0xf0: {  	s1 =	rddreg [dreg:$0x1];
	p0 =	sne.s32 s2, $0x0  }
0xf1: {  	s3 =	rddreg [dreg:$0x2];
	[bflag:$0x3] =	sbarrier.arrive $0xFFFF;
	s2 =	simm.s32 @!p0 $0x1C02  }
0xf2: {  	[timem:s3], [sflag:s2] =	dma.local @!p0 [hbm:s0], s1  }
0xf3: {  	s0 =	simm.s32 @!p0 $0x2  }
0xf4: {  	_ =	swait.ge @!p0 [sflag:s0], s1  }
0xf5: {  	s1 =	ssub.s32 @!p0 $0x0, s1;
	[sflag:s0] =	ssyncset.done @!p0 $0x0  }
0xf6: {  	[sflag:s0] =	ssyncadd.s32 @!p0 s1  }
0xf7: {  	[bflag:$0x3] =	sbarrier.arrive $0xFFFF  }
0xf8: {  	_ =	shalt  }

</sc_bundles>
